<compile_context>
chip_gen: v7x
topology: tpu7x:2x2x1
jax: 0.10.2.dev20260603
libtpu: 0.0.44.dev20260713+nightly
codegen_flags: <defaults>
</compile_context>

<pallas_src>
import functools

import jax
import jax.numpy as jnp
from jax import lax
from jax.experimental import pallas as pl
from jax.experimental.pallas import tpu as pltpu
from jax.experimental.pallas import tpu_sc as plsc

M = 100000
F = 64
B = 1024
C = 1000
CP = 1024
TEMP = 0.05

NC = 2
NS = 16
NW = NC * NS
CHUNK = 128
NCHUNK = 25
NBUF = 5
RW = CHUNK * NCHUNK
MP = RW * NW
PART_BASE = (M // CHUNK) * CHUNK
PART_LEN = M - PART_BASE

IDX_PER_W = B // NW
STRIPE = CP // NS


def _sc_body(feat_hbm, labels_hbm, lab3_hbm, idx_hbm,
             sums_hbm, cnts_hbm, tgt_hbm,
             acc_sh, cnt_sh,
             rows0_v, rows1_v, rows2_v, rows3_v, rows4_v,
             lab_v, ones_v,
             zrow_v, zcnt_v, idx_v, tgt_v,
             fsem0, fsem1, fsem2, fsem3, fsem4,
             ssem0, ssem1, ssem2, ssem3, ssem4,
             csem, gsem, psem):
    cid = lax.axis_index("c")
    sid = lax.axis_index("s")
    wid = sid * NC + cid
    bufs = (rows0_v, rows1_v, rows2_v, rows3_v, rows4_v)
    sems = (fsem0, fsem1, fsem2, fsem3, fsem4)
    ssems = (ssem0, ssem1, ssem2, ssem3, ssem4)

    d_idx = pltpu.async_copy(idx_hbm.at[pl.ds(wid * IDX_PER_W, IDX_PER_W)],
                             idx_v, gsem)

    def fill_z(i, _):
        for j in range(F // 16):
            zrow_v[i, pl.ds(j * 16, 16)] = jnp.zeros((16,), jnp.float32)
        zcnt_v[i] = jnp.zeros((16,), jnp.float32)
        return 0
    lax.fori_loop(0, STRIPE, fill_z, 0)

    def fill_o(i, _):
        ones_v[i] = jnp.ones((16,), jnp.float32)
        return 0
    lax.fori_loop(0, CHUNK, fill_o, 0)

    pltpu.sync_copy(zrow_v, acc_sh.at[pl.ds(sid * STRIPE, STRIPE)])
    pltpu.sync_copy(zcnt_v, cnt_sh.at[pl.ds(sid * STRIPE, STRIPE)])

    pltpu.sync_copy(lab3_hbm.at[wid], lab_v)

    d_idx.wait()

    plsc.subcore_barrier()

    d_tgt = pltpu.async_copy(labels_hbm.at[idx_v], tgt_v, gsem)

    def fetch_descr(t):
        base = wid * RW + t * CHUNK
        buf, sem = bufs[t % NBUF], sems[t % NBUF]
        full = pltpu.make_async_copy(feat_hbm.at[pl.ds(base, CHUNK)], buf, sem)
        part = pltpu.make_async_copy(feat_hbm.at[pl.ds(base, PART_LEN)],
                                     buf.at[pl.ds(0, PART_LEN)], sem)
        return base, full, part

    def start_fetch(t):
        base, full, part = fetch_descr(t)
        pl.when(base + CHUNK <= M)(full.start)
        pl.when(base == PART_BASE)(part.start)

    def wait_fetch(t):
        base, full, part = fetch_descr(t)
        pl.when(base + CHUNK <= M)(full.wait)
        pl.when(base == PART_BASE)(part.wait)

    LOOKAHEAD = NBUF - 2
    cdescs = []
    sdescs = [None] * NCHUNK
    for t in range(min(LOOKAHEAD, NCHUNK)):
        start_fetch(t)
    for t in range(NCHUNK):
        wait_fetch(t)
        d = pltpu.async_copy(bufs[t % NBUF], acc_sh.at[lab_v.at[t]],
                             ssems[t % NBUF], add=True)
        sdescs[t] = d
        cdescs.append(
            pltpu.async_copy(ones_v, cnt_sh.at[lab_v.at[t]], csem, add=True))
        if t >= 2:
            sdescs[t - 2].wait()
        if t + LOOKAHEAD < NCHUNK:
            start_fetch(t + LOOKAHEAD)
    for t in range(max(0, NCHUNK - 2), NCHUNK):
        sdescs[t].wait()

    d_tgt.wait()
    d_wtgt = pltpu.async_copy(tgt_v, tgt_hbm.at[pl.ds(wid * IDX_PER_W,
                                                      IDX_PER_W)], gsem)
    for d in cdescs:
        d.wait()
    d_wtgt.wait()

    plsc.subcore_barrier()

    d_ps = pltpu.async_copy(acc_sh.at[pl.ds(sid * STRIPE, STRIPE)],
                            sums_hbm.at[cid, pl.ds(sid * STRIPE, STRIPE)],
                            psem)
    d_pc = pltpu.async_copy(cnt_sh.at[pl.ds(sid * STRIPE, STRIPE)],
                            cnts_hbm.at[cid, pl.ds(sid * STRIPE, STRIPE)],
                            psem)
    d_ps.wait()
    d_pc.wait()


@functools.cache
def _sc_segment():
    return pl.kernel(
        _sc_body,
        out_type=(
            jax.ShapeDtypeStruct((NC, CP, F), jnp.float32),
            jax.ShapeDtypeStruct((NC, CP, 16), jnp.float32),
            jax.ShapeDtypeStruct((B,), jnp.int32),
        ),
        mesh=plsc.VectorSubcoreMesh(
            core_axis_name="c", subcore_axis_name="s",
            num_cores=NC, num_subcores=NS),
        scratch_types=(
            pltpu.VMEM_SHARED((CP, F), jnp.float32),
            pltpu.VMEM_SHARED((CP, 16), jnp.float32),
            pltpu.VMEM((CHUNK, F), jnp.float32),
            pltpu.VMEM((CHUNK, F), jnp.float32),
            pltpu.VMEM((CHUNK, F), jnp.float32),
            pltpu.VMEM((CHUNK, F), jnp.float32),
            pltpu.VMEM((CHUNK, F), jnp.float32),
            pltpu.VMEM((NCHUNK, CHUNK), jnp.int32),
            pltpu.VMEM((CHUNK, 16), jnp.float32),
            pltpu.VMEM((STRIPE, F), jnp.float32),
            pltpu.VMEM((STRIPE, 16), jnp.float32),
            pltpu.VMEM((IDX_PER_W,), jnp.int32),
            pltpu.VMEM((IDX_PER_W,), jnp.int32),
            pltpu.SemaphoreType.DMA,
            pltpu.SemaphoreType.DMA,
            pltpu.SemaphoreType.DMA,
            pltpu.SemaphoreType.DMA,
            pltpu.SemaphoreType.DMA,
            pltpu.SemaphoreType.DMA,
            pltpu.SemaphoreType.DMA,
            pltpu.SemaphoreType.DMA,
            pltpu.SemaphoreType.DMA,
            pltpu.SemaphoreType.DMA,
            pltpu.SemaphoreType.DMA,
            pltpu.SemaphoreType.DMA,
            pltpu.SemaphoreType.DMA,
        ),
    )


def _tc_body(x_ref, sums_ref, cnts_ref, tgt_ref, out_ref):
    x = x_ref[...]
    s2 = jnp.sum(x * x, axis=1, keepdims=True)
    xn = x / jnp.maximum(jnp.sqrt(s2), 1e-12)

    S = sums_ref[0] + sums_ref[1]
    n = cnts_ref[0][:, 0:1] + cnts_ref[1][:, 0:1]

    ci = lax.broadcasted_iota(jnp.int32, (CP, 1), 0)
    valid = (ci < C) & (n > 0.0)
    scale = jnp.where(valid, 1.0 / (TEMP * n), 0.0)
    Ms = jnp.where(valid, S, 0.0) * scale
    bias = jnp.where(valid, 0.0, -1e30)

    onec = jnp.ones((B, 1), jnp.float32)
    zpadx = jnp.zeros((B, 128 - F - 1), jnp.float32)
    zpadm = jnp.zeros((CP, 128 - F - 1), jnp.float32)
    xa = jnp.concatenate([xn, onec, zpadx], axis=1)
    ma = jnp.concatenate([Ms, bias, zpadm], axis=1)

    vec = lax.dot_general(xa, ma, (((1,), (1,)), ((), ())),
                          precision=lax.Precision.HIGHEST,
                          preferred_element_type=jnp.float32)

    exps = jnp.exp(vec)
    denom = jnp.sum(exps, axis=1, keepdims=True) + 1e-6

    tj = lax.broadcasted_iota(jnp.int32, (B, CP), 1)
    th = tgt_ref[...]
    pt = jnp.sum(jnp.where(tj == th, exps, 0.0), axis=1, keepdims=True)
    lt = jnp.log(pt / denom + 1e-6)
    out_ref[...] = -jnp.sum(lt, axis=0, keepdims=True) / B


def kernel(inputs, indexes, features, labels):
    labels = labels.astype(jnp.int32)
    indexes = indexes.astype(jnp.int32)
    lab_pad = jnp.concatenate(
        [labels, jnp.full((MP - M,), C, jnp.int32)]).reshape(NW, NCHUNK, CHUNK)

    sums, cnts, targets = _sc_segment()(features, labels, lab_pad, indexes)

    loss = pl.pallas_call(
        _tc_body,
        out_shape=jax.ShapeDtypeStruct((1, 1), jnp.float32),
    )(inputs, sums, cnts, targets.reshape(B, 1))
    return loss.reshape(())

# --- scband reference (transcript-rebuilt; emitter-appended) ---
"""Pipeline reference for scband-hybrid-memory-83253646065769 (READ-ONLY COPY).

The authoritative reference and input builder live on the scoring server;
editing this copy changes nothing except your own understanding.
"""

import jax, jax.numpy as jnp
import numpy as np

NUM_MEMORY = 100000
NUM_FEATURES = 64
BATCH = 1024
NUM_CLASSES = 1000
TEMP = 0.05


def setup_inputs(seed: int = 0) -> dict:
    key = jax.random.key(seed)
    k1, k2, k3, k4 = jax.random.split(key, 4)
    inputs = jax.random.normal(k1, (BATCH, NUM_FEATURES), dtype=jnp.float32)
    indexes = jax.random.randint(k2, (BATCH,), 0, NUM_MEMORY)
    # module buffers: memory bank (L2-normalized, as maintained by _update_feature) and pseudo labels
    features = jax.random.normal(k3, (NUM_MEMORY, NUM_FEATURES), dtype=jnp.float32)
    features = features / jnp.maximum(jnp.linalg.norm(features, axis=1, keepdims=True), 1e-12)
    labels = jax.random.randint(k4, (NUM_MEMORY,), 0, NUM_CLASSES)
    return {"inputs": inputs, "indexes": indexes, "features": features, "labels": labels}


def reference(inputs, indexes, features, labels):
    # F.normalize(inputs, p=2, dim=1)
    x = inputs / jnp.maximum(jnp.linalg.norm(inputs, axis=1, keepdims=True), 1e-12)
    # hm(...): inputs.mm(features.t()) (all_gather is identity on a single device)
    logits = x @ features.T
    logits = logits / TEMP  # inputs /= self.temp
    B = logits.shape[0]
    targets = labels[indexes]
    num_classes = NUM_CLASSES  # labels.min() >= 0 branch; static upper bound, empty segments masked out below
    # sim.index_add_(0, labels, inputs.t())  -> [C, B]
    sim = jax.ops.segment_sum(logits.T, labels, num_segments=num_classes)
    # nums.index_add_(0, labels, ones(num_memory, 1)) -> [C, 1]
    nums = jax.ops.segment_sum(jnp.ones((NUM_MEMORY, 1), jnp.float32), labels, num_segments=num_classes)
    mask = (nums > 0).astype(jnp.float32)
    sim = sim / (mask * nums + (1.0 - mask))
    mask_b = jnp.broadcast_to(mask, sim.shape)
    # masked_softmax(sim.t(), mask.t())
    vec = sim.T  # [B, C]
    m = mask_b.T  # [B, C]
    exps = jnp.exp(vec)
    masked_exps = exps * m
    masked_sums = masked_exps.sum(axis=1, keepdims=True) + 1e-06
    masked_sim = masked_exps / masked_sums
    # weight is None and cur_epoch (0) <= soft_label_start_epoch (20) -> nll_loss path
    logp = jnp.log(masked_sim + 1e-06)
    loss = -jnp.mean(logp[jnp.arange(B), targets])
    return loss

if __name__ == "__main__":
    import jax
    _d = setup_inputs()
    print(jax.jit(kernel)(*tuple(_d.values())))

</pallas_src>

<mosaic_0001>
#map = affine_map<(d0, d1) -> (0, 0)>
#map1 = affine_map<(d0, d1) -> (0)>
#map2 = affine_map<(d0, d1) -> (0, 0, 0)>
module attributes {stable_mosaic.version = 14 : i64} {
  func.func @_sc_body(%arg0: i32, %arg1: i32, %arg2: memref<100000x64xf32, #tpu.memory_space<hbm>>, %arg3: memref<100000xi32, #tpu.memory_space<hbm>>, %arg4: memref<32x25x128xi32, #tpu.memory_space<hbm>>, %arg5: memref<1024xi32, #tpu.memory_space<hbm>>, %arg6: memref<2x1024x64xf32, #tpu.memory_space<hbm>>, %arg7: memref<2x1024x16xf32, #tpu.memory_space<hbm>>, %arg8: memref<1024xi32, #tpu.memory_space<hbm>>, %arg9: memref<1024x64xf32, #tpu.memory_space<vmem_shared>>, %arg10: memref<1024x16xf32, #tpu.memory_space<vmem_shared>>, %arg11: memref<128x64xf32, #tpu.memory_space<vmem>>, %arg12: memref<128x64xf32, #tpu.memory_space<vmem>>, %arg13: memref<128x64xf32, #tpu.memory_space<vmem>>, %arg14: memref<128x64xf32, #tpu.memory_space<vmem>>, %arg15: memref<128x64xf32, #tpu.memory_space<vmem>>, %arg16: memref<25x128xi32, #tpu.memory_space<vmem>>, %arg17: memref<128x16xf32, #tpu.memory_space<vmem>>, %arg18: memref<64x64xf32, #tpu.memory_space<vmem>>, %arg19: memref<64x16xf32, #tpu.memory_space<vmem>>, %arg20: memref<32xi32, #tpu.memory_space<vmem>>, %arg21: memref<32xi32, #tpu.memory_space<vmem>>, %arg22: memref<!tpu.dma_semaphore, #tpu.memory_space<semaphore_mem>>, %arg23: memref<!tpu.dma_semaphore, #tpu.memory_space<semaphore_mem>>, %arg24: memref<!tpu.dma_semaphore, #tpu.memory_space<semaphore_mem>>, %arg25: memref<!tpu.dma_semaphore, #tpu.memory_space<semaphore_mem>>, %arg26: memref<!tpu.dma_semaphore, #tpu.memory_space<semaphore_mem>>, %arg27: memref<!tpu.dma_semaphore, #tpu.memory_space<semaphore_mem>>, %arg28: memref<!tpu.dma_semaphore, #tpu.memory_space<semaphore_mem>>, %arg29: memref<!tpu.dma_semaphore, #tpu.memory_space<semaphore_mem>>, %arg30: memref<!tpu.dma_semaphore, #tpu.memory_space<semaphore_mem>>, %arg31: memref<!tpu.dma_semaphore, #tpu.memory_space<semaphore_mem>>, %arg32: memref<!tpu.dma_semaphore, #tpu.memory_space<semaphore_mem>>, %arg33: memref<!tpu.dma_semaphore, #tpu.memory_space<semaphore_mem>>, %arg34: memref<!tpu.dma_semaphore, #tpu.memory_space<semaphore_mem>>) attributes {dimension_semantics = [#tpu.dimension_semantics<core_parallel>, #tpu.dimension_semantics<subcore_parallel>], iteration_bounds = array<i64: 2, 16>, scalar_prefetch = 0 : i64, scratch_operands = 26 : i64, tpu.core_type = #tpu.core_type<sc_vector_subcore>, window_params = [{transform_indices = #map}, {transform_indices = #map1}, {transform_indices = #map2}, {transform_indices = #map1}, {transform_indices = #map2}, {transform_indices = #map2}, {transform_indices = #map1}]} {
    %mul3A = arith.constant 2 : i32
    %mul3A_0 = arith.muli %arg1, %mul3A : i32
    %add3A = arith.addi %mul3A_0, %arg0 : i32
    %mul3A_1 = arith.constant 32 : i32
    %mul3A_2 = arith.muli %add3A, %mul3A_1 : i32
    %dma_start3A = tpu.memref_slice %arg5[%mul3A_2] : memref<1024xi32, #tpu.memory_space<hbm>> -> memref<32xi32, #tpu.memory_space<hbm>>
    %dma_start3A_3 = tpu.memref_slice %arg5[%mul3A_2] : memref<1024xi32, #tpu.memory_space<hbm>> -> memref<32xi32, #tpu.memory_space<hbm>>
    tpu.enqueue_dma source(%dma_start3A_3 : memref<32xi32, #tpu.memory_space<hbm>>) target(%arg20 : memref<32xi32, #tpu.memory_space<vmem>>) target_semaphore(%arg33 : memref<!tpu.dma_semaphore, #tpu.memory_space<semaphore_mem>>)
    %scan3A = arith.constant 0 : i32
    %scan3A_4 = arith.constant 0 : i32
    %scan3A_5 = arith.constant 64 : i32
    %scan3A_6 = arith.addi %scan3A_4, %scan3A_5 : i32
    %scan3A_7 = arith.constant 1 : i32
    %scan3A_8 = scf.for %scan3A_1557 = %scan3A_4 to %scan3A_6 step %scan3A_7 iter_args(%scan3A_1558 = %scan3A) -> (i32)  : i32 {
      %broadcast_in_dim3A = arith.constant 0.000000e+00 : f32
      %broadcast_in_dim3A_1559 = vector.broadcast %broadcast_in_dim3A : f32 to vector<16xf32>
      %swap3A = arith.index_cast %scan3A_1557 : i32 to index
      %swap3A_1560 = arith.constant 0 : index
      %swap3A_1561 = tpu.vector_load %arg18[%swap3A, %swap3A_1560] {strides = array<i32>} : memref<64x64xf32, #tpu.memory_space<vmem>>, vector<1x16xf32>,
      %swap3A_1562 = vector.shape_cast %swap3A_1561 : vector<1x16xf32> to vector<16xf32>
      %swap3A_1563 = vector.shape_cast %broadcast_in_dim3A_1559 : vector<16xf32> to vector<1x16xf32>
      tpu.vector_store %arg18[%swap3A, %swap3A_1560], %swap3A_1563 {strides = array<i32>} : memref<64x64xf32, #tpu.memory_space<vmem>>, vector<1x16xf32>,
      %broadcast_in_dim3A_1564 = arith.constant 0.000000e+00 : f32
      %broadcast_in_dim3A_1565 = vector.broadcast %broadcast_in_dim3A_1564 : f32 to vector<16xf32>
      %swap3A_1566 = arith.index_cast %scan3A_1557 : i32 to index
      %swap3A_1567 = arith.constant 16 : index
      %swap3A_1568 = tpu.vector_load %arg18[%swap3A_1566, %swap3A_1567] {strides = array<i32>} : memref<64x64xf32, #tpu.memory_space<vmem>>, vector<1x16xf32>,
      %swap3A_1569 = vector.shape_cast %swap3A_1568 : vector<1x16xf32> to vector<16xf32>
      %swap3A_1570 = vector.shape_cast %broadcast_in_dim3A_1565 : vector<16xf32> to vector<1x16xf32>
      tpu.vector_store %arg18[%swap3A_1566, %swap3A_1567], %swap3A_1570 {strides = array<i32>} : memref<64x64xf32, #tpu.memory_space<vmem>>, vector<1x16xf32>,
      %broadcast_in_dim3A_1571 = arith.constant 0.000000e+00 : f32
      %broadcast_in_dim3A_1572 = vector.broadcast %broadcast_in_dim3A_1571 : f32 to vector<16xf32>
      %swap3A_1573 = arith.index_cast %scan3A_1557 : i32 to index
      %swap3A_1574 = arith.constant 32 : index
      %swap3A_1575 = tpu.vector_load %arg18[%swap3A_1573, %swap3A_1574] {strides = array<i32>} : memref<64x64xf32, #tpu.memory_space<vmem>>, vector<1x16xf32>,
      %swap3A_1576 = vector.shape_cast %swap3A_1575 : vector<1x16xf32> to vector<16xf32>
      %swap3A_1577 = vector.shape_cast %broadcast_in_dim3A_1572 : vector<16xf32> to vector<1x16xf32>
      tpu.vector_store %arg18[%swap3A_1573, %swap3A_1574], %swap3A_1577 {strides = array<i32>} : memref<64x64xf32, #tpu.memory_space<vmem>>, vector<1x16xf32>,
      %broadcast_in_dim3A_1578 = arith.constant 0.000000e+00 : f32
      %broadcast_in_dim3A_1579 = vector.broadcast %broadcast_in_dim3A_1578 : f32 to vector<16xf32>
      %swap3A_1580 = arith.index_cast %scan3A_1557 : i32 to index
      %swap3A_1581 = arith.constant 48 : index
      %swap3A_1582 = tpu.vector_load %arg18[%swap3A_1580, %swap3A_1581] {strides = array<i32>} : memref<64x64xf32, #tpu.memory_space<vmem>>, vector<1x16xf32>,
      %swap3A_1583 = vector.shape_cast %swap3A_1582 : vector<1x16xf32> to vector<16xf32>
      %swap3A_1584 = vector.shape_cast %broadcast_in_dim3A_1579 : vector<16xf32> to vector<1x16xf32>
      tpu.vector_store %arg18[%swap3A_1580, %swap3A_1581], %swap3A_1584 {strides = array<i32>} : memref<64x64xf32, #tpu.memory_space<vmem>>, vector<1x16xf32>,
      %broadcast_in_dim3A_1585 = arith.constant 0.000000e+00 : f32
      %broadcast_in_dim3A_1586 = vector.broadcast %broadcast_in_dim3A_1585 : f32 to vector<16xf32>
      %swap3A_1587 = arith.index_cast %scan3A_1557 : i32 to index
      %swap3A_1588 = arith.constant 0 : index
      %swap3A_1589 = tpu.vector_load %arg19[%swap3A_1587, %swap3A_1588] {strides = array<i32>} : memref<64x16xf32, #tpu.memory_space<vmem>>, vector<1x16xf32>,
      %swap3A_1590 = vector.shape_cast %swap3A_1589 : vector<1x16xf32> to vector<16xf32>
      %swap3A_1591 = vector.shape_cast %broadcast_in_dim3A_1586 : vector<16xf32> to vector<1x16xf32>
      tpu.vector_store %arg19[%swap3A_1587, %swap3A_1588], %swap3A_1591 {strides = array<i32>} : memref<64x16xf32, #tpu.memory_space<vmem>>, vector<1x16xf32>,
      %scan3A_1592 = arith.constant 0 : i32
      scf.yield %scan3A_1592 : i32
    }
    %scan3A_9 = arith.constant 64 : i32
    %scan3A_10 = arith.constant 0 : i32
    %scan3A_11 = arith.constant 0 : i32
    %scan3A_12 = arith.constant 128 : i32
    %scan3A_13 = arith.addi %scan3A_11, %scan3A_12 : i32
    %scan3A_14 = arith.constant 1 : i32
    %scan3A_15 = scf.for %scan3A_1557 = %scan3A_11 to %scan3A_13 step %scan3A_14 iter_args(%scan3A_1558 = %scan3A_10) -> (i32)  : i32 {
      %broadcast_in_dim3A = arith.constant 1.000000e+00 : f32
      %broadcast_in_dim3A_1559 = vector.broadcast %broadcast_in_dim3A : f32 to vector<16xf32>
      %swap3A = arith.index_cast %scan3A_1557 : i32 to index
      %swap3A_1560 = arith.constant 0 : index
      %swap3A_1561 = tpu.vector_load %arg17[%swap3A, %swap3A_1560] {strides = array<i32>} : memref<128x16xf32, #tpu.memory_space<vmem>>, vector<1x16xf32>,
      %swap3A_1562 = vector.shape_cast %swap3A_1561 : vector<1x16xf32> to vector<16xf32>
      %swap3A_1563 = vector.shape_cast %broadcast_in_dim3A_1559 : vector<16xf32> to vector<1x16xf32>
      tpu.vector_store %arg17[%swap3A, %swap3A_1560], %swap3A_1563 {strides = array<i32>} : memref<128x16xf32, #tpu.memory_space<vmem>>, vector<1x16xf32>,
      %scan3A_1564 = arith.constant 0 : i32
      scf.yield %scan3A_1564 : i32
    }
    %scan3A_16 = arith.constant 128 : i32
    %mul3A_17 = arith.constant 64 : i32
    %mul3A_18 = arith.muli %arg1, %mul3A_17 : i32
    "tpu.region"() ({
      %run_scoped3A = tpu.sem_alloc : memref<!tpu.dma_semaphore, #tpu.memory_space<semaphore_mem>>
      %dma_start3A_1557 = arith.constant 0 : i32
      %dma_start3A_1558 = tpu.memref_slice %arg9[%mul3A_18, %dma_start3A_1557] : memref<1024x64xf32, #tpu.memory_space<vmem_shared>> -> memref<64x64xf32, #tpu.memory_space<vmem_shared>>
      %dma_start3A_1559 = arith.constant 0 : i32
      %dma_start3A_1560 = tpu.memref_slice %arg9[%mul3A_18, %dma_start3A_1559] : memref<1024x64xf32, #tpu.memory_space<vmem_shared>> -> memref<64x64xf32, #tpu.memory_space<vmem_shared>>
      tpu.enqueue_dma source(%arg18 : memref<64x64xf32, #tpu.memory_space<vmem>>) target(%dma_start3A_1560 : memref<64x64xf32, #tpu.memory_space<vmem_shared>>) target_semaphore(%run_scoped3A : memref<!tpu.dma_semaphore, #tpu.memory_space<semaphore_mem>>)
      %dma_wait3A_1561 = arith.constant 0 : i32
      %dma_wait3A_1562 = tpu.memref_slice %arg9[%mul3A_18, %dma_wait3A_1561] : memref<1024x64xf32, #tpu.memory_space<vmem_shared>> -> memref<64x64xf32, #tpu.memory_space<vmem_shared>>
      %dma_wait3A_1563 = arith.constant 0 : i32
      %dma_wait3A_1564 = tpu.memref_slice %arg9[%mul3A_18, %dma_wait3A_1563] : memref<1024x64xf32, #tpu.memory_space<vmem_shared>> -> memref<64x64xf32, #tpu.memory_space<vmem_shared>>
      tpu.wait_dma2 semaphore(%run_scoped3A : memref<!tpu.dma_semaphore, #tpu.memory_space<semaphore_mem>>) src(%arg18 : memref<64x64xf32, #tpu.memory_space<vmem>>) dst(%dma_wait3A_1564 : memref<64x64xf32, #tpu.memory_space<vmem_shared>>)
      tpu.yield
    }) : () -> ()
    %mul3A_19 = arith.constant 64 : i32
    %mul3A_20 = arith.muli %arg1, %mul3A_19 : i32
    "tpu.region"() ({
      %run_scoped3A = tpu.sem_alloc : memref<!tpu.dma_semaphore, #tpu.memory_space<semaphore_mem>>
      %dma_start3A_1557 = arith.constant 0 : i32
      %dma_start3A_1558 = tpu.memref_slice %arg10[%mul3A_20, %dma_start3A_1557] : memref<1024x16xf32, #tpu.memory_space<vmem_shared>> -> memref<64x16xf32, #tpu.memory_space<vmem_shared>>
      %dma_start3A_1559 = arith.constant 0 : i32
      %dma_start3A_1560 = tpu.memref_slice %arg10[%mul3A_20, %dma_start3A_1559] : memref<1024x16xf32, #tpu.memory_space<vmem_shared>> -> memref<64x16xf32, #tpu.memory_space<vmem_shared>>
      tpu.enqueue_dma source(%arg19 : memref<64x16xf32, #tpu.memory_space<vmem>>) target(%dma_start3A_1560 : memref<64x16xf32, #tpu.memory_space<vmem_shared>>) target_semaphore(%run_scoped3A : memref<!tpu.dma_semaphore, #tpu.memory_space<semaphore_mem>>)
      %dma_wait3A_1561 = arith.constant 0 : i32
      %dma_wait3A_1562 = tpu.memref_slice %arg10[%mul3A_20, %dma_wait3A_1561] : memref<1024x16xf32, #tpu.memory_space<vmem_shared>> -> memref<64x16xf32, #tpu.memory_space<vmem_shared>>
      %dma_wait3A_1563 = arith.constant 0 : i32
      %dma_wait3A_1564 = tpu.memref_slice %arg10[%mul3A_20, %dma_wait3A_1563] : memref<1024x16xf32, #tpu.memory_space<vmem_shared>> -> memref<64x16xf32, #tpu.memory_space<vmem_shared>>
      tpu.wait_dma2 semaphore(%run_scoped3A : memref<!tpu.dma_semaphore, #tpu.memory_space<semaphore_mem>>) src(%arg19 : memref<64x16xf32, #tpu.memory_space<vmem>>) dst(%dma_wait3A_1564 : memref<64x16xf32, #tpu.memory_space<vmem_shared>>)
      tpu.yield
    }) : () -> ()
    "tpu.region"() ({
      %run_scoped3A = tpu.sem_alloc : memref<!tpu.dma_semaphore, #tpu.memory_space<semaphore_mem>>
      %dma_start3A_1557 = arith.constant 0 : i32
      %dma_start3A_1558 = arith.constant 0 : i32
      %dma_start3A_1559 = tpu.memref_slice %arg4[%add3A, %dma_start3A_1557, %dma_start3A_1558] : memref<32x25x128xi32, #tpu.memory_space<hbm>> -> memref<1x25x128xi32, #tpu.memory_space<hbm>>
      %dma_start3A_1560 = tpu.memref_squeeze %dma_start3A_1559 : memref<1x25x128xi32, #tpu.memory_space<hbm>> -> memref<25x128xi32, #tpu.memory_space<hbm>>
      %dma_start3A_1561 = arith.constant 0 : i32
      %dma_start3A_1562 = arith.constant 0 : i32
      %dma_start3A_1563 = tpu.memref_slice %arg4[%add3A, %dma_start3A_1561, %dma_start3A_1562] : memref<32x25x128xi32, #tpu.memory_space<hbm>> -> memref<1x25x128xi32, #tpu.memory_space<hbm>>
      %dma_start3A_1564 = tpu.memref_squeeze %dma_start3A_1563 : memref<1x25x128xi32, #tpu.memory_space<hbm>> -> memref<25x128xi32, #tpu.memory_space<hbm>>
      tpu.enqueue_dma source(%dma_start3A_1564 : memref<25x128xi32, #tpu.memory_space<hbm>>) target(%arg16 : memref<25x128xi32, #tpu.memory_space<vmem>>) target_semaphore(%run_scoped3A : memref<!tpu.dma_semaphore, #tpu.memory_space<semaphore_mem>>)
      %dma_wait3A_1565 = arith.constant 0 : i32
      %dma_wait3A_1566 = arith.constant 0 : i32
      %dma_wait3A_1567 = tpu.memref_slice %arg4[%add3A, %dma_wait3A_1565, %dma_wait3A_1566] : memref<32x25x128xi32, #tpu.memory_space<hbm>> -> memref<1x25x128xi32, #tpu.memory_space<hbm>>
      %dma_wait3A_1568 = tpu.memref_squeeze %dma_wait3A_1567 : memref<1x25x128xi32, #tpu.memory_space<hbm>> -> memref<25x128xi32, #tpu.memory_space<hbm>>
      %dma_wait3A_1569 = arith.constant 0 : i32
      %dma_wait3A_1570 = arith.constant 0 : i32
      %dma_wait3A_1571 = tpu.memref_slice %arg4[%add3A, %dma_wait3A_1569, %dma_wait3A_1570] : memref<32x25x128xi32, #tpu.memory_space<hbm>> -> memref<1x25x128xi32, #tpu.memory_space<hbm>>
      %dma_wait3A_1572 = tpu.memref_squeeze %dma_wait3A_1571 : memref<1x25x128xi32, #tpu.memory_space<hbm>> -> memref<25x128xi32, #tpu.memory_space<hbm>>
      tpu.wait_dma2 semaphore(%run_scoped3A : memref<!tpu.dma_semaphore, #tpu.memory_space<semaphore_mem>>) src(%dma_wait3A_1572 : memref<25x128xi32, #tpu.memory_space<hbm>>) dst(%arg16 : memref<25x128xi32, #tpu.memory_space<vmem>>)
      tpu.yield
    }) : () -> ()
    %dma_wait3A = tpu.memref_slice %arg5[%mul3A_2] : memref<1024xi32, #tpu.memory_space<hbm>> -> memref<32xi32, #tpu.memory_space<hbm>>
    %dma_wait3A_21 = tpu.memref_slice %arg5[%mul3A_2] : memref<1024xi32, #tpu.memory_space<hbm>> -> memref<32xi32, #tpu.memory_space<hbm>>
    tpu.wait_dma2 semaphore(%arg33 : memref<!tpu.dma_semaphore, #tpu.memory_space<semaphore_mem>>) src(%dma_wait3A_21 : memref<32xi32, #tpu.memory_space<hbm>>) dst(%arg20 : memref<32xi32, #tpu.memory_space<vmem>>)
    %barrier3A = arith.constant 0 : index
    tpu.barrier barrier_id(%barrier3A)
    %dma_start3A_22 = arith.constant 0 : i32
    %dma_start3A_23 = tpu.memref_slice %arg3[%dma_start3A_22] : memref<100000xi32, #tpu.memory_space<hbm>> -> memref<100000xi32, #tpu.memory_space<hbm>>
    tpu.enqueue_indirect_dma source(%dma_start3A_23 : memref<100000xi32, #tpu.memory_space<hbm>>) target(%arg21 : memref<32xi32, #tpu.memory_space<vmem>>) offsets(%arg20 : memref<32xi32, #tpu.memory_space<vmem>>) semaphore(%arg33 : memref<!tpu.dma_semaphore, #tpu.memory_space<semaphore_mem>>)
    %mul3A_24 = arith.constant 3200 : i32
    %mul3A_25 = arith.muli %add3A, %mul3A_24 : i32
    %add3A_26 = arith.constant 0 : i32
    %add3A_27 = arith.addi %mul3A_25, %add3A_26 : i32
    %add3A_28 = arith.constant 128 : i32
    %add3A_29 = arith.addi %add3A_27, %add3A_28 : i32
    %le3A = arith.constant 100000 : i32
    %le3A_30 = arith.cmpi sle, %add3A_29, %le3A : i32
    %convert_element_type3A = arith.extui %le3A_30 : i1 to i32
    %cond3A = arith.constant 0 : i32
    %cond3A_31 = arith.cmpi ne, %convert_element_type3A, %cond3A : i32
    scf.if %cond3A_31 {
      %dma_start3A_1557 = arith.constant 0 : i32
      %dma_start3A_1558 = tpu.memref_slice %arg2[%add3A_27, %dma_start3A_1557] : memref<100000x64xf32, #tpu.memory_space<hbm>> -> memref<128x64xf32, #tpu.memory_space<hbm>>
      %dma_start3A_1559 = arith.constant 0 : i32
      %dma_start3A_1560 = tpu.memref_slice %arg2[%add3A_27, %dma_start3A_1559] : memref<100000x64xf32, #tpu.memory_space<hbm>> -> memref<128x64xf32, #tpu.memory_space<hbm>>
      tpu.enqueue_dma source(%dma_start3A_1560 : memref<128x64xf32, #tpu.memory_space<hbm>>) target(%arg11 : memref<128x64xf32, #tpu.memory_space<vmem>>) target_semaphore(%arg22 : memref<!tpu.dma_semaphore, #tpu.memory_space<semaphore_mem>>)
    } else {
    }
    %eq3A = arith.constant 99968 : i32
    %eq3A_32 = arith.cmpi eq, %add3A_27, %eq3A : i32
    %convert_element_type3A_33 = arith.extui %eq3A_32 : i1 to i32
    %cond3A_34 = arith.constant 0 : i32
    %cond3A_35 = arith.cmpi ne, %convert_element_type3A_33, %cond3A_34 : i32
    scf.if %cond3A_35 {
      %dma_start3A_1557 = arith.constant 0 : i32
      %dma_start3A_1558 = arith.constant 0 : i32
      %dma_start3A_1559 = tpu.memref_slice %arg11[%dma_start3A_1557, %dma_start3A_1558] : memref<128x64xf32, #tpu.memory_space<vmem>> -> memref<32x64xf32, #tpu.memory_space<vmem>>
      %dma_start3A_1560 = arith.constant 0 : i32
      %dma_start3A_1561 = tpu.memref_slice %arg2[%add3A_27, %dma_start3A_1560] : memref<100000x64xf32, #tpu.memory_space<hbm>> -> memref<32x64xf32, #tpu.memory_space<hbm>>
      %dma_start3A_1562 = arith.constant 0 : i32
      %dma_start3A_1563 = arith.constant 0 : i32
      %dma_start3A_1564 = tpu.memref_slice %arg11[%dma_start3A_1562, %dma_start3A_1563] : memref<128x64xf32, #tpu.memory_space<vmem>> -> memref<32x64xf32, #tpu.memory_space<vmem>>
      %dma_start3A_1565 = arith.constant 0 : i32
      %dma_start3A_1566 = tpu.memref_slice %arg2[%add3A_27, %dma_start3A_1565] : memref<100000x64xf32, #tpu.memory_space<hbm>> -> memref<32x64xf32, #tpu.memory_space<hbm>>
      tpu.enqueue_dma source(%dma_start3A_1566 : memref<32x64xf32, #tpu.memory_space<hbm>>) target(%dma_start3A_1564 : memref<32x64xf32, #tpu.memory_space<vmem>>) target_semaphore(%arg22 : memref<!tpu.dma_semaphore, #tpu.memory_space<semaphore_mem>>)
    } else {
    }
    %mul3A_36 = arith.constant 3200 : i32
    %mul3A_37 = arith.muli %add3A, %mul3A_36 : i32
    %add3A_38 = arith.constant 128 : i32
    %add3A_39 = arith.addi %mul3A_37, %add3A_38 : i32
    %add3A_40 = arith.constant 128 : i32
    %add3A_41 = arith.addi %add3A_39, %add3A_40 : i32
    %le3A_42 = arith.constant 100000 : i32
    %le3A_43 = arith.cmpi sle, %add3A_41, %le3A_42 : i32
    %convert_element_type3A_44 = arith.extui %le3A_43 : i1 to i32
    %cond3A_45 = arith.constant 0 : i32
    %cond3A_46 = arith.cmpi ne, %convert_element_type3A_44, %cond3A_45 : i32
    scf.if %cond3A_46 {
      %dma_start3A_1557 = arith.constant 0 : i32
      %dma_start3A_1558 = tpu.memref_slice %arg2[%add3A_39, %dma_start3A_1557] : memref<100000x64xf32, #tpu.memory_space<hbm>> -> memref<128x64xf32, #tpu.memory_space<hbm>>
      %dma_start3A_1559 = arith.constant 0 : i32
      %dma_start3A_1560 = tpu.memref_slice %arg2[%add3A_39, %dma_start3A_1559] : memref<100000x64xf32, #tpu.memory_space<hbm>> -> memref<128x64xf32, #tpu.memory_space<hbm>>
      tpu.enqueue_dma source(%dma_start3A_1560 : memref<128x64xf32, #tpu.memory_space<hbm>>) target(%arg12 : memref<128x64xf32, #tpu.memory_space<vmem>>) target_semaphore(%arg23 : memref<!tpu.dma_semaphore, #tpu.memory_space<semaphore_mem>>)
    } else {
    }
    %eq3A_47 = arith.constant 99968 : i32
    %eq3A_48 = arith.cmpi eq, %add3A_39, %eq3A_47 : i32
    %convert_element_type3A_49 = arith.extui %eq3A_48 : i1 to i32
    %cond3A_50 = arith.constant 0 : i32
    %cond3A_51 = arith.cmpi ne, %convert_element_type3A_49, %cond3A_50 : i32
    scf.if %cond3A_51 {
      %dma_start3A_1557 = arith.constant 0 : i32
      %dma_start3A_1558 = arith.constant 0 : i32
      %dma_start3A_1559 = tpu.memref_slice %arg12[%dma_start3A_1557, %dma_start3A_1558] : memref<128x64xf32, #tpu.memory_space<vmem>> -> memref<32x64xf32, #tpu.memory_space<vmem>>
      %dma_start3A_1560 = arith.constant 0 : i32
      %dma_start3A_1561 = tpu.memref_slice %arg2[%add3A_39, %dma_start3A_1560] : memref<100000x64xf32, #tpu.memory_space<hbm>> -> memref<32x64xf32, #tpu.memory_space<hbm>>
      %dma_start3A_1562 = arith.constant 0 : i32
      %dma_start3A_1563 = arith.constant 0 : i32
      %dma_start3A_1564 = tpu.memref_slice %arg12[%dma_start3A_1562, %dma_start3A_1563] : memref<128x64xf32, #tpu.memory_space<vmem>> -> memref<32x64xf32, #tpu.memory_space<vmem>>
      %dma_start3A_1565 = arith.constant 0 : i32
      %dma_start3A_1566 = tpu.memref_slice %arg2[%add3A_39, %dma_start3A_1565] : memref<100000x64xf32, #tpu.memory_space<hbm>> -> memref<32x64xf32, #tpu.memory_space<hbm>>
      tpu.enqueue_dma source(%dma_start3A_1566 : memref<32x64xf32, #tpu.memory_space<hbm>>) target(%dma_start3A_1564 : memref<32x64xf32, #tpu.memory_space<vmem>>) target_semaphore(%arg23 : memref<!tpu.dma_semaphore, #tpu.memory_space<semaphore_mem>>)
    } else {
    }
    %mul3A_52 = arith.constant 3200 : i32
    %mul3A_53 = arith.muli %add3A, %mul3A_52 : i32
    %add3A_54 = arith.constant 256 : i32
    %add3A_55 = arith.addi %mul3A_53, %add3A_54 : i32
    %add3A_56 = arith.constant 128 : i32
    %add3A_57 = arith.addi %add3A_55, %add3A_56 : i32
    %le3A_58 = arith.constant 100000 : i32
    %le3A_59 = arith.cmpi sle, %add3A_57, %le3A_58 : i32
    %convert_element_type3A_60 = arith.extui %le3A_59 : i1 to i32
    %cond3A_61 = arith.constant 0 : i32
    %cond3A_62 = arith.cmpi ne, %convert_element_type3A_60, %cond3A_61 : i32
    scf.if %cond3A_62 {
      %dma_start3A_1557 = arith.constant 0 : i32
      %dma_start3A_1558 = tpu.memref_slice %arg2[%add3A_55, %dma_start3A_1557] : memref<100000x64xf32, #tpu.memory_space<hbm>> -> memref<128x64xf32, #tpu.memory_space<hbm>>
      %dma_start3A_1559 = arith.constant 0 : i32
      %dma_start3A_1560 = tpu.memref_slice %arg2[%add3A_55, %dma_start3A_1559] : memref<100000x64xf32, #tpu.memory_space<hbm>> -> memref<128x64xf32, #tpu.memory_space<hbm>>
      tpu.enqueue_dma source(%dma_start3A_1560 : memref<128x64xf32, #tpu.memory_space<hbm>>) target(%arg13 : memref<128x64xf32, #tpu.memory_space<vmem>>) target_semaphore(%arg24 : memref<!tpu.dma_semaphore, #tpu.memory_space<semaphore_mem>>)
    } else {
    }
    %eq3A_63 = arith.constant 99968 : i32
    %eq3A_64 = arith.cmpi eq, %add3A_55, %eq3A_63 : i32
    %convert_element_type3A_65 = arith.extui %eq3A_64 : i1 to i32
    %cond3A_66 = arith.constant 0 : i32
    %cond3A_67 = arith.cmpi ne, %convert_element_type3A_65, %cond3A_66 : i32
    scf.if %cond3A_67 {
      %dma_start3A_1557 = arith.constant 0 : i32
      %dma_start3A_1558 = arith.constant 0 : i32
      %dma_start3A_1559 = tpu.memref_slice %arg13[%dma_start3A_1557, %dma_start3A_1558] : memref<128x64xf32, #tpu.memory_space<vmem>> -> memref<32x64xf32, #tpu.memory_space<vmem>>
      %dma_start3A_1560 = arith.constant 0 : i32
      %dma_start3A_1561 = tpu.memref_slice %arg2[%add3A_55, %dma_start3A_1560] : memref<100000x64xf32, #tpu.memory_space<hbm>> -> memref<32x64xf32, #tpu.memory_space<hbm>>
      %dma_start3A_1562 = arith.constant 0 : i32
      %dma_start3A_1563 = arith.constant 0 : i32
      %dma_start3A_1564 = tpu.memref_slice %arg13[%dma_start3A_1562, %dma_start3A_1563] : memref<128x64xf32, #tpu.memory_space<vmem>> -> memref<32x64xf32, #tpu.memory_space<vmem>>
      %dma_start3A_1565 = arith.constant 0 : i32
      %dma_start3A_1566 = tpu.memref_slice %arg2[%add3A_55, %dma_start3A_1565] : memref<100000x64xf32, #tpu.memory_space<hbm>> -> memref<32x64xf32, #tpu.memory_space<hbm>>
      tpu.enqueue_dma source(%dma_start3A_1566 : memref<32x64xf32, #tpu.memory_space<hbm>>) target(%dma_start3A_1564 : memref<32x64xf32, #tpu.memory_space<vmem>>) target_semaphore(%arg24 : memref<!tpu.dma_semaphore, #tpu.memory_space<semaphore_mem>>)
    } else {
    }
    %mul3A_68 = arith.constant 3200 : i32
    %mul3A_69 = arith.muli %add3A, %mul3A_68 : i32
    %add3A_70 = arith.constant 0 : i32
    %add3A_71 = arith.addi %mul3A_69, %add3A_70 : i32
    %add3A_72 = arith.constant 128 : i32
    %add3A_73 = arith.addi %add3A_71, %add3A_72 : i32
    %le3A_74 = arith.constant 100000 : i32
    %le3A_75 = arith.cmpi sle, %add3A_73, %le3A_74 : i32
    %convert_element_type3A_76 = arith.extui %le3A_75 : i1 to i32
    %cond3A_77 = arith.constant 0 : i32
    %cond3A_78 = arith.cmpi ne, %convert_element_type3A_76, %cond3A_77 : i32
    scf.if %cond3A_78 {
      %dma_wait3A_1557 = arith.constant 0 : i32
      %dma_wait3A_1558 = tpu.memref_slice %arg2[%add3A_71, %dma_wait3A_1557] : memref<100000x64xf32, #tpu.memory_space<hbm>> -> memref<128x64xf32, #tpu.memory_space<hbm>>
      %dma_wait3A_1559 = arith.constant 0 : i32
      %dma_wait3A_1560 = tpu.memref_slice %arg2[%add3A_71, %dma_wait3A_1559] : memref<100000x64xf32, #tpu.memory_space<hbm>> -> memref<128x64xf32, #tpu.memory_space<hbm>>
      tpu.wait_dma2 semaphore(%arg22 : memref<!tpu.dma_semaphore, #tpu.memory_space<semaphore_mem>>) src(%dma_wait3A_1560 : memref<128x64xf32, #tpu.memory_space<hbm>>) dst(%arg11 : memref<128x64xf32, #tpu.memory_space<vmem>>)
    } else {
    }
    %eq3A_79 = arith.constant 99968 : i32
    %eq3A_80 = arith.cmpi eq, %add3A_71, %eq3A_79 : i32
    %convert_element_type3A_81 = arith.extui %eq3A_80 : i1 to i32
    %cond3A_82 = arith.constant 0 : i32
    %cond3A_83 = arith.cmpi ne, %convert_element_type3A_81, %cond3A_82 : i32
    scf.if %cond3A_83 {
      %dma_wait3A_1557 = arith.constant 0 : i32
      %dma_wait3A_1558 = arith.constant 0 : i32
      %dma_wait3A_1559 = tpu.memref_slice %arg11[%dma_wait3A_1557, %dma_wait3A_1558] : memref<128x64xf32, #tpu.memory_space<vmem>> -> memref<32x64xf32, #tpu.memory_space<vmem>>
      %dma_wait3A_1560 = arith.constant 0 : i32
      %dma_wait3A_1561 = tpu.memref_slice %arg2[%add3A_71, %dma_wait3A_1560] : memref<100000x64xf32, #tpu.memory_space<hbm>> -> memref<32x64xf32, #tpu.memory_space<hbm>>
      %dma_wait3A_1562 = arith.constant 0 : i32
      %dma_wait3A_1563 = arith.constant 0 : i32
      %dma_wait3A_1564 = tpu.memref_slice %arg11[%dma_wait3A_1562, %dma_wait3A_1563] : memref<128x64xf32, #tpu.memory_space<vmem>> -> memref<32x64xf32, #tpu.memory_space<vmem>>
      %dma_wait3A_1565 = arith.constant 0 : i32
      %dma_wait3A_1566 = tpu.memref_slice %arg2[%add3A_71, %dma_wait3A_1565] : memref<100000x64xf32, #tpu.memory_space<hbm>> -> memref<32x64xf32, #tpu.memory_space<hbm>>
      tpu.wait_dma2 semaphore(%arg22 : memref<!tpu.dma_semaphore, #tpu.memory_space<semaphore_mem>>) src(%dma_wait3A_1566 : memref<32x64xf32, #tpu.memory_space<hbm>>) dst(%dma_wait3A_1564 : memref<32x64xf32, #tpu.memory_space<vmem>>)
    } else {
    }
    %dma_start3A_84 = arith.constant 0 : i32
    %dma_start3A_85 = arith.constant 0 : i32
    %dma_start3A_86 = tpu.memref_slice %arg16[%dma_start3A_84, %dma_start3A_85] : memref<25x128xi32, #tpu.memory_space<vmem>> -> memref<1x128xi32, #tpu.memory_space<vmem>>
    %dma_start3A_87 = tpu.memref_squeeze %dma_start3A_86 : memref<1x128xi32, #tpu.memory_space<vmem>> -> memref<128xi32, #tpu.memory_space<vmem>>
    %dma_start3A_88 = arith.constant 0 : i32
    %dma_start3A_89 = arith.constant 0 : i32
    %dma_start3A_90 = tpu.memref_slice %arg9[%dma_start3A_88, %dma_start3A_89] : memref<1024x64xf32, #tpu.memory_space<vmem_shared>> -> memref<1024x64xf32, #tpu.memory_space<vmem_shared>>
    tpu.enqueue_indirect_dma source(%arg11 : memref<128x64xf32, #tpu.memory_space<vmem>>) target(%dma_start3A_90 : memref<1024x64xf32, #tpu.memory_space<vmem_shared>>) offsets(%dma_start3A_87 : memref<128xi32, #tpu.memory_space<vmem>>) semaphore(%arg27 : memref<!tpu.dma_semaphore, #tpu.memory_space<semaphore_mem>>) {add = true}
    %dma_start3A_91 = arith.constant 0 : i32
    %dma_start3A_92 = arith.constant 0 : i32
    %dma_start3A_93 = tpu.memref_slice %arg16[%dma_start3A_91, %dma_start3A_92] : memref<25x128xi32, #tpu.memory_space<vmem>> -> memref<1x128xi32, #tpu.memory_space<vmem>>
    %dma_start3A_94 = tpu.memref_squeeze %dma_start3A_93 : memref<1x128xi32, #tpu.memory_space<vmem>> -> memref<128xi32, #tpu.memory_space<vmem>>
    %dma_start3A_95 = arith.constant 0 : i32
    %dma_start3A_96 = arith.constant 0 : i32
    %dma_start3A_97 = tpu.memref_slice %arg10[%dma_start3A_95, %dma_start3A_96] : memref<1024x16xf32, #tpu.memory_space<vmem_shared>> -> memref<1024x16xf32, #tpu.memory_space<vmem_shared>>
    tpu.enqueue_indirect_dma source(%arg17 : memref<128x16xf32, #tpu.memory_space<vmem>>) target(%dma_start3A_97 : memref<1024x16xf32, #tpu.memory_space<vmem_shared>>) offsets(%dma_start3A_94 : memref<128xi32, #tpu.memory_space<vmem>>) semaphore(%arg32 : memref<!tpu.dma_semaphore, #tpu.memory_space<semaphore_mem>>) {add = true}
    %mul3A_98 = arith.constant 3200 : i32
    %mul3A_99 = arith.muli %add3A, %mul3A_98 : i32
    %add3A_100 = arith.constant 384 : i32
    %add3A_101 = arith.addi %mul3A_99, %add3A_100 : i32
    %add3A_102 = arith.constant 128 : i32
    %add3A_103 = arith.addi %add3A_101, %add3A_102 : i32
    %le3A_104 = arith.constant 100000 : i32
    %le3A_105 = arith.cmpi sle, %add3A_103, %le3A_104 : i32
    %convert_element_type3A_106 = arith.extui %le3A_105 : i1 to i32
    %cond3A_107 = arith.constant 0 : i32
    %cond3A_108 = arith.cmpi ne, %convert_element_type3A_106, %cond3A_107 : i32
    scf.if %cond3A_108 {
      %dma_start3A_1557 = arith.constant 0 : i32
      %dma_start3A_1558 = tpu.memref_slice %arg2[%add3A_101, %dma_start3A_1557] : memref<100000x64xf32, #tpu.memory_space<hbm>> -> memref<128x64xf32, #tpu.memory_space<hbm>>
      %dma_start3A_1559 = arith.constant 0 : i32
      %dma_start3A_1560 = tpu.memref_slice %arg2[%add3A_101, %dma_start3A_1559] : memref<100000x64xf32, #tpu.memory_space<hbm>> -> memref<128x64xf32, #tpu.memory_space<hbm>>
      tpu.enqueue_dma source(%dma_start3A_1560 : memref<128x64xf32, #tpu.memory_space<hbm>>) target(%arg14 : memref<128x64xf32, #tpu.memory_space<vmem>>) target_semaphore(%arg25 : memref<!tpu.dma_semaphore, #tpu.memory_space<semaphore_mem>>)
    } else {
    }
    %eq3A_109 = arith.constant 99968 : i32
    %eq3A_110 = arith.cmpi eq, %add3A_101, %eq3A_109 : i32
    %convert_element_type3A_111 = arith.extui %eq3A_110 : i1 to i32
    %cond3A_112 = arith.constant 0 : i32
    %cond3A_113 = arith.cmpi ne, %convert_element_type3A_111, %cond3A_112 : i32
    scf.if %cond3A_113 {
      %dma_start3A_1557 = arith.constant 0 : i32
      %dma_start3A_1558 = arith.constant 0 : i32
      %dma_start3A_1559 = tpu.memref_slice %arg14[%dma_start3A_1557, %dma_start3A_1558] : memref<128x64xf32, #tpu.memory_space<vmem>> -> memref<32x64xf32, #tpu.memory_space<vmem>>
      %dma_start3A_1560 = arith.constant 0 : i32
      %dma_start3A_1561 = tpu.memref_slice %arg2[%add3A_101, %dma_start3A_1560] : memref<100000x64xf32, #tpu.memory_space<hbm>> -> memref<32x64xf32, #tpu.memory_space<hbm>>
      %dma_start3A_1562 = arith.constant 0 : i32
      %dma_start3A_1563 = arith.constant 0 : i32
      %dma_start3A_1564 = tpu.memref_slice %arg14[%dma_start3A_1562, %dma_start3A_1563] : memref<128x64xf32, #tpu.memory_space<vmem>> -> memref<32x64xf32, #tpu.memory_space<vmem>>
      %dma_start3A_1565 = arith.constant 0 : i32
      %dma_start3A_1566 = tpu.memref_slice %arg2[%add3A_101, %dma_start3A_1565] : memref<100000x64xf32, #tpu.memory_space<hbm>> -> memref<32x64xf32, #tpu.memory_space<hbm>>
      tpu.enqueue_dma source(%dma_start3A_1566 : memref<32x64xf32, #tpu.memory_space<hbm>>) target(%dma_start3A_1564 : memref<32x64xf32, #tpu.memory_space<vmem>>) target_semaphore(%arg25 : memref<!tpu.dma_semaphore, #tpu.memory_space<semaphore_mem>>)
    } else {
    }
    %mul3A_114 = arith.constant 3200 : i32
    %mul3A_115 = arith.muli %add3A, %mul3A_114 : i32
    %add3A_116 = arith.constant 128 : i32
    %add3A_117 = arith.addi %mul3A_115, %add3A_116 : i32
    %add3A_118 = arith.constant 128 : i32
    %add3A_119 = arith.addi %add3A_117, %add3A_118 : i32
    %le3A_120 = arith.constant 100000 : i32
    %le3A_121 = arith.cmpi sle, %add3A_119, %le3A_120 : i32
    %convert_element_type3A_122 = arith.extui %le3A_121 : i1 to i32
    %cond3A_123 = arith.constant 0 : i32
    %cond3A_124 = arith.cmpi ne, %convert_element_type3A_122, %cond3A_123 : i32
    scf.if %cond3A_124 {
      %dma_wait3A_1557 = arith.constant 0 : i32
      %dma_wait3A_1558 = tpu.memref_slice %arg2[%add3A_117, %dma_wait3A_1557] : memref<100000x64xf32, #tpu.memory_space<hbm>> -> memref<128x64xf32, #tpu.memory_space<hbm>>
      %dma_wait3A_1559 = arith.constant 0 : i32
      %dma_wait3A_1560 = tpu.memref_slice %arg2[%add3A_117, %dma_wait3A_1559] : memref<100000x64xf32, #tpu.memory_space<hbm>> -> memref<128x64xf32, #tpu.memory_space<hbm>>
      tpu.wait_dma2 semaphore(%arg23 : memref<!tpu.dma_semaphore, #tpu.memory_space<semaphore_mem>>) src(%dma_wait3A_1560 : memref<128x64xf32, #tpu.memory_space<hbm>>) dst(%arg12 : memref<128x64xf32, #tpu.memory_space<vmem>>)
    } else {
    }
    %eq3A_125 = arith.constant 99968 : i32
    %eq3A_126 = arith.cmpi eq, %add3A_117, %eq3A_125 : i32
    %convert_element_type3A_127 = arith.extui %eq3A_126 : i1 to i32
    %cond3A_128 = arith.constant 0 : i32
    %cond3A_129 = arith.cmpi ne, %convert_element_type3A_127, %cond3A_128 : i32
    scf.if %cond3A_129 {
      %dma_wait3A_1557 = arith.constant 0 : i32
      %dma_wait3A_1558 = arith.constant 0 : i32
      %dma_wait3A_1559 = tpu.memref_slice %arg12[%dma_wait3A_1557, %dma_wait3A_1558] : memref<128x64xf32, #tpu.memory_space<vmem>> -> memref<32x64xf32, #tpu.memory_space<vmem>>
      %dma_wait3A_1560 = arith.constant 0 : i32
      %dma_wait3A_1561 = tpu.memref_slice %arg2[%add3A_117, %dma_wait3A_1560] : memref<100000x64xf32, #tpu.memory_space<hbm>> -> memref<32x64xf32, #tpu.memory_space<hbm>>
      %dma_wait3A_1562 = arith.constant 0 : i32
      %dma_wait3A_1563 = arith.constant 0 : i32
      %dma_wait3A_1564 = tpu.memref_slice %arg12[%dma_wait3A_1562, %dma_wait3A_1563] : memref<128x64xf32, #tpu.memory_space<vmem>> -> memref<32x64xf32, #tpu.memory_space<vmem>>
      %dma_wait3A_1565 = arith.constant 0 : i32
      %dma_wait3A_1566 = tpu.memref_slice %arg2[%add3A_117, %dma_wait3A_1565] : memref<100000x64xf32, #tpu.memory_space<hbm>> -> memref<32x64xf32, #tpu.memory_space<hbm>>
      tpu.wait_dma2 semaphore(%arg23 : memref<!tpu.dma_semaphore, #tpu.memory_space<semaphore_mem>>) src(%dma_wait3A_1566 : memref<32x64xf32, #tpu.memory_space<hbm>>) dst(%dma_wait3A_1564 : memref<32x64xf32, #tpu.memory_space<vmem>>)
    } else {
    }
    %dma_start3A_130 = arith.constant 1 : i32
    %dma_start3A_131 = arith.constant 0 : i32
    %dma_start3A_132 = tpu.memref_slice %arg16[%dma_start3A_130, %dma_start3A_131] : memref<25x128xi32, #tpu.memory_space<vmem>> -> memref<1x128xi32, #tpu.memory_space<vmem>>
    %dma_start3A_133 = tpu.memref_squeeze %dma_start3A_132 : memref<1x128xi32, #tpu.memory_space<vmem>> -> memref<128xi32, #tpu.memory_space<vmem>>
    %dma_start3A_134 = arith.constant 0 : i32
    %dma_start3A_135 = arith.constant 0 : i32
    %dma_start3A_136 = tpu.memref_slice %arg9[%dma_start3A_134, %dma_start3A_135] : memref<1024x64xf32, #tpu.memory_space<vmem_shared>> -> memref<1024x64xf32, #tpu.memory_space<vmem_shared>>
    tpu.enqueue_indirect_dma source(%arg12 : memref<128x64xf32, #tpu.memory_space<vmem>>) target(%dma_start3A_136 : memref<1024x64xf32, #tpu.memory_space<vmem_shared>>) offsets(%dma_start3A_133 : memref<128xi32, #tpu.memory_space<vmem>>) semaphore(%arg28 : memref<!tpu.dma_semaphore, #tpu.memory_space<semaphore_mem>>) {add = true}
    %dma_start3A_137 = arith.constant 1 : i32
    %dma_start3A_138 = arith.constant 0 : i32
    %dma_start3A_139 = tpu.memref_slice %arg16[%dma_start3A_137, %dma_start3A_138] : memref<25x128xi32, #tpu.memory_space<vmem>> -> memref<1x128xi32, #tpu.memory_space<vmem>>
    %dma_start3A_140 = tpu.memref_squeeze %dma_start3A_139 : memref<1x128xi32, #tpu.memory_space<vmem>> -> memref<128xi32, #tpu.memory_space<vmem>>
    %dma_start3A_141 = arith.constant 0 : i32
    %dma_start3A_142 = arith.constant 0 : i32
    %dma_start3A_143 = tpu.memref_slice %arg10[%dma_start3A_141, %dma_start3A_142] : memref<1024x16xf32, #tpu.memory_space<vmem_shared>> -> memref<1024x16xf32, #tpu.memory_space<vmem_shared>>
    tpu.enqueue_indirect_dma source(%arg17 : memref<128x16xf32, #tpu.memory_space<vmem>>) target(%dma_start3A_143 : memref<1024x16xf32, #tpu.memory_space<vmem_shared>>) offsets(%dma_start3A_140 : memref<128xi32, #tpu.memory_space<vmem>>) semaphore(%arg32 : memref<!tpu.dma_semaphore, #tpu.memory_space<semaphore_mem>>) {add = true}
    %mul3A_144 = arith.constant 3200 : i32
    %mul3A_145 = arith.muli %add3A, %mul3A_144 : i32
    %add3A_146 = arith.constant 512 : i32
    %add3A_147 = arith.addi %mul3A_145, %add3A_146 : i32
    %add3A_148 = arith.constant 128 : i32
    %add3A_149 = arith.addi %add3A_147, %add3A_148 : i32
    %le3A_150 = arith.constant 100000 : i32
    %le3A_151 = arith.cmpi sle, %add3A_149, %le3A_150 : i32
    %convert_element_type3A_152 = arith.extui %le3A_151 : i1 to i32
    %cond3A_153 = arith.constant 0 : i32
    %cond3A_154 = arith.cmpi ne, %convert_element_type3A_152, %cond3A_153 : i32
    scf.if %cond3A_154 {
      %dma_start3A_1557 = arith.constant 0 : i32
      %dma_start3A_1558 = tpu.memref_slice %arg2[%add3A_147, %dma_start3A_1557] : memref<100000x64xf32, #tpu.memory_space<hbm>> -> memref<128x64xf32, #tpu.memory_space<hbm>>
      %dma_start3A_1559 = arith.constant 0 : i32
      %dma_start3A_1560 = tpu.memref_slice %arg2[%add3A_147, %dma_start3A_1559] : memref<100000x64xf32, #tpu.memory_space<hbm>> -> memref<128x64xf32, #tpu.memory_space<hbm>>
      tpu.enqueue_dma source(%dma_start3A_1560 : memref<128x64xf32, #tpu.memory_space<hbm>>) target(%arg15 : memref<128x64xf32, #tpu.memory_space<vmem>>) target_semaphore(%arg26 : memref<!tpu.dma_semaphore, #tpu.memory_space<semaphore_mem>>)
    } else {
    }
    %eq3A_155 = arith.constant 99968 : i32
    %eq3A_156 = arith.cmpi eq, %add3A_147, %eq3A_155 : i32
    %convert_element_type3A_157 = arith.extui %eq3A_156 : i1 to i32
    %cond3A_158 = arith.constant 0 : i32
    %cond3A_159 = arith.cmpi ne, %convert_element_type3A_157, %cond3A_158 : i32
    scf.if %cond3A_159 {
      %dma_start3A_1557 = arith.constant 0 : i32
      %dma_start3A_1558 = arith.constant 0 : i32
      %dma_start3A_1559 = tpu.memref_slice %arg15[%dma_start3A_1557, %dma_start3A_1558] : memref<128x64xf32, #tpu.memory_space<vmem>> -> memref<32x64xf32, #tpu.memory_space<vmem>>
      %dma_start3A_1560 = arith.constant 0 : i32
      %dma_start3A_1561 = tpu.memref_slice %arg2[%add3A_147, %dma_start3A_1560] : memref<100000x64xf32, #tpu.memory_space<hbm>> -> memref<32x64xf32, #tpu.memory_space<hbm>>
      %dma_start3A_1562 = arith.constant 0 : i32
      %dma_start3A_1563 = arith.constant 0 : i32
      %dma_start3A_1564 = tpu.memref_slice %arg15[%dma_start3A_1562, %dma_start3A_1563] : memref<128x64xf32, #tpu.memory_space<vmem>> -> memref<32x64xf32, #tpu.memory_space<vmem>>
      %dma_start3A_1565 = arith.constant 0 : i32
      %dma_start3A_1566 = tpu.memref_slice %arg2[%add3A_147, %dma_start3A_1565] : memref<100000x64xf32, #tpu.memory_space<hbm>> -> memref<32x64xf32, #tpu.memory_space<hbm>>
      tpu.enqueue_dma source(%dma_start3A_1566 : memref<32x64xf32, #tpu.memory_space<hbm>>) target(%dma_start3A_1564 : memref<32x64xf32, #tpu.memory_space<vmem>>) target_semaphore(%arg26 : memref<!tpu.dma_semaphore, #tpu.memory_space<semaphore_mem>>)
    } else {
    }
    %mul3A_160 = arith.constant 3200 : i32
    %mul3A_161 = arith.muli %add3A, %mul3A_160 : i32
    %add3A_162 = arith.constant 256 : i32
    %add3A_163 = arith.addi %mul3A_161, %add3A_162 : i32
    %add3A_164 = arith.constant 128 : i32
    %add3A_165 = arith.addi %add3A_163, %add3A_164 : i32
    %le3A_166 = arith.constant 100000 : i32
    %le3A_167 = arith.cmpi sle, %add3A_165, %le3A_166 : i32
    %convert_element_type3A_168 = arith.extui %le3A_167 : i1 to i32
    %cond3A_169 = arith.constant 0 : i32
    %cond3A_170 = arith.cmpi ne, %convert_element_type3A_168, %cond3A_169 : i32
    scf.if %cond3A_170 {
      %dma_wait3A_1557 = arith.constant 0 : i32
      %dma_wait3A_1558 = tpu.memref_slice %arg2[%add3A_163, %dma_wait3A_1557] : memref<100000x64xf32, #tpu.memory_space<hbm>> -> memref<128x64xf32, #tpu.memory_space<hbm>>
      %dma_wait3A_1559 = arith.constant 0 : i32
      %dma_wait3A_1560 = tpu.memref_slice %arg2[%add3A_163, %dma_wait3A_1559] : memref<100000x64xf32, #tpu.memory_space<hbm>> -> memref<128x64xf32, #tpu.memory_space<hbm>>
      tpu.wait_dma2 semaphore(%arg24 : memref<!tpu.dma_semaphore, #tpu.memory_space<semaphore_mem>>) src(%dma_wait3A_1560 : memref<128x64xf32, #tpu.memory_space<hbm>>) dst(%arg13 : memref<128x64xf32, #tpu.memory_space<vmem>>)
    } else {
    }
    %eq3A_171 = arith.constant 99968 : i32
    %eq3A_172 = arith.cmpi eq, %add3A_163, %eq3A_171 : i32
    %convert_element_type3A_173 = arith.extui %eq3A_172 : i1 to i32
    %cond3A_174 = arith.constant 0 : i32
    %cond3A_175 = arith.cmpi ne, %convert_element_type3A_173, %cond3A_174 : i32
    scf.if %cond3A_175 {
      %dma_wait3A_1557 = arith.constant 0 : i32
      %dma_wait3A_1558 = arith.constant 0 : i32
      %dma_wait3A_1559 = tpu.memref_slice %arg13[%dma_wait3A_1557, %dma_wait3A_1558] : memref<128x64xf32, #tpu.memory_space<vmem>> -> memref<32x64xf32, #tpu.memory_space<vmem>>
      %dma_wait3A_1560 = arith.constant 0 : i32
      %dma_wait3A_1561 = tpu.memref_slice %arg2[%add3A_163, %dma_wait3A_1560] : memref<100000x64xf32, #tpu.memory_space<hbm>> -> memref<32x64xf32, #tpu.memory_space<hbm>>
      %dma_wait3A_1562 = arith.constant 0 : i32
      %dma_wait3A_1563 = arith.constant 0 : i32
      %dma_wait3A_1564 = tpu.memref_slice %arg13[%dma_wait3A_1562, %dma_wait3A_1563] : memref<128x64xf32, #tpu.memory_space<vmem>> -> memref<32x64xf32, #tpu.memory_space<vmem>>
      %dma_wait3A_1565 = arith.constant 0 : i32
      %dma_wait3A_1566 = tpu.memref_slice %arg2[%add3A_163, %dma_wait3A_1565] : memref<100000x64xf32, #tpu.memory_space<hbm>> -> memref<32x64xf32, #tpu.memory_space<hbm>>
      tpu.wait_dma2 semaphore(%arg24 : memref<!tpu.dma_semaphore, #tpu.memory_space<semaphore_mem>>) src(%dma_wait3A_1566 : memref<32x64xf32, #tpu.memory_space<hbm>>) dst(%dma_wait3A_1564 : memref<32x64xf32, #tpu.memory_space<vmem>>)
    } else {
    }
    %dma_start3A_176 = arith.constant 2 : i32
    %dma_start3A_177 = arith.constant 0 : i32
    %dma_start3A_178 = tpu.memref_slice %arg16[%dma_start3A_176, %dma_start3A_177] : memref<25x128xi32, #tpu.memory_space<vmem>> -> memref<1x128xi32, #tpu.memory_space<vmem>>
    %dma_start3A_179 = tpu.memref_squeeze %dma_start3A_178 : memref<1x128xi32, #tpu.memory_space<vmem>> -> memref<128xi32, #tpu.memory_space<vmem>>
    %dma_start3A_180 = arith.constant 0 : i32
    %dma_start3A_181 = arith.constant 0 : i32
    %dma_start3A_182 = tpu.memref_slice %arg9[%dma_start3A_180, %dma_start3A_181] : memref<1024x64xf32, #tpu.memory_space<vmem_shared>> -> memref<1024x64xf32, #tpu.memory_space<vmem_shared>>
    tpu.enqueue_indirect_dma source(%arg13 : memref<128x64xf32, #tpu.memory_space<vmem>>) target(%dma_start3A_182 : memref<1024x64xf32, #tpu.memory_space<vmem_shared>>) offsets(%dma_start3A_179 : memref<128xi32, #tpu.memory_space<vmem>>) semaphore(%arg29 : memref<!tpu.dma_semaphore, #tpu.memory_space<semaphore_mem>>) {add = true}
    %dma_start3A_183 = arith.constant 2 : i32
    %dma_start3A_184 = arith.constant 0 : i32
    %dma_start3A_185 = tpu.memref_slice %arg16[%dma_start3A_183, %dma_start3A_184] : memref<25x128xi32, #tpu.memory_space<vmem>> -> memref<1x128xi32, #tpu.memory_space<vmem>>
    %dma_start3A_186 = tpu.memref_squeeze %dma_start3A_185 : memref<1x128xi32, #tpu.memory_space<vmem>> -> memref<128xi32, #tpu.memory_space<vmem>>
    %dma_start3A_187 = arith.constant 0 : i32
    %dma_start3A_188 = arith.constant 0 : i32
    %dma_start3A_189 = tpu.memref_slice %arg10[%dma_start3A_187, %dma_start3A_188] : memref<1024x16xf32, #tpu.memory_space<vmem_shared>> -> memref<1024x16xf32, #tpu.memory_space<vmem_shared>>
    tpu.enqueue_indirect_dma source(%arg17 : memref<128x16xf32, #tpu.memory_space<vmem>>) target(%dma_start3A_189 : memref<1024x16xf32, #tpu.memory_space<vmem_shared>>) offsets(%dma_start3A_186 : memref<128xi32, #tpu.memory_space<vmem>>) semaphore(%arg32 : memref<!tpu.dma_semaphore, #tpu.memory_space<semaphore_mem>>) {add = true}
    %dma_wait3A_190 = arith.constant 0 : i32
    %dma_wait3A_191 = arith.constant 0 : i32
    %dma_wait3A_192 = tpu.memref_slice %arg16[%dma_wait3A_190, %dma_wait3A_191] : memref<25x128xi32, #tpu.memory_space<vmem>> -> memref<1x128xi32, #tpu.memory_space<vmem>>
    %dma_wait3A_193 = tpu.memref_squeeze %dma_wait3A_192 : memref<1x128xi32, #tpu.memory_space<vmem>> -> memref<128xi32, #tpu.memory_space<vmem>>
    %dma_wait3A_194 = arith.constant 0 : i32
    %dma_wait3A_195 = arith.constant 0 : i32
    %dma_wait3A_196 = tpu.memref_slice %arg9[%dma_wait3A_194, %dma_wait3A_195] : memref<1024x64xf32, #tpu.memory_space<vmem_shared>> -> memref<1024x64xf32, #tpu.memory_space<vmem_shared>>
    tpu.wait_indirect_dma semaphore(%arg27 : memref<!tpu.dma_semaphore, #tpu.memory_space<semaphore_mem>>) src(%arg11 : memref<128x64xf32, #tpu.memory_space<vmem>>) dst(%dma_wait3A_196 : memref<1024x64xf32, #tpu.memory_space<vmem_shared>>)
    %mul3A_197 = arith.constant 3200 : i32
    %mul3A_198 = arith.muli %add3A, %mul3A_197 : i32
    %add3A_199 = arith.constant 640 : i32
    %add3A_200 = arith.addi %mul3A_198, %add3A_199 : i32
    %add3A_201 = arith.constant 128 : i32
    %add3A_202 = arith.addi %add3A_200, %add3A_201 : i32
    %le3A_203 = arith.constant 100000 : i32
    %le3A_204 = arith.cmpi sle, %add3A_202, %le3A_203 : i32
    %convert_element_type3A_205 = arith.extui %le3A_204 : i1 to i32
    %cond3A_206 = arith.constant 0 : i32
    %cond3A_207 = arith.cmpi ne, %convert_element_type3A_205, %cond3A_206 : i32
    scf.if %cond3A_207 {
      %dma_start3A_1557 = arith.constant 0 : i32
      %dma_start3A_1558 = tpu.memref_slice %arg2[%add3A_200, %dma_start3A_1557] : memref<100000x64xf32, #tpu.memory_space<hbm>> -> memref<128x64xf32, #tpu.memory_space<hbm>>
      %dma_start3A_1559 = arith.constant 0 : i32
      %dma_start3A_1560 = tpu.memref_slice %arg2[%add3A_200, %dma_start3A_1559] : memref<100000x64xf32, #tpu.memory_space<hbm>> -> memref<128x64xf32, #tpu.memory_space<hbm>>
      tpu.enqueue_dma source(%dma_start3A_1560 : memref<128x64xf32, #tpu.memory_space<hbm>>) target(%arg11 : memref<128x64xf32, #tpu.memory_space<vmem>>) target_semaphore(%arg22 : memref<!tpu.dma_semaphore, #tpu.memory_space<semaphore_mem>>)
    } else {
    }
    %eq3A_208 = arith.constant 99968 : i32
    %eq3A_209 = arith.cmpi eq, %add3A_200, %eq3A_208 : i32
    %convert_element_type3A_210 = arith.extui %eq3A_209 : i1 to i32
    %cond3A_211 = arith.constant 0 : i32
    %cond3A_212 = arith.cmpi ne, %convert_element_type3A_210, %cond3A_211 : i32
    scf.if %cond3A_212 {
      %dma_start3A_1557 = arith.constant 0 : i32
      %dma_start3A_1558 = arith.constant 0 : i32
      %dma_start3A_1559 = tpu.memref_slice %arg11[%dma_start3A_1557, %dma_start3A_1558] : memref<128x64xf32, #tpu.memory_space<vmem>> -> memref<32x64xf32, #tpu.memory_space<vmem>>
      %dma_start3A_1560 = arith.constant 0 : i32
      %dma_start3A_1561 = tpu.memref_slice %arg2[%add3A_200, %dma_start3A_1560] : memref<100000x64xf32, #tpu.memory_space<hbm>> -> memref<32x64xf32, #tpu.memory_space<hbm>>
      %dma_start3A_1562 = arith.constant 0 : i32
      %dma_start3A_1563 = arith.constant 0 : i32
      %dma_start3A_1564 = tpu.memref_slice %arg11[%dma_start3A_1562, %dma_start3A_1563] : memref<128x64xf32, #tpu.memory_space<vmem>> -> memref<32x64xf32, #tpu.memory_space<vmem>>
      %dma_start3A_1565 = arith.constant 0 : i32
      %dma_start3A_1566 = tpu.memref_slice %arg2[%add3A_200, %dma_start3A_1565] : memref<100000x64xf32, #tpu.memory_space<hbm>> -> memref<32x64xf32, #tpu.memory_space<hbm>>
      tpu.enqueue_dma source(%dma_start3A_1566 : memref<32x64xf32, #tpu.memory_space<hbm>>) target(%dma_start3A_1564 : memref<32x64xf32, #tpu.memory_space<vmem>>) target_semaphore(%arg22 : memref<!tpu.dma_semaphore, #tpu.memory_space<semaphore_mem>>)
    } else {
    }
    %mul3A_213 = arith.constant 3200 : i32
    %mul3A_214 = arith.muli %add3A, %mul3A_213 : i32
    %add3A_215 = arith.constant 384 : i32
    %add3A_216 = arith.addi %mul3A_214, %add3A_215 : i32
    %add3A_217 = arith.constant 128 : i32
    %add3A_218 = arith.addi %add3A_216, %add3A_217 : i32
    %le3A_219 = arith.constant 100000 : i32
    %le3A_220 = arith.cmpi sle, %add3A_218, %le3A_219 : i32
    %convert_element_type3A_221 = arith.extui %le3A_220 : i1 to i32
    %cond3A_222 = arith.constant 0 : i32
    %cond3A_223 = arith.cmpi ne, %convert_element_type3A_221, %cond3A_222 : i32
    scf.if %cond3A_223 {
      %dma_wait3A_1557 = arith.constant 0 : i32
      %dma_wait3A_1558 = tpu.memref_slice %arg2[%add3A_216, %dma_wait3A_1557] : memref<100000x64xf32, #tpu.memory_space<hbm>> -> memref<128x64xf32, #tpu.memory_space<hbm>>
      %dma_wait3A_1559 = arith.constant 0 : i32
      %dma_wait3A_1560 = tpu.memref_slice %arg2[%add3A_216, %dma_wait3A_1559] : memref<100000x64xf32, #tpu.memory_space<hbm>> -> memref<128x64xf32, #tpu.memory_space<hbm>>
      tpu.wait_dma2 semaphore(%arg25 : memref<!tpu.dma_semaphore, #tpu.memory_space<semaphore_mem>>) src(%dma_wait3A_1560 : memref<128x64xf32, #tpu.memory_space<hbm>>) dst(%arg14 : memref<128x64xf32, #tpu.memory_space<vmem>>)
    } else {
    }
    %eq3A_224 = arith.constant 99968 : i32
    %eq3A_225 = arith.cmpi eq, %add3A_216, %eq3A_224 : i32
    %convert_element_type3A_226 = arith.extui %eq3A_225 : i1 to i32
    %cond3A_227 = arith.constant 0 : i32
    %cond3A_228 = arith.cmpi ne, %convert_element_type3A_226, %cond3A_227 : i32
    scf.if %cond3A_228 {
      %dma_wait3A_1557 = arith.constant 0 : i32
      %dma_wait3A_1558 = arith.constant 0 : i32
      %dma_wait3A_1559 = tpu.memref_slice %arg14[%dma_wait3A_1557, %dma_wait3A_1558] : memref<128x64xf32, #tpu.memory_space<vmem>> -> memref<32x64xf32, #tpu.memory_space<vmem>>
      %dma_wait3A_1560 = arith.constant 0 : i32
      %dma_wait3A_1561 = tpu.memref_slice %arg2[%add3A_216, %dma_wait3A_1560] : memref<100000x64xf32, #tpu.memory_space<hbm>> -> memref<32x64xf32, #tpu.memory_space<hbm>>
      %dma_wait3A_1562 = arith.constant 0 : i32
      %dma_wait3A_1563 = arith.constant 0 : i32
      %dma_wait3A_1564 = tpu.memref_slice %arg14[%dma_wait3A_1562, %dma_wait3A_1563] : memref<128x64xf32, #tpu.memory_space<vmem>> -> memref<32x64xf32, #tpu.memory_space<vmem>>
      %dma_wait3A_1565 = arith.constant 0 : i32
      %dma_wait3A_1566 = tpu.memref_slice %arg2[%add3A_216, %dma_wait3A_1565] : memref<100000x64xf32, #tpu.memory_space<hbm>> -> memref<32x64xf32, #tpu.memory_space<hbm>>
      tpu.wait_dma2 semaphore(%arg25 : memref<!tpu.dma_semaphore, #tpu.memory_space<semaphore_mem>>) src(%dma_wait3A_1566 : memref<32x64xf32, #tpu.memory_space<hbm>>) dst(%dma_wait3A_1564 : memref<32x64xf32, #tpu.memory_space<vmem>>)
    } else {
    }
    %dma_start3A_229 = arith.constant 3 : i32
    %dma_start3A_230 = arith.constant 0 : i32
    %dma_start3A_231 = tpu.memref_slice %arg16[%dma_start3A_229, %dma_start3A_230] : memref<25x128xi32, #tpu.memory_space<vmem>> -> memref<1x128xi32, #tpu.memory_space<vmem>>
    %dma_start3A_232 = tpu.memref_squeeze %dma_start3A_231 : memref<1x128xi32, #tpu.memory_space<vmem>> -> memref<128xi32, #tpu.memory_space<vmem>>
    %dma_start3A_233 = arith.constant 0 : i32
    %dma_start3A_234 = arith.constant 0 : i32
    %dma_start3A_235 = tpu.memref_slice %arg9[%dma_start3A_233, %dma_start3A_234] : memref<1024x64xf32, #tpu.memory_space<vmem_shared>> -> memref<1024x64xf32, #tpu.memory_space<vmem_shared>>
    tpu.enqueue_indirect_dma source(%arg14 : memref<128x64xf32, #tpu.memory_space<vmem>>) target(%dma_start3A_235 : memref<1024x64xf32, #tpu.memory_space<vmem_shared>>) offsets(%dma_start3A_232 : memref<128xi32, #tpu.memory_space<vmem>>) semaphore(%arg30 : memref<!tpu.dma_semaphore, #tpu.memory_space<semaphore_mem>>) {add = true}
    %dma_start3A_236 = arith.constant 3 : i32
    %dma_start3A_237 = arith.constant 0 : i32
    %dma_start3A_238 = tpu.memref_slice %arg16[%dma_start3A_236, %dma_start3A_237] : memref<25x128xi32, #tpu.memory_space<vmem>> -> memref<1x128xi32, #tpu.memory_space<vmem>>
    %dma_start3A_239 = tpu.memref_squeeze %dma_start3A_238 : memref<1x128xi32, #tpu.memory_space<vmem>> -> memref<128xi32, #tpu.memory_space<vmem>>
    %dma_start3A_240 = arith.constant 0 : i32
    %dma_start3A_241 = arith.constant 0 : i32
    %dma_start3A_242 = tpu.memref_slice %arg10[%dma_start3A_240, %dma_start3A_241] : memref<1024x16xf32, #tpu.memory_space<vmem_shared>> -> memref<1024x16xf32, #tpu.memory_space<vmem_shared>>
    tpu.enqueue_indirect_dma source(%arg17 : memref<128x16xf32, #tpu.memory_space<vmem>>) target(%dma_start3A_242 : memref<1024x16xf32, #tpu.memory_space<vmem_shared>>) offsets(%dma_start3A_239 : memref<128xi32, #tpu.memory_space<vmem>>) semaphore(%arg32 : memref<!tpu.dma_semaphore, #tpu.memory_space<semaphore_mem>>) {add = true}
    %dma_wait3A_243 = arith.constant 1 : i32
    %dma_wait3A_244 = arith.constant 0 : i32
    %dma_wait3A_245 = tpu.memref_slice %arg16[%dma_wait3A_243, %dma_wait3A_244] : memref<25x128xi32, #tpu.memory_space<vmem>> -> memref<1x128xi32, #tpu.memory_space<vmem>>
    %dma_wait3A_246 = tpu.memref_squeeze %dma_wait3A_245 : memref<1x128xi32, #tpu.memory_space<vmem>> -> memref<128xi32, #tpu.memory_space<vmem>>
    %dma_wait3A_247 = arith.constant 0 : i32
    %dma_wait3A_248 = arith.constant 0 : i32
    %dma_wait3A_249 = tpu.memref_slice %arg9[%dma_wait3A_247, %dma_wait3A_248] : memref<1024x64xf32, #tpu.memory_space<vmem_shared>> -> memref<1024x64xf32, #tpu.memory_space<vmem_shared>>
    tpu.wait_indirect_dma semaphore(%arg28 : memref<!tpu.dma_semaphore, #tpu.memory_space<semaphore_mem>>) src(%arg12 : memref<128x64xf32, #tpu.memory_space<vmem>>) dst(%dma_wait3A_249 : memref<1024x64xf32, #tpu.memory_space<vmem_shared>>)
    %mul3A_250 = arith.constant 3200 : i32
    %mul3A_251 = arith.muli %add3A, %mul3A_250 : i32
    %add3A_252 = arith.constant 768 : i32
    %add3A_253 = arith.addi %mul3A_251, %add3A_252 : i32
    %add3A_254 = arith.constant 128 : i32
    %add3A_255 = arith.addi %add3A_253, %add3A_254 : i32
    %le3A_256 = arith.constant 100000 : i32
    %le3A_257 = arith.cmpi sle, %add3A_255, %le3A_256 : i32
    %convert_element_type3A_258 = arith.extui %le3A_257 : i1 to i32
    %cond3A_259 = arith.constant 0 : i32
    %cond3A_260 = arith.cmpi ne, %convert_element_type3A_258, %cond3A_259 : i32
    scf.if %cond3A_260 {
      %dma_start3A_1557 = arith.constant 0 : i32
      %dma_start3A_1558 = tpu.memref_slice %arg2[%add3A_253, %dma_start3A_1557] : memref<100000x64xf32, #tpu.memory_space<hbm>> -> memref<128x64xf32, #tpu.memory_space<hbm>>
      %dma_start3A_1559 = arith.constant 0 : i32
      %dma_start3A_1560 = tpu.memref_slice %arg2[%add3A_253, %dma_start3A_1559] : memref<100000x64xf32, #tpu.memory_space<hbm>> -> memref<128x64xf32, #tpu.memory_space<hbm>>
      tpu.enqueue_dma source(%dma_start3A_1560 : memref<128x64xf32, #tpu.memory_space<hbm>>) target(%arg12 : memref<128x64xf32, #tpu.memory_space<vmem>>) target_semaphore(%arg23 : memref<!tpu.dma_semaphore, #tpu.memory_space<semaphore_mem>>)
    } else {
    }
    %eq3A_261 = arith.constant 99968 : i32
    %eq3A_262 = arith.cmpi eq, %add3A_253, %eq3A_261 : i32
    %convert_element_type3A_263 = arith.extui %eq3A_262 : i1 to i32
    %cond3A_264 = arith.constant 0 : i32
    %cond3A_265 = arith.cmpi ne, %convert_element_type3A_263, %cond3A_264 : i32
    scf.if %cond3A_265 {
      %dma_start3A_1557 = arith.constant 0 : i32
      %dma_start3A_1558 = arith.constant 0 : i32
      %dma_start3A_1559 = tpu.memref_slice %arg12[%dma_start3A_1557, %dma_start3A_1558] : memref<128x64xf32, #tpu.memory_space<vmem>> -> memref<32x64xf32, #tpu.memory_space<vmem>>
      %dma_start3A_1560 = arith.constant 0 : i32
      %dma_start3A_1561 = tpu.memref_slice %arg2[%add3A_253, %dma_start3A_1560] : memref<100000x64xf32, #tpu.memory_space<hbm>> -> memref<32x64xf32, #tpu.memory_space<hbm>>
      %dma_start3A_1562 = arith.constant 0 : i32
      %dma_start3A_1563 = arith.constant 0 : i32
      %dma_start3A_1564 = tpu.memref_slice %arg12[%dma_start3A_1562, %dma_start3A_1563] : memref<128x64xf32, #tpu.memory_space<vmem>> -> memref<32x64xf32, #tpu.memory_space<vmem>>
      %dma_start3A_1565 = arith.constant 0 : i32
      %dma_start3A_1566 = tpu.memref_slice %arg2[%add3A_253, %dma_start3A_1565] : memref<100000x64xf32, #tpu.memory_space<hbm>> -> memref<32x64xf32, #tpu.memory_space<hbm>>
      tpu.enqueue_dma source(%dma_start3A_1566 : memref<32x64xf32, #tpu.memory_space<hbm>>) target(%dma_start3A_1564 : memref<32x64xf32, #tpu.memory_space<vmem>>) target_semaphore(%arg23 : memref<!tpu.dma_semaphore, #tpu.memory_space<semaphore_mem>>)
    } else {
    }
    %mul3A_266 = arith.constant 3200 : i32
    %mul3A_267 = arith.muli %add3A, %mul3A_266 : i32
    %add3A_268 = arith.constant 512 : i32
    %add3A_269 = arith.addi %mul3A_267, %add3A_268 : i32
    %add3A_270 = arith.constant 128 : i32
    %add3A_271 = arith.addi %add3A_269, %add3A_270 : i32
    %le3A_272 = arith.constant 100000 : i32
    %le3A_273 = arith.cmpi sle, %add3A_271, %le3A_272 : i32
    %convert_element_type3A_274 = arith.extui %le3A_273 : i1 to i32
    %cond3A_275 = arith.constant 0 : i32
    %cond3A_276 = arith.cmpi ne, %convert_element_type3A_274, %cond3A_275 : i32
    scf.if %cond3A_276 {
      %dma_wait3A_1557 = arith.constant 0 : i32
      %dma_wait3A_1558 = tpu.memref_slice %arg2[%add3A_269, %dma_wait3A_1557] : memref<100000x64xf32, #tpu.memory_space<hbm>> -> memref<128x64xf32, #tpu.memory_space<hbm>>
      %dma_wait3A_1559 = arith.constant 0 : i32
      %dma_wait3A_1560 = tpu.memref_slice %arg2[%add3A_269, %dma_wait3A_1559] : memref<100000x64xf32, #tpu.memory_space<hbm>> -> memref<128x64xf32, #tpu.memory_space<hbm>>
      tpu.wait_dma2 semaphore(%arg26 : memref<!tpu.dma_semaphore, #tpu.memory_space<semaphore_mem>>) src(%dma_wait3A_1560 : memref<128x64xf32, #tpu.memory_space<hbm>>) dst(%arg15 : memref<128x64xf32, #tpu.memory_space<vmem>>)
    } else {
    }
    %eq3A_277 = arith.constant 99968 : i32
    %eq3A_278 = arith.cmpi eq, %add3A_269, %eq3A_277 : i32
    %convert_element_type3A_279 = arith.extui %eq3A_278 : i1 to i32
    %cond3A_280 = arith.constant 0 : i32
    %cond3A_281 = arith.cmpi ne, %convert_element_type3A_279, %cond3A_280 : i32
    scf.if %cond3A_281 {
      %dma_wait3A_1557 = arith.constant 0 : i32
      %dma_wait3A_1558 = arith.constant 0 : i32
      %dma_wait3A_1559 = tpu.memref_slice %arg15[%dma_wait3A_1557, %dma_wait3A_1558] : memref<128x64xf32, #tpu.memory_space<vmem>> -> memref<32x64xf32, #tpu.memory_space<vmem>>
      %dma_wait3A_1560 = arith.constant 0 : i32
      %dma_wait3A_1561 = tpu.memref_slice %arg2[%add3A_269, %dma_wait3A_1560] : memref<100000x64xf32, #tpu.memory_space<hbm>> -> memref<32x64xf32, #tpu.memory_space<hbm>>
      %dma_wait3A_1562 = arith.constant 0 : i32
      %dma_wait3A_1563 = arith.constant 0 : i32
      %dma_wait3A_1564 = tpu.memref_slice %arg15[%dma_wait3A_1562, %dma_wait3A_1563] : memref<128x64xf32, #tpu.memory_space<vmem>> -> memref<32x64xf32, #tpu.memory_space<vmem>>
      %dma_wait3A_1565 = arith.constant 0 : i32
      %dma_wait3A_1566 = tpu.memref_slice %arg2[%add3A_269, %dma_wait3A_1565] : memref<100000x64xf32, #tpu.memory_space<hbm>> -> memref<32x64xf32, #tpu.memory_space<hbm>>
      tpu.wait_dma2 semaphore(%arg26 : memref<!tpu.dma_semaphore, #tpu.memory_space<semaphore_mem>>) src(%dma_wait3A_1566 : memref<32x64xf32, #tpu.memory_space<hbm>>) dst(%dma_wait3A_1564 : memref<32x64xf32, #tpu.memory_space<vmem>>)
    } else {
    }
    %dma_start3A_282 = arith.constant 4 : i32
    %dma_start3A_283 = arith.constant 0 : i32
    %dma_start3A_284 = tpu.memref_slice %arg16[%dma_start3A_282, %dma_start3A_283] : memref<25x128xi32, #tpu.memory_space<vmem>> -> memref<1x128xi32, #tpu.memory_space<vmem>>
    %dma_start3A_285 = tpu.memref_squeeze %dma_start3A_284 : memref<1x128xi32, #tpu.memory_space<vmem>> -> memref<128xi32, #tpu.memory_space<vmem>>
    %dma_start3A_286 = arith.constant 0 : i32
    %dma_start3A_287 = arith.constant 0 : i32
    %dma_start3A_288 = tpu.memref_slice %arg9[%dma_start3A_286, %dma_start3A_287] : memref<1024x64xf32, #tpu.memory_space<vmem_shared>> -> memref<1024x64xf32, #tpu.memory_space<vmem_shared>>
    tpu.enqueue_indirect_dma source(%arg15 : memref<128x64xf32, #tpu.memory_space<vmem>>) target(%dma_start3A_288 : memref<1024x64xf32, #tpu.memory_space<vmem_shared>>) offsets(%dma_start3A_285 : memref<128xi32, #tpu.memory_space<vmem>>) semaphore(%arg31 : memref<!tpu.dma_semaphore, #tpu.memory_space<semaphore_mem>>) {add = true}
    %dma_start3A_289 = arith.constant 4 : i32
    %dma_start3A_290 = arith.constant 0 : i32
    %dma_start3A_291 = tpu.memref_slice %arg16[%dma_start3A_289, %dma_start3A_290] : memref<25x128xi32, #tpu.memory_space<vmem>> -> memref<1x128xi32, #tpu.memory_space<vmem>>
    %dma_start3A_292 = tpu.memref_squeeze %dma_start3A_291 : memref<1x128xi32, #tpu.memory_space<vmem>> -> memref<128xi32, #tpu.memory_space<vmem>>
    %dma_start3A_293 = arith.constant 0 : i32
    %dma_start3A_294 = arith.constant 0 : i32
    %dma_start3A_295 = tpu.memref_slice %arg10[%dma_start3A_293, %dma_start3A_294] : memref<1024x16xf32, #tpu.memory_space<vmem_shared>> -> memref<1024x16xf32, #tpu.memory_space<vmem_shared>>
    tpu.enqueue_indirect_dma source(%arg17 : memref<128x16xf32, #tpu.memory_space<vmem>>) target(%dma_start3A_295 : memref<1024x16xf32, #tpu.memory_space<vmem_shared>>) offsets(%dma_start3A_292 : memref<128xi32, #tpu.memory_space<vmem>>) semaphore(%arg32 : memref<!tpu.dma_semaphore, #tpu.memory_space<semaphore_mem>>) {add = true}
    %dma_wait3A_296 = arith.constant 2 : i32
    %dma_wait3A_297 = arith.constant 0 : i32
    %dma_wait3A_298 = tpu.memref_slice %arg16[%dma_wait3A_296, %dma_wait3A_297] : memref<25x128xi32, #tpu.memory_space<vmem>> -> memref<1x128xi32, #tpu.memory_space<vmem>>
    %dma_wait3A_299 = tpu.memref_squeeze %dma_wait3A_298 : memref<1x128xi32, #tpu.memory_space<vmem>> -> memref<128xi32, #tpu.memory_space<vmem>>
    %dma_wait3A_300 = arith.constant 0 : i32
    %dma_wait3A_301 = arith.constant 0 : i32
    %dma_wait3A_302 = tpu.memref_slice %arg9[%dma_wait3A_300, %dma_wait3A_301] : memref<1024x64xf32, #tpu.memory_space<vmem_shared>> -> memref<1024x64xf32, #tpu.memory_space<vmem_shared>>
    tpu.wait_indirect_dma semaphore(%arg29 : memref<!tpu.dma_semaphore, #tpu.memory_space<semaphore_mem>>) src(%arg13 : memref<128x64xf32, #tpu.memory_space<vmem>>) dst(%dma_wait3A_302 : memref<1024x64xf32, #tpu.memory_space<vmem_shared>>)
    %mul3A_303 = arith.constant 3200 : i32
    %mul3A_304 = arith.muli %add3A, %mul3A_303 : i32
    %add3A_305 = arith.constant 896 : i32
    %add3A_306 = arith.addi %mul3A_304, %add3A_305 : i32
    %add3A_307 = arith.constant 128 : i32
    %add3A_308 = arith.addi %add3A_306, %add3A_307 : i32
    %le3A_309 = arith.constant 100000 : i32
    %le3A_310 = arith.cmpi sle, %add3A_308, %le3A_309 : i32
    %convert_element_type3A_311 = arith.extui %le3A_310 : i1 to i32
    %cond3A_312 = arith.constant 0 : i32
    %cond3A_313 = arith.cmpi ne, %convert_element_type3A_311, %cond3A_312 : i32
    scf.if %cond3A_313 {
      %dma_start3A_1557 = arith.constant 0 : i32
      %dma_start3A_1558 = tpu.memref_slice %arg2[%add3A_306, %dma_start3A_1557] : memref<100000x64xf32, #tpu.memory_space<hbm>> -> memref<128x64xf32, #tpu.memory_space<hbm>>
      %dma_start3A_1559 = arith.constant 0 : i32
      %dma_start3A_1560 = tpu.memref_slice %arg2[%add3A_306, %dma_start3A_1559] : memref<100000x64xf32, #tpu.memory_space<hbm>> -> memref<128x64xf32, #tpu.memory_space<hbm>>
      tpu.enqueue_dma source(%dma_start3A_1560 : memref<128x64xf32, #tpu.memory_space<hbm>>) target(%arg13 : memref<128x64xf32, #tpu.memory_space<vmem>>) target_semaphore(%arg24 : memref<!tpu.dma_semaphore, #tpu.memory_space<semaphore_mem>>)
    } else {
    }
    %eq3A_314 = arith.constant 99968 : i32
    %eq3A_315 = arith.cmpi eq, %add3A_306, %eq3A_314 : i32
    %convert_element_type3A_316 = arith.extui %eq3A_315 : i1 to i32
    %cond3A_317 = arith.constant 0 : i32
    %cond3A_318 = arith.cmpi ne, %convert_element_type3A_316, %cond3A_317 : i32
    scf.if %cond3A_318 {
      %dma_start3A_1557 = arith.constant 0 : i32
      %dma_start3A_1558 = arith.constant 0 : i32
      %dma_start3A_1559 = tpu.memref_slice %arg13[%dma_start3A_1557, %dma_start3A_1558] : memref<128x64xf32, #tpu.memory_space<vmem>> -> memref<32x64xf32, #tpu.memory_space<vmem>>
      %dma_start3A_1560 = arith.constant 0 : i32
      %dma_start3A_1561 = tpu.memref_slice %arg2[%add3A_306, %dma_start3A_1560] : memref<100000x64xf32, #tpu.memory_space<hbm>> -> memref<32x64xf32, #tpu.memory_space<hbm>>
      %dma_start3A_1562 = arith.constant 0 : i32
      %dma_start3A_1563 = arith.constant 0 : i32
      %dma_start3A_1564 = tpu.memref_slice %arg13[%dma_start3A_1562, %dma_start3A_1563] : memref<128x64xf32, #tpu.memory_space<vmem>> -> memref<32x64xf32, #tpu.memory_space<vmem>>
      %dma_start3A_1565 = arith.constant 0 : i32
      %dma_start3A_1566 = tpu.memref_slice %arg2[%add3A_306, %dma_start3A_1565] : memref<100000x64xf32, #tpu.memory_space<hbm>> -> memref<32x64xf32, #tpu.memory_space<hbm>>
      tpu.enqueue_dma source(%dma_start3A_1566 : memref<32x64xf32, #tpu.memory_space<hbm>>) target(%dma_start3A_1564 : memref<32x64xf32, #tpu.memory_space<vmem>>) target_semaphore(%arg24 : memref<!tpu.dma_semaphore, #tpu.memory_space<semaphore_mem>>)
    } else {
    }
    %mul3A_319 = arith.constant 3200 : i32
    %mul3A_320 = arith.muli %add3A, %mul3A_319 : i32
    %add3A_321 = arith.constant 640 : i32
    %add3A_322 = arith.addi %mul3A_320, %add3A_321 : i32
    %add3A_323 = arith.constant 128 : i32
    %add3A_324 = arith.addi %add3A_322, %add3A_323 : i32
    %le3A_325 = arith.constant 100000 : i32
    %le3A_326 = arith.cmpi sle, %add3A_324, %le3A_325 : i32
    %convert_element_type3A_327 = arith.extui %le3A_326 : i1 to i32
    %cond3A_328 = arith.constant 0 : i32
    %cond3A_329 = arith.cmpi ne, %convert_element_type3A_327, %cond3A_328 : i32
    scf.if %cond3A_329 {
      %dma_wait3A_1557 = arith.constant 0 : i32
      %dma_wait3A_1558 = tpu.memref_slice %arg2[%add3A_322, %dma_wait3A_1557] : memref<100000x64xf32, #tpu.memory_space<hbm>> -> memref<128x64xf32, #tpu.memory_space<hbm>>
      %dma_wait3A_1559 = arith.constant 0 : i32
      %dma_wait3A_1560 = tpu.memref_slice %arg2[%add3A_322, %dma_wait3A_1559] : memref<100000x64xf32, #tpu.memory_space<hbm>> -> memref<128x64xf32, #tpu.memory_space<hbm>>
      tpu.wait_dma2 semaphore(%arg22 : memref<!tpu.dma_semaphore, #tpu.memory_space<semaphore_mem>>) src(%dma_wait3A_1560 : memref<128x64xf32, #tpu.memory_space<hbm>>) dst(%arg11 : memref<128x64xf32, #tpu.memory_space<vmem>>)
    } else {
    }
    %eq3A_330 = arith.constant 99968 : i32
    %eq3A_331 = arith.cmpi eq, %add3A_322, %eq3A_330 : i32
    %convert_element_type3A_332 = arith.extui %eq3A_331 : i1 to i32
    %cond3A_333 = arith.constant 0 : i32
    %cond3A_334 = arith.cmpi ne, %convert_element_type3A_332, %cond3A_333 : i32
    scf.if %cond3A_334 {
      %dma_wait3A_1557 = arith.constant 0 : i32
      %dma_wait3A_1558 = arith.constant 0 : i32
      %dma_wait3A_1559 = tpu.memref_slice %arg11[%dma_wait3A_1557, %dma_wait3A_1558] : memref<128x64xf32, #tpu.memory_space<vmem>> -> memref<32x64xf32, #tpu.memory_space<vmem>>
      %dma_wait3A_1560 = arith.constant 0 : i32
      %dma_wait3A_1561 = tpu.memref_slice %arg2[%add3A_322, %dma_wait3A_1560] : memref<100000x64xf32, #tpu.memory_space<hbm>> -> memref<32x64xf32, #tpu.memory_space<hbm>>
      %dma_wait3A_1562 = arith.constant 0 : i32
      %dma_wait3A_1563 = arith.constant 0 : i32
      %dma_wait3A_1564 = tpu.memref_slice %arg11[%dma_wait3A_1562, %dma_wait3A_1563] : memref<128x64xf32, #tpu.memory_space<vmem>> -> memref<32x64xf32, #tpu.memory_space<vmem>>
      %dma_wait3A_1565 = arith.constant 0 : i32
      %dma_wait3A_1566 = tpu.memref_slice %arg2[%add3A_322, %dma_wait3A_1565] : memref<100000x64xf32, #tpu.memory_space<hbm>> -> memref<32x64xf32, #tpu.memory_space<hbm>>
      tpu.wait_dma2 semaphore(%arg22 : memref<!tpu.dma_semaphore, #tpu.memory_space<semaphore_mem>>) src(%dma_wait3A_1566 : memref<32x64xf32, #tpu.memory_space<hbm>>) dst(%dma_wait3A_1564 : memref<32x64xf32, #tpu.memory_space<vmem>>)
    } else {
    }
    %dma_start3A_335 = arith.constant 5 : i32
    %dma_start3A_336 = arith.constant 0 : i32
    %dma_start3A_337 = tpu.memref_slice %arg16[%dma_start3A_335, %dma_start3A_336] : memref<25x128xi32, #tpu.memory_space<vmem>> -> memref<1x128xi32, #tpu.memory_space<vmem>>
    %dma_start3A_338 = tpu.memref_squeeze %dma_start3A_337 : memref<1x128xi32, #tpu.memory_space<vmem>> -> memref<128xi32, #tpu.memory_space<vmem>>
    %dma_start3A_339 = arith.constant 0 : i32
    %dma_start3A_340 = arith.constant 0 : i32
    %dma_start3A_341 = tpu.memref_slice %arg9[%dma_start3A_339, %dma_start3A_340] : memref<1024x64xf32, #tpu.memory_space<vmem_shared>> -> memref<1024x64xf32, #tpu.memory_space<vmem_shared>>
    tpu.enqueue_indirect_dma source(%arg11 : memref<128x64xf32, #tpu.memory_space<vmem>>) target(%dma_start3A_341 : memref<1024x64xf32, #tpu.memory_space<vmem_shared>>) offsets(%dma_start3A_338 : memref<128xi32, #tpu.memory_space<vmem>>) semaphore(%arg27 : memref<!tpu.dma_semaphore, #tpu.memory_space<semaphore_mem>>) {add = true}
    %dma_start3A_342 = arith.constant 5 : i32
    %dma_start3A_343 = arith.constant 0 : i32
    %dma_start3A_344 = tpu.memref_slice %arg16[%dma_start3A_342, %dma_start3A_343] : memref<25x128xi32, #tpu.memory_space<vmem>> -> memref<1x128xi32, #tpu.memory_space<vmem>>
    %dma_start3A_345 = tpu.memref_squeeze %dma_start3A_344 : memref<1x128xi32, #tpu.memory_space<vmem>> -> memref<128xi32, #tpu.memory_space<vmem>>
    %dma_start3A_346 = arith.constant 0 : i32
    %dma_start3A_347 = arith.constant 0 : i32
    %dma_start3A_348 = tpu.memref_slice %arg10[%dma_start3A_346, %dma_start3A_347] : memref<1024x16xf32, #tpu.memory_space<vmem_shared>> -> memref<1024x16xf32, #tpu.memory_space<vmem_shared>>
    tpu.enqueue_indirect_dma source(%arg17 : memref<128x16xf32, #tpu.memory_space<vmem>>) target(%dma_start3A_348 : memref<1024x16xf32, #tpu.memory_space<vmem_shared>>) offsets(%dma_start3A_345 : memref<128xi32, #tpu.memory_space<vmem>>) semaphore(%arg32 : memref<!tpu.dma_semaphore, #tpu.memory_space<semaphore_mem>>) {add = true}
    %dma_wait3A_349 = arith.constant 3 : i32
    %dma_wait3A_350 = arith.constant 0 : i32
    %dma_wait3A_351 = tpu.memref_slice %arg16[%dma_wait3A_349, %dma_wait3A_350] : memref<25x128xi32, #tpu.memory_space<vmem>> -> memref<1x128xi32, #tpu.memory_space<vmem>>
    %dma_wait3A_352 = tpu.memref_squeeze %dma_wait3A_351 : memref<1x128xi32, #tpu.memory_space<vmem>> -> memref<128xi32, #tpu.memory_space<vmem>>
    %dma_wait3A_353 = arith.constant 0 : i32
    %dma_wait3A_354 = arith.constant 0 : i32
    %dma_wait3A_355 = tpu.memref_slice %arg9[%dma_wait3A_353, %dma_wait3A_354] : memref<1024x64xf32, #tpu.memory_space<vmem_shared>> -> memref<1024x64xf32, #tpu.memory_space<vmem_shared>>
    tpu.wait_indirect_dma semaphore(%arg30 : memref<!tpu.dma_semaphore, #tpu.memory_space<semaphore_mem>>) src(%arg14 : memref<128x64xf32, #tpu.memory_space<vmem>>) dst(%dma_wait3A_355 : memref<1024x64xf32, #tpu.memory_space<vmem_shared>>)
    %mul3A_356 = arith.constant 3200 : i32
    %mul3A_357 = arith.muli %add3A, %mul3A_356 : i32
    %add3A_358 = arith.constant 1024 : i32
    %add3A_359 = arith.addi %mul3A_357, %add3A_358 : i32
    %add3A_360 = arith.constant 128 : i32
    %add3A_361 = arith.addi %add3A_359, %add3A_360 : i32
    %le3A_362 = arith.constant 100000 : i32
    %le3A_363 = arith.cmpi sle, %add3A_361, %le3A_362 : i32
    %convert_element_type3A_364 = arith.extui %le3A_363 : i1 to i32
    %cond3A_365 = arith.constant 0 : i32
    %cond3A_366 = arith.cmpi ne, %convert_element_type3A_364, %cond3A_365 : i32
    scf.if %cond3A_366 {
      %dma_start3A_1557 = arith.constant 0 : i32
      %dma_start3A_1558 = tpu.memref_slice %arg2[%add3A_359, %dma_start3A_1557] : memref<100000x64xf32, #tpu.memory_space<hbm>> -> memref<128x64xf32, #tpu.memory_space<hbm>>
      %dma_start3A_1559 = arith.constant 0 : i32
      %dma_start3A_1560 = tpu.memref_slice %arg2[%add3A_359, %dma_start3A_1559] : memref<100000x64xf32, #tpu.memory_space<hbm>> -> memref<128x64xf32, #tpu.memory_space<hbm>>
      tpu.enqueue_dma source(%dma_start3A_1560 : memref<128x64xf32, #tpu.memory_space<hbm>>) target(%arg14 : memref<128x64xf32, #tpu.memory_space<vmem>>) target_semaphore(%arg25 : memref<!tpu.dma_semaphore, #tpu.memory_space<semaphore_mem>>)
    } else {
    }
    %eq3A_367 = arith.constant 99968 : i32
    %eq3A_368 = arith.cmpi eq, %add3A_359, %eq3A_367 : i32
    %convert_element_type3A_369 = arith.extui %eq3A_368 : i1 to i32
    %cond3A_370 = arith.constant 0 : i32
    %cond3A_371 = arith.cmpi ne, %convert_element_type3A_369, %cond3A_370 : i32
    scf.if %cond3A_371 {
      %dma_start3A_1557 = arith.constant 0 : i32
      %dma_start3A_1558 = arith.constant 0 : i32
      %dma_start3A_1559 = tpu.memref_slice %arg14[%dma_start3A_1557, %dma_start3A_1558] : memref<128x64xf32, #tpu.memory_space<vmem>> -> memref<32x64xf32, #tpu.memory_space<vmem>>
      %dma_start3A_1560 = arith.constant 0 : i32
      %dma_start3A_1561 = tpu.memref_slice %arg2[%add3A_359, %dma_start3A_1560] : memref<100000x64xf32, #tpu.memory_space<hbm>> -> memref<32x64xf32, #tpu.memory_space<hbm>>
      %dma_start3A_1562 = arith.constant 0 : i32
      %dma_start3A_1563 = arith.constant 0 : i32
      %dma_start3A_1564 = tpu.memref_slice %arg14[%dma_start3A_1562, %dma_start3A_1563] : memref<128x64xf32, #tpu.memory_space<vmem>> -> memref<32x64xf32, #tpu.memory_space<vmem>>
      %dma_start3A_1565 = arith.constant 0 : i32
      %dma_start3A_1566 = tpu.memref_slice %arg2[%add3A_359, %dma_start3A_1565] : memref<100000x64xf32, #tpu.memory_space<hbm>> -> memref<32x64xf32, #tpu.memory_space<hbm>>
      tpu.enqueue_dma source(%dma_start3A_1566 : memref<32x64xf32, #tpu.memory_space<hbm>>) target(%dma_start3A_1564 : memref<32x64xf32, #tpu.memory_space<vmem>>) target_semaphore(%arg25 : memref<!tpu.dma_semaphore, #tpu.memory_space<semaphore_mem>>)
    } else {
    }
    %mul3A_372 = arith.constant 3200 : i32
    %mul3A_373 = arith.muli %add3A, %mul3A_372 : i32
    %add3A_374 = arith.constant 768 : i32
    %add3A_375 = arith.addi %mul3A_373, %add3A_374 : i32
    %add3A_376 = arith.constant 128 : i32
    %add3A_377 = arith.addi %add3A_375, %add3A_376 : i32
    %le3A_378 = arith.constant 100000 : i32
    %le3A_379 = arith.cmpi sle, %add3A_377, %le3A_378 : i32
    %convert_element_type3A_380 = arith.extui %le3A_379 : i1 to i32
    %cond3A_381 = arith.constant 0 : i32
    %cond3A_382 = arith.cmpi ne, %convert_element_type3A_380, %cond3A_381 : i32
    scf.if %cond3A_382 {
      %dma_wait3A_1557 = arith.constant 0 : i32
      %dma_wait3A_1558 = tpu.memref_slice %arg2[%add3A_375, %dma_wait3A_1557] : memref<100000x64xf32, #tpu.memory_space<hbm>> -> memref<128x64xf32, #tpu.memory_space<hbm>>
      %dma_wait3A_1559 = arith.constant 0 : i32
      %dma_wait3A_1560 = tpu.memref_slice %arg2[%add3A_375, %dma_wait3A_1559] : memref<100000x64xf32, #tpu.memory_space<hbm>> -> memref<128x64xf32, #tpu.memory_space<hbm>>
      tpu.wait_dma2 semaphore(%arg23 : memref<!tpu.dma_semaphore, #tpu.memory_space<semaphore_mem>>) src(%dma_wait3A_1560 : memref<128x64xf32, #tpu.memory_space<hbm>>) dst(%arg12 : memref<128x64xf32, #tpu.memory_space<vmem>>)
    } else {
    }
    %eq3A_383 = arith.constant 99968 : i32
    %eq3A_384 = arith.cmpi eq, %add3A_375, %eq3A_383 : i32
    %convert_element_type3A_385 = arith.extui %eq3A_384 : i1 to i32
    %cond3A_386 = arith.constant 0 : i32
    %cond3A_387 = arith.cmpi ne, %convert_element_type3A_385, %cond3A_386 : i32
    scf.if %cond3A_387 {
      %dma_wait3A_1557 = arith.constant 0 : i32
      %dma_wait3A_1558 = arith.constant 0 : i32
      %dma_wait3A_1559 = tpu.memref_slice %arg12[%dma_wait3A_1557, %dma_wait3A_1558] : memref<128x64xf32, #tpu.memory_space<vmem>> -> memref<32x64xf32, #tpu.memory_space<vmem>>
      %dma_wait3A_1560 = arith.constant 0 : i32
      %dma_wait3A_1561 = tpu.memref_slice %arg2[%add3A_375, %dma_wait3A_1560] : memref<100000x64xf32, #tpu.memory_space<hbm>> -> memref<32x64xf32, #tpu.memory_space<hbm>>
      %dma_wait3A_1562 = arith.constant 0 : i32
      %dma_wait3A_1563 = arith.constant 0 : i32
      %dma_wait3A_1564 = tpu.memref_slice %arg12[%dma_wait3A_1562, %dma_wait3A_1563] : memref<128x64xf32, #tpu.memory_space<vmem>> -> memref<32x64xf32, #tpu.memory_space<vmem>>
      %dma_wait3A_1565 = arith.constant 0 : i32
      %dma_wait3A_1566 = tpu.memref_slice %arg2[%add3A_375, %dma_wait3A_1565] : memref<100000x64xf32, #tpu.memory_space<hbm>> -> memref<32x64xf32, #tpu.memory_space<hbm>>
      tpu.wait_dma2 semaphore(%arg23 : memref<!tpu.dma_semaphore, #tpu.memory_space<semaphore_mem>>) src(%dma_wait3A_1566 : memref<32x64xf32, #tpu.memory_space<hbm>>) dst(%dma_wait3A_1564 : memref<32x64xf32, #tpu.memory_space<vmem>>)
    } else {
    }
    %dma_start3A_388 = arith.constant 6 : i32
    %dma_start3A_389 = arith.constant 0 : i32
    %dma_start3A_390 = tpu.memref_slice %arg16[%dma_start3A_388, %dma_start3A_389] : memref<25x128xi32, #tpu.memory_space<vmem>> -> memref<1x128xi32, #tpu.memory_space<vmem>>
    %dma_start3A_391 = tpu.memref_squeeze %dma_start3A_390 : memref<1x128xi32, #tpu.memory_space<vmem>> -> memref<128xi32, #tpu.memory_space<vmem>>
    %dma_start3A_392 = arith.constant 0 : i32
    %dma_start3A_393 = arith.constant 0 : i32
    %dma_start3A_394 = tpu.memref_slice %arg9[%dma_start3A_392, %dma_start3A_393] : memref<1024x64xf32, #tpu.memory_space<vmem_shared>> -> memref<1024x64xf32, #tpu.memory_space<vmem_shared>>
    tpu.enqueue_indirect_dma source(%arg12 : memref<128x64xf32, #tpu.memory_space<vmem>>) target(%dma_start3A_394 : memref<1024x64xf32, #tpu.memory_space<vmem_shared>>) offsets(%dma_start3A_391 : memref<128xi32, #tpu.memory_space<vmem>>) semaphore(%arg28 : memref<!tpu.dma_semaphore, #tpu.memory_space<semaphore_mem>>) {add = true}
    %dma_start3A_395 = arith.constant 6 : i32
    %dma_start3A_396 = arith.constant 0 : i32
    %dma_start3A_397 = tpu.memref_slice %arg16[%dma_start3A_395, %dma_start3A_396] : memref<25x128xi32, #tpu.memory_space<vmem>> -> memref<1x128xi32, #tpu.memory_space<vmem>>
    %dma_start3A_398 = tpu.memref_squeeze %dma_start3A_397 : memref<1x128xi32, #tpu.memory_space<vmem>> -> memref<128xi32, #tpu.memory_space<vmem>>
    %dma_start3A_399 = arith.constant 0 : i32
    %dma_start3A_400 = arith.constant 0 : i32
    %dma_start3A_401 = tpu.memref_slice %arg10[%dma_start3A_399, %dma_start3A_400] : memref<1024x16xf32, #tpu.memory_space<vmem_shared>> -> memref<1024x16xf32, #tpu.memory_space<vmem_shared>>
    tpu.enqueue_indirect_dma source(%arg17 : memref<128x16xf32, #tpu.memory_space<vmem>>) target(%dma_start3A_401 : memref<1024x16xf32, #tpu.memory_space<vmem_shared>>) offsets(%dma_start3A_398 : memref<128xi32, #tpu.memory_space<vmem>>) semaphore(%arg32 : memref<!tpu.dma_semaphore, #tpu.memory_space<semaphore_mem>>) {add = true}
    %dma_wait3A_402 = arith.constant 4 : i32
    %dma_wait3A_403 = arith.constant 0 : i32
    %dma_wait3A_404 = tpu.memref_slice %arg16[%dma_wait3A_402, %dma_wait3A_403] : memref<25x128xi32, #tpu.memory_space<vmem>> -> memref<1x128xi32, #tpu.memory_space<vmem>>
    %dma_wait3A_405 = tpu.memref_squeeze %dma_wait3A_404 : memref<1x128xi32, #tpu.memory_space<vmem>> -> memref<128xi32, #tpu.memory_space<vmem>>
    %dma_wait3A_406 = arith.constant 0 : i32
    %dma_wait3A_407 = arith.constant 0 : i32
    %dma_wait3A_408 = tpu.memref_slice %arg9[%dma_wait3A_406, %dma_wait3A_407] : memref<1024x64xf32, #tpu.memory_space<vmem_shared>> -> memref<1024x64xf32, #tpu.memory_space<vmem_shared>>
    tpu.wait_indirect_dma semaphore(%arg31 : memref<!tpu.dma_semaphore, #tpu.memory_space<semaphore_mem>>) src(%arg15 : memref<128x64xf32, #tpu.memory_space<vmem>>) dst(%dma_wait3A_408 : memref<1024x64xf32, #tpu.memory_space<vmem_shared>>)
    %mul3A_409 = arith.constant 3200 : i32
    %mul3A_410 = arith.muli %add3A, %mul3A_409 : i32
    %add3A_411 = arith.constant 1152 : i32
    %add3A_412 = arith.addi %mul3A_410, %add3A_411 : i32
    %add3A_413 = arith.constant 128 : i32
    %add3A_414 = arith.addi %add3A_412, %add3A_413 : i32
    %le3A_415 = arith.constant 100000 : i32
    %le3A_416 = arith.cmpi sle, %add3A_414, %le3A_415 : i32
    %convert_element_type3A_417 = arith.extui %le3A_416 : i1 to i32
    %cond3A_418 = arith.constant 0 : i32
    %cond3A_419 = arith.cmpi ne, %convert_element_type3A_417, %cond3A_418 : i32
    scf.if %cond3A_419 {
      %dma_start3A_1557 = arith.constant 0 : i32
      %dma_start3A_1558 = tpu.memref_slice %arg2[%add3A_412, %dma_start3A_1557] : memref<100000x64xf32, #tpu.memory_space<hbm>> -> memref<128x64xf32, #tpu.memory_space<hbm>>
      %dma_start3A_1559 = arith.constant 0 : i32
      %dma_start3A_1560 = tpu.memref_slice %arg2[%add3A_412, %dma_start3A_1559] : memref<100000x64xf32, #tpu.memory_space<hbm>> -> memref<128x64xf32, #tpu.memory_space<hbm>>
      tpu.enqueue_dma source(%dma_start3A_1560 : memref<128x64xf32, #tpu.memory_space<hbm>>) target(%arg15 : memref<128x64xf32, #tpu.memory_space<vmem>>) target_semaphore(%arg26 : memref<!tpu.dma_semaphore, #tpu.memory_space<semaphore_mem>>)
    } else {
    }
    %eq3A_420 = arith.constant 99968 : i32
    %eq3A_421 = arith.cmpi eq, %add3A_412, %eq3A_420 : i32
    %convert_element_type3A_422 = arith.extui %eq3A_421 : i1 to i32
    %cond3A_423 = arith.constant 0 : i32
    %cond3A_424 = arith.cmpi ne, %convert_element_type3A_422, %cond3A_423 : i32
    scf.if %cond3A_424 {
      %dma_start3A_1557 = arith.constant 0 : i32
      %dma_start3A_1558 = arith.constant 0 : i32
      %dma_start3A_1559 = tpu.memref_slice %arg15[%dma_start3A_1557, %dma_start3A_1558] : memref<128x64xf32, #tpu.memory_space<vmem>> -> memref<32x64xf32, #tpu.memory_space<vmem>>
      %dma_start3A_1560 = arith.constant 0 : i32
      %dma_start3A_1561 = tpu.memref_slice %arg2[%add3A_412, %dma_start3A_1560] : memref<100000x64xf32, #tpu.memory_space<hbm>> -> memref<32x64xf32, #tpu.memory_space<hbm>>
      %dma_start3A_1562 = arith.constant 0 : i32
      %dma_start3A_1563 = arith.constant 0 : i32
      %dma_start3A_1564 = tpu.memref_slice %arg15[%dma_start3A_1562, %dma_start3A_1563] : memref<128x64xf32, #tpu.memory_space<vmem>> -> memref<32x64xf32, #tpu.memory_space<vmem>>
      %dma_start3A_1565 = arith.constant 0 : i32
      %dma_start3A_1566 = tpu.memref_slice %arg2[%add3A_412, %dma_start3A_1565] : memref<100000x64xf32, #tpu.memory_space<hbm>> -> memref<32x64xf32, #tpu.memory_space<hbm>>
      tpu.enqueue_dma source(%dma_start3A_1566 : memref<32x64xf32, #tpu.memory_space<hbm>>) target(%dma_start3A_1564 : memref<32x64xf32, #tpu.memory_space<vmem>>) target_semaphore(%arg26 : memref<!tpu.dma_semaphore, #tpu.memory_space<semaphore_mem>>)
    } else {
    }
    %mul3A_425 = arith.constant 3200 : i32
    %mul3A_426 = arith.muli %add3A, %mul3A_425 : i32
    %add3A_427 = arith.constant 896 : i32
    %add3A_428 = arith.addi %mul3A_426, %add3A_427 : i32
    %add3A_429 = arith.constant 128 : i32
    %add3A_430 = arith.addi %add3A_428, %add3A_429 : i32
    %le3A_431 = arith.constant 100000 : i32
    %le3A_432 = arith.cmpi sle, %add3A_430, %le3A_431 : i32
    %convert_element_type3A_433 = arith.extui %le3A_432 : i1 to i32
    %cond3A_434 = arith.constant 0 : i32
    %cond3A_435 = arith.cmpi ne, %convert_element_type3A_433, %cond3A_434 : i32
    scf.if %cond3A_435 {
      %dma_wait3A_1557 = arith.constant 0 : i32
      %dma_wait3A_1558 = tpu.memref_slice %arg2[%add3A_428, %dma_wait3A_1557] : memref<100000x64xf32, #tpu.memory_space<hbm>> -> memref<128x64xf32, #tpu.memory_space<hbm>>
      %dma_wait3A_1559 = arith.constant 0 : i32
      %dma_wait3A_1560 = tpu.memref_slice %arg2[%add3A_428, %dma_wait3A_1559] : memref<100000x64xf32, #tpu.memory_space<hbm>> -> memref<128x64xf32, #tpu.memory_space<hbm>>
      tpu.wait_dma2 semaphore(%arg24 : memref<!tpu.dma_semaphore, #tpu.memory_space<semaphore_mem>>) src(%dma_wait3A_1560 : memref<128x64xf32, #tpu.memory_space<hbm>>) dst(%arg13 : memref<128x64xf32, #tpu.memory_space<vmem>>)
    } else {
    }
    %eq3A_436 = arith.constant 99968 : i32
    %eq3A_437 = arith.cmpi eq, %add3A_428, %eq3A_436 : i32
    %convert_element_type3A_438 = arith.extui %eq3A_437 : i1 to i32
    %cond3A_439 = arith.constant 0 : i32
    %cond3A_440 = arith.cmpi ne, %convert_element_type3A_438, %cond3A_439 : i32
    scf.if %cond3A_440 {
      %dma_wait3A_1557 = arith.constant 0 : i32
      %dma_wait3A_1558 = arith.constant 0 : i32
      %dma_wait3A_1559 = tpu.memref_slice %arg13[%dma_wait3A_1557, %dma_wait3A_1558] : memref<128x64xf32, #tpu.memory_space<vmem>> -> memref<32x64xf32, #tpu.memory_space<vmem>>
      %dma_wait3A_1560 = arith.constant 0 : i32
      %dma_wait3A_1561 = tpu.memref_slice %arg2[%add3A_428, %dma_wait3A_1560] : memref<100000x64xf32, #tpu.memory_space<hbm>> -> memref<32x64xf32, #tpu.memory_space<hbm>>
      %dma_wait3A_1562 = arith.constant 0 : i32
      %dma_wait3A_1563 = arith.constant 0 : i32
      %dma_wait3A_1564 = tpu.memref_slice %arg13[%dma_wait3A_1562, %dma_wait3A_1563] : memref<128x64xf32, #tpu.memory_space<vmem>> -> memref<32x64xf32, #tpu.memory_space<vmem>>
      %dma_wait3A_1565 = arith.constant 0 : i32
      %dma_wait3A_1566 = tpu.memref_slice %arg2[%add3A_428, %dma_wait3A_1565] : memref<100000x64xf32, #tpu.memory_space<hbm>> -> memref<32x64xf32, #tpu.memory_space<hbm>>
      tpu.wait_dma2 semaphore(%arg24 : memref<!tpu.dma_semaphore, #tpu.memory_space<semaphore_mem>>) src(%dma_wait3A_1566 : memref<32x64xf32, #tpu.memory_space<hbm>>) dst(%dma_wait3A_1564 : memref<32x64xf32, #tpu.memory_space<vmem>>)
    } else {
    }
    %dma_start3A_441 = arith.constant 7 : i32
    %dma_start3A_442 = arith.constant 0 : i32
    %dma_start3A_443 = tpu.memref_slice %arg16[%dma_start3A_441, %dma_start3A_442] : memref<25x128xi32, #tpu.memory_space<vmem>> -> memref<1x128xi32, #tpu.memory_space<vmem>>
    %dma_start3A_444 = tpu.memref_squeeze %dma_start3A_443 : memref<1x128xi32, #tpu.memory_space<vmem>> -> memref<128xi32, #tpu.memory_space<vmem>>
    %dma_start3A_445 = arith.constant 0 : i32
    %dma_start3A_446 = arith.constant 0 : i32
    %dma_start3A_447 = tpu.memref_slice %arg9[%dma_start3A_445, %dma_start3A_446] : memref<1024x64xf32, #tpu.memory_space<vmem_shared>> -> memref<1024x64xf32, #tpu.memory_space<vmem_shared>>
    tpu.enqueue_indirect_dma source(%arg13 : memref<128x64xf32, #tpu.memory_space<vmem>>) target(%dma_start3A_447 : memref<1024x64xf32, #tpu.memory_space<vmem_shared>>) offsets(%dma_start3A_444 : memref<128xi32, #tpu.memory_space<vmem>>) semaphore(%arg29 : memref<!tpu.dma_semaphore, #tpu.memory_space<semaphore_mem>>) {add = true}
    %dma_start3A_448 = arith.constant 7 : i32
    %dma_start3A_449 = arith.constant 0 : i32
    %dma_start3A_450 = tpu.memref_slice %arg16[%dma_start3A_448, %dma_start3A_449] : memref<25x128xi32, #tpu.memory_space<vmem>> -> memref<1x128xi32, #tpu.memory_space<vmem>>
    %dma_start3A_451 = tpu.memref_squeeze %dma_start3A_450 : memref<1x128xi32, #tpu.memory_space<vmem>> -> memref<128xi32, #tpu.memory_space<vmem>>
    %dma_start3A_452 = arith.constant 0 : i32
    %dma_start3A_453 = arith.constant 0 : i32
    %dma_start3A_454 = tpu.memref_slice %arg10[%dma_start3A_452, %dma_start3A_453] : memref<1024x16xf32, #tpu.memory_space<vmem_shared>> -> memref<1024x16xf32, #tpu.memory_space<vmem_shared>>
    tpu.enqueue_indirect_dma source(%arg17 : memref<128x16xf32, #tpu.memory_space<vmem>>) target(%dma_start3A_454 : memref<1024x16xf32, #tpu.memory_space<vmem_shared>>) offsets(%dma_start3A_451 : memref<128xi32, #tpu.memory_space<vmem>>) semaphore(%arg32 : memref<!tpu.dma_semaphore, #tpu.memory_space<semaphore_mem>>) {add = true}
    %dma_wait3A_455 = arith.constant 5 : i32
    %dma_wait3A_456 = arith.constant 0 : i32
    %dma_wait3A_457 = tpu.memref_slice %arg16[%dma_wait3A_455, %dma_wait3A_456] : memref<25x128xi32, #tpu.memory_space<vmem>> -> memref<1x128xi32, #tpu.memory_space<vmem>>
    %dma_wait3A_458 = tpu.memref_squeeze %dma_wait3A_457 : memref<1x128xi32, #tpu.memory_space<vmem>> -> memref<128xi32, #tpu.memory_space<vmem>>
    %dma_wait3A_459 = arith.constant 0 : i32
    %dma_wait3A_460 = arith.constant 0 : i32
    %dma_wait3A_461 = tpu.memref_slice %arg9[%dma_wait3A_459, %dma_wait3A_460] : memref<1024x64xf32, #tpu.memory_space<vmem_shared>> -> memref<1024x64xf32, #tpu.memory_space<vmem_shared>>
    tpu.wait_indirect_dma semaphore(%arg27 : memref<!tpu.dma_semaphore, #tpu.memory_space<semaphore_mem>>) src(%arg11 : memref<128x64xf32, #tpu.memory_space<vmem>>) dst(%dma_wait3A_461 : memref<1024x64xf32, #tpu.memory_space<vmem_shared>>)
    %mul3A_462 = arith.constant 3200 : i32
    %mul3A_463 = arith.muli %add3A, %mul3A_462 : i32
    %add3A_464 = arith.constant 1280 : i32
    %add3A_465 = arith.addi %mul3A_463, %add3A_464 : i32
    %add3A_466 = arith.constant 128 : i32
    %add3A_467 = arith.addi %add3A_465, %add3A_466 : i32
    %le3A_468 = arith.constant 100000 : i32
    %le3A_469 = arith.cmpi sle, %add3A_467, %le3A_468 : i32
    %convert_element_type3A_470 = arith.extui %le3A_469 : i1 to i32
    %cond3A_471 = arith.constant 0 : i32
    %cond3A_472 = arith.cmpi ne, %convert_element_type3A_470, %cond3A_471 : i32
    scf.if %cond3A_472 {
      %dma_start3A_1557 = arith.constant 0 : i32
      %dma_start3A_1558 = tpu.memref_slice %arg2[%add3A_465, %dma_start3A_1557] : memref<100000x64xf32, #tpu.memory_space<hbm>> -> memref<128x64xf32, #tpu.memory_space<hbm>>
      %dma_start3A_1559 = arith.constant 0 : i32
      %dma_start3A_1560 = tpu.memref_slice %arg2[%add3A_465, %dma_start3A_1559] : memref<100000x64xf32, #tpu.memory_space<hbm>> -> memref<128x64xf32, #tpu.memory_space<hbm>>
      tpu.enqueue_dma source(%dma_start3A_1560 : memref<128x64xf32, #tpu.memory_space<hbm>>) target(%arg11 : memref<128x64xf32, #tpu.memory_space<vmem>>) target_semaphore(%arg22 : memref<!tpu.dma_semaphore, #tpu.memory_space<semaphore_mem>>)
    } else {
    }
    %eq3A_473 = arith.constant 99968 : i32
    %eq3A_474 = arith.cmpi eq, %add3A_465, %eq3A_473 : i32
    %convert_element_type3A_475 = arith.extui %eq3A_474 : i1 to i32
    %cond3A_476 = arith.constant 0 : i32
    %cond3A_477 = arith.cmpi ne, %convert_element_type3A_475, %cond3A_476 : i32
    scf.if %cond3A_477 {
      %dma_start3A_1557 = arith.constant 0 : i32
      %dma_start3A_1558 = arith.constant 0 : i32
      %dma_start3A_1559 = tpu.memref_slice %arg11[%dma_start3A_1557, %dma_start3A_1558] : memref<128x64xf32, #tpu.memory_space<vmem>> -> memref<32x64xf32, #tpu.memory_space<vmem>>
      %dma_start3A_1560 = arith.constant 0 : i32
      %dma_start3A_1561 = tpu.memref_slice %arg2[%add3A_465, %dma_start3A_1560] : memref<100000x64xf32, #tpu.memory_space<hbm>> -> memref<32x64xf32, #tpu.memory_space<hbm>>
      %dma_start3A_1562 = arith.constant 0 : i32
      %dma_start3A_1563 = arith.constant 0 : i32
      %dma_start3A_1564 = tpu.memref_slice %arg11[%dma_start3A_1562, %dma_start3A_1563] : memref<128x64xf32, #tpu.memory_space<vmem>> -> memref<32x64xf32, #tpu.memory_space<vmem>>
      %dma_start3A_1565 = arith.constant 0 : i32
      %dma_start3A_1566 = tpu.memref_slice %arg2[%add3A_465, %dma_start3A_1565] : memref<100000x64xf32, #tpu.memory_space<hbm>> -> memref<32x64xf32, #tpu.memory_space<hbm>>
      tpu.enqueue_dma source(%dma_start3A_1566 : memref<32x64xf32, #tpu.memory_space<hbm>>) target(%dma_start3A_1564 : memref<32x64xf32, #tpu.memory_space<vmem>>) target_semaphore(%arg22 : memref<!tpu.dma_semaphore, #tpu.memory_space<semaphore_mem>>)
    } else {
    }
    %mul3A_478 = arith.constant 3200 : i32
    %mul3A_479 = arith.muli %add3A, %mul3A_478 : i32
    %add3A_480 = arith.constant 1024 : i32
    %add3A_481 = arith.addi %mul3A_479, %add3A_480 : i32
    %add3A_482 = arith.constant 128 : i32
    %add3A_483 = arith.addi %add3A_481, %add3A_482 : i32
    %le3A_484 = arith.constant 100000 : i32
    %le3A_485 = arith.cmpi sle, %add3A_483, %le3A_484 : i32
    %convert_element_type3A_486 = arith.extui %le3A_485 : i1 to i32
    %cond3A_487 = arith.constant 0 : i32
    %cond3A_488 = arith.cmpi ne, %convert_element_type3A_486, %cond3A_487 : i32
    scf.if %cond3A_488 {
      %dma_wait3A_1557 = arith.constant 0 : i32
      %dma_wait3A_1558 = tpu.memref_slice %arg2[%add3A_481, %dma_wait3A_1557] : memref<100000x64xf32, #tpu.memory_space<hbm>> -> memref<128x64xf32, #tpu.memory_space<hbm>>
      %dma_wait3A_1559 = arith.constant 0 : i32
      %dma_wait3A_1560 = tpu.memref_slice %arg2[%add3A_481, %dma_wait3A_1559] : memref<100000x64xf32, #tpu.memory_space<hbm>> -> memref<128x64xf32, #tpu.memory_space<hbm>>
      tpu.wait_dma2 semaphore(%arg25 : memref<!tpu.dma_semaphore, #tpu.memory_space<semaphore_mem>>) src(%dma_wait3A_1560 : memref<128x64xf32, #tpu.memory_space<hbm>>) dst(%arg14 : memref<128x64xf32, #tpu.memory_space<vmem>>)
    } else {
    }
    %eq3A_489 = arith.constant 99968 : i32
    %eq3A_490 = arith.cmpi eq, %add3A_481, %eq3A_489 : i32
    %convert_element_type3A_491 = arith.extui %eq3A_490 : i1 to i32
    %cond3A_492 = arith.constant 0 : i32
    %cond3A_493 = arith.cmpi ne, %convert_element_type3A_491, %cond3A_492 : i32
    scf.if %cond3A_493 {
      %dma_wait3A_1557 = arith.constant 0 : i32
      %dma_wait3A_1558 = arith.constant 0 : i32
      %dma_wait3A_1559 = tpu.memref_slice %arg14[%dma_wait3A_1557, %dma_wait3A_1558] : memref<128x64xf32, #tpu.memory_space<vmem>> -> memref<32x64xf32, #tpu.memory_space<vmem>>
      %dma_wait3A_1560 = arith.constant 0 : i32
      %dma_wait3A_1561 = tpu.memref_slice %arg2[%add3A_481, %dma_wait3A_1560] : memref<100000x64xf32, #tpu.memory_space<hbm>> -> memref<32x64xf32, #tpu.memory_space<hbm>>
      %dma_wait3A_1562 = arith.constant 0 : i32
      %dma_wait3A_1563 = arith.constant 0 : i32
      %dma_wait3A_1564 = tpu.memref_slice %arg14[%dma_wait3A_1562, %dma_wait3A_1563] : memref<128x64xf32, #tpu.memory_space<vmem>> -> memref<32x64xf32, #tpu.memory_space<vmem>>
      %dma_wait3A_1565 = arith.constant 0 : i32
      %dma_wait3A_1566 = tpu.memref_slice %arg2[%add3A_481, %dma_wait3A_1565] : memref<100000x64xf32, #tpu.memory_space<hbm>> -> memref<32x64xf32, #tpu.memory_space<hbm>>
      tpu.wait_dma2 semaphore(%arg25 : memref<!tpu.dma_semaphore, #tpu.memory_space<semaphore_mem>>) src(%dma_wait3A_1566 : memref<32x64xf32, #tpu.memory_space<hbm>>) dst(%dma_wait3A_1564 : memref<32x64xf32, #tpu.memory_space<vmem>>)
    } else {
    }
    %dma_start3A_494 = arith.constant 8 : i32
    %dma_start3A_495 = arith.constant 0 : i32
    %dma_start3A_496 = tpu.memref_slice %arg16[%dma_start3A_494, %dma_start3A_495] : memref<25x128xi32, #tpu.memory_space<vmem>> -> memref<1x128xi32, #tpu.memory_space<vmem>>
    %dma_start3A_497 = tpu.memref_squeeze %dma_start3A_496 : memref<1x128xi32, #tpu.memory_space<vmem>> -> memref<128xi32, #tpu.memory_space<vmem>>
    %dma_start3A_498 = arith.constant 0 : i32
    %dma_start3A_499 = arith.constant 0 : i32
    %dma_start3A_500 = tpu.memref_slice %arg9[%dma_start3A_498, %dma_start3A_499] : memref<1024x64xf32, #tpu.memory_space<vmem_shared>> -> memref<1024x64xf32, #tpu.memory_space<vmem_shared>>
    tpu.enqueue_indirect_dma source(%arg14 : memref<128x64xf32, #tpu.memory_space<vmem>>) target(%dma_start3A_500 : memref<1024x64xf32, #tpu.memory_space<vmem_shared>>) offsets(%dma_start3A_497 : memref<128xi32, #tpu.memory_space<vmem>>) semaphore(%arg30 : memref<!tpu.dma_semaphore, #tpu.memory_space<semaphore_mem>>) {add = true}
    %dma_start3A_501 = arith.constant 8 : i32
    %dma_start3A_502 = arith.constant 0 : i32
    %dma_start3A_503 = tpu.memref_slice %arg16[%dma_start3A_501, %dma_start3A_502] : memref<25x128xi32, #tpu.memory_space<vmem>> -> memref<1x128xi32, #tpu.memory_space<vmem>>
    %dma_start3A_504 = tpu.memref_squeeze %dma_start3A_503 : memref<1x128xi32, #tpu.memory_space<vmem>> -> memref<128xi32, #tpu.memory_space<vmem>>
    %dma_start3A_505 = arith.constant 0 : i32
    %dma_start3A_506 = arith.constant 0 : i32
    %dma_start3A_507 = tpu.memref_slice %arg10[%dma_start3A_505, %dma_start3A_506] : memref<1024x16xf32, #tpu.memory_space<vmem_shared>> -> memref<1024x16xf32, #tpu.memory_space<vmem_shared>>
    tpu.enqueue_indirect_dma source(%arg17 : memref<128x16xf32, #tpu.memory_space<vmem>>) target(%dma_start3A_507 : memref<1024x16xf32, #tpu.memory_space<vmem_shared>>) offsets(%dma_start3A_504 : memref<128xi32, #tpu.memory_space<vmem>>) semaphore(%arg32 : memref<!tpu.dma_semaphore, #tpu.memory_space<semaphore_mem>>) {add = true}
    %dma_wait3A_508 = arith.constant 6 : i32
    %dma_wait3A_509 = arith.constant 0 : i32
    %dma_wait3A_510 = tpu.memref_slice %arg16[%dma_wait3A_508, %dma_wait3A_509] : memref<25x128xi32, #tpu.memory_space<vmem>> -> memref<1x128xi32, #tpu.memory_space<vmem>>
    %dma_wait3A_511 = tpu.memref_squeeze %dma_wait3A_510 : memref<1x128xi32, #tpu.memory_space<vmem>> -> memref<128xi32, #tpu.memory_space<vmem>>
    %dma_wait3A_512 = arith.constant 0 : i32
    %dma_wait3A_513 = arith.constant 0 : i32
    %dma_wait3A_514 = tpu.memref_slice %arg9[%dma_wait3A_512, %dma_wait3A_513] : memref<1024x64xf32, #tpu.memory_space<vmem_shared>> -> memref<1024x64xf32, #tpu.memory_space<vmem_shared>>
    tpu.wait_indirect_dma semaphore(%arg28 : memref<!tpu.dma_semaphore, #tpu.memory_space<semaphore_mem>>) src(%arg12 : memref<128x64xf32, #tpu.memory_space<vmem>>) dst(%dma_wait3A_514 : memref<1024x64xf32, #tpu.memory_space<vmem_shared>>)
    %mul3A_515 = arith.constant 3200 : i32
    %mul3A_516 = arith.muli %add3A, %mul3A_515 : i32
    %add3A_517 = arith.constant 1408 : i32
    %add3A_518 = arith.addi %mul3A_516, %add3A_517 : i32
    %add3A_519 = arith.constant 128 : i32
    %add3A_520 = arith.addi %add3A_518, %add3A_519 : i32
    %le3A_521 = arith.constant 100000 : i32
    %le3A_522 = arith.cmpi sle, %add3A_520, %le3A_521 : i32
    %convert_element_type3A_523 = arith.extui %le3A_522 : i1 to i32
    %cond3A_524 = arith.constant 0 : i32
    %cond3A_525 = arith.cmpi ne, %convert_element_type3A_523, %cond3A_524 : i32
    scf.if %cond3A_525 {
      %dma_start3A_1557 = arith.constant 0 : i32
      %dma_start3A_1558 = tpu.memref_slice %arg2[%add3A_518, %dma_start3A_1557] : memref<100000x64xf32, #tpu.memory_space<hbm>> -> memref<128x64xf32, #tpu.memory_space<hbm>>
      %dma_start3A_1559 = arith.constant 0 : i32
      %dma_start3A_1560 = tpu.memref_slice %arg2[%add3A_518, %dma_start3A_1559] : memref<100000x64xf32, #tpu.memory_space<hbm>> -> memref<128x64xf32, #tpu.memory_space<hbm>>
      tpu.enqueue_dma source(%dma_start3A_1560 : memref<128x64xf32, #tpu.memory_space<hbm>>) target(%arg12 : memref<128x64xf32, #tpu.memory_space<vmem>>) target_semaphore(%arg23 : memref<!tpu.dma_semaphore, #tpu.memory_space<semaphore_mem>>)
    } else {
    }
    %eq3A_526 = arith.constant 99968 : i32
    %eq3A_527 = arith.cmpi eq, %add3A_518, %eq3A_526 : i32
    %convert_element_type3A_528 = arith.extui %eq3A_527 : i1 to i32
    %cond3A_529 = arith.constant 0 : i32
    %cond3A_530 = arith.cmpi ne, %convert_element_type3A_528, %cond3A_529 : i32
    scf.if %cond3A_530 {
      %dma_start3A_1557 = arith.constant 0 : i32
      %dma_start3A_1558 = arith.constant 0 : i32
      %dma_start3A_1559 = tpu.memref_slice %arg12[%dma_start3A_1557, %dma_start3A_1558] : memref<128x64xf32, #tpu.memory_space<vmem>> -> memref<32x64xf32, #tpu.memory_space<vmem>>
      %dma_start3A_1560 = arith.constant 0 : i32
      %dma_start3A_1561 = tpu.memref_slice %arg2[%add3A_518, %dma_start3A_1560] : memref<100000x64xf32, #tpu.memory_space<hbm>> -> memref<32x64xf32, #tpu.memory_space<hbm>>
      %dma_start3A_1562 = arith.constant 0 : i32
      %dma_start3A_1563 = arith.constant 0 : i32
      %dma_start3A_1564 = tpu.memref_slice %arg12[%dma_start3A_1562, %dma_start3A_1563] : memref<128x64xf32, #tpu.memory_space<vmem>> -> memref<32x64xf32, #tpu.memory_space<vmem>>
      %dma_start3A_1565 = arith.constant 0 : i32
      %dma_start3A_1566 = tpu.memref_slice %arg2[%add3A_518, %dma_start3A_1565] : memref<100000x64xf32, #tpu.memory_space<hbm>> -> memref<32x64xf32, #tpu.memory_space<hbm>>
      tpu.enqueue_dma source(%dma_start3A_1566 : memref<32x64xf32, #tpu.memory_space<hbm>>) target(%dma_start3A_1564 : memref<32x64xf32, #tpu.memory_space<vmem>>) target_semaphore(%arg23 : memref<!tpu.dma_semaphore, #tpu.memory_space<semaphore_mem>>)
    } else {
    }
    %mul3A_531 = arith.constant 3200 : i32
    %mul3A_532 = arith.muli %add3A, %mul3A_531 : i32
    %add3A_533 = arith.constant 1152 : i32
    %add3A_534 = arith.addi %mul3A_532, %add3A_533 : i32
    %add3A_535 = arith.constant 128 : i32
    %add3A_536 = arith.addi %add3A_534, %add3A_535 : i32
    %le3A_537 = arith.constant 100000 : i32
    %le3A_538 = arith.cmpi sle, %add3A_536, %le3A_537 : i32
    %convert_element_type3A_539 = arith.extui %le3A_538 : i1 to i32
    %cond3A_540 = arith.constant 0 : i32
    %cond3A_541 = arith.cmpi ne, %convert_element_type3A_539, %cond3A_540 : i32
    scf.if %cond3A_541 {
      %dma_wait3A_1557 = arith.constant 0 : i32
      %dma_wait3A_1558 = tpu.memref_slice %arg2[%add3A_534, %dma_wait3A_1557] : memref<100000x64xf32, #tpu.memory_space<hbm>> -> memref<128x64xf32, #tpu.memory_space<hbm>>
      %dma_wait3A_1559 = arith.constant 0 : i32
      %dma_wait3A_1560 = tpu.memref_slice %arg2[%add3A_534, %dma_wait3A_1559] : memref<100000x64xf32, #tpu.memory_space<hbm>> -> memref<128x64xf32, #tpu.memory_space<hbm>>
      tpu.wait_dma2 semaphore(%arg26 : memref<!tpu.dma_semaphore, #tpu.memory_space<semaphore_mem>>) src(%dma_wait3A_1560 : memref<128x64xf32, #tpu.memory_space<hbm>>) dst(%arg15 : memref<128x64xf32, #tpu.memory_space<vmem>>)
    } else {
    }
    %eq3A_542 = arith.constant 99968 : i32
    %eq3A_543 = arith.cmpi eq, %add3A_534, %eq3A_542 : i32
    %convert_element_type3A_544 = arith.extui %eq3A_543 : i1 to i32
    %cond3A_545 = arith.constant 0 : i32
    %cond3A_546 = arith.cmpi ne, %convert_element_type3A_544, %cond3A_545 : i32
    scf.if %cond3A_546 {
      %dma_wait3A_1557 = arith.constant 0 : i32
      %dma_wait3A_1558 = arith.constant 0 : i32
      %dma_wait3A_1559 = tpu.memref_slice %arg15[%dma_wait3A_1557, %dma_wait3A_1558] : memref<128x64xf32, #tpu.memory_space<vmem>> -> memref<32x64xf32, #tpu.memory_space<vmem>>
      %dma_wait3A_1560 = arith.constant 0 : i32
      %dma_wait3A_1561 = tpu.memref_slice %arg2[%add3A_534, %dma_wait3A_1560] : memref<100000x64xf32, #tpu.memory_space<hbm>> -> memref<32x64xf32, #tpu.memory_space<hbm>>
      %dma_wait3A_1562 = arith.constant 0 : i32
      %dma_wait3A_1563 = arith.constant 0 : i32
      %dma_wait3A_1564 = tpu.memref_slice %arg15[%dma_wait3A_1562, %dma_wait3A_1563] : memref<128x64xf32, #tpu.memory_space<vmem>> -> memref<32x64xf32, #tpu.memory_space<vmem>>
      %dma_wait3A_1565 = arith.constant 0 : i32
      %dma_wait3A_1566 = tpu.memref_slice %arg2[%add3A_534, %dma_wait3A_1565] : memref<100000x64xf32, #tpu.memory_space<hbm>> -> memref<32x64xf32, #tpu.memory_space<hbm>>
      tpu.wait_dma2 semaphore(%arg26 : memref<!tpu.dma_semaphore, #tpu.memory_space<semaphore_mem>>) src(%dma_wait3A_1566 : memref<32x64xf32, #tpu.memory_space<hbm>>) dst(%dma_wait3A_1564 : memref<32x64xf32, #tpu.memory_space<vmem>>)
    } else {
    }
    %dma_start3A_547 = arith.constant 9 : i32
    %dma_start3A_548 = arith.constant 0 : i32
    %dma_start3A_549 = tpu.memref_slice %arg16[%dma_start3A_547, %dma_start3A_548] : memref<25x128xi32, #tpu.memory_space<vmem>> -> memref<1x128xi32, #tpu.memory_space<vmem>>
    %dma_start3A_550 = tpu.memref_squeeze %dma_start3A_549 : memref<1x128xi32, #tpu.memory_space<vmem>> -> memref<128xi32, #tpu.memory_space<vmem>>
    %dma_start3A_551 = arith.constant 0 : i32
    %dma_start3A_552 = arith.constant 0 : i32
    %dma_start3A_553 = tpu.memref_slice %arg9[%dma_start3A_551, %dma_start3A_552] : memref<1024x64xf32, #tpu.memory_space<vmem_shared>> -> memref<1024x64xf32, #tpu.memory_space<vmem_shared>>
    tpu.enqueue_indirect_dma source(%arg15 : memref<128x64xf32, #tpu.memory_space<vmem>>) target(%dma_start3A_553 : memref<1024x64xf32, #tpu.memory_space<vmem_shared>>) offsets(%dma_start3A_550 : memref<128xi32, #tpu.memory_space<vmem>>) semaphore(%arg31 : memref<!tpu.dma_semaphore, #tpu.memory_space<semaphore_mem>>) {add = true}
    %dma_start3A_554 = arith.constant 9 : i32
    %dma_start3A_555 = arith.constant 0 : i32
    %dma_start3A_556 = tpu.memref_slice %arg16[%dma_start3A_554, %dma_start3A_555] : memref<25x128xi32, #tpu.memory_space<vmem>> -> memref<1x128xi32, #tpu.memory_space<vmem>>
    %dma_start3A_557 = tpu.memref_squeeze %dma_start3A_556 : memref<1x128xi32, #tpu.memory_space<vmem>> -> memref<128xi32, #tpu.memory_space<vmem>>
    %dma_start3A_558 = arith.constant 0 : i32
    %dma_start3A_559 = arith.constant 0 : i32
    %dma_start3A_560 = tpu.memref_slice %arg10[%dma_start3A_558, %dma_start3A_559] : memref<1024x16xf32, #tpu.memory_space<vmem_shared>> -> memref<1024x16xf32, #tpu.memory_space<vmem_shared>>
    tpu.enqueue_indirect_dma source(%arg17 : memref<128x16xf32, #tpu.memory_space<vmem>>) target(%dma_start3A_560 : memref<1024x16xf32, #tpu.memory_space<vmem_shared>>) offsets(%dma_start3A_557 : memref<128xi32, #tpu.memory_space<vmem>>) semaphore(%arg32 : memref<!tpu.dma_semaphore, #tpu.memory_space<semaphore_mem>>) {add = true}
    %dma_wait3A_561 = arith.constant 7 : i32
    %dma_wait3A_562 = arith.constant 0 : i32
    %dma_wait3A_563 = tpu.memref_slice %arg16[%dma_wait3A_561, %dma_wait3A_562] : memref<25x128xi32, #tpu.memory_space<vmem>> -> memref<1x128xi32, #tpu.memory_space<vmem>>
    %dma_wait3A_564 = tpu.memref_squeeze %dma_wait3A_563 : memref<1x128xi32, #tpu.memory_space<vmem>> -> memref<128xi32, #tpu.memory_space<vmem>>
    %dma_wait3A_565 = arith.constant 0 : i32
    %dma_wait3A_566 = arith.constant 0 : i32
    %dma_wait3A_567 = tpu.memref_slice %arg9[%dma_wait3A_565, %dma_wait3A_566] : memref<1024x64xf32, #tpu.memory_space<vmem_shared>> -> memref<1024x64xf32, #tpu.memory_space<vmem_shared>>
    tpu.wait_indirect_dma semaphore(%arg29 : memref<!tpu.dma_semaphore, #tpu.memory_space<semaphore_mem>>) src(%arg13 : memref<128x64xf32, #tpu.memory_space<vmem>>) dst(%dma_wait3A_567 : memref<1024x64xf32, #tpu.memory_space<vmem_shared>>)
    %mul3A_568 = arith.constant 3200 : i32
    %mul3A_569 = arith.muli %add3A, %mul3A_568 : i32
    %add3A_570 = arith.constant 1536 : i32
    %add3A_571 = arith.addi %mul3A_569, %add3A_570 : i32
    %add3A_572 = arith.constant 128 : i32
    %add3A_573 = arith.addi %add3A_571, %add3A_572 : i32
    %le3A_574 = arith.constant 100000 : i32
    %le3A_575 = arith.cmpi sle, %add3A_573, %le3A_574 : i32
    %convert_element_type3A_576 = arith.extui %le3A_575 : i1 to i32
    %cond3A_577 = arith.constant 0 : i32
    %cond3A_578 = arith.cmpi ne, %convert_element_type3A_576, %cond3A_577 : i32
    scf.if %cond3A_578 {
      %dma_start3A_1557 = arith.constant 0 : i32
      %dma_start3A_1558 = tpu.memref_slice %arg2[%add3A_571, %dma_start3A_1557] : memref<100000x64xf32, #tpu.memory_space<hbm>> -> memref<128x64xf32, #tpu.memory_space<hbm>>
      %dma_start3A_1559 = arith.constant 0 : i32
      %dma_start3A_1560 = tpu.memref_slice %arg2[%add3A_571, %dma_start3A_1559] : memref<100000x64xf32, #tpu.memory_space<hbm>> -> memref<128x64xf32, #tpu.memory_space<hbm>>
      tpu.enqueue_dma source(%dma_start3A_1560 : memref<128x64xf32, #tpu.memory_space<hbm>>) target(%arg13 : memref<128x64xf32, #tpu.memory_space<vmem>>) target_semaphore(%arg24 : memref<!tpu.dma_semaphore, #tpu.memory_space<semaphore_mem>>)
    } else {
    }
    %eq3A_579 = arith.constant 99968 : i32
    %eq3A_580 = arith.cmpi eq, %add3A_571, %eq3A_579 : i32
    %convert_element_type3A_581 = arith.extui %eq3A_580 : i1 to i32
    %cond3A_582 = arith.constant 0 : i32
    %cond3A_583 = arith.cmpi ne, %convert_element_type3A_581, %cond3A_582 : i32
    scf.if %cond3A_583 {
      %dma_start3A_1557 = arith.constant 0 : i32
      %dma_start3A_1558 = arith.constant 0 : i32
      %dma_start3A_1559 = tpu.memref_slice %arg13[%dma_start3A_1557, %dma_start3A_1558] : memref<128x64xf32, #tpu.memory_space<vmem>> -> memref<32x64xf32, #tpu.memory_space<vmem>>
      %dma_start3A_1560 = arith.constant 0 : i32
      %dma_start3A_1561 = tpu.memref_slice %arg2[%add3A_571, %dma_start3A_1560] : memref<100000x64xf32, #tpu.memory_space<hbm>> -> memref<32x64xf32, #tpu.memory_space<hbm>>
      %dma_start3A_1562 = arith.constant 0 : i32
      %dma_start3A_1563 = arith.constant 0 : i32
      %dma_start3A_1564 = tpu.memref_slice %arg13[%dma_start3A_1562, %dma_start3A_1563] : memref<128x64xf32, #tpu.memory_space<vmem>> -> memref<32x64xf32, #tpu.memory_space<vmem>>
      %dma_start3A_1565 = arith.constant 0 : i32
      %dma_start3A_1566 = tpu.memref_slice %arg2[%add3A_571, %dma_start3A_1565] : memref<100000x64xf32, #tpu.memory_space<hbm>> -> memref<32x64xf32, #tpu.memory_space<hbm>>
      tpu.enqueue_dma source(%dma_start3A_1566 : memref<32x64xf32, #tpu.memory_space<hbm>>) target(%dma_start3A_1564 : memref<32x64xf32, #tpu.memory_space<vmem>>) target_semaphore(%arg24 : memref<!tpu.dma_semaphore, #tpu.memory_space<semaphore_mem>>)
    } else {
    }
    %mul3A_584 = arith.constant 3200 : i32
    %mul3A_585 = arith.muli %add3A, %mul3A_584 : i32
    %add3A_586 = arith.constant 1280 : i32
    %add3A_587 = arith.addi %mul3A_585, %add3A_586 : i32
    %add3A_588 = arith.constant 128 : i32
    %add3A_589 = arith.addi %add3A_587, %add3A_588 : i32
    %le3A_590 = arith.constant 100000 : i32
    %le3A_591 = arith.cmpi sle, %add3A_589, %le3A_590 : i32
    %convert_element_type3A_592 = arith.extui %le3A_591 : i1 to i32
    %cond3A_593 = arith.constant 0 : i32
    %cond3A_594 = arith.cmpi ne, %convert_element_type3A_592, %cond3A_593 : i32
    scf.if %cond3A_594 {
      %dma_wait3A_1557 = arith.constant 0 : i32
      %dma_wait3A_1558 = tpu.memref_slice %arg2[%add3A_587, %dma_wait3A_1557] : memref<100000x64xf32, #tpu.memory_space<hbm>> -> memref<128x64xf32, #tpu.memory_space<hbm>>
      %dma_wait3A_1559 = arith.constant 0 : i32
      %dma_wait3A_1560 = tpu.memref_slice %arg2[%add3A_587, %dma_wait3A_1559] : memref<100000x64xf32, #tpu.memory_space<hbm>> -> memref<128x64xf32, #tpu.memory_space<hbm>>
      tpu.wait_dma2 semaphore(%arg22 : memref<!tpu.dma_semaphore, #tpu.memory_space<semaphore_mem>>) src(%dma_wait3A_1560 : memref<128x64xf32, #tpu.memory_space<hbm>>) dst(%arg11 : memref<128x64xf32, #tpu.memory_space<vmem>>)
    } else {
    }
    %eq3A_595 = arith.constant 99968 : i32
    %eq3A_596 = arith.cmpi eq, %add3A_587, %eq3A_595 : i32
    %convert_element_type3A_597 = arith.extui %eq3A_596 : i1 to i32
    %cond3A_598 = arith.constant 0 : i32
    %cond3A_599 = arith.cmpi ne, %convert_element_type3A_597, %cond3A_598 : i32
    scf.if %cond3A_599 {
      %dma_wait3A_1557 = arith.constant 0 : i32
      %dma_wait3A_1558 = arith.constant 0 : i32
      %dma_wait3A_1559 = tpu.memref_slice %arg11[%dma_wait3A_1557, %dma_wait3A_1558] : memref<128x64xf32, #tpu.memory_space<vmem>> -> memref<32x64xf32, #tpu.memory_space<vmem>>
      %dma_wait3A_1560 = arith.constant 0 : i32
      %dma_wait3A_1561 = tpu.memref_slice %arg2[%add3A_587, %dma_wait3A_1560] : memref<100000x64xf32, #tpu.memory_space<hbm>> -> memref<32x64xf32, #tpu.memory_space<hbm>>
      %dma_wait3A_1562 = arith.constant 0 : i32
      %dma_wait3A_1563 = arith.constant 0 : i32
      %dma_wait3A_1564 = tpu.memref_slice %arg11[%dma_wait3A_1562, %dma_wait3A_1563] : memref<128x64xf32, #tpu.memory_space<vmem>> -> memref<32x64xf32, #tpu.memory_space<vmem>>
      %dma_wait3A_1565 = arith.constant 0 : i32
      %dma_wait3A_1566 = tpu.memref_slice %arg2[%add3A_587, %dma_wait3A_1565] : memref<100000x64xf32, #tpu.memory_space<hbm>> -> memref<32x64xf32, #tpu.memory_space<hbm>>
      tpu.wait_dma2 semaphore(%arg22 : memref<!tpu.dma_semaphore, #tpu.memory_space<semaphore_mem>>) src(%dma_wait3A_1566 : memref<32x64xf32, #tpu.memory_space<hbm>>) dst(%dma_wait3A_1564 : memref<32x64xf32, #tpu.memory_space<vmem>>)
    } else {
    }
    %dma_start3A_600 = arith.constant 10 : i32
    %dma_start3A_601 = arith.constant 0 : i32
    %dma_start3A_602 = tpu.memref_slice %arg16[%dma_start3A_600, %dma_start3A_601] : memref<25x128xi32, #tpu.memory_space<vmem>> -> memref<1x128xi32, #tpu.memory_space<vmem>>
    %dma_start3A_603 = tpu.memref_squeeze %dma_start3A_602 : memref<1x128xi32, #tpu.memory_space<vmem>> -> memref<128xi32, #tpu.memory_space<vmem>>
    %dma_start3A_604 = arith.constant 0 : i32
    %dma_start3A_605 = arith.constant 0 : i32
    %dma_start3A_606 = tpu.memref_slice %arg9[%dma_start3A_604, %dma_start3A_605] : memref<1024x64xf32, #tpu.memory_space<vmem_shared>> -> memref<1024x64xf32, #tpu.memory_space<vmem_shared>>
    tpu.enqueue_indirect_dma source(%arg11 : memref<128x64xf32, #tpu.memory_space<vmem>>) target(%dma_start3A_606 : memref<1024x64xf32, #tpu.memory_space<vmem_shared>>) offsets(%dma_start3A_603 : memref<128xi32, #tpu.memory_space<vmem>>) semaphore(%arg27 : memref<!tpu.dma_semaphore, #tpu.memory_space<semaphore_mem>>) {add = true}
    %dma_start3A_607 = arith.constant 10 : i32
    %dma_start3A_608 = arith.constant 0 : i32
    %dma_start3A_609 = tpu.memref_slice %arg16[%dma_start3A_607, %dma_start3A_608] : memref<25x128xi32, #tpu.memory_space<vmem>> -> memref<1x128xi32, #tpu.memory_space<vmem>>
    %dma_start3A_610 = tpu.memref_squeeze %dma_start3A_609 : memref<1x128xi32, #tpu.memory_space<vmem>> -> memref<128xi32, #tpu.memory_space<vmem>>
    %dma_start3A_611 = arith.constant 0 : i32
    %dma_start3A_612 = arith.constant 0 : i32
    %dma_start3A_613 = tpu.memref_slice %arg10[%dma_start3A_611, %dma_start3A_612] : memref<1024x16xf32, #tpu.memory_space<vmem_shared>> -> memref<1024x16xf32, #tpu.memory_space<vmem_shared>>
    tpu.enqueue_indirect_dma source(%arg17 : memref<128x16xf32, #tpu.memory_space<vmem>>) target(%dma_start3A_613 : memref<1024x16xf32, #tpu.memory_space<vmem_shared>>) offsets(%dma_start3A_610 : memref<128xi32, #tpu.memory_space<vmem>>) semaphore(%arg32 : memref<!tpu.dma_semaphore, #tpu.memory_space<semaphore_mem>>) {add = true}
    %dma_wait3A_614 = arith.constant 8 : i32
    %dma_wait3A_615 = arith.constant 0 : i32
    %dma_wait3A_616 = tpu.memref_slice %arg16[%dma_wait3A_614, %dma_wait3A_615] : memref<25x128xi32, #tpu.memory_space<vmem>> -> memref<1x128xi32, #tpu.memory_space<vmem>>
    %dma_wait3A_617 = tpu.memref_squeeze %dma_wait3A_616 : memref<1x128xi32, #tpu.memory_space<vmem>> -> memref<128xi32, #tpu.memory_space<vmem>>
    %dma_wait3A_618 = arith.constant 0 : i32
    %dma_wait3A_619 = arith.constant 0 : i32
    %dma_wait3A_620 = tpu.memref_slice %arg9[%dma_wait3A_618, %dma_wait3A_619] : memref<1024x64xf32, #tpu.memory_space<vmem_shared>> -> memref<1024x64xf32, #tpu.memory_space<vmem_shared>>
    tpu.wait_indirect_dma semaphore(%arg30 : memref<!tpu.dma_semaphore, #tpu.memory_space<semaphore_mem>>) src(%arg14 : memref<128x64xf32, #tpu.memory_space<vmem>>) dst(%dma_wait3A_620 : memref<1024x64xf32, #tpu.memory_space<vmem_shared>>)
    %mul3A_621 = arith.constant 3200 : i32
    %mul3A_622 = arith.muli %add3A, %mul3A_621 : i32
    %add3A_623 = arith.constant 1664 : i32
    %add3A_624 = arith.addi %mul3A_622, %add3A_623 : i32
    %add3A_625 = arith.constant 128 : i32
    %add3A_626 = arith.addi %add3A_624, %add3A_625 : i32
    %le3A_627 = arith.constant 100000 : i32
    %le3A_628 = arith.cmpi sle, %add3A_626, %le3A_627 : i32
    %convert_element_type3A_629 = arith.extui %le3A_628 : i1 to i32
    %cond3A_630 = arith.constant 0 : i32
    %cond3A_631 = arith.cmpi ne, %convert_element_type3A_629, %cond3A_630 : i32
    scf.if %cond3A_631 {
      %dma_start3A_1557 = arith.constant 0 : i32
      %dma_start3A_1558 = tpu.memref_slice %arg2[%add3A_624, %dma_start3A_1557] : memref<100000x64xf32, #tpu.memory_space<hbm>> -> memref<128x64xf32, #tpu.memory_space<hbm>>
      %dma_start3A_1559 = arith.constant 0 : i32
      %dma_start3A_1560 = tpu.memref_slice %arg2[%add3A_624, %dma_start3A_1559] : memref<100000x64xf32, #tpu.memory_space<hbm>> -> memref<128x64xf32, #tpu.memory_space<hbm>>
      tpu.enqueue_dma source(%dma_start3A_1560 : memref<128x64xf32, #tpu.memory_space<hbm>>) target(%arg14 : memref<128x64xf32, #tpu.memory_space<vmem>>) target_semaphore(%arg25 : memref<!tpu.dma_semaphore, #tpu.memory_space<semaphore_mem>>)
    } else {
    }
    %eq3A_632 = arith.constant 99968 : i32
    %eq3A_633 = arith.cmpi eq, %add3A_624, %eq3A_632 : i32
    %convert_element_type3A_634 = arith.extui %eq3A_633 : i1 to i32
    %cond3A_635 = arith.constant 0 : i32
    %cond3A_636 = arith.cmpi ne, %convert_element_type3A_634, %cond3A_635 : i32
    scf.if %cond3A_636 {
      %dma_start3A_1557 = arith.constant 0 : i32
      %dma_start3A_1558 = arith.constant 0 : i32
      %dma_start3A_1559 = tpu.memref_slice %arg14[%dma_start3A_1557, %dma_start3A_1558] : memref<128x64xf32, #tpu.memory_space<vmem>> -> memref<32x64xf32, #tpu.memory_space<vmem>>
      %dma_start3A_1560 = arith.constant 0 : i32
      %dma_start3A_1561 = tpu.memref_slice %arg2[%add3A_624, %dma_start3A_1560] : memref<100000x64xf32, #tpu.memory_space<hbm>> -> memref<32x64xf32, #tpu.memory_space<hbm>>
      %dma_start3A_1562 = arith.constant 0 : i32
      %dma_start3A_1563 = arith.constant 0 : i32
      %dma_start3A_1564 = tpu.memref_slice %arg14[%dma_start3A_1562, %dma_start3A_1563] : memref<128x64xf32, #tpu.memory_space<vmem>> -> memref<32x64xf32, #tpu.memory_space<vmem>>
      %dma_start3A_1565 = arith.constant 0 : i32
      %dma_start3A_1566 = tpu.memref_slice %arg2[%add3A_624, %dma_start3A_1565] : memref<100000x64xf32, #tpu.memory_space<hbm>> -> memref<32x64xf32, #tpu.memory_space<hbm>>
      tpu.enqueue_dma source(%dma_start3A_1566 : memref<32x64xf32, #tpu.memory_space<hbm>>) target(%dma_start3A_1564 : memref<32x64xf32, #tpu.memory_space<vmem>>) target_semaphore(%arg25 : memref<!tpu.dma_semaphore, #tpu.memory_space<semaphore_mem>>)
    } else {
    }
    %mul3A_637 = arith.constant 3200 : i32
    %mul3A_638 = arith.muli %add3A, %mul3A_637 : i32
    %add3A_639 = arith.constant 1408 : i32
    %add3A_640 = arith.addi %mul3A_638, %add3A_639 : i32
    %add3A_641 = arith.constant 128 : i32
    %add3A_642 = arith.addi %add3A_640, %add3A_641 : i32
    %le3A_643 = arith.constant 100000 : i32
    %le3A_644 = arith.cmpi sle, %add3A_642, %le3A_643 : i32
    %convert_element_type3A_645 = arith.extui %le3A_644 : i1 to i32
    %cond3A_646 = arith.constant 0 : i32
    %cond3A_647 = arith.cmpi ne, %convert_element_type3A_645, %cond3A_646 : i32
    scf.if %cond3A_647 {
      %dma_wait3A_1557 = arith.constant 0 : i32
      %dma_wait3A_1558 = tpu.memref_slice %arg2[%add3A_640, %dma_wait3A_1557] : memref<100000x64xf32, #tpu.memory_space<hbm>> -> memref<128x64xf32, #tpu.memory_space<hbm>>
      %dma_wait3A_1559 = arith.constant 0 : i32
      %dma_wait3A_1560 = tpu.memref_slice %arg2[%add3A_640, %dma_wait3A_1559] : memref<100000x64xf32, #tpu.memory_space<hbm>> -> memref<128x64xf32, #tpu.memory_space<hbm>>
      tpu.wait_dma2 semaphore(%arg23 : memref<!tpu.dma_semaphore, #tpu.memory_space<semaphore_mem>>) src(%dma_wait3A_1560 : memref<128x64xf32, #tpu.memory_space<hbm>>) dst(%arg12 : memref<128x64xf32, #tpu.memory_space<vmem>>)
    } else {
    }
    %eq3A_648 = arith.constant 99968 : i32
    %eq3A_649 = arith.cmpi eq, %add3A_640, %eq3A_648 : i32
    %convert_element_type3A_650 = arith.extui %eq3A_649 : i1 to i32
    %cond3A_651 = arith.constant 0 : i32
    %cond3A_652 = arith.cmpi ne, %convert_element_type3A_650, %cond3A_651 : i32
    scf.if %cond3A_652 {
      %dma_wait3A_1557 = arith.constant 0 : i32
      %dma_wait3A_1558 = arith.constant 0 : i32
      %dma_wait3A_1559 = tpu.memref_slice %arg12[%dma_wait3A_1557, %dma_wait3A_1558] : memref<128x64xf32, #tpu.memory_space<vmem>> -> memref<32x64xf32, #tpu.memory_space<vmem>>
      %dma_wait3A_1560 = arith.constant 0 : i32
      %dma_wait3A_1561 = tpu.memref_slice %arg2[%add3A_640, %dma_wait3A_1560] : memref<100000x64xf32, #tpu.memory_space<hbm>> -> memref<32x64xf32, #tpu.memory_space<hbm>>
      %dma_wait3A_1562 = arith.constant 0 : i32
      %dma_wait3A_1563 = arith.constant 0 : i32
      %dma_wait3A_1564 = tpu.memref_slice %arg12[%dma_wait3A_1562, %dma_wait3A_1563] : memref<128x64xf32, #tpu.memory_space<vmem>> -> memref<32x64xf32, #tpu.memory_space<vmem>>
      %dma_wait3A_1565 = arith.constant 0 : i32
      %dma_wait3A_1566 = tpu.memref_slice %arg2[%add3A_640, %dma_wait3A_1565] : memref<100000x64xf32, #tpu.memory_space<hbm>> -> memref<32x64xf32, #tpu.memory_space<hbm>>
      tpu.wait_dma2 semaphore(%arg23 : memref<!tpu.dma_semaphore, #tpu.memory_space<semaphore_mem>>) src(%dma_wait3A_1566 : memref<32x64xf32, #tpu.memory_space<hbm>>) dst(%dma_wait3A_1564 : memref<32x64xf32, #tpu.memory_space<vmem>>)
    } else {
    }
    %dma_start3A_653 = arith.constant 11 : i32
    %dma_start3A_654 = arith.constant 0 : i32
    %dma_start3A_655 = tpu.memref_slice %arg16[%dma_start3A_653, %dma_start3A_654] : memref<25x128xi32, #tpu.memory_space<vmem>> -> memref<1x128xi32, #tpu.memory_space<vmem>>
    %dma_start3A_656 = tpu.memref_squeeze %dma_start3A_655 : memref<1x128xi32, #tpu.memory_space<vmem>> -> memref<128xi32, #tpu.memory_space<vmem>>
    %dma_start3A_657 = arith.constant 0 : i32
    %dma_start3A_658 = arith.constant 0 : i32
    %dma_start3A_659 = tpu.memref_slice %arg9[%dma_start3A_657, %dma_start3A_658] : memref<1024x64xf32, #tpu.memory_space<vmem_shared>> -> memref<1024x64xf32, #tpu.memory_space<vmem_shared>>
    tpu.enqueue_indirect_dma source(%arg12 : memref<128x64xf32, #tpu.memory_space<vmem>>) target(%dma_start3A_659 : memref<1024x64xf32, #tpu.memory_space<vmem_shared>>) offsets(%dma_start3A_656 : memref<128xi32, #tpu.memory_space<vmem>>) semaphore(%arg28 : memref<!tpu.dma_semaphore, #tpu.memory_space<semaphore_mem>>) {add = true}
    %dma_start3A_660 = arith.constant 11 : i32
    %dma_start3A_661 = arith.constant 0 : i32
    %dma_start3A_662 = tpu.memref_slice %arg16[%dma_start3A_660, %dma_start3A_661] : memref<25x128xi32, #tpu.memory_space<vmem>> -> memref<1x128xi32, #tpu.memory_space<vmem>>
    %dma_start3A_663 = tpu.memref_squeeze %dma_start3A_662 : memref<1x128xi32, #tpu.memory_space<vmem>> -> memref<128xi32, #tpu.memory_space<vmem>>
    %dma_start3A_664 = arith.constant 0 : i32
    %dma_start3A_665 = arith.constant 0 : i32
    %dma_start3A_666 = tpu.memref_slice %arg10[%dma_start3A_664, %dma_start3A_665] : memref<1024x16xf32, #tpu.memory_space<vmem_shared>> -> memref<1024x16xf32, #tpu.memory_space<vmem_shared>>
    tpu.enqueue_indirect_dma source(%arg17 : memref<128x16xf32, #tpu.memory_space<vmem>>) target(%dma_start3A_666 : memref<1024x16xf32, #tpu.memory_space<vmem_shared>>) offsets(%dma_start3A_663 : memref<128xi32, #tpu.memory_space<vmem>>) semaphore(%arg32 : memref<!tpu.dma_semaphore, #tpu.memory_space<semaphore_mem>>) {add = true}
    %dma_wait3A_667 = arith.constant 9 : i32
    %dma_wait3A_668 = arith.constant 0 : i32
    %dma_wait3A_669 = tpu.memref_slice %arg16[%dma_wait3A_667, %dma_wait3A_668] : memref<25x128xi32, #tpu.memory_space<vmem>> -> memref<1x128xi32, #tpu.memory_space<vmem>>
    %dma_wait3A_670 = tpu.memref_squeeze %dma_wait3A_669 : memref<1x128xi32, #tpu.memory_space<vmem>> -> memref<128xi32, #tpu.memory_space<vmem>>
    %dma_wait3A_671 = arith.constant 0 : i32
    %dma_wait3A_672 = arith.constant 0 : i32
    %dma_wait3A_673 = tpu.memref_slice %arg9[%dma_wait3A_671, %dma_wait3A_672] : memref<1024x64xf32, #tpu.memory_space<vmem_shared>> -> memref<1024x64xf32, #tpu.memory_space<vmem_shared>>
    tpu.wait_indirect_dma semaphore(%arg31 : memref<!tpu.dma_semaphore, #tpu.memory_space<semaphore_mem>>) src(%arg15 : memref<128x64xf32, #tpu.memory_space<vmem>>) dst(%dma_wait3A_673 : memref<1024x64xf32, #tpu.memory_space<vmem_shared>>)
    %mul3A_674 = arith.constant 3200 : i32
    %mul3A_675 = arith.muli %add3A, %mul3A_674 : i32
    %add3A_676 = arith.constant 1792 : i32
    %add3A_677 = arith.addi %mul3A_675, %add3A_676 : i32
    %add3A_678 = arith.constant 128 : i32
    %add3A_679 = arith.addi %add3A_677, %add3A_678 : i32
    %le3A_680 = arith.constant 100000 : i32
    %le3A_681 = arith.cmpi sle, %add3A_679, %le3A_680 : i32
    %convert_element_type3A_682 = arith.extui %le3A_681 : i1 to i32
    %cond3A_683 = arith.constant 0 : i32
    %cond3A_684 = arith.cmpi ne, %convert_element_type3A_682, %cond3A_683 : i32
    scf.if %cond3A_684 {
      %dma_start3A_1557 = arith.constant 0 : i32
      %dma_start3A_1558 = tpu.memref_slice %arg2[%add3A_677, %dma_start3A_1557] : memref<100000x64xf32, #tpu.memory_space<hbm>> -> memref<128x64xf32, #tpu.memory_space<hbm>>
      %dma_start3A_1559 = arith.constant 0 : i32
      %dma_start3A_1560 = tpu.memref_slice %arg2[%add3A_677, %dma_start3A_1559] : memref<100000x64xf32, #tpu.memory_space<hbm>> -> memref<128x64xf32, #tpu.memory_space<hbm>>
      tpu.enqueue_dma source(%dma_start3A_1560 : memref<128x64xf32, #tpu.memory_space<hbm>>) target(%arg15 : memref<128x64xf32, #tpu.memory_space<vmem>>) target_semaphore(%arg26 : memref<!tpu.dma_semaphore, #tpu.memory_space<semaphore_mem>>)
    } else {
    }
    %eq3A_685 = arith.constant 99968 : i32
    %eq3A_686 = arith.cmpi eq, %add3A_677, %eq3A_685 : i32
    %convert_element_type3A_687 = arith.extui %eq3A_686 : i1 to i32
    %cond3A_688 = arith.constant 0 : i32
    %cond3A_689 = arith.cmpi ne, %convert_element_type3A_687, %cond3A_688 : i32
    scf.if %cond3A_689 {
      %dma_start3A_1557 = arith.constant 0 : i32
      %dma_start3A_1558 = arith.constant 0 : i32
      %dma_start3A_1559 = tpu.memref_slice %arg15[%dma_start3A_1557, %dma_start3A_1558] : memref<128x64xf32, #tpu.memory_space<vmem>> -> memref<32x64xf32, #tpu.memory_space<vmem>>
      %dma_start3A_1560 = arith.constant 0 : i32
      %dma_start3A_1561 = tpu.memref_slice %arg2[%add3A_677, %dma_start3A_1560] : memref<100000x64xf32, #tpu.memory_space<hbm>> -> memref<32x64xf32, #tpu.memory_space<hbm>>
      %dma_start3A_1562 = arith.constant 0 : i32
      %dma_start3A_1563 = arith.constant 0 : i32
      %dma_start3A_1564 = tpu.memref_slice %arg15[%dma_start3A_1562, %dma_start3A_1563] : memref<128x64xf32, #tpu.memory_space<vmem>> -> memref<32x64xf32, #tpu.memory_space<vmem>>
      %dma_start3A_1565 = arith.constant 0 : i32
      %dma_start3A_1566 = tpu.memref_slice %arg2[%add3A_677, %dma_start3A_1565] : memref<100000x64xf32, #tpu.memory_space<hbm>> -> memref<32x64xf32, #tpu.memory_space<hbm>>
      tpu.enqueue_dma source(%dma_start3A_1566 : memref<32x64xf32, #tpu.memory_space<hbm>>) target(%dma_start3A_1564 : memref<32x64xf32, #tpu.memory_space<vmem>>) target_semaphore(%arg26 : memref<!tpu.dma_semaphore, #tpu.memory_space<semaphore_mem>>)
    } else {
    }
    %mul3A_690 = arith.constant 3200 : i32
    %mul3A_691 = arith.muli %add3A, %mul3A_690 : i32
    %add3A_692 = arith.constant 1536 : i32
    %add3A_693 = arith.addi %mul3A_691, %add3A_692 : i32
    %add3A_694 = arith.constant 128 : i32
    %add3A_695 = arith.addi %add3A_693, %add3A_694 : i32
    %le3A_696 = arith.constant 100000 : i32
    %le3A_697 = arith.cmpi sle, %add3A_695, %le3A_696 : i32
    %convert_element_type3A_698 = arith.extui %le3A_697 : i1 to i32
    %cond3A_699 = arith.constant 0 : i32
    %cond3A_700 = arith.cmpi ne, %convert_element_type3A_698, %cond3A_699 : i32
    scf.if %cond3A_700 {
      %dma_wait3A_1557 = arith.constant 0 : i32
      %dma_wait3A_1558 = tpu.memref_slice %arg2[%add3A_693, %dma_wait3A_1557] : memref<100000x64xf32, #tpu.memory_space<hbm>> -> memref<128x64xf32, #tpu.memory_space<hbm>>
      %dma_wait3A_1559 = arith.constant 0 : i32
      %dma_wait3A_1560 = tpu.memref_slice %arg2[%add3A_693, %dma_wait3A_1559] : memref<100000x64xf32, #tpu.memory_space<hbm>> -> memref<128x64xf32, #tpu.memory_space<hbm>>
      tpu.wait_dma2 semaphore(%arg24 : memref<!tpu.dma_semaphore, #tpu.memory_space<semaphore_mem>>) src(%dma_wait3A_1560 : memref<128x64xf32, #tpu.memory_space<hbm>>) dst(%arg13 : memref<128x64xf32, #tpu.memory_space<vmem>>)
    } else {
    }
    %eq3A_701 = arith.constant 99968 : i32
    %eq3A_702 = arith.cmpi eq, %add3A_693, %eq3A_701 : i32
    %convert_element_type3A_703 = arith.extui %eq3A_702 : i1 to i32
    %cond3A_704 = arith.constant 0 : i32
    %cond3A_705 = arith.cmpi ne, %convert_element_type3A_703, %cond3A_704 : i32
    scf.if %cond3A_705 {
      %dma_wait3A_1557 = arith.constant 0 : i32
      %dma_wait3A_1558 = arith.constant 0 : i32
      %dma_wait3A_1559 = tpu.memref_slice %arg13[%dma_wait3A_1557, %dma_wait3A_1558] : memref<128x64xf32, #tpu.memory_space<vmem>> -> memref<32x64xf32, #tpu.memory_space<vmem>>
      %dma_wait3A_1560 = arith.constant 0 : i32
      %dma_wait3A_1561 = tpu.memref_slice %arg2[%add3A_693, %dma_wait3A_1560] : memref<100000x64xf32, #tpu.memory_space<hbm>> -> memref<32x64xf32, #tpu.memory_space<hbm>>
      %dma_wait3A_1562 = arith.constant 0 : i32
      %dma_wait3A_1563 = arith.constant 0 : i32
      %dma_wait3A_1564 = tpu.memref_slice %arg13[%dma_wait3A_1562, %dma_wait3A_1563] : memref<128x64xf32, #tpu.memory_space<vmem>> -> memref<32x64xf32, #tpu.memory_space<vmem>>
      %dma_wait3A_1565 = arith.constant 0 : i32
      %dma_wait3A_1566 = tpu.memref_slice %arg2[%add3A_693, %dma_wait3A_1565] : memref<100000x64xf32, #tpu.memory_space<hbm>> -> memref<32x64xf32, #tpu.memory_space<hbm>>
      tpu.wait_dma2 semaphore(%arg24 : memref<!tpu.dma_semaphore, #tpu.memory_space<semaphore_mem>>) src(%dma_wait3A_1566 : memref<32x64xf32, #tpu.memory_space<hbm>>) dst(%dma_wait3A_1564 : memref<32x64xf32, #tpu.memory_space<vmem>>)
    } else {
    }
    %dma_start3A_706 = arith.constant 12 : i32
    %dma_start3A_707 = arith.constant 0 : i32
    %dma_start3A_708 = tpu.memref_slice %arg16[%dma_start3A_706, %dma_start3A_707] : memref<25x128xi32, #tpu.memory_space<vmem>> -> memref<1x128xi32, #tpu.memory_space<vmem>>
    %dma_start3A_709 = tpu.memref_squeeze %dma_start3A_708 : memref<1x128xi32, #tpu.memory_space<vmem>> -> memref<128xi32, #tpu.memory_space<vmem>>
    %dma_start3A_710 = arith.constant 0 : i32
    %dma_start3A_711 = arith.constant 0 : i32
    %dma_start3A_712 = tpu.memref_slice %arg9[%dma_start3A_710, %dma_start3A_711] : memref<1024x64xf32, #tpu.memory_space<vmem_shared>> -> memref<1024x64xf32, #tpu.memory_space<vmem_shared>>
    tpu.enqueue_indirect_dma source(%arg13 : memref<128x64xf32, #tpu.memory_space<vmem>>) target(%dma_start3A_712 : memref<1024x64xf32, #tpu.memory_space<vmem_shared>>) offsets(%dma_start3A_709 : memref<128xi32, #tpu.memory_space<vmem>>) semaphore(%arg29 : memref<!tpu.dma_semaphore, #tpu.memory_space<semaphore_mem>>) {add = true}
    %dma_start3A_713 = arith.constant 12 : i32
    %dma_start3A_714 = arith.constant 0 : i32
    %dma_start3A_715 = tpu.memref_slice %arg16[%dma_start3A_713, %dma_start3A_714] : memref<25x128xi32, #tpu.memory_space<vmem>> -> memref<1x128xi32, #tpu.memory_space<vmem>>
    %dma_start3A_716 = tpu.memref_squeeze %dma_start3A_715 : memref<1x128xi32, #tpu.memory_space<vmem>> -> memref<128xi32, #tpu.memory_space<vmem>>
    %dma_start3A_717 = arith.constant 0 : i32
    %dma_start3A_718 = arith.constant 0 : i32
    %dma_start3A_719 = tpu.memref_slice %arg10[%dma_start3A_717, %dma_start3A_718] : memref<1024x16xf32, #tpu.memory_space<vmem_shared>> -> memref<1024x16xf32, #tpu.memory_space<vmem_shared>>
    tpu.enqueue_indirect_dma source(%arg17 : memref<128x16xf32, #tpu.memory_space<vmem>>) target(%dma_start3A_719 : memref<1024x16xf32, #tpu.memory_space<vmem_shared>>) offsets(%dma_start3A_716 : memref<128xi32, #tpu.memory_space<vmem>>) semaphore(%arg32 : memref<!tpu.dma_semaphore, #tpu.memory_space<semaphore_mem>>) {add = true}
    %dma_wait3A_720 = arith.constant 10 : i32
    %dma_wait3A_721 = arith.constant 0 : i32
    %dma_wait3A_722 = tpu.memref_slice %arg16[%dma_wait3A_720, %dma_wait3A_721] : memref<25x128xi32, #tpu.memory_space<vmem>> -> memref<1x128xi32, #tpu.memory_space<vmem>>
    %dma_wait3A_723 = tpu.memref_squeeze %dma_wait3A_722 : memref<1x128xi32, #tpu.memory_space<vmem>> -> memref<128xi32, #tpu.memory_space<vmem>>
    %dma_wait3A_724 = arith.constant 0 : i32
    %dma_wait3A_725 = arith.constant 0 : i32
    %dma_wait3A_726 = tpu.memref_slice %arg9[%dma_wait3A_724, %dma_wait3A_725] : memref<1024x64xf32, #tpu.memory_space<vmem_shared>> -> memref<1024x64xf32, #tpu.memory_space<vmem_shared>>
    tpu.wait_indirect_dma semaphore(%arg27 : memref<!tpu.dma_semaphore, #tpu.memory_space<semaphore_mem>>) src(%arg11 : memref<128x64xf32, #tpu.memory_space<vmem>>) dst(%dma_wait3A_726 : memref<1024x64xf32, #tpu.memory_space<vmem_shared>>)
    %mul3A_727 = arith.constant 3200 : i32
    %mul3A_728 = arith.muli %add3A, %mul3A_727 : i32
    %add3A_729 = arith.constant 1920 : i32
    %add3A_730 = arith.addi %mul3A_728, %add3A_729 : i32
    %add3A_731 = arith.constant 128 : i32
    %add3A_732 = arith.addi %add3A_730, %add3A_731 : i32
    %le3A_733 = arith.constant 100000 : i32
    %le3A_734 = arith.cmpi sle, %add3A_732, %le3A_733 : i32
    %convert_element_type3A_735 = arith.extui %le3A_734 : i1 to i32
    %cond3A_736 = arith.constant 0 : i32
    %cond3A_737 = arith.cmpi ne, %convert_element_type3A_735, %cond3A_736 : i32
    scf.if %cond3A_737 {
      %dma_start3A_1557 = arith.constant 0 : i32
      %dma_start3A_1558 = tpu.memref_slice %arg2[%add3A_730, %dma_start3A_1557] : memref<100000x64xf32, #tpu.memory_space<hbm>> -> memref<128x64xf32, #tpu.memory_space<hbm>>
      %dma_start3A_1559 = arith.constant 0 : i32
      %dma_start3A_1560 = tpu.memref_slice %arg2[%add3A_730, %dma_start3A_1559] : memref<100000x64xf32, #tpu.memory_space<hbm>> -> memref<128x64xf32, #tpu.memory_space<hbm>>
      tpu.enqueue_dma source(%dma_start3A_1560 : memref<128x64xf32, #tpu.memory_space<hbm>>) target(%arg11 : memref<128x64xf32, #tpu.memory_space<vmem>>) target_semaphore(%arg22 : memref<!tpu.dma_semaphore, #tpu.memory_space<semaphore_mem>>)
    } else {
    }
    %eq3A_738 = arith.constant 99968 : i32
    %eq3A_739 = arith.cmpi eq, %add3A_730, %eq3A_738 : i32
    %convert_element_type3A_740 = arith.extui %eq3A_739 : i1 to i32
    %cond3A_741 = arith.constant 0 : i32
    %cond3A_742 = arith.cmpi ne, %convert_element_type3A_740, %cond3A_741 : i32
    scf.if %cond3A_742 {
      %dma_start3A_1557 = arith.constant 0 : i32
      %dma_start3A_1558 = arith.constant 0 : i32
      %dma_start3A_1559 = tpu.memref_slice %arg11[%dma_start3A_1557, %dma_start3A_1558] : memref<128x64xf32, #tpu.memory_space<vmem>> -> memref<32x64xf32, #tpu.memory_space<vmem>>
      %dma_start3A_1560 = arith.constant 0 : i32
      %dma_start3A_1561 = tpu.memref_slice %arg2[%add3A_730, %dma_start3A_1560] : memref<100000x64xf32, #tpu.memory_space<hbm>> -> memref<32x64xf32, #tpu.memory_space<hbm>>
      %dma_start3A_1562 = arith.constant 0 : i32
      %dma_start3A_1563 = arith.constant 0 : i32
      %dma_start3A_1564 = tpu.memref_slice %arg11[%dma_start3A_1562, %dma_start3A_1563] : memref<128x64xf32, #tpu.memory_space<vmem>> -> memref<32x64xf32, #tpu.memory_space<vmem>>
      %dma_start3A_1565 = arith.constant 0 : i32
      %dma_start3A_1566 = tpu.memref_slice %arg2[%add3A_730, %dma_start3A_1565] : memref<100000x64xf32, #tpu.memory_space<hbm>> -> memref<32x64xf32, #tpu.memory_space<hbm>>
      tpu.enqueue_dma source(%dma_start3A_1566 : memref<32x64xf32, #tpu.memory_space<hbm>>) target(%dma_start3A_1564 : memref<32x64xf32, #tpu.memory_space<vmem>>) target_semaphore(%arg22 : memref<!tpu.dma_semaphore, #tpu.memory_space<semaphore_mem>>)
    } else {
    }
    %mul3A_743 = arith.constant 3200 : i32
    %mul3A_744 = arith.muli %add3A, %mul3A_743 : i32
    %add3A_745 = arith.constant 1664 : i32
    %add3A_746 = arith.addi %mul3A_744, %add3A_745 : i32
    %add3A_747 = arith.constant 128 : i32
    %add3A_748 = arith.addi %add3A_746, %add3A_747 : i32
    %le3A_749 = arith.constant 100000 : i32
    %le3A_750 = arith.cmpi sle, %add3A_748, %le3A_749 : i32
    %convert_element_type3A_751 = arith.extui %le3A_750 : i1 to i32
    %cond3A_752 = arith.constant 0 : i32
    %cond3A_753 = arith.cmpi ne, %convert_element_type3A_751, %cond3A_752 : i32
    scf.if %cond3A_753 {
      %dma_wait3A_1557 = arith.constant 0 : i32
      %dma_wait3A_1558 = tpu.memref_slice %arg2[%add3A_746, %dma_wait3A_1557] : memref<100000x64xf32, #tpu.memory_space<hbm>> -> memref<128x64xf32, #tpu.memory_space<hbm>>
      %dma_wait3A_1559 = arith.constant 0 : i32
      %dma_wait3A_1560 = tpu.memref_slice %arg2[%add3A_746, %dma_wait3A_1559] : memref<100000x64xf32, #tpu.memory_space<hbm>> -> memref<128x64xf32, #tpu.memory_space<hbm>>
      tpu.wait_dma2 semaphore(%arg25 : memref<!tpu.dma_semaphore, #tpu.memory_space<semaphore_mem>>) src(%dma_wait3A_1560 : memref<128x64xf32, #tpu.memory_space<hbm>>) dst(%arg14 : memref<128x64xf32, #tpu.memory_space<vmem>>)
    } else {
    }
    %eq3A_754 = arith.constant 99968 : i32
    %eq3A_755 = arith.cmpi eq, %add3A_746, %eq3A_754 : i32
    %convert_element_type3A_756 = arith.extui %eq3A_755 : i1 to i32
    %cond3A_757 = arith.constant 0 : i32
    %cond3A_758 = arith.cmpi ne, %convert_element_type3A_756, %cond3A_757 : i32
    scf.if %cond3A_758 {
      %dma_wait3A_1557 = arith.constant 0 : i32
      %dma_wait3A_1558 = arith.constant 0 : i32
      %dma_wait3A_1559 = tpu.memref_slice %arg14[%dma_wait3A_1557, %dma_wait3A_1558] : memref<128x64xf32, #tpu.memory_space<vmem>> -> memref<32x64xf32, #tpu.memory_space<vmem>>
      %dma_wait3A_1560 = arith.constant 0 : i32
      %dma_wait3A_1561 = tpu.memref_slice %arg2[%add3A_746, %dma_wait3A_1560] : memref<100000x64xf32, #tpu.memory_space<hbm>> -> memref<32x64xf32, #tpu.memory_space<hbm>>
      %dma_wait3A_1562 = arith.constant 0 : i32
      %dma_wait3A_1563 = arith.constant 0 : i32
      %dma_wait3A_1564 = tpu.memref_slice %arg14[%dma_wait3A_1562, %dma_wait3A_1563] : memref<128x64xf32, #tpu.memory_space<vmem>> -> memref<32x64xf32, #tpu.memory_space<vmem>>
      %dma_wait3A_1565 = arith.constant 0 : i32
      %dma_wait3A_1566 = tpu.memref_slice %arg2[%add3A_746, %dma_wait3A_1565] : memref<100000x64xf32, #tpu.memory_space<hbm>> -> memref<32x64xf32, #tpu.memory_space<hbm>>
      tpu.wait_dma2 semaphore(%arg25 : memref<!tpu.dma_semaphore, #tpu.memory_space<semaphore_mem>>) src(%dma_wait3A_1566 : memref<32x64xf32, #tpu.memory_space<hbm>>) dst(%dma_wait3A_1564 : memref<32x64xf32, #tpu.memory_space<vmem>>)
    } else {
    }
    %dma_start3A_759 = arith.constant 13 : i32
    %dma_start3A_760 = arith.constant 0 : i32
    %dma_start3A_761 = tpu.memref_slice %arg16[%dma_start3A_759, %dma_start3A_760] : memref<25x128xi32, #tpu.memory_space<vmem>> -> memref<1x128xi32, #tpu.memory_space<vmem>>
    %dma_start3A_762 = tpu.memref_squeeze %dma_start3A_761 : memref<1x128xi32, #tpu.memory_space<vmem>> -> memref<128xi32, #tpu.memory_space<vmem>>
    %dma_start3A_763 = arith.constant 0 : i32
    %dma_start3A_764 = arith.constant 0 : i32
    %dma_start3A_765 = tpu.memref_slice %arg9[%dma_start3A_763, %dma_start3A_764] : memref<1024x64xf32, #tpu.memory_space<vmem_shared>> -> memref<1024x64xf32, #tpu.memory_space<vmem_shared>>
    tpu.enqueue_indirect_dma source(%arg14 : memref<128x64xf32, #tpu.memory_space<vmem>>) target(%dma_start3A_765 : memref<1024x64xf32, #tpu.memory_space<vmem_shared>>) offsets(%dma_start3A_762 : memref<128xi32, #tpu.memory_space<vmem>>) semaphore(%arg30 : memref<!tpu.dma_semaphore, #tpu.memory_space<semaphore_mem>>) {add = true}
    %dma_start3A_766 = arith.constant 13 : i32
    %dma_start3A_767 = arith.constant 0 : i32
    %dma_start3A_768 = tpu.memref_slice %arg16[%dma_start3A_766, %dma_start3A_767] : memref<25x128xi32, #tpu.memory_space<vmem>> -> memref<1x128xi32, #tpu.memory_space<vmem>>
    %dma_start3A_769 = tpu.memref_squeeze %dma_start3A_768 : memref<1x128xi32, #tpu.memory_space<vmem>> -> memref<128xi32, #tpu.memory_space<vmem>>
    %dma_start3A_770 = arith.constant 0 : i32
    %dma_start3A_771 = arith.constant 0 : i32
    %dma_start3A_772 = tpu.memref_slice %arg10[%dma_start3A_770, %dma_start3A_771] : memref<1024x16xf32, #tpu.memory_space<vmem_shared>> -> memref<1024x16xf32, #tpu.memory_space<vmem_shared>>
    tpu.enqueue_indirect_dma source(%arg17 : memref<128x16xf32, #tpu.memory_space<vmem>>) target(%dma_start3A_772 : memref<1024x16xf32, #tpu.memory_space<vmem_shared>>) offsets(%dma_start3A_769 : memref<128xi32, #tpu.memory_space<vmem>>) semaphore(%arg32 : memref<!tpu.dma_semaphore, #tpu.memory_space<semaphore_mem>>) {add = true}
    %dma_wait3A_773 = arith.constant 11 : i32
    %dma_wait3A_774 = arith.constant 0 : i32
    %dma_wait3A_775 = tpu.memref_slice %arg16[%dma_wait3A_773, %dma_wait3A_774] : memref<25x128xi32, #tpu.memory_space<vmem>> -> memref<1x128xi32, #tpu.memory_space<vmem>>
    %dma_wait3A_776 = tpu.memref_squeeze %dma_wait3A_775 : memref<1x128xi32, #tpu.memory_space<vmem>> -> memref<128xi32, #tpu.memory_space<vmem>>
    %dma_wait3A_777 = arith.constant 0 : i32
    %dma_wait3A_778 = arith.constant 0 : i32
    %dma_wait3A_779 = tpu.memref_slice %arg9[%dma_wait3A_777, %dma_wait3A_778] : memref<1024x64xf32, #tpu.memory_space<vmem_shared>> -> memref<1024x64xf32, #tpu.memory_space<vmem_shared>>
    tpu.wait_indirect_dma semaphore(%arg28 : memref<!tpu.dma_semaphore, #tpu.memory_space<semaphore_mem>>) src(%arg12 : memref<128x64xf32, #tpu.memory_space<vmem>>) dst(%dma_wait3A_779 : memref<1024x64xf32, #tpu.memory_space<vmem_shared>>)
    %mul3A_780 = arith.constant 3200 : i32
    %mul3A_781 = arith.muli %add3A, %mul3A_780 : i32
    %add3A_782 = arith.constant 2048 : i32
    %add3A_783 = arith.addi %mul3A_781, %add3A_782 : i32
    %add3A_784 = arith.constant 128 : i32
    %add3A_785 = arith.addi %add3A_783, %add3A_784 : i32
    %le3A_786 = arith.constant 100000 : i32
    %le3A_787 = arith.cmpi sle, %add3A_785, %le3A_786 : i32
    %convert_element_type3A_788 = arith.extui %le3A_787 : i1 to i32
    %cond3A_789 = arith.constant 0 : i32
    %cond3A_790 = arith.cmpi ne, %convert_element_type3A_788, %cond3A_789 : i32
    scf.if %cond3A_790 {
      %dma_start3A_1557 = arith.constant 0 : i32
      %dma_start3A_1558 = tpu.memref_slice %arg2[%add3A_783, %dma_start3A_1557] : memref<100000x64xf32, #tpu.memory_space<hbm>> -> memref<128x64xf32, #tpu.memory_space<hbm>>
      %dma_start3A_1559 = arith.constant 0 : i32
      %dma_start3A_1560 = tpu.memref_slice %arg2[%add3A_783, %dma_start3A_1559] : memref<100000x64xf32, #tpu.memory_space<hbm>> -> memref<128x64xf32, #tpu.memory_space<hbm>>
      tpu.enqueue_dma source(%dma_start3A_1560 : memref<128x64xf32, #tpu.memory_space<hbm>>) target(%arg12 : memref<128x64xf32, #tpu.memory_space<vmem>>) target_semaphore(%arg23 : memref<!tpu.dma_semaphore, #tpu.memory_space<semaphore_mem>>)
    } else {
    }
    %eq3A_791 = arith.constant 99968 : i32
    %eq3A_792 = arith.cmpi eq, %add3A_783, %eq3A_791 : i32
    %convert_element_type3A_793 = arith.extui %eq3A_792 : i1 to i32
    %cond3A_794 = arith.constant 0 : i32
    %cond3A_795 = arith.cmpi ne, %convert_element_type3A_793, %cond3A_794 : i32
    scf.if %cond3A_795 {
      %dma_start3A_1557 = arith.constant 0 : i32
      %dma_start3A_1558 = arith.constant 0 : i32
      %dma_start3A_1559 = tpu.memref_slice %arg12[%dma_start3A_1557, %dma_start3A_1558] : memref<128x64xf32, #tpu.memory_space<vmem>> -> memref<32x64xf32, #tpu.memory_space<vmem>>
      %dma_start3A_1560 = arith.constant 0 : i32
      %dma_start3A_1561 = tpu.memref_slice %arg2[%add3A_783, %dma_start3A_1560] : memref<100000x64xf32, #tpu.memory_space<hbm>> -> memref<32x64xf32, #tpu.memory_space<hbm>>
      %dma_start3A_1562 = arith.constant 0 : i32
      %dma_start3A_1563 = arith.constant 0 : i32
      %dma_start3A_1564 = tpu.memref_slice %arg12[%dma_start3A_1562, %dma_start3A_1563] : memref<128x64xf32, #tpu.memory_space<vmem>> -> memref<32x64xf32, #tpu.memory_space<vmem>>
      %dma_start3A_1565 = arith.constant 0 : i32
      %dma_start3A_1566 = tpu.memref_slice %arg2[%add3A_783, %dma_start3A_1565] : memref<100000x64xf32, #tpu.memory_space<hbm>> -> memref<32x64xf32, #tpu.memory_space<hbm>>
      tpu.enqueue_dma source(%dma_start3A_1566 : memref<32x64xf32, #tpu.memory_space<hbm>>) target(%dma_start3A_1564 : memref<32x64xf32, #tpu.memory_space<vmem>>) target_semaphore(%arg23 : memref<!tpu.dma_semaphore, #tpu.memory_space<semaphore_mem>>)
    } else {
    }
    %mul3A_796 = arith.constant 3200 : i32
    %mul3A_797 = arith.muli %add3A, %mul3A_796 : i32
    %add3A_798 = arith.constant 1792 : i32
    %add3A_799 = arith.addi %mul3A_797, %add3A_798 : i32
    %add3A_800 = arith.constant 128 : i32
    %add3A_801 = arith.addi %add3A_799, %add3A_800 : i32
    %le3A_802 = arith.constant 100000 : i32
    %le3A_803 = arith.cmpi sle, %add3A_801, %le3A_802 : i32
    %convert_element_type3A_804 = arith.extui %le3A_803 : i1 to i32
    %cond3A_805 = arith.constant 0 : i32
    %cond3A_806 = arith.cmpi ne, %convert_element_type3A_804, %cond3A_805 : i32
    scf.if %cond3A_806 {
      %dma_wait3A_1557 = arith.constant 0 : i32
      %dma_wait3A_1558 = tpu.memref_slice %arg2[%add3A_799, %dma_wait3A_1557] : memref<100000x64xf32, #tpu.memory_space<hbm>> -> memref<128x64xf32, #tpu.memory_space<hbm>>
      %dma_wait3A_1559 = arith.constant 0 : i32
      %dma_wait3A_1560 = tpu.memref_slice %arg2[%add3A_799, %dma_wait3A_1559] : memref<100000x64xf32, #tpu.memory_space<hbm>> -> memref<128x64xf32, #tpu.memory_space<hbm>>
      tpu.wait_dma2 semaphore(%arg26 : memref<!tpu.dma_semaphore, #tpu.memory_space<semaphore_mem>>) src(%dma_wait3A_1560 : memref<128x64xf32, #tpu.memory_space<hbm>>) dst(%arg15 : memref<128x64xf32, #tpu.memory_space<vmem>>)
    } else {
    }
    %eq3A_807 = arith.constant 99968 : i32
    %eq3A_808 = arith.cmpi eq, %add3A_799, %eq3A_807 : i32
    %convert_element_type3A_809 = arith.extui %eq3A_808 : i1 to i32
    %cond3A_810 = arith.constant 0 : i32
    %cond3A_811 = arith.cmpi ne, %convert_element_type3A_809, %cond3A_810 : i32
    scf.if %cond3A_811 {
      %dma_wait3A_1557 = arith.constant 0 : i32
      %dma_wait3A_1558 = arith.constant 0 : i32
      %dma_wait3A_1559 = tpu.memref_slice %arg15[%dma_wait3A_1557, %dma_wait3A_1558] : memref<128x64xf32, #tpu.memory_space<vmem>> -> memref<32x64xf32, #tpu.memory_space<vmem>>
      %dma_wait3A_1560 = arith.constant 0 : i32
      %dma_wait3A_1561 = tpu.memref_slice %arg2[%add3A_799, %dma_wait3A_1560] : memref<100000x64xf32, #tpu.memory_space<hbm>> -> memref<32x64xf32, #tpu.memory_space<hbm>>
      %dma_wait3A_1562 = arith.constant 0 : i32
      %dma_wait3A_1563 = arith.constant 0 : i32
      %dma_wait3A_1564 = tpu.memref_slice %arg15[%dma_wait3A_1562, %dma_wait3A_1563] : memref<128x64xf32, #tpu.memory_space<vmem>> -> memref<32x64xf32, #tpu.memory_space<vmem>>
      %dma_wait3A_1565 = arith.constant 0 : i32
      %dma_wait3A_1566 = tpu.memref_slice %arg2[%add3A_799, %dma_wait3A_1565] : memref<100000x64xf32, #tpu.memory_space<hbm>> -> memref<32x64xf32, #tpu.memory_space<hbm>>
      tpu.wait_dma2 semaphore(%arg26 : memref<!tpu.dma_semaphore, #tpu.memory_space<semaphore_mem>>) src(%dma_wait3A_1566 : memref<32x64xf32, #tpu.memory_space<hbm>>) dst(%dma_wait3A_1564 : memref<32x64xf32, #tpu.memory_space<vmem>>)
    } else {
    }
    %dma_start3A_812 = arith.constant 14 : i32
    %dma_start3A_813 = arith.constant 0 : i32
    %dma_start3A_814 = tpu.memref_slice %arg16[%dma_start3A_812, %dma_start3A_813] : memref<25x128xi32, #tpu.memory_space<vmem>> -> memref<1x128xi32, #tpu.memory_space<vmem>>
    %dma_start3A_815 = tpu.memref_squeeze %dma_start3A_814 : memref<1x128xi32, #tpu.memory_space<vmem>> -> memref<128xi32, #tpu.memory_space<vmem>>
    %dma_start3A_816 = arith.constant 0 : i32
    %dma_start3A_817 = arith.constant 0 : i32
    %dma_start3A_818 = tpu.memref_slice %arg9[%dma_start3A_816, %dma_start3A_817] : memref<1024x64xf32, #tpu.memory_space<vmem_shared>> -> memref<1024x64xf32, #tpu.memory_space<vmem_shared>>
    tpu.enqueue_indirect_dma source(%arg15 : memref<128x64xf32, #tpu.memory_space<vmem>>) target(%dma_start3A_818 : memref<1024x64xf32, #tpu.memory_space<vmem_shared>>) offsets(%dma_start3A_815 : memref<128xi32, #tpu.memory_space<vmem>>) semaphore(%arg31 : memref<!tpu.dma_semaphore, #tpu.memory_space<semaphore_mem>>) {add = true}
    %dma_start3A_819 = arith.constant 14 : i32
    %dma_start3A_820 = arith.constant 0 : i32
    %dma_start3A_821 = tpu.memref_slice %arg16[%dma_start3A_819, %dma_start3A_820] : memref<25x128xi32, #tpu.memory_space<vmem>> -> memref<1x128xi32, #tpu.memory_space<vmem>>
    %dma_start3A_822 = tpu.memref_squeeze %dma_start3A_821 : memref<1x128xi32, #tpu.memory_space<vmem>> -> memref<128xi32, #tpu.memory_space<vmem>>
    %dma_start3A_823 = arith.constant 0 : i32
    %dma_start3A_824 = arith.constant 0 : i32
    %dma_start3A_825 = tpu.memref_slice %arg10[%dma_start3A_823, %dma_start3A_824] : memref<1024x16xf32, #tpu.memory_space<vmem_shared>> -> memref<1024x16xf32, #tpu.memory_space<vmem_shared>>
    tpu.enqueue_indirect_dma source(%arg17 : memref<128x16xf32, #tpu.memory_space<vmem>>) target(%dma_start3A_825 : memref<1024x16xf32, #tpu.memory_space<vmem_shared>>) offsets(%dma_start3A_822 : memref<128xi32, #tpu.memory_space<vmem>>) semaphore(%arg32 : memref<!tpu.dma_semaphore, #tpu.memory_space<semaphore_mem>>) {add = true}
    %dma_wait3A_826 = arith.constant 12 : i32
    %dma_wait3A_827 = arith.constant 0 : i32
    %dma_wait3A_828 = tpu.memref_slice %arg16[%dma_wait3A_826, %dma_wait3A_827] : memref<25x128xi32, #tpu.memory_space<vmem>> -> memref<1x128xi32, #tpu.memory_space<vmem>>
    %dma_wait3A_829 = tpu.memref_squeeze %dma_wait3A_828 : memref<1x128xi32, #tpu.memory_space<vmem>> -> memref<128xi32, #tpu.memory_space<vmem>>
    %dma_wait3A_830 = arith.constant 0 : i32
    %dma_wait3A_831 = arith.constant 0 : i32
    %dma_wait3A_832 = tpu.memref_slice %arg9[%dma_wait3A_830, %dma_wait3A_831] : memref<1024x64xf32, #tpu.memory_space<vmem_shared>> -> memref<1024x64xf32, #tpu.memory_space<vmem_shared>>
    tpu.wait_indirect_dma semaphore(%arg29 : memref<!tpu.dma_semaphore, #tpu.memory_space<semaphore_mem>>) src(%arg13 : memref<128x64xf32, #tpu.memory_space<vmem>>) dst(%dma_wait3A_832 : memref<1024x64xf32, #tpu.memory_space<vmem_shared>>)
    %mul3A_833 = arith.constant 3200 : i32
    %mul3A_834 = arith.muli %add3A, %mul3A_833 : i32
    %add3A_835 = arith.constant 2176 : i32
    %add3A_836 = arith.addi %mul3A_834, %add3A_835 : i32
    %add3A_837 = arith.constant 128 : i32
    %add3A_838 = arith.addi %add3A_836, %add3A_837 : i32
    %le3A_839 = arith.constant 100000 : i32
    %le3A_840 = arith.cmpi sle, %add3A_838, %le3A_839 : i32
    %convert_element_type3A_841 = arith.extui %le3A_840 : i1 to i32
    %cond3A_842 = arith.constant 0 : i32
    %cond3A_843 = arith.cmpi ne, %convert_element_type3A_841, %cond3A_842 : i32
    scf.if %cond3A_843 {
      %dma_start3A_1557 = arith.constant 0 : i32
      %dma_start3A_1558 = tpu.memref_slice %arg2[%add3A_836, %dma_start3A_1557] : memref<100000x64xf32, #tpu.memory_space<hbm>> -> memref<128x64xf32, #tpu.memory_space<hbm>>
      %dma_start3A_1559 = arith.constant 0 : i32
      %dma_start3A_1560 = tpu.memref_slice %arg2[%add3A_836, %dma_start3A_1559] : memref<100000x64xf32, #tpu.memory_space<hbm>> -> memref<128x64xf32, #tpu.memory_space<hbm>>
      tpu.enqueue_dma source(%dma_start3A_1560 : memref<128x64xf32, #tpu.memory_space<hbm>>) target(%arg13 : memref<128x64xf32, #tpu.memory_space<vmem>>) target_semaphore(%arg24 : memref<!tpu.dma_semaphore, #tpu.memory_space<semaphore_mem>>)
    } else {
    }
    %eq3A_844 = arith.constant 99968 : i32
    %eq3A_845 = arith.cmpi eq, %add3A_836, %eq3A_844 : i32
    %convert_element_type3A_846 = arith.extui %eq3A_845 : i1 to i32
    %cond3A_847 = arith.constant 0 : i32
    %cond3A_848 = arith.cmpi ne, %convert_element_type3A_846, %cond3A_847 : i32
    scf.if %cond3A_848 {
      %dma_start3A_1557 = arith.constant 0 : i32
      %dma_start3A_1558 = arith.constant 0 : i32
      %dma_start3A_1559 = tpu.memref_slice %arg13[%dma_start3A_1557, %dma_start3A_1558] : memref<128x64xf32, #tpu.memory_space<vmem>> -> memref<32x64xf32, #tpu.memory_space<vmem>>
      %dma_start3A_1560 = arith.constant 0 : i32
      %dma_start3A_1561 = tpu.memref_slice %arg2[%add3A_836, %dma_start3A_1560] : memref<100000x64xf32, #tpu.memory_space<hbm>> -> memref<32x64xf32, #tpu.memory_space<hbm>>
      %dma_start3A_1562 = arith.constant 0 : i32
      %dma_start3A_1563 = arith.constant 0 : i32
      %dma_start3A_1564 = tpu.memref_slice %arg13[%dma_start3A_1562, %dma_start3A_1563] : memref<128x64xf32, #tpu.memory_space<vmem>> -> memref<32x64xf32, #tpu.memory_space<vmem>>
      %dma_start3A_1565 = arith.constant 0 : i32
      %dma_start3A_1566 = tpu.memref_slice %arg2[%add3A_836, %dma_start3A_1565] : memref<100000x64xf32, #tpu.memory_space<hbm>> -> memref<32x64xf32, #tpu.memory_space<hbm>>
      tpu.enqueue_dma source(%dma_start3A_1566 : memref<32x64xf32, #tpu.memory_space<hbm>>) target(%dma_start3A_1564 : memref<32x64xf32, #tpu.memory_space<vmem>>) target_semaphore(%arg24 : memref<!tpu.dma_semaphore, #tpu.memory_space<semaphore_mem>>)
    } else {
    }
    %mul3A_849 = arith.constant 3200 : i32
    %mul3A_850 = arith.muli %add3A, %mul3A_849 : i32
    %add3A_851 = arith.constant 1920 : i32
    %add3A_852 = arith.addi %mul3A_850, %add3A_851 : i32
    %add3A_853 = arith.constant 128 : i32
    %add3A_854 = arith.addi %add3A_852, %add3A_853 : i32
    %le3A_855 = arith.constant 100000 : i32
    %le3A_856 = arith.cmpi sle, %add3A_854, %le3A_855 : i32
    %convert_element_type3A_857 = arith.extui %le3A_856 : i1 to i32
    %cond3A_858 = arith.constant 0 : i32
    %cond3A_859 = arith.cmpi ne, %convert_element_type3A_857, %cond3A_858 : i32
    scf.if %cond3A_859 {
      %dma_wait3A_1557 = arith.constant 0 : i32
      %dma_wait3A_1558 = tpu.memref_slice %arg2[%add3A_852, %dma_wait3A_1557] : memref<100000x64xf32, #tpu.memory_space<hbm>> -> memref<128x64xf32, #tpu.memory_space<hbm>>
      %dma_wait3A_1559 = arith.constant 0 : i32
      %dma_wait3A_1560 = tpu.memref_slice %arg2[%add3A_852, %dma_wait3A_1559] : memref<100000x64xf32, #tpu.memory_space<hbm>> -> memref<128x64xf32, #tpu.memory_space<hbm>>
      tpu.wait_dma2 semaphore(%arg22 : memref<!tpu.dma_semaphore, #tpu.memory_space<semaphore_mem>>) src(%dma_wait3A_1560 : memref<128x64xf32, #tpu.memory_space<hbm>>) dst(%arg11 : memref<128x64xf32, #tpu.memory_space<vmem>>)
    } else {
    }
    %eq3A_860 = arith.constant 99968 : i32
    %eq3A_861 = arith.cmpi eq, %add3A_852, %eq3A_860 : i32
    %convert_element_type3A_862 = arith.extui %eq3A_861 : i1 to i32
    %cond3A_863 = arith.constant 0 : i32
    %cond3A_864 = arith.cmpi ne, %convert_element_type3A_862, %cond3A_863 : i32
    scf.if %cond3A_864 {
      %dma_wait3A_1557 = arith.constant 0 : i32
      %dma_wait3A_1558 = arith.constant 0 : i32
      %dma_wait3A_1559 = tpu.memref_slice %arg11[%dma_wait3A_1557, %dma_wait3A_1558] : memref<128x64xf32, #tpu.memory_space<vmem>> -> memref<32x64xf32, #tpu.memory_space<vmem>>
      %dma_wait3A_1560 = arith.constant 0 : i32
      %dma_wait3A_1561 = tpu.memref_slice %arg2[%add3A_852, %dma_wait3A_1560] : memref<100000x64xf32, #tpu.memory_space<hbm>> -> memref<32x64xf32, #tpu.memory_space<hbm>>
      %dma_wait3A_1562 = arith.constant 0 : i32
      %dma_wait3A_1563 = arith.constant 0 : i32
      %dma_wait3A_1564 = tpu.memref_slice %arg11[%dma_wait3A_1562, %dma_wait3A_1563] : memref<128x64xf32, #tpu.memory_space<vmem>> -> memref<32x64xf32, #tpu.memory_space<vmem>>
      %dma_wait3A_1565 = arith.constant 0 : i32
      %dma_wait3A_1566 = tpu.memref_slice %arg2[%add3A_852, %dma_wait3A_1565] : memref<100000x64xf32, #tpu.memory_space<hbm>> -> memref<32x64xf32, #tpu.memory_space<hbm>>
      tpu.wait_dma2 semaphore(%arg22 : memref<!tpu.dma_semaphore, #tpu.memory_space<semaphore_mem>>) src(%dma_wait3A_1566 : memref<32x64xf32, #tpu.memory_space<hbm>>) dst(%dma_wait3A_1564 : memref<32x64xf32, #tpu.memory_space<vmem>>)
    } else {
    }
    %dma_start3A_865 = arith.constant 15 : i32
    %dma_start3A_866 = arith.constant 0 : i32
    %dma_start3A_867 = tpu.memref_slice %arg16[%dma_start3A_865, %dma_start3A_866] : memref<25x128xi32, #tpu.memory_space<vmem>> -> memref<1x128xi32, #tpu.memory_space<vmem>>
    %dma_start3A_868 = tpu.memref_squeeze %dma_start3A_867 : memref<1x128xi32, #tpu.memory_space<vmem>> -> memref<128xi32, #tpu.memory_space<vmem>>
    %dma_start3A_869 = arith.constant 0 : i32
    %dma_start3A_870 = arith.constant 0 : i32
    %dma_start3A_871 = tpu.memref_slice %arg9[%dma_start3A_869, %dma_start3A_870] : memref<1024x64xf32, #tpu.memory_space<vmem_shared>> -> memref<1024x64xf32, #tpu.memory_space<vmem_shared>>
    tpu.enqueue_indirect_dma source(%arg11 : memref<128x64xf32, #tpu.memory_space<vmem>>) target(%dma_start3A_871 : memref<1024x64xf32, #tpu.memory_space<vmem_shared>>) offsets(%dma_start3A_868 : memref<128xi32, #tpu.memory_space<vmem>>) semaphore(%arg27 : memref<!tpu.dma_semaphore, #tpu.memory_space<semaphore_mem>>) {add = true}
    %dma_start3A_872 = arith.constant 15 : i32
    %dma_start3A_873 = arith.constant 0 : i32
    %dma_start3A_874 = tpu.memref_slice %arg16[%dma_start3A_872, %dma_start3A_873] : memref<25x128xi32, #tpu.memory_space<vmem>> -> memref<1x128xi32, #tpu.memory_space<vmem>>
    %dma_start3A_875 = tpu.memref_squeeze %dma_start3A_874 : memref<1x128xi32, #tpu.memory_space<vmem>> -> memref<128xi32, #tpu.memory_space<vmem>>
    %dma_start3A_876 = arith.constant 0 : i32
    %dma_start3A_877 = arith.constant 0 : i32
    %dma_start3A_878 = tpu.memref_slice %arg10[%dma_start3A_876, %dma_start3A_877] : memref<1024x16xf32, #tpu.memory_space<vmem_shared>> -> memref<1024x16xf32, #tpu.memory_space<vmem_shared>>
    tpu.enqueue_indirect_dma source(%arg17 : memref<128x16xf32, #tpu.memory_space<vmem>>) target(%dma_start3A_878 : memref<1024x16xf32, #tpu.memory_space<vmem_shared>>) offsets(%dma_start3A_875 : memref<128xi32, #tpu.memory_space<vmem>>) semaphore(%arg32 : memref<!tpu.dma_semaphore, #tpu.memory_space<semaphore_mem>>) {add = true}
    %dma_wait3A_879 = arith.constant 13 : i32
    %dma_wait3A_880 = arith.constant 0 : i32
    %dma_wait3A_881 = tpu.memref_slice %arg16[%dma_wait3A_879, %dma_wait3A_880] : memref<25x128xi32, #tpu.memory_space<vmem>> -> memref<1x128xi32, #tpu.memory_space<vmem>>
    %dma_wait3A_882 = tpu.memref_squeeze %dma_wait3A_881 : memref<1x128xi32, #tpu.memory_space<vmem>> -> memref<128xi32, #tpu.memory_space<vmem>>
    %dma_wait3A_883 = arith.constant 0 : i32
    %dma_wait3A_884 = arith.constant 0 : i32
    %dma_wait3A_885 = tpu.memref_slice %arg9[%dma_wait3A_883, %dma_wait3A_884] : memref<1024x64xf32, #tpu.memory_space<vmem_shared>> -> memref<1024x64xf32, #tpu.memory_space<vmem_shared>>
    tpu.wait_indirect_dma semaphore(%arg30 : memref<!tpu.dma_semaphore, #tpu.memory_space<semaphore_mem>>) src(%arg14 : memref<128x64xf32, #tpu.memory_space<vmem>>) dst(%dma_wait3A_885 : memref<1024x64xf32, #tpu.memory_space<vmem_shared>>)
    %mul3A_886 = arith.constant 3200 : i32
    %mul3A_887 = arith.muli %add3A, %mul3A_886 : i32
    %add3A_888 = arith.constant 2304 : i32
    %add3A_889 = arith.addi %mul3A_887, %add3A_888 : i32
    %add3A_890 = arith.constant 128 : i32
    %add3A_891 = arith.addi %add3A_889, %add3A_890 : i32
    %le3A_892 = arith.constant 100000 : i32
    %le3A_893 = arith.cmpi sle, %add3A_891, %le3A_892 : i32
    %convert_element_type3A_894 = arith.extui %le3A_893 : i1 to i32
    %cond3A_895 = arith.constant 0 : i32
    %cond3A_896 = arith.cmpi ne, %convert_element_type3A_894, %cond3A_895 : i32
    scf.if %cond3A_896 {
      %dma_start3A_1557 = arith.constant 0 : i32
      %dma_start3A_1558 = tpu.memref_slice %arg2[%add3A_889, %dma_start3A_1557] : memref<100000x64xf32, #tpu.memory_space<hbm>> -> memref<128x64xf32, #tpu.memory_space<hbm>>
      %dma_start3A_1559 = arith.constant 0 : i32
      %dma_start3A_1560 = tpu.memref_slice %arg2[%add3A_889, %dma_start3A_1559] : memref<100000x64xf32, #tpu.memory_space<hbm>> -> memref<128x64xf32, #tpu.memory_space<hbm>>
      tpu.enqueue_dma source(%dma_start3A_1560 : memref<128x64xf32, #tpu.memory_space<hbm>>) target(%arg14 : memref<128x64xf32, #tpu.memory_space<vmem>>) target_semaphore(%arg25 : memref<!tpu.dma_semaphore, #tpu.memory_space<semaphore_mem>>)
    } else {
    }
    %eq3A_897 = arith.constant 99968 : i32
    %eq3A_898 = arith.cmpi eq, %add3A_889, %eq3A_897 : i32
    %convert_element_type3A_899 = arith.extui %eq3A_898 : i1 to i32
    %cond3A_900 = arith.constant 0 : i32
    %cond3A_901 = arith.cmpi ne, %convert_element_type3A_899, %cond3A_900 : i32
    scf.if %cond3A_901 {
      %dma_start3A_1557 = arith.constant 0 : i32
      %dma_start3A_1558 = arith.constant 0 : i32
      %dma_start3A_1559 = tpu.memref_slice %arg14[%dma_start3A_1557, %dma_start3A_1558] : memref<128x64xf32, #tpu.memory_space<vmem>> -> memref<32x64xf32, #tpu.memory_space<vmem>>
      %dma_start3A_1560 = arith.constant 0 : i32
      %dma_start3A_1561 = tpu.memref_slice %arg2[%add3A_889, %dma_start3A_1560] : memref<100000x64xf32, #tpu.memory_space<hbm>> -> memref<32x64xf32, #tpu.memory_space<hbm>>
      %dma_start3A_1562 = arith.constant 0 : i32
      %dma_start3A_1563 = arith.constant 0 : i32
      %dma_start3A_1564 = tpu.memref_slice %arg14[%dma_start3A_1562, %dma_start3A_1563] : memref<128x64xf32, #tpu.memory_space<vmem>> -> memref<32x64xf32, #tpu.memory_space<vmem>>
      %dma_start3A_1565 = arith.constant 0 : i32
      %dma_start3A_1566 = tpu.memref_slice %arg2[%add3A_889, %dma_start3A_1565] : memref<100000x64xf32, #tpu.memory_space<hbm>> -> memref<32x64xf32, #tpu.memory_space<hbm>>
      tpu.enqueue_dma source(%dma_start3A_1566 : memref<32x64xf32, #tpu.memory_space<hbm>>) target(%dma_start3A_1564 : memref<32x64xf32, #tpu.memory_space<vmem>>) target_semaphore(%arg25 : memref<!tpu.dma_semaphore, #tpu.memory_space<semaphore_mem>>)
    } else {
    }
    %mul3A_902 = arith.constant 3200 : i32
    %mul3A_903 = arith.muli %add3A, %mul3A_902 : i32
    %add3A_904 = arith.constant 2048 : i32
    %add3A_905 = arith.addi %mul3A_903, %add3A_904 : i32
    %add3A_906 = arith.constant 128 : i32
    %add3A_907 = arith.addi %add3A_905, %add3A_906 : i32
    %le3A_908 = arith.constant 100000 : i32
    %le3A_909 = arith.cmpi sle, %add3A_907, %le3A_908 : i32
    %convert_element_type3A_910 = arith.extui %le3A_909 : i1 to i32
    %cond3A_911 = arith.constant 0 : i32
    %cond3A_912 = arith.cmpi ne, %convert_element_type3A_910, %cond3A_911 : i32
    scf.if %cond3A_912 {
      %dma_wait3A_1557 = arith.constant 0 : i32
      %dma_wait3A_1558 = tpu.memref_slice %arg2[%add3A_905, %dma_wait3A_1557] : memref<100000x64xf32, #tpu.memory_space<hbm>> -> memref<128x64xf32, #tpu.memory_space<hbm>>
      %dma_wait3A_1559 = arith.constant 0 : i32
      %dma_wait3A_1560 = tpu.memref_slice %arg2[%add3A_905, %dma_wait3A_1559] : memref<100000x64xf32, #tpu.memory_space<hbm>> -> memref<128x64xf32, #tpu.memory_space<hbm>>
      tpu.wait_dma2 semaphore(%arg23 : memref<!tpu.dma_semaphore, #tpu.memory_space<semaphore_mem>>) src(%dma_wait3A_1560 : memref<128x64xf32, #tpu.memory_space<hbm>>) dst(%arg12 : memref<128x64xf32, #tpu.memory_space<vmem>>)
    } else {
    }
    %eq3A_913 = arith.constant 99968 : i32
    %eq3A_914 = arith.cmpi eq, %add3A_905, %eq3A_913 : i32
    %convert_element_type3A_915 = arith.extui %eq3A_914 : i1 to i32
    %cond3A_916 = arith.constant 0 : i32
    %cond3A_917 = arith.cmpi ne, %convert_element_type3A_915, %cond3A_916 : i32
    scf.if %cond3A_917 {
      %dma_wait3A_1557 = arith.constant 0 : i32
      %dma_wait3A_1558 = arith.constant 0 : i32
      %dma_wait3A_1559 = tpu.memref_slice %arg12[%dma_wait3A_1557, %dma_wait3A_1558] : memref<128x64xf32, #tpu.memory_space<vmem>> -> memref<32x64xf32, #tpu.memory_space<vmem>>
      %dma_wait3A_1560 = arith.constant 0 : i32
      %dma_wait3A_1561 = tpu.memref_slice %arg2[%add3A_905, %dma_wait3A_1560] : memref<100000x64xf32, #tpu.memory_space<hbm>> -> memref<32x64xf32, #tpu.memory_space<hbm>>
      %dma_wait3A_1562 = arith.constant 0 : i32
      %dma_wait3A_1563 = arith.constant 0 : i32
      %dma_wait3A_1564 = tpu.memref_slice %arg12[%dma_wait3A_1562, %dma_wait3A_1563] : memref<128x64xf32, #tpu.memory_space<vmem>> -> memref<32x64xf32, #tpu.memory_space<vmem>>
      %dma_wait3A_1565 = arith.constant 0 : i32
      %dma_wait3A_1566 = tpu.memref_slice %arg2[%add3A_905, %dma_wait3A_1565] : memref<100000x64xf32, #tpu.memory_space<hbm>> -> memref<32x64xf32, #tpu.memory_space<hbm>>
      tpu.wait_dma2 semaphore(%arg23 : memref<!tpu.dma_semaphore, #tpu.memory_space<semaphore_mem>>) src(%dma_wait3A_1566 : memref<32x64xf32, #tpu.memory_space<hbm>>) dst(%dma_wait3A_1564 : memref<32x64xf32, #tpu.memory_space<vmem>>)
    } else {
    }
    %dma_start3A_918 = arith.constant 16 : i32
    %dma_start3A_919 = arith.constant 0 : i32
    %dma_start3A_920 = tpu.memref_slice %arg16[%dma_start3A_918, %dma_start3A_919] : memref<25x128xi32, #tpu.memory_space<vmem>> -> memref<1x128xi32, #tpu.memory_space<vmem>>
    %dma_start3A_921 = tpu.memref_squeeze %dma_start3A_920 : memref<1x128xi32, #tpu.memory_space<vmem>> -> memref<128xi32, #tpu.memory_space<vmem>>
    %dma_start3A_922 = arith.constant 0 : i32
    %dma_start3A_923 = arith.constant 0 : i32
    %dma_start3A_924 = tpu.memref_slice %arg9[%dma_start3A_922, %dma_start3A_923] : memref<1024x64xf32, #tpu.memory_space<vmem_shared>> -> memref<1024x64xf32, #tpu.memory_space<vmem_shared>>
    tpu.enqueue_indirect_dma source(%arg12 : memref<128x64xf32, #tpu.memory_space<vmem>>) target(%dma_start3A_924 : memref<1024x64xf32, #tpu.memory_space<vmem_shared>>) offsets(%dma_start3A_921 : memref<128xi32, #tpu.memory_space<vmem>>) semaphore(%arg28 : memref<!tpu.dma_semaphore, #tpu.memory_space<semaphore_mem>>) {add = true}
    %dma_start3A_925 = arith.constant 16 : i32
    %dma_start3A_926 = arith.constant 0 : i32
    %dma_start3A_927 = tpu.memref_slice %arg16[%dma_start3A_925, %dma_start3A_926] : memref<25x128xi32, #tpu.memory_space<vmem>> -> memref<1x128xi32, #tpu.memory_space<vmem>>
    %dma_start3A_928 = tpu.memref_squeeze %dma_start3A_927 : memref<1x128xi32, #tpu.memory_space<vmem>> -> memref<128xi32, #tpu.memory_space<vmem>>
    %dma_start3A_929 = arith.constant 0 : i32
    %dma_start3A_930 = arith.constant 0 : i32
    %dma_start3A_931 = tpu.memref_slice %arg10[%dma_start3A_929, %dma_start3A_930] : memref<1024x16xf32, #tpu.memory_space<vmem_shared>> -> memref<1024x16xf32, #tpu.memory_space<vmem_shared>>
    tpu.enqueue_indirect_dma source(%arg17 : memref<128x16xf32, #tpu.memory_space<vmem>>) target(%dma_start3A_931 : memref<1024x16xf32, #tpu.memory_space<vmem_shared>>) offsets(%dma_start3A_928 : memref<128xi32, #tpu.memory_space<vmem>>) semaphore(%arg32 : memref<!tpu.dma_semaphore, #tpu.memory_space<semaphore_mem>>) {add = true}
    %dma_wait3A_932 = arith.constant 14 : i32
    %dma_wait3A_933 = arith.constant 0 : i32
    %dma_wait3A_934 = tpu.memref_slice %arg16[%dma_wait3A_932, %dma_wait3A_933] : memref<25x128xi32, #tpu.memory_space<vmem>> -> memref<1x128xi32, #tpu.memory_space<vmem>>
    %dma_wait3A_935 = tpu.memref_squeeze %dma_wait3A_934 : memref<1x128xi32, #tpu.memory_space<vmem>> -> memref<128xi32, #tpu.memory_space<vmem>>
    %dma_wait3A_936 = arith.constant 0 : i32
    %dma_wait3A_937 = arith.constant 0 : i32
    %dma_wait3A_938 = tpu.memref_slice %arg9[%dma_wait3A_936, %dma_wait3A_937] : memref<1024x64xf32, #tpu.memory_space<vmem_shared>> -> memref<1024x64xf32, #tpu.memory_space<vmem_shared>>
    tpu.wait_indirect_dma semaphore(%arg31 : memref<!tpu.dma_semaphore, #tpu.memory_space<semaphore_mem>>) src(%arg15 : memref<128x64xf32, #tpu.memory_space<vmem>>) dst(%dma_wait3A_938 : memref<1024x64xf32, #tpu.memory_space<vmem_shared>>)
    %mul3A_939 = arith.constant 3200 : i32
    %mul3A_940 = arith.muli %add3A, %mul3A_939 : i32
    %add3A_941 = arith.constant 2432 : i32
    %add3A_942 = arith.addi %mul3A_940, %add3A_941 : i32
    %add3A_943 = arith.constant 128 : i32
    %add3A_944 = arith.addi %add3A_942, %add3A_943 : i32
    %le3A_945 = arith.constant 100000 : i32
    %le3A_946 = arith.cmpi sle, %add3A_944, %le3A_945 : i32
    %convert_element_type3A_947 = arith.extui %le3A_946 : i1 to i32
    %cond3A_948 = arith.constant 0 : i32
    %cond3A_949 = arith.cmpi ne, %convert_element_type3A_947, %cond3A_948 : i32
    scf.if %cond3A_949 {
      %dma_start3A_1557 = arith.constant 0 : i32
      %dma_start3A_1558 = tpu.memref_slice %arg2[%add3A_942, %dma_start3A_1557] : memref<100000x64xf32, #tpu.memory_space<hbm>> -> memref<128x64xf32, #tpu.memory_space<hbm>>
      %dma_start3A_1559 = arith.constant 0 : i32
      %dma_start3A_1560 = tpu.memref_slice %arg2[%add3A_942, %dma_start3A_1559] : memref<100000x64xf32, #tpu.memory_space<hbm>> -> memref<128x64xf32, #tpu.memory_space<hbm>>
      tpu.enqueue_dma source(%dma_start3A_1560 : memref<128x64xf32, #tpu.memory_space<hbm>>) target(%arg15 : memref<128x64xf32, #tpu.memory_space<vmem>>) target_semaphore(%arg26 : memref<!tpu.dma_semaphore, #tpu.memory_space<semaphore_mem>>)
    } else {
    }
    %eq3A_950 = arith.constant 99968 : i32
    %eq3A_951 = arith.cmpi eq, %add3A_942, %eq3A_950 : i32
    %convert_element_type3A_952 = arith.extui %eq3A_951 : i1 to i32
    %cond3A_953 = arith.constant 0 : i32
    %cond3A_954 = arith.cmpi ne, %convert_element_type3A_952, %cond3A_953 : i32
    scf.if %cond3A_954 {
      %dma_start3A_1557 = arith.constant 0 : i32
      %dma_start3A_1558 = arith.constant 0 : i32
      %dma_start3A_1559 = tpu.memref_slice %arg15[%dma_start3A_1557, %dma_start3A_1558] : memref<128x64xf32, #tpu.memory_space<vmem>> -> memref<32x64xf32, #tpu.memory_space<vmem>>
      %dma_start3A_1560 = arith.constant 0 : i32
      %dma_start3A_1561 = tpu.memref_slice %arg2[%add3A_942, %dma_start3A_1560] : memref<100000x64xf32, #tpu.memory_space<hbm>> -> memref<32x64xf32, #tpu.memory_space<hbm>>
      %dma_start3A_1562 = arith.constant 0 : i32
      %dma_start3A_1563 = arith.constant 0 : i32
      %dma_start3A_1564 = tpu.memref_slice %arg15[%dma_start3A_1562, %dma_start3A_1563] : memref<128x64xf32, #tpu.memory_space<vmem>> -> memref<32x64xf32, #tpu.memory_space<vmem>>
      %dma_start3A_1565 = arith.constant 0 : i32
      %dma_start3A_1566 = tpu.memref_slice %arg2[%add3A_942, %dma_start3A_1565] : memref<100000x64xf32, #tpu.memory_space<hbm>> -> memref<32x64xf32, #tpu.memory_space<hbm>>
      tpu.enqueue_dma source(%dma_start3A_1566 : memref<32x64xf32, #tpu.memory_space<hbm>>) target(%dma_start3A_1564 : memref<32x64xf32, #tpu.memory_space<vmem>>) target_semaphore(%arg26 : memref<!tpu.dma_semaphore, #tpu.memory_space<semaphore_mem>>)
    } else {
    }
    %mul3A_955 = arith.constant 3200 : i32
    %mul3A_956 = arith.muli %add3A, %mul3A_955 : i32
    %add3A_957 = arith.constant 2176 : i32
    %add3A_958 = arith.addi %mul3A_956, %add3A_957 : i32
    %add3A_959 = arith.constant 128 : i32
    %add3A_960 = arith.addi %add3A_958, %add3A_959 : i32
    %le3A_961 = arith.constant 100000 : i32
    %le3A_962 = arith.cmpi sle, %add3A_960, %le3A_961 : i32
    %convert_element_type3A_963 = arith.extui %le3A_962 : i1 to i32
    %cond3A_964 = arith.constant 0 : i32
    %cond3A_965 = arith.cmpi ne, %convert_element_type3A_963, %cond3A_964 : i32
    scf.if %cond3A_965 {
      %dma_wait3A_1557 = arith.constant 0 : i32
      %dma_wait3A_1558 = tpu.memref_slice %arg2[%add3A_958, %dma_wait3A_1557] : memref<100000x64xf32, #tpu.memory_space<hbm>> -> memref<128x64xf32, #tpu.memory_space<hbm>>
      %dma_wait3A_1559 = arith.constant 0 : i32
      %dma_wait3A_1560 = tpu.memref_slice %arg2[%add3A_958, %dma_wait3A_1559] : memref<100000x64xf32, #tpu.memory_space<hbm>> -> memref<128x64xf32, #tpu.memory_space<hbm>>
      tpu.wait_dma2 semaphore(%arg24 : memref<!tpu.dma_semaphore, #tpu.memory_space<semaphore_mem>>) src(%dma_wait3A_1560 : memref<128x64xf32, #tpu.memory_space<hbm>>) dst(%arg13 : memref<128x64xf32, #tpu.memory_space<vmem>>)
    } else {
    }
    %eq3A_966 = arith.constant 99968 : i32
    %eq3A_967 = arith.cmpi eq, %add3A_958, %eq3A_966 : i32
    %convert_element_type3A_968 = arith.extui %eq3A_967 : i1 to i32
    %cond3A_969 = arith.constant 0 : i32
    %cond3A_970 = arith.cmpi ne, %convert_element_type3A_968, %cond3A_969 : i32
    scf.if %cond3A_970 {
      %dma_wait3A_1557 = arith.constant 0 : i32
      %dma_wait3A_1558 = arith.constant 0 : i32
      %dma_wait3A_1559 = tpu.memref_slice %arg13[%dma_wait3A_1557, %dma_wait3A_1558] : memref<128x64xf32, #tpu.memory_space<vmem>> -> memref<32x64xf32, #tpu.memory_space<vmem>>
      %dma_wait3A_1560 = arith.constant 0 : i32
      %dma_wait3A_1561 = tpu.memref_slice %arg2[%add3A_958, %dma_wait3A_1560] : memref<100000x64xf32, #tpu.memory_space<hbm>> -> memref<32x64xf32, #tpu.memory_space<hbm>>
      %dma_wait3A_1562 = arith.constant 0 : i32
      %dma_wait3A_1563 = arith.constant 0 : i32
      %dma_wait3A_1564 = tpu.memref_slice %arg13[%dma_wait3A_1562, %dma_wait3A_1563] : memref<128x64xf32, #tpu.memory_space<vmem>> -> memref<32x64xf32, #tpu.memory_space<vmem>>
      %dma_wait3A_1565 = arith.constant 0 : i32
      %dma_wait3A_1566 = tpu.memref_slice %arg2[%add3A_958, %dma_wait3A_1565] : memref<100000x64xf32, #tpu.memory_space<hbm>> -> memref<32x64xf32, #tpu.memory_space<hbm>>
      tpu.wait_dma2 semaphore(%arg24 : memref<!tpu.dma_semaphore, #tpu.memory_space<semaphore_mem>>) src(%dma_wait3A_1566 : memref<32x64xf32, #tpu.memory_space<hbm>>) dst(%dma_wait3A_1564 : memref<32x64xf32, #tpu.memory_space<vmem>>)
    } else {
    }
    %dma_start3A_971 = arith.constant 17 : i32
    %dma_start3A_972 = arith.constant 0 : i32
    %dma_start3A_973 = tpu.memref_slice %arg16[%dma_start3A_971, %dma_start3A_972] : memref<25x128xi32, #tpu.memory_space<vmem>> -> memref<1x128xi32, #tpu.memory_space<vmem>>
    %dma_start3A_974 = tpu.memref_squeeze %dma_start3A_973 : memref<1x128xi32, #tpu.memory_space<vmem>> -> memref<128xi32, #tpu.memory_space<vmem>>
    %dma_start3A_975 = arith.constant 0 : i32
    %dma_start3A_976 = arith.constant 0 : i32
    %dma_start3A_977 = tpu.memref_slice %arg9[%dma_start3A_975, %dma_start3A_976] : memref<1024x64xf32, #tpu.memory_space<vmem_shared>> -> memref<1024x64xf32, #tpu.memory_space<vmem_shared>>
    tpu.enqueue_indirect_dma source(%arg13 : memref<128x64xf32, #tpu.memory_space<vmem>>) target(%dma_start3A_977 : memref<1024x64xf32, #tpu.memory_space<vmem_shared>>) offsets(%dma_start3A_974 : memref<128xi32, #tpu.memory_space<vmem>>) semaphore(%arg29 : memref<!tpu.dma_semaphore, #tpu.memory_space<semaphore_mem>>) {add = true}
    %dma_start3A_978 = arith.constant 17 : i32
    %dma_start3A_979 = arith.constant 0 : i32
    %dma_start3A_980 = tpu.memref_slice %arg16[%dma_start3A_978, %dma_start3A_979] : memref<25x128xi32, #tpu.memory_space<vmem>> -> memref<1x128xi32, #tpu.memory_space<vmem>>
    %dma_start3A_981 = tpu.memref_squeeze %dma_start3A_980 : memref<1x128xi32, #tpu.memory_space<vmem>> -> memref<128xi32, #tpu.memory_space<vmem>>
    %dma_start3A_982 = arith.constant 0 : i32
    %dma_start3A_983 = arith.constant 0 : i32
    %dma_start3A_984 = tpu.memref_slice %arg10[%dma_start3A_982, %dma_start3A_983] : memref<1024x16xf32, #tpu.memory_space<vmem_shared>> -> memref<1024x16xf32, #tpu.memory_space<vmem_shared>>
    tpu.enqueue_indirect_dma source(%arg17 : memref<128x16xf32, #tpu.memory_space<vmem>>) target(%dma_start3A_984 : memref<1024x16xf32, #tpu.memory_space<vmem_shared>>) offsets(%dma_start3A_981 : memref<128xi32, #tpu.memory_space<vmem>>) semaphore(%arg32 : memref<!tpu.dma_semaphore, #tpu.memory_space<semaphore_mem>>) {add = true}
    %dma_wait3A_985 = arith.constant 15 : i32
    %dma_wait3A_986 = arith.constant 0 : i32
    %dma_wait3A_987 = tpu.memref_slice %arg16[%dma_wait3A_985, %dma_wait3A_986] : memref<25x128xi32, #tpu.memory_space<vmem>> -> memref<1x128xi32, #tpu.memory_space<vmem>>
    %dma_wait3A_988 = tpu.memref_squeeze %dma_wait3A_987 : memref<1x128xi32, #tpu.memory_space<vmem>> -> memref<128xi32, #tpu.memory_space<vmem>>
    %dma_wait3A_989 = arith.constant 0 : i32
    %dma_wait3A_990 = arith.constant 0 : i32
    %dma_wait3A_991 = tpu.memref_slice %arg9[%dma_wait3A_989, %dma_wait3A_990] : memref<1024x64xf32, #tpu.memory_space<vmem_shared>> -> memref<1024x64xf32, #tpu.memory_space<vmem_shared>>
    tpu.wait_indirect_dma semaphore(%arg27 : memref<!tpu.dma_semaphore, #tpu.memory_space<semaphore_mem>>) src(%arg11 : memref<128x64xf32, #tpu.memory_space<vmem>>) dst(%dma_wait3A_991 : memref<1024x64xf32, #tpu.memory_space<vmem_shared>>)
    %mul3A_992 = arith.constant 3200 : i32
    %mul3A_993 = arith.muli %add3A, %mul3A_992 : i32
    %add3A_994 = arith.constant 2560 : i32
    %add3A_995 = arith.addi %mul3A_993, %add3A_994 : i32
    %add3A_996 = arith.constant 128 : i32
    %add3A_997 = arith.addi %add3A_995, %add3A_996 : i32
    %le3A_998 = arith.constant 100000 : i32
    %le3A_999 = arith.cmpi sle, %add3A_997, %le3A_998 : i32
    %convert_element_type3A_1000 = arith.extui %le3A_999 : i1 to i32
    %cond3A_1001 = arith.constant 0 : i32
    %cond3A_1002 = arith.cmpi ne, %convert_element_type3A_1000, %cond3A_1001 : i32
    scf.if %cond3A_1002 {
      %dma_start3A_1557 = arith.constant 0 : i32
      %dma_start3A_1558 = tpu.memref_slice %arg2[%add3A_995, %dma_start3A_1557] : memref<100000x64xf32, #tpu.memory_space<hbm>> -> memref<128x64xf32, #tpu.memory_space<hbm>>
      %dma_start3A_1559 = arith.constant 0 : i32
      %dma_start3A_1560 = tpu.memref_slice %arg2[%add3A_995, %dma_start3A_1559] : memref<100000x64xf32, #tpu.memory_space<hbm>> -> memref<128x64xf32, #tpu.memory_space<hbm>>
      tpu.enqueue_dma source(%dma_start3A_1560 : memref<128x64xf32, #tpu.memory_space<hbm>>) target(%arg11 : memref<128x64xf32, #tpu.memory_space<vmem>>) target_semaphore(%arg22 : memref<!tpu.dma_semaphore, #tpu.memory_space<semaphore_mem>>)
    } else {
    }
    %eq3A_1003 = arith.constant 99968 : i32
    %eq3A_1004 = arith.cmpi eq, %add3A_995, %eq3A_1003 : i32
    %convert_element_type3A_1005 = arith.extui %eq3A_1004 : i1 to i32
    %cond3A_1006 = arith.constant 0 : i32
    %cond3A_1007 = arith.cmpi ne, %convert_element_type3A_1005, %cond3A_1006 : i32
    scf.if %cond3A_1007 {
      %dma_start3A_1557 = arith.constant 0 : i32
      %dma_start3A_1558 = arith.constant 0 : i32
      %dma_start3A_1559 = tpu.memref_slice %arg11[%dma_start3A_1557, %dma_start3A_1558] : memref<128x64xf32, #tpu.memory_space<vmem>> -> memref<32x64xf32, #tpu.memory_space<vmem>>
      %dma_start3A_1560 = arith.constant 0 : i32
      %dma_start3A_1561 = tpu.memref_slice %arg2[%add3A_995, %dma_start3A_1560] : memref<100000x64xf32, #tpu.memory_space<hbm>> -> memref<32x64xf32, #tpu.memory_space<hbm>>
      %dma_start3A_1562 = arith.constant 0 : i32
      %dma_start3A_1563 = arith.constant 0 : i32
      %dma_start3A_1564 = tpu.memref_slice %arg11[%dma_start3A_1562, %dma_start3A_1563] : memref<128x64xf32, #tpu.memory_space<vmem>> -> memref<32x64xf32, #tpu.memory_space<vmem>>
      %dma_start3A_1565 = arith.constant 0 : i32
      %dma_start3A_1566 = tpu.memref_slice %arg2[%add3A_995, %dma_start3A_1565] : memref<100000x64xf32, #tpu.memory_space<hbm>> -> memref<32x64xf32, #tpu.memory_space<hbm>>
      tpu.enqueue_dma source(%dma_start3A_1566 : memref<32x64xf32, #tpu.memory_space<hbm>>) target(%dma_start3A_1564 : memref<32x64xf32, #tpu.memory_space<vmem>>) target_semaphore(%arg22 : memref<!tpu.dma_semaphore, #tpu.memory_space<semaphore_mem>>)
    } else {
    }
    %mul3A_1008 = arith.constant 3200 : i32
    %mul3A_1009 = arith.muli %add3A, %mul3A_1008 : i32
    %add3A_1010 = arith.constant 2304 : i32
    %add3A_1011 = arith.addi %mul3A_1009, %add3A_1010 : i32
    %add3A_1012 = arith.constant 128 : i32
    %add3A_1013 = arith.addi %add3A_1011, %add3A_1012 : i32
    %le3A_1014 = arith.constant 100000 : i32
    %le3A_1015 = arith.cmpi sle, %add3A_1013, %le3A_1014 : i32
    %convert_element_type3A_1016 = arith.extui %le3A_1015 : i1 to i32
    %cond3A_1017 = arith.constant 0 : i32
    %cond3A_1018 = arith.cmpi ne, %convert_element_type3A_1016, %cond3A_1017 : i32
    scf.if %cond3A_1018 {
      %dma_wait3A_1557 = arith.constant 0 : i32
      %dma_wait3A_1558 = tpu.memref_slice %arg2[%add3A_1011, %dma_wait3A_1557] : memref<100000x64xf32, #tpu.memory_space<hbm>> -> memref<128x64xf32, #tpu.memory_space<hbm>>
      %dma_wait3A_1559 = arith.constant 0 : i32
      %dma_wait3A_1560 = tpu.memref_slice %arg2[%add3A_1011, %dma_wait3A_1559] : memref<100000x64xf32, #tpu.memory_space<hbm>> -> memref<128x64xf32, #tpu.memory_space<hbm>>
      tpu.wait_dma2 semaphore(%arg25 : memref<!tpu.dma_semaphore, #tpu.memory_space<semaphore_mem>>) src(%dma_wait3A_1560 : memref<128x64xf32, #tpu.memory_space<hbm>>) dst(%arg14 : memref<128x64xf32, #tpu.memory_space<vmem>>)
    } else {
    }
    %eq3A_1019 = arith.constant 99968 : i32
    %eq3A_1020 = arith.cmpi eq, %add3A_1011, %eq3A_1019 : i32
    %convert_element_type3A_1021 = arith.extui %eq3A_1020 : i1 to i32
    %cond3A_1022 = arith.constant 0 : i32
    %cond3A_1023 = arith.cmpi ne, %convert_element_type3A_1021, %cond3A_1022 : i32
    scf.if %cond3A_1023 {
      %dma_wait3A_1557 = arith.constant 0 : i32
      %dma_wait3A_1558 = arith.constant 0 : i32
      %dma_wait3A_1559 = tpu.memref_slice %arg14[%dma_wait3A_1557, %dma_wait3A_1558] : memref<128x64xf32, #tpu.memory_space<vmem>> -> memref<32x64xf32, #tpu.memory_space<vmem>>
      %dma_wait3A_1560 = arith.constant 0 : i32
      %dma_wait3A_1561 = tpu.memref_slice %arg2[%add3A_1011, %dma_wait3A_1560] : memref<100000x64xf32, #tpu.memory_space<hbm>> -> memref<32x64xf32, #tpu.memory_space<hbm>>
      %dma_wait3A_1562 = arith.constant 0 : i32
      %dma_wait3A_1563 = arith.constant 0 : i32
      %dma_wait3A_1564 = tpu.memref_slice %arg14[%dma_wait3A_1562, %dma_wait3A_1563] : memref<128x64xf32, #tpu.memory_space<vmem>> -> memref<32x64xf32, #tpu.memory_space<vmem>>
      %dma_wait3A_1565 = arith.constant 0 : i32
      %dma_wait3A_1566 = tpu.memref_slice %arg2[%add3A_1011, %dma_wait3A_1565] : memref<100000x64xf32, #tpu.memory_space<hbm>> -> memref<32x64xf32, #tpu.memory_space<hbm>>
      tpu.wait_dma2 semaphore(%arg25 : memref<!tpu.dma_semaphore, #tpu.memory_space<semaphore_mem>>) src(%dma_wait3A_1566 : memref<32x64xf32, #tpu.memory_space<hbm>>) dst(%dma_wait3A_1564 : memref<32x64xf32, #tpu.memory_space<vmem>>)
    } else {
    }
    %dma_start3A_1024 = arith.constant 18 : i32
    %dma_start3A_1025 = arith.constant 0 : i32
    %dma_start3A_1026 = tpu.memref_slice %arg16[%dma_start3A_1024, %dma_start3A_1025] : memref<25x128xi32, #tpu.memory_space<vmem>> -> memref<1x128xi32, #tpu.memory_space<vmem>>
    %dma_start3A_1027 = tpu.memref_squeeze %dma_start3A_1026 : memref<1x128xi32, #tpu.memory_space<vmem>> -> memref<128xi32, #tpu.memory_space<vmem>>
    %dma_start3A_1028 = arith.constant 0 : i32
    %dma_start3A_1029 = arith.constant 0 : i32
    %dma_start3A_1030 = tpu.memref_slice %arg9[%dma_start3A_1028, %dma_start3A_1029] : memref<1024x64xf32, #tpu.memory_space<vmem_shared>> -> memref<1024x64xf32, #tpu.memory_space<vmem_shared>>
    tpu.enqueue_indirect_dma source(%arg14 : memref<128x64xf32, #tpu.memory_space<vmem>>) target(%dma_start3A_1030 : memref<1024x64xf32, #tpu.memory_space<vmem_shared>>) offsets(%dma_start3A_1027 : memref<128xi32, #tpu.memory_space<vmem>>) semaphore(%arg30 : memref<!tpu.dma_semaphore, #tpu.memory_space<semaphore_mem>>) {add = true}
    %dma_start3A_1031 = arith.constant 18 : i32
    %dma_start3A_1032 = arith.constant 0 : i32
    %dma_start3A_1033 = tpu.memref_slice %arg16[%dma_start3A_1031, %dma_start3A_1032] : memref<25x128xi32, #tpu.memory_space<vmem>> -> memref<1x128xi32, #tpu.memory_space<vmem>>
    %dma_start3A_1034 = tpu.memref_squeeze %dma_start3A_1033 : memref<1x128xi32, #tpu.memory_space<vmem>> -> memref<128xi32, #tpu.memory_space<vmem>>
    %dma_start3A_1035 = arith.constant 0 : i32
    %dma_start3A_1036 = arith.constant 0 : i32
    %dma_start3A_1037 = tpu.memref_slice %arg10[%dma_start3A_1035, %dma_start3A_1036] : memref<1024x16xf32, #tpu.memory_space<vmem_shared>> -> memref<1024x16xf32, #tpu.memory_space<vmem_shared>>
    tpu.enqueue_indirect_dma source(%arg17 : memref<128x16xf32, #tpu.memory_space<vmem>>) target(%dma_start3A_1037 : memref<1024x16xf32, #tpu.memory_space<vmem_shared>>) offsets(%dma_start3A_1034 : memref<128xi32, #tpu.memory_space<vmem>>) semaphore(%arg32 : memref<!tpu.dma_semaphore, #tpu.memory_space<semaphore_mem>>) {add = true}
    %dma_wait3A_1038 = arith.constant 16 : i32
    %dma_wait3A_1039 = arith.constant 0 : i32
    %dma_wait3A_1040 = tpu.memref_slice %arg16[%dma_wait3A_1038, %dma_wait3A_1039] : memref<25x128xi32, #tpu.memory_space<vmem>> -> memref<1x128xi32, #tpu.memory_space<vmem>>
    %dma_wait3A_1041 = tpu.memref_squeeze %dma_wait3A_1040 : memref<1x128xi32, #tpu.memory_space<vmem>> -> memref<128xi32, #tpu.memory_space<vmem>>
    %dma_wait3A_1042 = arith.constant 0 : i32
    %dma_wait3A_1043 = arith.constant 0 : i32
    %dma_wait3A_1044 = tpu.memref_slice %arg9[%dma_wait3A_1042, %dma_wait3A_1043] : memref<1024x64xf32, #tpu.memory_space<vmem_shared>> -> memref<1024x64xf32, #tpu.memory_space<vmem_shared>>
    tpu.wait_indirect_dma semaphore(%arg28 : memref<!tpu.dma_semaphore, #tpu.memory_space<semaphore_mem>>) src(%arg12 : memref<128x64xf32, #tpu.memory_space<vmem>>) dst(%dma_wait3A_1044 : memref<1024x64xf32, #tpu.memory_space<vmem_shared>>)
    %mul3A_1045 = arith.constant 3200 : i32
    %mul3A_1046 = arith.muli %add3A, %mul3A_1045 : i32
    %add3A_1047 = arith.constant 2688 : i32
    %add3A_1048 = arith.addi %mul3A_1046, %add3A_1047 : i32
    %add3A_1049 = arith.constant 128 : i32
    %add3A_1050 = arith.addi %add3A_1048, %add3A_1049 : i32
    %le3A_1051 = arith.constant 100000 : i32
    %le3A_1052 = arith.cmpi sle, %add3A_1050, %le3A_1051 : i32
    %convert_element_type3A_1053 = arith.extui %le3A_1052 : i1 to i32
    %cond3A_1054 = arith.constant 0 : i32
    %cond3A_1055 = arith.cmpi ne, %convert_element_type3A_1053, %cond3A_1054 : i32
    scf.if %cond3A_1055 {
      %dma_start3A_1557 = arith.constant 0 : i32
      %dma_start3A_1558 = tpu.memref_slice %arg2[%add3A_1048, %dma_start3A_1557] : memref<100000x64xf32, #tpu.memory_space<hbm>> -> memref<128x64xf32, #tpu.memory_space<hbm>>
      %dma_start3A_1559 = arith.constant 0 : i32
      %dma_start3A_1560 = tpu.memref_slice %arg2[%add3A_1048, %dma_start3A_1559] : memref<100000x64xf32, #tpu.memory_space<hbm>> -> memref<128x64xf32, #tpu.memory_space<hbm>>
      tpu.enqueue_dma source(%dma_start3A_1560 : memref<128x64xf32, #tpu.memory_space<hbm>>) target(%arg12 : memref<128x64xf32, #tpu.memory_space<vmem>>) target_semaphore(%arg23 : memref<!tpu.dma_semaphore, #tpu.memory_space<semaphore_mem>>)
    } else {
    }
    %eq3A_1056 = arith.constant 99968 : i32
    %eq3A_1057 = arith.cmpi eq, %add3A_1048, %eq3A_1056 : i32
    %convert_element_type3A_1058 = arith.extui %eq3A_1057 : i1 to i32
    %cond3A_1059 = arith.constant 0 : i32
    %cond3A_1060 = arith.cmpi ne, %convert_element_type3A_1058, %cond3A_1059 : i32
    scf.if %cond3A_1060 {
      %dma_start3A_1557 = arith.constant 0 : i32
      %dma_start3A_1558 = arith.constant 0 : i32
      %dma_start3A_1559 = tpu.memref_slice %arg12[%dma_start3A_1557, %dma_start3A_1558] : memref<128x64xf32, #tpu.memory_space<vmem>> -> memref<32x64xf32, #tpu.memory_space<vmem>>
      %dma_start3A_1560 = arith.constant 0 : i32
      %dma_start3A_1561 = tpu.memref_slice %arg2[%add3A_1048, %dma_start3A_1560] : memref<100000x64xf32, #tpu.memory_space<hbm>> -> memref<32x64xf32, #tpu.memory_space<hbm>>
      %dma_start3A_1562 = arith.constant 0 : i32
      %dma_start3A_1563 = arith.constant 0 : i32
      %dma_start3A_1564 = tpu.memref_slice %arg12[%dma_start3A_1562, %dma_start3A_1563] : memref<128x64xf32, #tpu.memory_space<vmem>> -> memref<32x64xf32, #tpu.memory_space<vmem>>
      %dma_start3A_1565 = arith.constant 0 : i32
      %dma_start3A_1566 = tpu.memref_slice %arg2[%add3A_1048, %dma_start3A_1565] : memref<100000x64xf32, #tpu.memory_space<hbm>> -> memref<32x64xf32, #tpu.memory_space<hbm>>
      tpu.enqueue_dma source(%dma_start3A_1566 : memref<32x64xf32, #tpu.memory_space<hbm>>) target(%dma_start3A_1564 : memref<32x64xf32, #tpu.memory_space<vmem>>) target_semaphore(%arg23 : memref<!tpu.dma_semaphore, #tpu.memory_space<semaphore_mem>>)
    } else {
    }
    %mul3A_1061 = arith.constant 3200 : i32
    %mul3A_1062 = arith.muli %add3A, %mul3A_1061 : i32
    %add3A_1063 = arith.constant 2432 : i32
    %add3A_1064 = arith.addi %mul3A_1062, %add3A_1063 : i32
    %add3A_1065 = arith.constant 128 : i32
    %add3A_1066 = arith.addi %add3A_1064, %add3A_1065 : i32
    %le3A_1067 = arith.constant 100000 : i32
    %le3A_1068 = arith.cmpi sle, %add3A_1066, %le3A_1067 : i32
    %convert_element_type3A_1069 = arith.extui %le3A_1068 : i1 to i32
    %cond3A_1070 = arith.constant 0 : i32
    %cond3A_1071 = arith.cmpi ne, %convert_element_type3A_1069, %cond3A_1070 : i32
    scf.if %cond3A_1071 {
      %dma_wait3A_1557 = arith.constant 0 : i32
      %dma_wait3A_1558 = tpu.memref_slice %arg2[%add3A_1064, %dma_wait3A_1557] : memref<100000x64xf32, #tpu.memory_space<hbm>> -> memref<128x64xf32, #tpu.memory_space<hbm>>
      %dma_wait3A_1559 = arith.constant 0 : i32
      %dma_wait3A_1560 = tpu.memref_slice %arg2[%add3A_1064, %dma_wait3A_1559] : memref<100000x64xf32, #tpu.memory_space<hbm>> -> memref<128x64xf32, #tpu.memory_space<hbm>>
      tpu.wait_dma2 semaphore(%arg26 : memref<!tpu.dma_semaphore, #tpu.memory_space<semaphore_mem>>) src(%dma_wait3A_1560 : memref<128x64xf32, #tpu.memory_space<hbm>>) dst(%arg15 : memref<128x64xf32, #tpu.memory_space<vmem>>)
    } else {
    }
    %eq3A_1072 = arith.constant 99968 : i32
    %eq3A_1073 = arith.cmpi eq, %add3A_1064, %eq3A_1072 : i32
    %convert_element_type3A_1074 = arith.extui %eq3A_1073 : i1 to i32
    %cond3A_1075 = arith.constant 0 : i32
    %cond3A_1076 = arith.cmpi ne, %convert_element_type3A_1074, %cond3A_1075 : i32
    scf.if %cond3A_1076 {
      %dma_wait3A_1557 = arith.constant 0 : i32
      %dma_wait3A_1558 = arith.constant 0 : i32
      %dma_wait3A_1559 = tpu.memref_slice %arg15[%dma_wait3A_1557, %dma_wait3A_1558] : memref<128x64xf32, #tpu.memory_space<vmem>> -> memref<32x64xf32, #tpu.memory_space<vmem>>
      %dma_wait3A_1560 = arith.constant 0 : i32
      %dma_wait3A_1561 = tpu.memref_slice %arg2[%add3A_1064, %dma_wait3A_1560] : memref<100000x64xf32, #tpu.memory_space<hbm>> -> memref<32x64xf32, #tpu.memory_space<hbm>>
      %dma_wait3A_1562 = arith.constant 0 : i32
      %dma_wait3A_1563 = arith.constant 0 : i32
      %dma_wait3A_1564 = tpu.memref_slice %arg15[%dma_wait3A_1562, %dma_wait3A_1563] : memref<128x64xf32, #tpu.memory_space<vmem>> -> memref<32x64xf32, #tpu.memory_space<vmem>>
      %dma_wait3A_1565 = arith.constant 0 : i32
      %dma_wait3A_1566 = tpu.memref_slice %arg2[%add3A_1064, %dma_wait3A_1565] : memref<100000x64xf32, #tpu.memory_space<hbm>> -> memref<32x64xf32, #tpu.memory_space<hbm>>
      tpu.wait_dma2 semaphore(%arg26 : memref<!tpu.dma_semaphore, #tpu.memory_space<semaphore_mem>>) src(%dma_wait3A_1566 : memref<32x64xf32, #tpu.memory_space<hbm>>) dst(%dma_wait3A_1564 : memref<32x64xf32, #tpu.memory_space<vmem>>)
    } else {
    }
    %dma_start3A_1077 = arith.constant 19 : i32
    %dma_start3A_1078 = arith.constant 0 : i32
    %dma_start3A_1079 = tpu.memref_slice %arg16[%dma_start3A_1077, %dma_start3A_1078] : memref<25x128xi32, #tpu.memory_space<vmem>> -> memref<1x128xi32, #tpu.memory_space<vmem>>
    %dma_start3A_1080 = tpu.memref_squeeze %dma_start3A_1079 : memref<1x128xi32, #tpu.memory_space<vmem>> -> memref<128xi32, #tpu.memory_space<vmem>>
    %dma_start3A_1081 = arith.constant 0 : i32
    %dma_start3A_1082 = arith.constant 0 : i32
    %dma_start3A_1083 = tpu.memref_slice %arg9[%dma_start3A_1081, %dma_start3A_1082] : memref<1024x64xf32, #tpu.memory_space<vmem_shared>> -> memref<1024x64xf32, #tpu.memory_space<vmem_shared>>
    tpu.enqueue_indirect_dma source(%arg15 : memref<128x64xf32, #tpu.memory_space<vmem>>) target(%dma_start3A_1083 : memref<1024x64xf32, #tpu.memory_space<vmem_shared>>) offsets(%dma_start3A_1080 : memref<128xi32, #tpu.memory_space<vmem>>) semaphore(%arg31 : memref<!tpu.dma_semaphore, #tpu.memory_space<semaphore_mem>>) {add = true}
    %dma_start3A_1084 = arith.constant 19 : i32
    %dma_start3A_1085 = arith.constant 0 : i32
    %dma_start3A_1086 = tpu.memref_slice %arg16[%dma_start3A_1084, %dma_start3A_1085] : memref<25x128xi32, #tpu.memory_space<vmem>> -> memref<1x128xi32, #tpu.memory_space<vmem>>
    %dma_start3A_1087 = tpu.memref_squeeze %dma_start3A_1086 : memref<1x128xi32, #tpu.memory_space<vmem>> -> memref<128xi32, #tpu.memory_space<vmem>>
    %dma_start3A_1088 = arith.constant 0 : i32
    %dma_start3A_1089 = arith.constant 0 : i32
    %dma_start3A_1090 = tpu.memref_slice %arg10[%dma_start3A_1088, %dma_start3A_1089] : memref<1024x16xf32, #tpu.memory_space<vmem_shared>> -> memref<1024x16xf32, #tpu.memory_space<vmem_shared>>
    tpu.enqueue_indirect_dma source(%arg17 : memref<128x16xf32, #tpu.memory_space<vmem>>) target(%dma_start3A_1090 : memref<1024x16xf32, #tpu.memory_space<vmem_shared>>) offsets(%dma_start3A_1087 : memref<128xi32, #tpu.memory_space<vmem>>) semaphore(%arg32 : memref<!tpu.dma_semaphore, #tpu.memory_space<semaphore_mem>>) {add = true}
    %dma_wait3A_1091 = arith.constant 17 : i32
    %dma_wait3A_1092 = arith.constant 0 : i32
    %dma_wait3A_1093 = tpu.memref_slice %arg16[%dma_wait3A_1091, %dma_wait3A_1092] : memref<25x128xi32, #tpu.memory_space<vmem>> -> memref<1x128xi32, #tpu.memory_space<vmem>>
    %dma_wait3A_1094 = tpu.memref_squeeze %dma_wait3A_1093 : memref<1x128xi32, #tpu.memory_space<vmem>> -> memref<128xi32, #tpu.memory_space<vmem>>
    %dma_wait3A_1095 = arith.constant 0 : i32
    %dma_wait3A_1096 = arith.constant 0 : i32
    %dma_wait3A_1097 = tpu.memref_slice %arg9[%dma_wait3A_1095, %dma_wait3A_1096] : memref<1024x64xf32, #tpu.memory_space<vmem_shared>> -> memref<1024x64xf32, #tpu.memory_space<vmem_shared>>
    tpu.wait_indirect_dma semaphore(%arg29 : memref<!tpu.dma_semaphore, #tpu.memory_space<semaphore_mem>>) src(%arg13 : memref<128x64xf32, #tpu.memory_space<vmem>>) dst(%dma_wait3A_1097 : memref<1024x64xf32, #tpu.memory_space<vmem_shared>>)
    %mul3A_1098 = arith.constant 3200 : i32
    %mul3A_1099 = arith.muli %add3A, %mul3A_1098 : i32
    %add3A_1100 = arith.constant 2816 : i32
    %add3A_1101 = arith.addi %mul3A_1099, %add3A_1100 : i32
    %add3A_1102 = arith.constant 128 : i32
    %add3A_1103 = arith.addi %add3A_1101, %add3A_1102 : i32
    %le3A_1104 = arith.constant 100000 : i32
    %le3A_1105 = arith.cmpi sle, %add3A_1103, %le3A_1104 : i32
    %convert_element_type3A_1106 = arith.extui %le3A_1105 : i1 to i32
    %cond3A_1107 = arith.constant 0 : i32
    %cond3A_1108 = arith.cmpi ne, %convert_element_type3A_1106, %cond3A_1107 : i32
    scf.if %cond3A_1108 {
      %dma_start3A_1557 = arith.constant 0 : i32
      %dma_start3A_1558 = tpu.memref_slice %arg2[%add3A_1101, %dma_start3A_1557] : memref<100000x64xf32, #tpu.memory_space<hbm>> -> memref<128x64xf32, #tpu.memory_space<hbm>>
      %dma_start3A_1559 = arith.constant 0 : i32
      %dma_start3A_1560 = tpu.memref_slice %arg2[%add3A_1101, %dma_start3A_1559] : memref<100000x64xf32, #tpu.memory_space<hbm>> -> memref<128x64xf32, #tpu.memory_space<hbm>>
      tpu.enqueue_dma source(%dma_start3A_1560 : memref<128x64xf32, #tpu.memory_space<hbm>>) target(%arg13 : memref<128x64xf32, #tpu.memory_space<vmem>>) target_semaphore(%arg24 : memref<!tpu.dma_semaphore, #tpu.memory_space<semaphore_mem>>)
    } else {
    }
    %eq3A_1109 = arith.constant 99968 : i32
    %eq3A_1110 = arith.cmpi eq, %add3A_1101, %eq3A_1109 : i32
    %convert_element_type3A_1111 = arith.extui %eq3A_1110 : i1 to i32
    %cond3A_1112 = arith.constant 0 : i32
    %cond3A_1113 = arith.cmpi ne, %convert_element_type3A_1111, %cond3A_1112 : i32
    scf.if %cond3A_1113 {
      %dma_start3A_1557 = arith.constant 0 : i32
      %dma_start3A_1558 = arith.constant 0 : i32
      %dma_start3A_1559 = tpu.memref_slice %arg13[%dma_start3A_1557, %dma_start3A_1558] : memref<128x64xf32, #tpu.memory_space<vmem>> -> memref<32x64xf32, #tpu.memory_space<vmem>>
      %dma_start3A_1560 = arith.constant 0 : i32
      %dma_start3A_1561 = tpu.memref_slice %arg2[%add3A_1101, %dma_start3A_1560] : memref<100000x64xf32, #tpu.memory_space<hbm>> -> memref<32x64xf32, #tpu.memory_space<hbm>>
      %dma_start3A_1562 = arith.constant 0 : i32
      %dma_start3A_1563 = arith.constant 0 : i32
      %dma_start3A_1564 = tpu.memref_slice %arg13[%dma_start3A_1562, %dma_start3A_1563] : memref<128x64xf32, #tpu.memory_space<vmem>> -> memref<32x64xf32, #tpu.memory_space<vmem>>
      %dma_start3A_1565 = arith.constant 0 : i32
      %dma_start3A_1566 = tpu.memref_slice %arg2[%add3A_1101, %dma_start3A_1565] : memref<100000x64xf32, #tpu.memory_space<hbm>> -> memref<32x64xf32, #tpu.memory_space<hbm>>
      tpu.enqueue_dma source(%dma_start3A_1566 : memref<32x64xf32, #tpu.memory_space<hbm>>) target(%dma_start3A_1564 : memref<32x64xf32, #tpu.memory_space<vmem>>) target_semaphore(%arg24 : memref<!tpu.dma_semaphore, #tpu.memory_space<semaphore_mem>>)
    } else {
    }
    %mul3A_1114 = arith.constant 3200 : i32
    %mul3A_1115 = arith.muli %add3A, %mul3A_1114 : i32
    %add3A_1116 = arith.constant 2560 : i32
    %add3A_1117 = arith.addi %mul3A_1115, %add3A_1116 : i32
    %add3A_1118 = arith.constant 128 : i32
    %add3A_1119 = arith.addi %add3A_1117, %add3A_1118 : i32
    %le3A_1120 = arith.constant 100000 : i32
    %le3A_1121 = arith.cmpi sle, %add3A_1119, %le3A_1120 : i32
    %convert_element_type3A_1122 = arith.extui %le3A_1121 : i1 to i32
    %cond3A_1123 = arith.constant 0 : i32
    %cond3A_1124 = arith.cmpi ne, %convert_element_type3A_1122, %cond3A_1123 : i32
    scf.if %cond3A_1124 {
      %dma_wait3A_1557 = arith.constant 0 : i32
      %dma_wait3A_1558 = tpu.memref_slice %arg2[%add3A_1117, %dma_wait3A_1557] : memref<100000x64xf32, #tpu.memory_space<hbm>> -> memref<128x64xf32, #tpu.memory_space<hbm>>
      %dma_wait3A_1559 = arith.constant 0 : i32
      %dma_wait3A_1560 = tpu.memref_slice %arg2[%add3A_1117, %dma_wait3A_1559] : memref<100000x64xf32, #tpu.memory_space<hbm>> -> memref<128x64xf32, #tpu.memory_space<hbm>>
      tpu.wait_dma2 semaphore(%arg22 : memref<!tpu.dma_semaphore, #tpu.memory_space<semaphore_mem>>) src(%dma_wait3A_1560 : memref<128x64xf32, #tpu.memory_space<hbm>>) dst(%arg11 : memref<128x64xf32, #tpu.memory_space<vmem>>)
    } else {
    }
    %eq3A_1125 = arith.constant 99968 : i32
    %eq3A_1126 = arith.cmpi eq, %add3A_1117, %eq3A_1125 : i32
    %convert_element_type3A_1127 = arith.extui %eq3A_1126 : i1 to i32
    %cond3A_1128 = arith.constant 0 : i32
    %cond3A_1129 = arith.cmpi ne, %convert_element_type3A_1127, %cond3A_1128 : i32
    scf.if %cond3A_1129 {
      %dma_wait3A_1557 = arith.constant 0 : i32
      %dma_wait3A_1558 = arith.constant 0 : i32
      %dma_wait3A_1559 = tpu.memref_slice %arg11[%dma_wait3A_1557, %dma_wait3A_1558] : memref<128x64xf32, #tpu.memory_space<vmem>> -> memref<32x64xf32, #tpu.memory_space<vmem>>
      %dma_wait3A_1560 = arith.constant 0 : i32
      %dma_wait3A_1561 = tpu.memref_slice %arg2[%add3A_1117, %dma_wait3A_1560] : memref<100000x64xf32, #tpu.memory_space<hbm>> -> memref<32x64xf32, #tpu.memory_space<hbm>>
      %dma_wait3A_1562 = arith.constant 0 : i32
      %dma_wait3A_1563 = arith.constant 0 : i32
      %dma_wait3A_1564 = tpu.memref_slice %arg11[%dma_wait3A_1562, %dma_wait3A_1563] : memref<128x64xf32, #tpu.memory_space<vmem>> -> memref<32x64xf32, #tpu.memory_space<vmem>>
      %dma_wait3A_1565 = arith.constant 0 : i32
      %dma_wait3A_1566 = tpu.memref_slice %arg2[%add3A_1117, %dma_wait3A_1565] : memref<100000x64xf32, #tpu.memory_space<hbm>> -> memref<32x64xf32, #tpu.memory_space<hbm>>
      tpu.wait_dma2 semaphore(%arg22 : memref<!tpu.dma_semaphore, #tpu.memory_space<semaphore_mem>>) src(%dma_wait3A_1566 : memref<32x64xf32, #tpu.memory_space<hbm>>) dst(%dma_wait3A_1564 : memref<32x64xf32, #tpu.memory_space<vmem>>)
    } else {
    }
    %dma_start3A_1130 = arith.constant 20 : i32
    %dma_start3A_1131 = arith.constant 0 : i32
    %dma_start3A_1132 = tpu.memref_slice %arg16[%dma_start3A_1130, %dma_start3A_1131] : memref<25x128xi32, #tpu.memory_space<vmem>> -> memref<1x128xi32, #tpu.memory_space<vmem>>
    %dma_start3A_1133 = tpu.memref_squeeze %dma_start3A_1132 : memref<1x128xi32, #tpu.memory_space<vmem>> -> memref<128xi32, #tpu.memory_space<vmem>>
    %dma_start3A_1134 = arith.constant 0 : i32
    %dma_start3A_1135 = arith.constant 0 : i32
    %dma_start3A_1136 = tpu.memref_slice %arg9[%dma_start3A_1134, %dma_start3A_1135] : memref<1024x64xf32, #tpu.memory_space<vmem_shared>> -> memref<1024x64xf32, #tpu.memory_space<vmem_shared>>
    tpu.enqueue_indirect_dma source(%arg11 : memref<128x64xf32, #tpu.memory_space<vmem>>) target(%dma_start3A_1136 : memref<1024x64xf32, #tpu.memory_space<vmem_shared>>) offsets(%dma_start3A_1133 : memref<128xi32, #tpu.memory_space<vmem>>) semaphore(%arg27 : memref<!tpu.dma_semaphore, #tpu.memory_space<semaphore_mem>>) {add = true}
    %dma_start3A_1137 = arith.constant 20 : i32
    %dma_start3A_1138 = arith.constant 0 : i32
    %dma_start3A_1139 = tpu.memref_slice %arg16[%dma_start3A_1137, %dma_start3A_1138] : memref<25x128xi32, #tpu.memory_space<vmem>> -> memref<1x128xi32, #tpu.memory_space<vmem>>
    %dma_start3A_1140 = tpu.memref_squeeze %dma_start3A_1139 : memref<1x128xi32, #tpu.memory_space<vmem>> -> memref<128xi32, #tpu.memory_space<vmem>>
    %dma_start3A_1141 = arith.constant 0 : i32
    %dma_start3A_1142 = arith.constant 0 : i32
    %dma_start3A_1143 = tpu.memref_slice %arg10[%dma_start3A_1141, %dma_start3A_1142] : memref<1024x16xf32, #tpu.memory_space<vmem_shared>> -> memref<1024x16xf32, #tpu.memory_space<vmem_shared>>
    tpu.enqueue_indirect_dma source(%arg17 : memref<128x16xf32, #tpu.memory_space<vmem>>) target(%dma_start3A_1143 : memref<1024x16xf32, #tpu.memory_space<vmem_shared>>) offsets(%dma_start3A_1140 : memref<128xi32, #tpu.memory_space<vmem>>) semaphore(%arg32 : memref<!tpu.dma_semaphore, #tpu.memory_space<semaphore_mem>>) {add = true}
    %dma_wait3A_1144 = arith.constant 18 : i32
    %dma_wait3A_1145 = arith.constant 0 : i32
    %dma_wait3A_1146 = tpu.memref_slice %arg16[%dma_wait3A_1144, %dma_wait3A_1145] : memref<25x128xi32, #tpu.memory_space<vmem>> -> memref<1x128xi32, #tpu.memory_space<vmem>>
    %dma_wait3A_1147 = tpu.memref_squeeze %dma_wait3A_1146 : memref<1x128xi32, #tpu.memory_space<vmem>> -> memref<128xi32, #tpu.memory_space<vmem>>
    %dma_wait3A_1148 = arith.constant 0 : i32
    %dma_wait3A_1149 = arith.constant 0 : i32
    %dma_wait3A_1150 = tpu.memref_slice %arg9[%dma_wait3A_1148, %dma_wait3A_1149] : memref<1024x64xf32, #tpu.memory_space<vmem_shared>> -> memref<1024x64xf32, #tpu.memory_space<vmem_shared>>
    tpu.wait_indirect_dma semaphore(%arg30 : memref<!tpu.dma_semaphore, #tpu.memory_space<semaphore_mem>>) src(%arg14 : memref<128x64xf32, #tpu.memory_space<vmem>>) dst(%dma_wait3A_1150 : memref<1024x64xf32, #tpu.memory_space<vmem_shared>>)
    %mul3A_1151 = arith.constant 3200 : i32
    %mul3A_1152 = arith.muli %add3A, %mul3A_1151 : i32
    %add3A_1153 = arith.constant 2944 : i32
    %add3A_1154 = arith.addi %mul3A_1152, %add3A_1153 : i32
    %add3A_1155 = arith.constant 128 : i32
    %add3A_1156 = arith.addi %add3A_1154, %add3A_1155 : i32
    %le3A_1157 = arith.constant 100000 : i32
    %le3A_1158 = arith.cmpi sle, %add3A_1156, %le3A_1157 : i32
    %convert_element_type3A_1159 = arith.extui %le3A_1158 : i1 to i32
    %cond3A_1160 = arith.constant 0 : i32
    %cond3A_1161 = arith.cmpi ne, %convert_element_type3A_1159, %cond3A_1160 : i32
    scf.if %cond3A_1161 {
      %dma_start3A_1557 = arith.constant 0 : i32
      %dma_start3A_1558 = tpu.memref_slice %arg2[%add3A_1154, %dma_start3A_1557] : memref<100000x64xf32, #tpu.memory_space<hbm>> -> memref<128x64xf32, #tpu.memory_space<hbm>>
      %dma_start3A_1559 = arith.constant 0 : i32
      %dma_start3A_1560 = tpu.memref_slice %arg2[%add3A_1154, %dma_start3A_1559] : memref<100000x64xf32, #tpu.memory_space<hbm>> -> memref<128x64xf32, #tpu.memory_space<hbm>>
      tpu.enqueue_dma source(%dma_start3A_1560 : memref<128x64xf32, #tpu.memory_space<hbm>>) target(%arg14 : memref<128x64xf32, #tpu.memory_space<vmem>>) target_semaphore(%arg25 : memref<!tpu.dma_semaphore, #tpu.memory_space<semaphore_mem>>)
    } else {
    }
    %eq3A_1162 = arith.constant 99968 : i32
    %eq3A_1163 = arith.cmpi eq, %add3A_1154, %eq3A_1162 : i32
    %convert_element_type3A_1164 = arith.extui %eq3A_1163 : i1 to i32
    %cond3A_1165 = arith.constant 0 : i32
    %cond3A_1166 = arith.cmpi ne, %convert_element_type3A_1164, %cond3A_1165 : i32
    scf.if %cond3A_1166 {
      %dma_start3A_1557 = arith.constant 0 : i32
      %dma_start3A_1558 = arith.constant 0 : i32
      %dma_start3A_1559 = tpu.memref_slice %arg14[%dma_start3A_1557, %dma_start3A_1558] : memref<128x64xf32, #tpu.memory_space<vmem>> -> memref<32x64xf32, #tpu.memory_space<vmem>>
      %dma_start3A_1560 = arith.constant 0 : i32
      %dma_start3A_1561 = tpu.memref_slice %arg2[%add3A_1154, %dma_start3A_1560] : memref<100000x64xf32, #tpu.memory_space<hbm>> -> memref<32x64xf32, #tpu.memory_space<hbm>>
      %dma_start3A_1562 = arith.constant 0 : i32
      %dma_start3A_1563 = arith.constant 0 : i32
      %dma_start3A_1564 = tpu.memref_slice %arg14[%dma_start3A_1562, %dma_start3A_1563] : memref<128x64xf32, #tpu.memory_space<vmem>> -> memref<32x64xf32, #tpu.memory_space<vmem>>
      %dma_start3A_1565 = arith.constant 0 : i32
      %dma_start3A_1566 = tpu.memref_slice %arg2[%add3A_1154, %dma_start3A_1565] : memref<100000x64xf32, #tpu.memory_space<hbm>> -> memref<32x64xf32, #tpu.memory_space<hbm>>
      tpu.enqueue_dma source(%dma_start3A_1566 : memref<32x64xf32, #tpu.memory_space<hbm>>) target(%dma_start3A_1564 : memref<32x64xf32, #tpu.memory_space<vmem>>) target_semaphore(%arg25 : memref<!tpu.dma_semaphore, #tpu.memory_space<semaphore_mem>>)
    } else {
    }
    %mul3A_1167 = arith.constant 3200 : i32
    %mul3A_1168 = arith.muli %add3A, %mul3A_1167 : i32
    %add3A_1169 = arith.constant 2688 : i32
    %add3A_1170 = arith.addi %mul3A_1168, %add3A_1169 : i32
    %add3A_1171 = arith.constant 128 : i32
    %add3A_1172 = arith.addi %add3A_1170, %add3A_1171 : i32
    %le3A_1173 = arith.constant 100000 : i32
    %le3A_1174 = arith.cmpi sle, %add3A_1172, %le3A_1173 : i32
    %convert_element_type3A_1175 = arith.extui %le3A_1174 : i1 to i32
    %cond3A_1176 = arith.constant 0 : i32
    %cond3A_1177 = arith.cmpi ne, %convert_element_type3A_1175, %cond3A_1176 : i32
    scf.if %cond3A_1177 {
      %dma_wait3A_1557 = arith.constant 0 : i32
      %dma_wait3A_1558 = tpu.memref_slice %arg2[%add3A_1170, %dma_wait3A_1557] : memref<100000x64xf32, #tpu.memory_space<hbm>> -> memref<128x64xf32, #tpu.memory_space<hbm>>
      %dma_wait3A_1559 = arith.constant 0 : i32
      %dma_wait3A_1560 = tpu.memref_slice %arg2[%add3A_1170, %dma_wait3A_1559] : memref<100000x64xf32, #tpu.memory_space<hbm>> -> memref<128x64xf32, #tpu.memory_space<hbm>>
      tpu.wait_dma2 semaphore(%arg23 : memref<!tpu.dma_semaphore, #tpu.memory_space<semaphore_mem>>) src(%dma_wait3A_1560 : memref<128x64xf32, #tpu.memory_space<hbm>>) dst(%arg12 : memref<128x64xf32, #tpu.memory_space<vmem>>)
    } else {
    }
    %eq3A_1178 = arith.constant 99968 : i32
    %eq3A_1179 = arith.cmpi eq, %add3A_1170, %eq3A_1178 : i32
    %convert_element_type3A_1180 = arith.extui %eq3A_1179 : i1 to i32
    %cond3A_1181 = arith.constant 0 : i32
    %cond3A_1182 = arith.cmpi ne, %convert_element_type3A_1180, %cond3A_1181 : i32
    scf.if %cond3A_1182 {
      %dma_wait3A_1557 = arith.constant 0 : i32
      %dma_wait3A_1558 = arith.constant 0 : i32
      %dma_wait3A_1559 = tpu.memref_slice %arg12[%dma_wait3A_1557, %dma_wait3A_1558] : memref<128x64xf32, #tpu.memory_space<vmem>> -> memref<32x64xf32, #tpu.memory_space<vmem>>
      %dma_wait3A_1560 = arith.constant 0 : i32
      %dma_wait3A_1561 = tpu.memref_slice %arg2[%add3A_1170, %dma_wait3A_1560] : memref<100000x64xf32, #tpu.memory_space<hbm>> -> memref<32x64xf32, #tpu.memory_space<hbm>>
      %dma_wait3A_1562 = arith.constant 0 : i32
      %dma_wait3A_1563 = arith.constant 0 : i32
      %dma_wait3A_1564 = tpu.memref_slice %arg12[%dma_wait3A_1562, %dma_wait3A_1563] : memref<128x64xf32, #tpu.memory_space<vmem>> -> memref<32x64xf32, #tpu.memory_space<vmem>>
      %dma_wait3A_1565 = arith.constant 0 : i32
      %dma_wait3A_1566 = tpu.memref_slice %arg2[%add3A_1170, %dma_wait3A_1565] : memref<100000x64xf32, #tpu.memory_space<hbm>> -> memref<32x64xf32, #tpu.memory_space<hbm>>
      tpu.wait_dma2 semaphore(%arg23 : memref<!tpu.dma_semaphore, #tpu.memory_space<semaphore_mem>>) src(%dma_wait3A_1566 : memref<32x64xf32, #tpu.memory_space<hbm>>) dst(%dma_wait3A_1564 : memref<32x64xf32, #tpu.memory_space<vmem>>)
    } else {
    }
    %dma_start3A_1183 = arith.constant 21 : i32
    %dma_start3A_1184 = arith.constant 0 : i32
    %dma_start3A_1185 = tpu.memref_slice %arg16[%dma_start3A_1183, %dma_start3A_1184] : memref<25x128xi32, #tpu.memory_space<vmem>> -> memref<1x128xi32, #tpu.memory_space<vmem>>
    %dma_start3A_1186 = tpu.memref_squeeze %dma_start3A_1185 : memref<1x128xi32, #tpu.memory_space<vmem>> -> memref<128xi32, #tpu.memory_space<vmem>>
    %dma_start3A_1187 = arith.constant 0 : i32
    %dma_start3A_1188 = arith.constant 0 : i32
    %dma_start3A_1189 = tpu.memref_slice %arg9[%dma_start3A_1187, %dma_start3A_1188] : memref<1024x64xf32, #tpu.memory_space<vmem_shared>> -> memref<1024x64xf32, #tpu.memory_space<vmem_shared>>
    tpu.enqueue_indirect_dma source(%arg12 : memref<128x64xf32, #tpu.memory_space<vmem>>) target(%dma_start3A_1189 : memref<1024x64xf32, #tpu.memory_space<vmem_shared>>) offsets(%dma_start3A_1186 : memref<128xi32, #tpu.memory_space<vmem>>) semaphore(%arg28 : memref<!tpu.dma_semaphore, #tpu.memory_space<semaphore_mem>>) {add = true}
    %dma_start3A_1190 = arith.constant 21 : i32
    %dma_start3A_1191 = arith.constant 0 : i32
    %dma_start3A_1192 = tpu.memref_slice %arg16[%dma_start3A_1190, %dma_start3A_1191] : memref<25x128xi32, #tpu.memory_space<vmem>> -> memref<1x128xi32, #tpu.memory_space<vmem>>
    %dma_start3A_1193 = tpu.memref_squeeze %dma_start3A_1192 : memref<1x128xi32, #tpu.memory_space<vmem>> -> memref<128xi32, #tpu.memory_space<vmem>>
    %dma_start3A_1194 = arith.constant 0 : i32
    %dma_start3A_1195 = arith.constant 0 : i32
    %dma_start3A_1196 = tpu.memref_slice %arg10[%dma_start3A_1194, %dma_start3A_1195] : memref<1024x16xf32, #tpu.memory_space<vmem_shared>> -> memref<1024x16xf32, #tpu.memory_space<vmem_shared>>
    tpu.enqueue_indirect_dma source(%arg17 : memref<128x16xf32, #tpu.memory_space<vmem>>) target(%dma_start3A_1196 : memref<1024x16xf32, #tpu.memory_space<vmem_shared>>) offsets(%dma_start3A_1193 : memref<128xi32, #tpu.memory_space<vmem>>) semaphore(%arg32 : memref<!tpu.dma_semaphore, #tpu.memory_space<semaphore_mem>>) {add = true}
    %dma_wait3A_1197 = arith.constant 19 : i32
    %dma_wait3A_1198 = arith.constant 0 : i32
    %dma_wait3A_1199 = tpu.memref_slice %arg16[%dma_wait3A_1197, %dma_wait3A_1198] : memref<25x128xi32, #tpu.memory_space<vmem>> -> memref<1x128xi32, #tpu.memory_space<vmem>>
    %dma_wait3A_1200 = tpu.memref_squeeze %dma_wait3A_1199 : memref<1x128xi32, #tpu.memory_space<vmem>> -> memref<128xi32, #tpu.memory_space<vmem>>
    %dma_wait3A_1201 = arith.constant 0 : i32
    %dma_wait3A_1202 = arith.constant 0 : i32
    %dma_wait3A_1203 = tpu.memref_slice %arg9[%dma_wait3A_1201, %dma_wait3A_1202] : memref<1024x64xf32, #tpu.memory_space<vmem_shared>> -> memref<1024x64xf32, #tpu.memory_space<vmem_shared>>
    tpu.wait_indirect_dma semaphore(%arg31 : memref<!tpu.dma_semaphore, #tpu.memory_space<semaphore_mem>>) src(%arg15 : memref<128x64xf32, #tpu.memory_space<vmem>>) dst(%dma_wait3A_1203 : memref<1024x64xf32, #tpu.memory_space<vmem_shared>>)
    %mul3A_1204 = arith.constant 3200 : i32
    %mul3A_1205 = arith.muli %add3A, %mul3A_1204 : i32
    %add3A_1206 = arith.constant 3072 : i32
    %add3A_1207 = arith.addi %mul3A_1205, %add3A_1206 : i32
    %add3A_1208 = arith.constant 128 : i32
    %add3A_1209 = arith.addi %add3A_1207, %add3A_1208 : i32
    %le3A_1210 = arith.constant 100000 : i32
    %le3A_1211 = arith.cmpi sle, %add3A_1209, %le3A_1210 : i32
    %convert_element_type3A_1212 = arith.extui %le3A_1211 : i1 to i32
    %cond3A_1213 = arith.constant 0 : i32
    %cond3A_1214 = arith.cmpi ne, %convert_element_type3A_1212, %cond3A_1213 : i32
    scf.if %cond3A_1214 {
      %dma_start3A_1557 = arith.constant 0 : i32
      %dma_start3A_1558 = tpu.memref_slice %arg2[%add3A_1207, %dma_start3A_1557] : memref<100000x64xf32, #tpu.memory_space<hbm>> -> memref<128x64xf32, #tpu.memory_space<hbm>>
      %dma_start3A_1559 = arith.constant 0 : i32
      %dma_start3A_1560 = tpu.memref_slice %arg2[%add3A_1207, %dma_start3A_1559] : memref<100000x64xf32, #tpu.memory_space<hbm>> -> memref<128x64xf32, #tpu.memory_space<hbm>>
      tpu.enqueue_dma source(%dma_start3A_1560 : memref<128x64xf32, #tpu.memory_space<hbm>>) target(%arg15 : memref<128x64xf32, #tpu.memory_space<vmem>>) target_semaphore(%arg26 : memref<!tpu.dma_semaphore, #tpu.memory_space<semaphore_mem>>)
    } else {
    }
    %eq3A_1215 = arith.constant 99968 : i32
    %eq3A_1216 = arith.cmpi eq, %add3A_1207, %eq3A_1215 : i32
    %convert_element_type3A_1217 = arith.extui %eq3A_1216 : i1 to i32
    %cond3A_1218 = arith.constant 0 : i32
    %cond3A_1219 = arith.cmpi ne, %convert_element_type3A_1217, %cond3A_1218 : i32
    scf.if %cond3A_1219 {
      %dma_start3A_1557 = arith.constant 0 : i32
      %dma_start3A_1558 = arith.constant 0 : i32
      %dma_start3A_1559 = tpu.memref_slice %arg15[%dma_start3A_1557, %dma_start3A_1558] : memref<128x64xf32, #tpu.memory_space<vmem>> -> memref<32x64xf32, #tpu.memory_space<vmem>>
      %dma_start3A_1560 = arith.constant 0 : i32
      %dma_start3A_1561 = tpu.memref_slice %arg2[%add3A_1207, %dma_start3A_1560] : memref<100000x64xf32, #tpu.memory_space<hbm>> -> memref<32x64xf32, #tpu.memory_space<hbm>>
      %dma_start3A_1562 = arith.constant 0 : i32
      %dma_start3A_1563 = arith.constant 0 : i32
      %dma_start3A_1564 = tpu.memref_slice %arg15[%dma_start3A_1562, %dma_start3A_1563] : memref<128x64xf32, #tpu.memory_space<vmem>> -> memref<32x64xf32, #tpu.memory_space<vmem>>
      %dma_start3A_1565 = arith.constant 0 : i32
      %dma_start3A_1566 = tpu.memref_slice %arg2[%add3A_1207, %dma_start3A_1565] : memref<100000x64xf32, #tpu.memory_space<hbm>> -> memref<32x64xf32, #tpu.memory_space<hbm>>
      tpu.enqueue_dma source(%dma_start3A_1566 : memref<32x64xf32, #tpu.memory_space<hbm>>) target(%dma_start3A_1564 : memref<32x64xf32, #tpu.memory_space<vmem>>) target_semaphore(%arg26 : memref<!tpu.dma_semaphore, #tpu.memory_space<semaphore_mem>>)
    } else {
    }
    %mul3A_1220 = arith.constant 3200 : i32
    %mul3A_1221 = arith.muli %add3A, %mul3A_1220 : i32
    %add3A_1222 = arith.constant 2816 : i32
    %add3A_1223 = arith.addi %mul3A_1221, %add3A_1222 : i32
    %add3A_1224 = arith.constant 128 : i32
    %add3A_1225 = arith.addi %add3A_1223, %add3A_1224 : i32
    %le3A_1226 = arith.constant 100000 : i32
    %le3A_1227 = arith.cmpi sle, %add3A_1225, %le3A_1226 : i32
    %convert_element_type3A_1228 = arith.extui %le3A_1227 : i1 to i32
    %cond3A_1229 = arith.constant 0 : i32
    %cond3A_1230 = arith.cmpi ne, %convert_element_type3A_1228, %cond3A_1229 : i32
    scf.if %cond3A_1230 {
      %dma_wait3A_1557 = arith.constant 0 : i32
      %dma_wait3A_1558 = tpu.memref_slice %arg2[%add3A_1223, %dma_wait3A_1557] : memref<100000x64xf32, #tpu.memory_space<hbm>> -> memref<128x64xf32, #tpu.memory_space<hbm>>
      %dma_wait3A_1559 = arith.constant 0 : i32
      %dma_wait3A_1560 = tpu.memref_slice %arg2[%add3A_1223, %dma_wait3A_1559] : memref<100000x64xf32, #tpu.memory_space<hbm>> -> memref<128x64xf32, #tpu.memory_space<hbm>>
      tpu.wait_dma2 semaphore(%arg24 : memref<!tpu.dma_semaphore, #tpu.memory_space<semaphore_mem>>) src(%dma_wait3A_1560 : memref<128x64xf32, #tpu.memory_space<hbm>>) dst(%arg13 : memref<128x64xf32, #tpu.memory_space<vmem>>)
    } else {
    }
    %eq3A_1231 = arith.constant 99968 : i32
    %eq3A_1232 = arith.cmpi eq, %add3A_1223, %eq3A_1231 : i32
    %convert_element_type3A_1233 = arith.extui %eq3A_1232 : i1 to i32
    %cond3A_1234 = arith.constant 0 : i32
    %cond3A_1235 = arith.cmpi ne, %convert_element_type3A_1233, %cond3A_1234 : i32
    scf.if %cond3A_1235 {
      %dma_wait3A_1557 = arith.constant 0 : i32
      %dma_wait3A_1558 = arith.constant 0 : i32
      %dma_wait3A_1559 = tpu.memref_slice %arg13[%dma_wait3A_1557, %dma_wait3A_1558] : memref<128x64xf32, #tpu.memory_space<vmem>> -> memref<32x64xf32, #tpu.memory_space<vmem>>
      %dma_wait3A_1560 = arith.constant 0 : i32
      %dma_wait3A_1561 = tpu.memref_slice %arg2[%add3A_1223, %dma_wait3A_1560] : memref<100000x64xf32, #tpu.memory_space<hbm>> -> memref<32x64xf32, #tpu.memory_space<hbm>>
      %dma_wait3A_1562 = arith.constant 0 : i32
      %dma_wait3A_1563 = arith.constant 0 : i32
      %dma_wait3A_1564 = tpu.memref_slice %arg13[%dma_wait3A_1562, %dma_wait3A_1563] : memref<128x64xf32, #tpu.memory_space<vmem>> -> memref<32x64xf32, #tpu.memory_space<vmem>>
      %dma_wait3A_1565 = arith.constant 0 : i32
      %dma_wait3A_1566 = tpu.memref_slice %arg2[%add3A_1223, %dma_wait3A_1565] : memref<100000x64xf32, #tpu.memory_space<hbm>> -> memref<32x64xf32, #tpu.memory_space<hbm>>
      tpu.wait_dma2 semaphore(%arg24 : memref<!tpu.dma_semaphore, #tpu.memory_space<semaphore_mem>>) src(%dma_wait3A_1566 : memref<32x64xf32, #tpu.memory_space<hbm>>) dst(%dma_wait3A_1564 : memref<32x64xf32, #tpu.memory_space<vmem>>)
    } else {
    }
    %dma_start3A_1236 = arith.constant 22 : i32
    %dma_start3A_1237 = arith.constant 0 : i32
    %dma_start3A_1238 = tpu.memref_slice %arg16[%dma_start3A_1236, %dma_start3A_1237] : memref<25x128xi32, #tpu.memory_space<vmem>> -> memref<1x128xi32, #tpu.memory_space<vmem>>
    %dma_start3A_1239 = tpu.memref_squeeze %dma_start3A_1238 : memref<1x128xi32, #tpu.memory_space<vmem>> -> memref<128xi32, #tpu.memory_space<vmem>>
    %dma_start3A_1240 = arith.constant 0 : i32
    %dma_start3A_1241 = arith.constant 0 : i32
    %dma_start3A_1242 = tpu.memref_slice %arg9[%dma_start3A_1240, %dma_start3A_1241] : memref<1024x64xf32, #tpu.memory_space<vmem_shared>> -> memref<1024x64xf32, #tpu.memory_space<vmem_shared>>
    tpu.enqueue_indirect_dma source(%arg13 : memref<128x64xf32, #tpu.memory_space<vmem>>) target(%dma_start3A_1242 : memref<1024x64xf32, #tpu.memory_space<vmem_shared>>) offsets(%dma_start3A_1239 : memref<128xi32, #tpu.memory_space<vmem>>) semaphore(%arg29 : memref<!tpu.dma_semaphore, #tpu.memory_space<semaphore_mem>>) {add = true}
    %dma_start3A_1243 = arith.constant 22 : i32
    %dma_start3A_1244 = arith.constant 0 : i32
    %dma_start3A_1245 = tpu.memref_slice %arg16[%dma_start3A_1243, %dma_start3A_1244] : memref<25x128xi32, #tpu.memory_space<vmem>> -> memref<1x128xi32, #tpu.memory_space<vmem>>
    %dma_start3A_1246 = tpu.memref_squeeze %dma_start3A_1245 : memref<1x128xi32, #tpu.memory_space<vmem>> -> memref<128xi32, #tpu.memory_space<vmem>>
    %dma_start3A_1247 = arith.constant 0 : i32
    %dma_start3A_1248 = arith.constant 0 : i32
    %dma_start3A_1249 = tpu.memref_slice %arg10[%dma_start3A_1247, %dma_start3A_1248] : memref<1024x16xf32, #tpu.memory_space<vmem_shared>> -> memref<1024x16xf32, #tpu.memory_space<vmem_shared>>
    tpu.enqueue_indirect_dma source(%arg17 : memref<128x16xf32, #tpu.memory_space<vmem>>) target(%dma_start3A_1249 : memref<1024x16xf32, #tpu.memory_space<vmem_shared>>) offsets(%dma_start3A_1246 : memref<128xi32, #tpu.memory_space<vmem>>) semaphore(%arg32 : memref<!tpu.dma_semaphore, #tpu.memory_space<semaphore_mem>>) {add = true}
    %dma_wait3A_1250 = arith.constant 20 : i32
    %dma_wait3A_1251 = arith.constant 0 : i32
    %dma_wait3A_1252 = tpu.memref_slice %arg16[%dma_wait3A_1250, %dma_wait3A_1251] : memref<25x128xi32, #tpu.memory_space<vmem>> -> memref<1x128xi32, #tpu.memory_space<vmem>>
    %dma_wait3A_1253 = tpu.memref_squeeze %dma_wait3A_1252 : memref<1x128xi32, #tpu.memory_space<vmem>> -> memref<128xi32, #tpu.memory_space<vmem>>
    %dma_wait3A_1254 = arith.constant 0 : i32
    %dma_wait3A_1255 = arith.constant 0 : i32
    %dma_wait3A_1256 = tpu.memref_slice %arg9[%dma_wait3A_1254, %dma_wait3A_1255] : memref<1024x64xf32, #tpu.memory_space<vmem_shared>> -> memref<1024x64xf32, #tpu.memory_space<vmem_shared>>
    tpu.wait_indirect_dma semaphore(%arg27 : memref<!tpu.dma_semaphore, #tpu.memory_space<semaphore_mem>>) src(%arg11 : memref<128x64xf32, #tpu.memory_space<vmem>>) dst(%dma_wait3A_1256 : memref<1024x64xf32, #tpu.memory_space<vmem_shared>>)
    %mul3A_1257 = arith.constant 3200 : i32
    %mul3A_1258 = arith.muli %add3A, %mul3A_1257 : i32
    %add3A_1259 = arith.constant 2944 : i32
    %add3A_1260 = arith.addi %mul3A_1258, %add3A_1259 : i32
    %add3A_1261 = arith.constant 128 : i32
    %add3A_1262 = arith.addi %add3A_1260, %add3A_1261 : i32
    %le3A_1263 = arith.constant 100000 : i32
    %le3A_1264 = arith.cmpi sle, %add3A_1262, %le3A_1263 : i32
    %convert_element_type3A_1265 = arith.extui %le3A_1264 : i1 to i32
    %cond3A_1266 = arith.constant 0 : i32
    %cond3A_1267 = arith.cmpi ne, %convert_element_type3A_1265, %cond3A_1266 : i32
    scf.if %cond3A_1267 {
      %dma_wait3A_1557 = arith.constant 0 : i32
      %dma_wait3A_1558 = tpu.memref_slice %arg2[%add3A_1260, %dma_wait3A_1557] : memref<100000x64xf32, #tpu.memory_space<hbm>> -> memref<128x64xf32, #tpu.memory_space<hbm>>
      %dma_wait3A_1559 = arith.constant 0 : i32
      %dma_wait3A_1560 = tpu.memref_slice %arg2[%add3A_1260, %dma_wait3A_1559] : memref<100000x64xf32, #tpu.memory_space<hbm>> -> memref<128x64xf32, #tpu.memory_space<hbm>>
      tpu.wait_dma2 semaphore(%arg25 : memref<!tpu.dma_semaphore, #tpu.memory_space<semaphore_mem>>) src(%dma_wait3A_1560 : memref<128x64xf32, #tpu.memory_space<hbm>>) dst(%arg14 : memref<128x64xf32, #tpu.memory_space<vmem>>)
    } else {
    }
    %eq3A_1268 = arith.constant 99968 : i32
    %eq3A_1269 = arith.cmpi eq, %add3A_1260, %eq3A_1268 : i32
    %convert_element_type3A_1270 = arith.extui %eq3A_1269 : i1 to i32
    %cond3A_1271 = arith.constant 0 : i32
    %cond3A_1272 = arith.cmpi ne, %convert_element_type3A_1270, %cond3A_1271 : i32
    scf.if %cond3A_1272 {
      %dma_wait3A_1557 = arith.constant 0 : i32
      %dma_wait3A_1558 = arith.constant 0 : i32
      %dma_wait3A_1559 = tpu.memref_slice %arg14[%dma_wait3A_1557, %dma_wait3A_1558] : memref<128x64xf32, #tpu.memory_space<vmem>> -> memref<32x64xf32, #tpu.memory_space<vmem>>
      %dma_wait3A_1560 = arith.constant 0 : i32
      %dma_wait3A_1561 = tpu.memref_slice %arg2[%add3A_1260, %dma_wait3A_1560] : memref<100000x64xf32, #tpu.memory_space<hbm>> -> memref<32x64xf32, #tpu.memory_space<hbm>>
      %dma_wait3A_1562 = arith.constant 0 : i32
      %dma_wait3A_1563 = arith.constant 0 : i32
      %dma_wait3A_1564 = tpu.memref_slice %arg14[%dma_wait3A_1562, %dma_wait3A_1563] : memref<128x64xf32, #tpu.memory_space<vmem>> -> memref<32x64xf32, #tpu.memory_space<vmem>>
      %dma_wait3A_1565 = arith.constant 0 : i32
      %dma_wait3A_1566 = tpu.memref_slice %arg2[%add3A_1260, %dma_wait3A_1565] : memref<100000x64xf32, #tpu.memory_space<hbm>> -> memref<32x64xf32, #tpu.memory_space<hbm>>
      tpu.wait_dma2 semaphore(%arg25 : memref<!tpu.dma_semaphore, #tpu.memory_space<semaphore_mem>>) src(%dma_wait3A_1566 : memref<32x64xf32, #tpu.memory_space<hbm>>) dst(%dma_wait3A_1564 : memref<32x64xf32, #tpu.memory_space<vmem>>)
    } else {
    }
    %dma_start3A_1273 = arith.constant 23 : i32
    %dma_start3A_1274 = arith.constant 0 : i32
    %dma_start3A_1275 = tpu.memref_slice %arg16[%dma_start3A_1273, %dma_start3A_1274] : memref<25x128xi32, #tpu.memory_space<vmem>> -> memref<1x128xi32, #tpu.memory_space<vmem>>
    %dma_start3A_1276 = tpu.memref_squeeze %dma_start3A_1275 : memref<1x128xi32, #tpu.memory_space<vmem>> -> memref<128xi32, #tpu.memory_space<vmem>>
    %dma_start3A_1277 = arith.constant 0 : i32
    %dma_start3A_1278 = arith.constant 0 : i32
    %dma_start3A_1279 = tpu.memref_slice %arg9[%dma_start3A_1277, %dma_start3A_1278] : memref<1024x64xf32, #tpu.memory_space<vmem_shared>> -> memref<1024x64xf32, #tpu.memory_space<vmem_shared>>
    tpu.enqueue_indirect_dma source(%arg14 : memref<128x64xf32, #tpu.memory_space<vmem>>) target(%dma_start3A_1279 : memref<1024x64xf32, #tpu.memory_space<vmem_shared>>) offsets(%dma_start3A_1276 : memref<128xi32, #tpu.memory_space<vmem>>) semaphore(%arg30 : memref<!tpu.dma_semaphore, #tpu.memory_space<semaphore_mem>>) {add = true}
    %dma_start3A_1280 = arith.constant 23 : i32
    %dma_start3A_1281 = arith.constant 0 : i32
    %dma_start3A_1282 = tpu.memref_slice %arg16[%dma_start3A_1280, %dma_start3A_1281] : memref<25x128xi32, #tpu.memory_space<vmem>> -> memref<1x128xi32, #tpu.memory_space<vmem>>
    %dma_start3A_1283 = tpu.memref_squeeze %dma_start3A_1282 : memref<1x128xi32, #tpu.memory_space<vmem>> -> memref<128xi32, #tpu.memory_space<vmem>>
    %dma_start3A_1284 = arith.constant 0 : i32
    %dma_start3A_1285 = arith.constant 0 : i32
    %dma_start3A_1286 = tpu.memref_slice %arg10[%dma_start3A_1284, %dma_start3A_1285] : memref<1024x16xf32, #tpu.memory_space<vmem_shared>> -> memref<1024x16xf32, #tpu.memory_space<vmem_shared>>
    tpu.enqueue_indirect_dma source(%arg17 : memref<128x16xf32, #tpu.memory_space<vmem>>) target(%dma_start3A_1286 : memref<1024x16xf32, #tpu.memory_space<vmem_shared>>) offsets(%dma_start3A_1283 : memref<128xi32, #tpu.memory_space<vmem>>) semaphore(%arg32 : memref<!tpu.dma_semaphore, #tpu.memory_space<semaphore_mem>>) {add = true}
    %dma_wait3A_1287 = arith.constant 21 : i32
    %dma_wait3A_1288 = arith.constant 0 : i32
    %dma_wait3A_1289 = tpu.memref_slice %arg16[%dma_wait3A_1287, %dma_wait3A_1288] : memref<25x128xi32, #tpu.memory_space<vmem>> -> memref<1x128xi32, #tpu.memory_space<vmem>>
    %dma_wait3A_1290 = tpu.memref_squeeze %dma_wait3A_1289 : memref<1x128xi32, #tpu.memory_space<vmem>> -> memref<128xi32, #tpu.memory_space<vmem>>
    %dma_wait3A_1291 = arith.constant 0 : i32
    %dma_wait3A_1292 = arith.constant 0 : i32
    %dma_wait3A_1293 = tpu.memref_slice %arg9[%dma_wait3A_1291, %dma_wait3A_1292] : memref<1024x64xf32, #tpu.memory_space<vmem_shared>> -> memref<1024x64xf32, #tpu.memory_space<vmem_shared>>
    tpu.wait_indirect_dma semaphore(%arg28 : memref<!tpu.dma_semaphore, #tpu.memory_space<semaphore_mem>>) src(%arg12 : memref<128x64xf32, #tpu.memory_space<vmem>>) dst(%dma_wait3A_1293 : memref<1024x64xf32, #tpu.memory_space<vmem_shared>>)
    %mul3A_1294 = arith.constant 3200 : i32
    %mul3A_1295 = arith.muli %add3A, %mul3A_1294 : i32
    %add3A_1296 = arith.constant 3072 : i32
    %add3A_1297 = arith.addi %mul3A_1295, %add3A_1296 : i32
    %add3A_1298 = arith.constant 128 : i32
    %add3A_1299 = arith.addi %add3A_1297, %add3A_1298 : i32
    %le3A_1300 = arith.constant 100000 : i32
    %le3A_1301 = arith.cmpi sle, %add3A_1299, %le3A_1300 : i32
    %convert_element_type3A_1302 = arith.extui %le3A_1301 : i1 to i32
    %cond3A_1303 = arith.constant 0 : i32
    %cond3A_1304 = arith.cmpi ne, %convert_element_type3A_1302, %cond3A_1303 : i32
    scf.if %cond3A_1304 {
      %dma_wait3A_1557 = arith.constant 0 : i32
      %dma_wait3A_1558 = tpu.memref_slice %arg2[%add3A_1297, %dma_wait3A_1557] : memref<100000x64xf32, #tpu.memory_space<hbm>> -> memref<128x64xf32, #tpu.memory_space<hbm>>
      %dma_wait3A_1559 = arith.constant 0 : i32
      %dma_wait3A_1560 = tpu.memref_slice %arg2[%add3A_1297, %dma_wait3A_1559] : memref<100000x64xf32, #tpu.memory_space<hbm>> -> memref<128x64xf32, #tpu.memory_space<hbm>>
      tpu.wait_dma2 semaphore(%arg26 : memref<!tpu.dma_semaphore, #tpu.memory_space<semaphore_mem>>) src(%dma_wait3A_1560 : memref<128x64xf32, #tpu.memory_space<hbm>>) dst(%arg15 : memref<128x64xf32, #tpu.memory_space<vmem>>)
    } else {
    }
    %eq3A_1305 = arith.constant 99968 : i32
    %eq3A_1306 = arith.cmpi eq, %add3A_1297, %eq3A_1305 : i32
    %convert_element_type3A_1307 = arith.extui %eq3A_1306 : i1 to i32
    %cond3A_1308 = arith.constant 0 : i32
    %cond3A_1309 = arith.cmpi ne, %convert_element_type3A_1307, %cond3A_1308 : i32
    scf.if %cond3A_1309 {
      %dma_wait3A_1557 = arith.constant 0 : i32
      %dma_wait3A_1558 = arith.constant 0 : i32
      %dma_wait3A_1559 = tpu.memref_slice %arg15[%dma_wait3A_1557, %dma_wait3A_1558] : memref<128x64xf32, #tpu.memory_space<vmem>> -> memref<32x64xf32, #tpu.memory_space<vmem>>
      %dma_wait3A_1560 = arith.constant 0 : i32
      %dma_wait3A_1561 = tpu.memref_slice %arg2[%add3A_1297, %dma_wait3A_1560] : memref<100000x64xf32, #tpu.memory_space<hbm>> -> memref<32x64xf32, #tpu.memory_space<hbm>>
      %dma_wait3A_1562 = arith.constant 0 : i32
      %dma_wait3A_1563 = arith.constant 0 : i32
      %dma_wait3A_1564 = tpu.memref_slice %arg15[%dma_wait3A_1562, %dma_wait3A_1563] : memref<128x64xf32, #tpu.memory_space<vmem>> -> memref<32x64xf32, #tpu.memory_space<vmem>>
      %dma_wait3A_1565 = arith.constant 0 : i32
      %dma_wait3A_1566 = tpu.memref_slice %arg2[%add3A_1297, %dma_wait3A_1565] : memref<100000x64xf32, #tpu.memory_space<hbm>> -> memref<32x64xf32, #tpu.memory_space<hbm>>
      tpu.wait_dma2 semaphore(%arg26 : memref<!tpu.dma_semaphore, #tpu.memory_space<semaphore_mem>>) src(%dma_wait3A_1566 : memref<32x64xf32, #tpu.memory_space<hbm>>) dst(%dma_wait3A_1564 : memref<32x64xf32, #tpu.memory_space<vmem>>)
    } else {
    }
    %dma_start3A_1310 = arith.constant 24 : i32
    %dma_start3A_1311 = arith.constant 0 : i32
    %dma_start3A_1312 = tpu.memref_slice %arg16[%dma_start3A_1310, %dma_start3A_1311] : memref<25x128xi32, #tpu.memory_space<vmem>> -> memref<1x128xi32, #tpu.memory_space<vmem>>
    %dma_start3A_1313 = tpu.memref_squeeze %dma_start3A_1312 : memref<1x128xi32, #tpu.memory_space<vmem>> -> memref<128xi32, #tpu.memory_space<vmem>>
    %dma_start3A_1314 = arith.constant 0 : i32
    %dma_start3A_1315 = arith.constant 0 : i32
    %dma_start3A_1316 = tpu.memref_slice %arg9[%dma_start3A_1314, %dma_start3A_1315] : memref<1024x64xf32, #tpu.memory_space<vmem_shared>> -> memref<1024x64xf32, #tpu.memory_space<vmem_shared>>
    tpu.enqueue_indirect_dma source(%arg15 : memref<128x64xf32, #tpu.memory_space<vmem>>) target(%dma_start3A_1316 : memref<1024x64xf32, #tpu.memory_space<vmem_shared>>) offsets(%dma_start3A_1313 : memref<128xi32, #tpu.memory_space<vmem>>) semaphore(%arg31 : memref<!tpu.dma_semaphore, #tpu.memory_space<semaphore_mem>>) {add = true}
    %dma_start3A_1317 = arith.constant 24 : i32
    %dma_start3A_1318 = arith.constant 0 : i32
    %dma_start3A_1319 = tpu.memref_slice %arg16[%dma_start3A_1317, %dma_start3A_1318] : memref<25x128xi32, #tpu.memory_space<vmem>> -> memref<1x128xi32, #tpu.memory_space<vmem>>
    %dma_start3A_1320 = tpu.memref_squeeze %dma_start3A_1319 : memref<1x128xi32, #tpu.memory_space<vmem>> -> memref<128xi32, #tpu.memory_space<vmem>>
    %dma_start3A_1321 = arith.constant 0 : i32
    %dma_start3A_1322 = arith.constant 0 : i32
    %dma_start3A_1323 = tpu.memref_slice %arg10[%dma_start3A_1321, %dma_start3A_1322] : memref<1024x16xf32, #tpu.memory_space<vmem_shared>> -> memref<1024x16xf32, #tpu.memory_space<vmem_shared>>
    tpu.enqueue_indirect_dma source(%arg17 : memref<128x16xf32, #tpu.memory_space<vmem>>) target(%dma_start3A_1323 : memref<1024x16xf32, #tpu.memory_space<vmem_shared>>) offsets(%dma_start3A_1320 : memref<128xi32, #tpu.memory_space<vmem>>) semaphore(%arg32 : memref<!tpu.dma_semaphore, #tpu.memory_space<semaphore_mem>>) {add = true}
    %dma_wait3A_1324 = arith.constant 22 : i32
    %dma_wait3A_1325 = arith.constant 0 : i32
    %dma_wait3A_1326 = tpu.memref_slice %arg16[%dma_wait3A_1324, %dma_wait3A_1325] : memref<25x128xi32, #tpu.memory_space<vmem>> -> memref<1x128xi32, #tpu.memory_space<vmem>>
    %dma_wait3A_1327 = tpu.memref_squeeze %dma_wait3A_1326 : memref<1x128xi32, #tpu.memory_space<vmem>> -> memref<128xi32, #tpu.memory_space<vmem>>
    %dma_wait3A_1328 = arith.constant 0 : i32
    %dma_wait3A_1329 = arith.constant 0 : i32
    %dma_wait3A_1330 = tpu.memref_slice %arg9[%dma_wait3A_1328, %dma_wait3A_1329] : memref<1024x64xf32, #tpu.memory_space<vmem_shared>> -> memref<1024x64xf32, #tpu.memory_space<vmem_shared>>
    tpu.wait_indirect_dma semaphore(%arg29 : memref<!tpu.dma_semaphore, #tpu.memory_space<semaphore_mem>>) src(%arg13 : memref<128x64xf32, #tpu.memory_space<vmem>>) dst(%dma_wait3A_1330 : memref<1024x64xf32, #tpu.memory_space<vmem_shared>>)
    %dma_wait3A_1331 = arith.constant 23 : i32
    %dma_wait3A_1332 = arith.constant 0 : i32
    %dma_wait3A_1333 = tpu.memref_slice %arg16[%dma_wait3A_1331, %dma_wait3A_1332] : memref<25x128xi32, #tpu.memory_space<vmem>> -> memref<1x128xi32, #tpu.memory_space<vmem>>
    %dma_wait3A_1334 = tpu.memref_squeeze %dma_wait3A_1333 : memref<1x128xi32, #tpu.memory_space<vmem>> -> memref<128xi32, #tpu.memory_space<vmem>>
    %dma_wait3A_1335 = arith.constant 0 : i32
    %dma_wait3A_1336 = arith.constant 0 : i32
    %dma_wait3A_1337 = tpu.memref_slice %arg9[%dma_wait3A_1335, %dma_wait3A_1336] : memref<1024x64xf32, #tpu.memory_space<vmem_shared>> -> memref<1024x64xf32, #tpu.memory_space<vmem_shared>>
    tpu.wait_indirect_dma semaphore(%arg30 : memref<!tpu.dma_semaphore, #tpu.memory_space<semaphore_mem>>) src(%arg14 : memref<128x64xf32, #tpu.memory_space<vmem>>) dst(%dma_wait3A_1337 : memref<1024x64xf32, #tpu.memory_space<vmem_shared>>)
    %dma_wait3A_1338 = arith.constant 24 : i32
    %dma_wait3A_1339 = arith.constant 0 : i32
    %dma_wait3A_1340 = tpu.memref_slice %arg16[%dma_wait3A_1338, %dma_wait3A_1339] : memref<25x128xi32, #tpu.memory_space<vmem>> -> memref<1x128xi32, #tpu.memory_space<vmem>>
    %dma_wait3A_1341 = tpu.memref_squeeze %dma_wait3A_1340 : memref<1x128xi32, #tpu.memory_space<vmem>> -> memref<128xi32, #tpu.memory_space<vmem>>
    %dma_wait3A_1342 = arith.constant 0 : i32
    %dma_wait3A_1343 = arith.constant 0 : i32
    %dma_wait3A_1344 = tpu.memref_slice %arg9[%dma_wait3A_1342, %dma_wait3A_1343] : memref<1024x64xf32, #tpu.memory_space<vmem_shared>> -> memref<1024x64xf32, #tpu.memory_space<vmem_shared>>
    tpu.wait_indirect_dma semaphore(%arg31 : memref<!tpu.dma_semaphore, #tpu.memory_space<semaphore_mem>>) src(%arg15 : memref<128x64xf32, #tpu.memory_space<vmem>>) dst(%dma_wait3A_1344 : memref<1024x64xf32, #tpu.memory_space<vmem_shared>>)
    %dma_wait3A_1345 = arith.constant 0 : i32
    %dma_wait3A_1346 = tpu.memref_slice %arg3[%dma_wait3A_1345] : memref<100000xi32, #tpu.memory_space<hbm>> -> memref<100000xi32, #tpu.memory_space<hbm>>
    tpu.wait_indirect_dma semaphore(%arg33 : memref<!tpu.dma_semaphore, #tpu.memory_space<semaphore_mem>>) src(%dma_wait3A_1346 : memref<100000xi32, #tpu.memory_space<hbm>>) dst(%arg21 : memref<32xi32, #tpu.memory_space<vmem>>)
    %mul3A_1347 = arith.constant 32 : i32
    %mul3A_1348 = arith.muli %add3A, %mul3A_1347 : i32
    %dma_start3A_1349 = tpu.memref_slice %arg8[%mul3A_1348] : memref<1024xi32, #tpu.memory_space<hbm>> -> memref<32xi32, #tpu.memory_space<hbm>>
    %dma_start3A_1350 = tpu.memref_slice %arg8[%mul3A_1348] : memref<1024xi32, #tpu.memory_space<hbm>> -> memref<32xi32, #tpu.memory_space<hbm>>
    tpu.enqueue_dma source(%arg21 : memref<32xi32, #tpu.memory_space<vmem>>) target(%dma_start3A_1350 : memref<32xi32, #tpu.memory_space<hbm>>) target_semaphore(%arg33 : memref<!tpu.dma_semaphore, #tpu.memory_space<semaphore_mem>>)
    %dma_wait3A_1351 = arith.constant 0 : i32
    %dma_wait3A_1352 = arith.constant 0 : i32
    %dma_wait3A_1353 = tpu.memref_slice %arg16[%dma_wait3A_1351, %dma_wait3A_1352] : memref<25x128xi32, #tpu.memory_space<vmem>> -> memref<1x128xi32, #tpu.memory_space<vmem>>
    %dma_wait3A_1354 = tpu.memref_squeeze %dma_wait3A_1353 : memref<1x128xi32, #tpu.memory_space<vmem>> -> memref<128xi32, #tpu.memory_space<vmem>>
    %dma_wait3A_1355 = arith.constant 0 : i32
    %dma_wait3A_1356 = arith.constant 0 : i32
    %dma_wait3A_1357 = tpu.memref_slice %arg10[%dma_wait3A_1355, %dma_wait3A_1356] : memref<1024x16xf32, #tpu.memory_space<vmem_shared>> -> memref<1024x16xf32, #tpu.memory_space<vmem_shared>>
    tpu.wait_indirect_dma semaphore(%arg32 : memref<!tpu.dma_semaphore, #tpu.memory_space<semaphore_mem>>) src(%arg17 : memref<128x16xf32, #tpu.memory_space<vmem>>) dst(%dma_wait3A_1357 : memref<1024x16xf32, #tpu.memory_space<vmem_shared>>)
    %dma_wait3A_1358 = arith.constant 1 : i32
    %dma_wait3A_1359 = arith.constant 0 : i32
    %dma_wait3A_1360 = tpu.memref_slice %arg16[%dma_wait3A_1358, %dma_wait3A_1359] : memref<25x128xi32, #tpu.memory_space<vmem>> -> memref<1x128xi32, #tpu.memory_space<vmem>>
    %dma_wait3A_1361 = tpu.memref_squeeze %dma_wait3A_1360 : memref<1x128xi32, #tpu.memory_space<vmem>> -> memref<128xi32, #tpu.memory_space<vmem>>
    %dma_wait3A_1362 = arith.constant 0 : i32
    %dma_wait3A_1363 = arith.constant 0 : i32
    %dma_wait3A_1364 = tpu.memref_slice %arg10[%dma_wait3A_1362, %dma_wait3A_1363] : memref<1024x16xf32, #tpu.memory_space<vmem_shared>> -> memref<1024x16xf32, #tpu.memory_space<vmem_shared>>
    tpu.wait_indirect_dma semaphore(%arg32 : memref<!tpu.dma_semaphore, #tpu.memory_space<semaphore_mem>>) src(%arg17 : memref<128x16xf32, #tpu.memory_space<vmem>>) dst(%dma_wait3A_1364 : memref<1024x16xf32, #tpu.memory_space<vmem_shared>>)
    %dma_wait3A_1365 = arith.constant 2 : i32
    %dma_wait3A_1366 = arith.constant 0 : i32
    %dma_wait3A_1367 = tpu.memref_slice %arg16[%dma_wait3A_1365, %dma_wait3A_1366] : memref<25x128xi32, #tpu.memory_space<vmem>> -> memref<1x128xi32, #tpu.memory_space<vmem>>
    %dma_wait3A_1368 = tpu.memref_squeeze %dma_wait3A_1367 : memref<1x128xi32, #tpu.memory_space<vmem>> -> memref<128xi32, #tpu.memory_space<vmem>>
    %dma_wait3A_1369 = arith.constant 0 : i32
    %dma_wait3A_1370 = arith.constant 0 : i32
    %dma_wait3A_1371 = tpu.memref_slice %arg10[%dma_wait3A_1369, %dma_wait3A_1370] : memref<1024x16xf32, #tpu.memory_space<vmem_shared>> -> memref<1024x16xf32, #tpu.memory_space<vmem_shared>>
    tpu.wait_indirect_dma semaphore(%arg32 : memref<!tpu.dma_semaphore, #tpu.memory_space<semaphore_mem>>) src(%arg17 : memref<128x16xf32, #tpu.memory_space<vmem>>) dst(%dma_wait3A_1371 : memref<1024x16xf32, #tpu.memory_space<vmem_shared>>)
    %dma_wait3A_1372 = arith.constant 3 : i32
    %dma_wait3A_1373 = arith.constant 0 : i32
    %dma_wait3A_1374 = tpu.memref_slice %arg16[%dma_wait3A_1372, %dma_wait3A_1373] : memref<25x128xi32, #tpu.memory_space<vmem>> -> memref<1x128xi32, #tpu.memory_space<vmem>>
    %dma_wait3A_1375 = tpu.memref_squeeze %dma_wait3A_1374 : memref<1x128xi32, #tpu.memory_space<vmem>> -> memref<128xi32, #tpu.memory_space<vmem>>
    %dma_wait3A_1376 = arith.constant 0 : i32
    %dma_wait3A_1377 = arith.constant 0 : i32
    %dma_wait3A_1378 = tpu.memref_slice %arg10[%dma_wait3A_1376, %dma_wait3A_1377] : memref<1024x16xf32, #tpu.memory_space<vmem_shared>> -> memref<1024x16xf32, #tpu.memory_space<vmem_shared>>
    tpu.wait_indirect_dma semaphore(%arg32 : memref<!tpu.dma_semaphore, #tpu.memory_space<semaphore_mem>>) src(%arg17 : memref<128x16xf32, #tpu.memory_space<vmem>>) dst(%dma_wait3A_1378 : memref<1024x16xf32, #tpu.memory_space<vmem_shared>>)
    %dma_wait3A_1379 = arith.constant 4 : i32
    %dma_wait3A_1380 = arith.constant 0 : i32
    %dma_wait3A_1381 = tpu.memref_slice %arg16[%dma_wait3A_1379, %dma_wait3A_1380] : memref<25x128xi32, #tpu.memory_space<vmem>> -> memref<1x128xi32, #tpu.memory_space<vmem>>
    %dma_wait3A_1382 = tpu.memref_squeeze %dma_wait3A_1381 : memref<1x128xi32, #tpu.memory_space<vmem>> -> memref<128xi32, #tpu.memory_space<vmem>>
    %dma_wait3A_1383 = arith.constant 0 : i32
    %dma_wait3A_1384 = arith.constant 0 : i32
    %dma_wait3A_1385 = tpu.memref_slice %arg10[%dma_wait3A_1383, %dma_wait3A_1384] : memref<1024x16xf32, #tpu.memory_space<vmem_shared>> -> memref<1024x16xf32, #tpu.memory_space<vmem_shared>>
    tpu.wait_indirect_dma semaphore(%arg32 : memref<!tpu.dma_semaphore, #tpu.memory_space<semaphore_mem>>) src(%arg17 : memref<128x16xf32, #tpu.memory_space<vmem>>) dst(%dma_wait3A_1385 : memref<1024x16xf32, #tpu.memory_space<vmem_shared>>)
    %dma_wait3A_1386 = arith.constant 5 : i32
    %dma_wait3A_1387 = arith.constant 0 : i32
    %dma_wait3A_1388 = tpu.memref_slice %arg16[%dma_wait3A_1386, %dma_wait3A_1387] : memref<25x128xi32, #tpu.memory_space<vmem>> -> memref<1x128xi32, #tpu.memory_space<vmem>>
    %dma_wait3A_1389 = tpu.memref_squeeze %dma_wait3A_1388 : memref<1x128xi32, #tpu.memory_space<vmem>> -> memref<128xi32, #tpu.memory_space<vmem>>
    %dma_wait3A_1390 = arith.constant 0 : i32
    %dma_wait3A_1391 = arith.constant 0 : i32
    %dma_wait3A_1392 = tpu.memref_slice %arg10[%dma_wait3A_1390, %dma_wait3A_1391] : memref<1024x16xf32, #tpu.memory_space<vmem_shared>> -> memref<1024x16xf32, #tpu.memory_space<vmem_shared>>
    tpu.wait_indirect_dma semaphore(%arg32 : memref<!tpu.dma_semaphore, #tpu.memory_space<semaphore_mem>>) src(%arg17 : memref<128x16xf32, #tpu.memory_space<vmem>>) dst(%dma_wait3A_1392 : memref<1024x16xf32, #tpu.memory_space<vmem_shared>>)
    %dma_wait3A_1393 = arith.constant 6 : i32
    %dma_wait3A_1394 = arith.constant 0 : i32
    %dma_wait3A_1395 = tpu.memref_slice %arg16[%dma_wait3A_1393, %dma_wait3A_1394] : memref<25x128xi32, #tpu.memory_space<vmem>> -> memref<1x128xi32, #tpu.memory_space<vmem>>
    %dma_wait3A_1396 = tpu.memref_squeeze %dma_wait3A_1395 : memref<1x128xi32, #tpu.memory_space<vmem>> -> memref<128xi32, #tpu.memory_space<vmem>>
    %dma_wait3A_1397 = arith.constant 0 : i32
    %dma_wait3A_1398 = arith.constant 0 : i32
    %dma_wait3A_1399 = tpu.memref_slice %arg10[%dma_wait3A_1397, %dma_wait3A_1398] : memref<1024x16xf32, #tpu.memory_space<vmem_shared>> -> memref<1024x16xf32, #tpu.memory_space<vmem_shared>>
    tpu.wait_indirect_dma semaphore(%arg32 : memref<!tpu.dma_semaphore, #tpu.memory_space<semaphore_mem>>) src(%arg17 : memref<128x16xf32, #tpu.memory_space<vmem>>) dst(%dma_wait3A_1399 : memref<1024x16xf32, #tpu.memory_space<vmem_shared>>)
    %dma_wait3A_1400 = arith.constant 7 : i32
    %dma_wait3A_1401 = arith.constant 0 : i32
    %dma_wait3A_1402 = tpu.memref_slice %arg16[%dma_wait3A_1400, %dma_wait3A_1401] : memref<25x128xi32, #tpu.memory_space<vmem>> -> memref<1x128xi32, #tpu.memory_space<vmem>>
    %dma_wait3A_1403 = tpu.memref_squeeze %dma_wait3A_1402 : memref<1x128xi32, #tpu.memory_space<vmem>> -> memref<128xi32, #tpu.memory_space<vmem>>
    %dma_wait3A_1404 = arith.constant 0 : i32
    %dma_wait3A_1405 = arith.constant 0 : i32
    %dma_wait3A_1406 = tpu.memref_slice %arg10[%dma_wait3A_1404, %dma_wait3A_1405] : memref<1024x16xf32, #tpu.memory_space<vmem_shared>> -> memref<1024x16xf32, #tpu.memory_space<vmem_shared>>
    tpu.wait_indirect_dma semaphore(%arg32 : memref<!tpu.dma_semaphore, #tpu.memory_space<semaphore_mem>>) src(%arg17 : memref<128x16xf32, #tpu.memory_space<vmem>>) dst(%dma_wait3A_1406 : memref<1024x16xf32, #tpu.memory_space<vmem_shared>>)
    %dma_wait3A_1407 = arith.constant 8 : i32
    %dma_wait3A_1408 = arith.constant 0 : i32
    %dma_wait3A_1409 = tpu.memref_slice %arg16[%dma_wait3A_1407, %dma_wait3A_1408] : memref<25x128xi32, #tpu.memory_space<vmem>> -> memref<1x128xi32, #tpu.memory_space<vmem>>
    %dma_wait3A_1410 = tpu.memref_squeeze %dma_wait3A_1409 : memref<1x128xi32, #tpu.memory_space<vmem>> -> memref<128xi32, #tpu.memory_space<vmem>>
    %dma_wait3A_1411 = arith.constant 0 : i32
    %dma_wait3A_1412 = arith.constant 0 : i32
    %dma_wait3A_1413 = tpu.memref_slice %arg10[%dma_wait3A_1411, %dma_wait3A_1412] : memref<1024x16xf32, #tpu.memory_space<vmem_shared>> -> memref<1024x16xf32, #tpu.memory_space<vmem_shared>>
    tpu.wait_indirect_dma semaphore(%arg32 : memref<!tpu.dma_semaphore, #tpu.memory_space<semaphore_mem>>) src(%arg17 : memref<128x16xf32, #tpu.memory_space<vmem>>) dst(%dma_wait3A_1413 : memref<1024x16xf32, #tpu.memory_space<vmem_shared>>)
    %dma_wait3A_1414 = arith.constant 9 : i32
    %dma_wait3A_1415 = arith.constant 0 : i32
    %dma_wait3A_1416 = tpu.memref_slice %arg16[%dma_wait3A_1414, %dma_wait3A_1415] : memref<25x128xi32, #tpu.memory_space<vmem>> -> memref<1x128xi32, #tpu.memory_space<vmem>>
    %dma_wait3A_1417 = tpu.memref_squeeze %dma_wait3A_1416 : memref<1x128xi32, #tpu.memory_space<vmem>> -> memref<128xi32, #tpu.memory_space<vmem>>
    %dma_wait3A_1418 = arith.constant 0 : i32
    %dma_wait3A_1419 = arith.constant 0 : i32
    %dma_wait3A_1420 = tpu.memref_slice %arg10[%dma_wait3A_1418, %dma_wait3A_1419] : memref<1024x16xf32, #tpu.memory_space<vmem_shared>> -> memref<1024x16xf32, #tpu.memory_space<vmem_shared>>
    tpu.wait_indirect_dma semaphore(%arg32 : memref<!tpu.dma_semaphore, #tpu.memory_space<semaphore_mem>>) src(%arg17 : memref<128x16xf32, #tpu.memory_space<vmem>>) dst(%dma_wait3A_1420 : memref<1024x16xf32, #tpu.memory_space<vmem_shared>>)
    %dma_wait3A_1421 = arith.constant 10 : i32
    %dma_wait3A_1422 = arith.constant 0 : i32
    %dma_wait3A_1423 = tpu.memref_slice %arg16[%dma_wait3A_1421, %dma_wait3A_1422] : memref<25x128xi32, #tpu.memory_space<vmem>> -> memref<1x128xi32, #tpu.memory_space<vmem>>
    %dma_wait3A_1424 = tpu.memref_squeeze %dma_wait3A_1423 : memref<1x128xi32, #tpu.memory_space<vmem>> -> memref<128xi32, #tpu.memory_space<vmem>>
    %dma_wait3A_1425 = arith.constant 0 : i32
    %dma_wait3A_1426 = arith.constant 0 : i32
    %dma_wait3A_1427 = tpu.memref_slice %arg10[%dma_wait3A_1425, %dma_wait3A_1426] : memref<1024x16xf32, #tpu.memory_space<vmem_shared>> -> memref<1024x16xf32, #tpu.memory_space<vmem_shared>>
    tpu.wait_indirect_dma semaphore(%arg32 : memref<!tpu.dma_semaphore, #tpu.memory_space<semaphore_mem>>) src(%arg17 : memref<128x16xf32, #tpu.memory_space<vmem>>) dst(%dma_wait3A_1427 : memref<1024x16xf32, #tpu.memory_space<vmem_shared>>)
    %dma_wait3A_1428 = arith.constant 11 : i32
    %dma_wait3A_1429 = arith.constant 0 : i32
    %dma_wait3A_1430 = tpu.memref_slice %arg16[%dma_wait3A_1428, %dma_wait3A_1429] : memref<25x128xi32, #tpu.memory_space<vmem>> -> memref<1x128xi32, #tpu.memory_space<vmem>>
    %dma_wait3A_1431 = tpu.memref_squeeze %dma_wait3A_1430 : memref<1x128xi32, #tpu.memory_space<vmem>> -> memref<128xi32, #tpu.memory_space<vmem>>
    %dma_wait3A_1432 = arith.constant 0 : i32
    %dma_wait3A_1433 = arith.constant 0 : i32
    %dma_wait3A_1434 = tpu.memref_slice %arg10[%dma_wait3A_1432, %dma_wait3A_1433] : memref<1024x16xf32, #tpu.memory_space<vmem_shared>> -> memref<1024x16xf32, #tpu.memory_space<vmem_shared>>
    tpu.wait_indirect_dma semaphore(%arg32 : memref<!tpu.dma_semaphore, #tpu.memory_space<semaphore_mem>>) src(%arg17 : memref<128x16xf32, #tpu.memory_space<vmem>>) dst(%dma_wait3A_1434 : memref<1024x16xf32, #tpu.memory_space<vmem_shared>>)
    %dma_wait3A_1435 = arith.constant 12 : i32
    %dma_wait3A_1436 = arith.constant 0 : i32
    %dma_wait3A_1437 = tpu.memref_slice %arg16[%dma_wait3A_1435, %dma_wait3A_1436] : memref<25x128xi32, #tpu.memory_space<vmem>> -> memref<1x128xi32, #tpu.memory_space<vmem>>
    %dma_wait3A_1438 = tpu.memref_squeeze %dma_wait3A_1437 : memref<1x128xi32, #tpu.memory_space<vmem>> -> memref<128xi32, #tpu.memory_space<vmem>>
    %dma_wait3A_1439 = arith.constant 0 : i32
    %dma_wait3A_1440 = arith.constant 0 : i32
    %dma_wait3A_1441 = tpu.memref_slice %arg10[%dma_wait3A_1439, %dma_wait3A_1440] : memref<1024x16xf32, #tpu.memory_space<vmem_shared>> -> memref<1024x16xf32, #tpu.memory_space<vmem_shared>>
    tpu.wait_indirect_dma semaphore(%arg32 : memref<!tpu.dma_semaphore, #tpu.memory_space<semaphore_mem>>) src(%arg17 : memref<128x16xf32, #tpu.memory_space<vmem>>) dst(%dma_wait3A_1441 : memref<1024x16xf32, #tpu.memory_space<vmem_shared>>)
    %dma_wait3A_1442 = arith.constant 13 : i32
    %dma_wait3A_1443 = arith.constant 0 : i32
    %dma_wait3A_1444 = tpu.memref_slice %arg16[%dma_wait3A_1442, %dma_wait3A_1443] : memref<25x128xi32, #tpu.memory_space<vmem>> -> memref<1x128xi32, #tpu.memory_space<vmem>>
    %dma_wait3A_1445 = tpu.memref_squeeze %dma_wait3A_1444 : memref<1x128xi32, #tpu.memory_space<vmem>> -> memref<128xi32, #tpu.memory_space<vmem>>
    %dma_wait3A_1446 = arith.constant 0 : i32
    %dma_wait3A_1447 = arith.constant 0 : i32
    %dma_wait3A_1448 = tpu.memref_slice %arg10[%dma_wait3A_1446, %dma_wait3A_1447] : memref<1024x16xf32, #tpu.memory_space<vmem_shared>> -> memref<1024x16xf32, #tpu.memory_space<vmem_shared>>
    tpu.wait_indirect_dma semaphore(%arg32 : memref<!tpu.dma_semaphore, #tpu.memory_space<semaphore_mem>>) src(%arg17 : memref<128x16xf32, #tpu.memory_space<vmem>>) dst(%dma_wait3A_1448 : memref<1024x16xf32, #tpu.memory_space<vmem_shared>>)
    %dma_wait3A_1449 = arith.constant 14 : i32
    %dma_wait3A_1450 = arith.constant 0 : i32
    %dma_wait3A_1451 = tpu.memref_slice %arg16[%dma_wait3A_1449, %dma_wait3A_1450] : memref<25x128xi32, #tpu.memory_space<vmem>> -> memref<1x128xi32, #tpu.memory_space<vmem>>
    %dma_wait3A_1452 = tpu.memref_squeeze %dma_wait3A_1451 : memref<1x128xi32, #tpu.memory_space<vmem>> -> memref<128xi32, #tpu.memory_space<vmem>>
    %dma_wait3A_1453 = arith.constant 0 : i32
    %dma_wait3A_1454 = arith.constant 0 : i32
    %dma_wait3A_1455 = tpu.memref_slice %arg10[%dma_wait3A_1453, %dma_wait3A_1454] : memref<1024x16xf32, #tpu.memory_space<vmem_shared>> -> memref<1024x16xf32, #tpu.memory_space<vmem_shared>>
    tpu.wait_indirect_dma semaphore(%arg32 : memref<!tpu.dma_semaphore, #tpu.memory_space<semaphore_mem>>) src(%arg17 : memref<128x16xf32, #tpu.memory_space<vmem>>) dst(%dma_wait3A_1455 : memref<1024x16xf32, #tpu.memory_space<vmem_shared>>)
    %dma_wait3A_1456 = arith.constant 15 : i32
    %dma_wait3A_1457 = arith.constant 0 : i32
    %dma_wait3A_1458 = tpu.memref_slice %arg16[%dma_wait3A_1456, %dma_wait3A_1457] : memref<25x128xi32, #tpu.memory_space<vmem>> -> memref<1x128xi32, #tpu.memory_space<vmem>>
    %dma_wait3A_1459 = tpu.memref_squeeze %dma_wait3A_1458 : memref<1x128xi32, #tpu.memory_space<vmem>> -> memref<128xi32, #tpu.memory_space<vmem>>
    %dma_wait3A_1460 = arith.constant 0 : i32
    %dma_wait3A_1461 = arith.constant 0 : i32
    %dma_wait3A_1462 = tpu.memref_slice %arg10[%dma_wait3A_1460, %dma_wait3A_1461] : memref<1024x16xf32, #tpu.memory_space<vmem_shared>> -> memref<1024x16xf32, #tpu.memory_space<vmem_shared>>
    tpu.wait_indirect_dma semaphore(%arg32 : memref<!tpu.dma_semaphore, #tpu.memory_space<semaphore_mem>>) src(%arg17 : memref<128x16xf32, #tpu.memory_space<vmem>>) dst(%dma_wait3A_1462 : memref<1024x16xf32, #tpu.memory_space<vmem_shared>>)
    %dma_wait3A_1463 = arith.constant 16 : i32
    %dma_wait3A_1464 = arith.constant 0 : i32
    %dma_wait3A_1465 = tpu.memref_slice %arg16[%dma_wait3A_1463, %dma_wait3A_1464] : memref<25x128xi32, #tpu.memory_space<vmem>> -> memref<1x128xi32, #tpu.memory_space<vmem>>
    %dma_wait3A_1466 = tpu.memref_squeeze %dma_wait3A_1465 : memref<1x128xi32, #tpu.memory_space<vmem>> -> memref<128xi32, #tpu.memory_space<vmem>>
    %dma_wait3A_1467 = arith.constant 0 : i32
    %dma_wait3A_1468 = arith.constant 0 : i32
    %dma_wait3A_1469 = tpu.memref_slice %arg10[%dma_wait3A_1467, %dma_wait3A_1468] : memref<1024x16xf32, #tpu.memory_space<vmem_shared>> -> memref<1024x16xf32, #tpu.memory_space<vmem_shared>>
    tpu.wait_indirect_dma semaphore(%arg32 : memref<!tpu.dma_semaphore, #tpu.memory_space<semaphore_mem>>) src(%arg17 : memref<128x16xf32, #tpu.memory_space<vmem>>) dst(%dma_wait3A_1469 : memref<1024x16xf32, #tpu.memory_space<vmem_shared>>)
    %dma_wait3A_1470 = arith.constant 17 : i32
    %dma_wait3A_1471 = arith.constant 0 : i32
    %dma_wait3A_1472 = tpu.memref_slice %arg16[%dma_wait3A_1470, %dma_wait3A_1471] : memref<25x128xi32, #tpu.memory_space<vmem>> -> memref<1x128xi32, #tpu.memory_space<vmem>>
    %dma_wait3A_1473 = tpu.memref_squeeze %dma_wait3A_1472 : memref<1x128xi32, #tpu.memory_space<vmem>> -> memref<128xi32, #tpu.memory_space<vmem>>
    %dma_wait3A_1474 = arith.constant 0 : i32
    %dma_wait3A_1475 = arith.constant 0 : i32
    %dma_wait3A_1476 = tpu.memref_slice %arg10[%dma_wait3A_1474, %dma_wait3A_1475] : memref<1024x16xf32, #tpu.memory_space<vmem_shared>> -> memref<1024x16xf32, #tpu.memory_space<vmem_shared>>
    tpu.wait_indirect_dma semaphore(%arg32 : memref<!tpu.dma_semaphore, #tpu.memory_space<semaphore_mem>>) src(%arg17 : memref<128x16xf32, #tpu.memory_space<vmem>>) dst(%dma_wait3A_1476 : memref<1024x16xf32, #tpu.memory_space<vmem_shared>>)
    %dma_wait3A_1477 = arith.constant 18 : i32
    %dma_wait3A_1478 = arith.constant 0 : i32
    %dma_wait3A_1479 = tpu.memref_slice %arg16[%dma_wait3A_1477, %dma_wait3A_1478] : memref<25x128xi32, #tpu.memory_space<vmem>> -> memref<1x128xi32, #tpu.memory_space<vmem>>
    %dma_wait3A_1480 = tpu.memref_squeeze %dma_wait3A_1479 : memref<1x128xi32, #tpu.memory_space<vmem>> -> memref<128xi32, #tpu.memory_space<vmem>>
    %dma_wait3A_1481 = arith.constant 0 : i32
    %dma_wait3A_1482 = arith.constant 0 : i32
    %dma_wait3A_1483 = tpu.memref_slice %arg10[%dma_wait3A_1481, %dma_wait3A_1482] : memref<1024x16xf32, #tpu.memory_space<vmem_shared>> -> memref<1024x16xf32, #tpu.memory_space<vmem_shared>>
    tpu.wait_indirect_dma semaphore(%arg32 : memref<!tpu.dma_semaphore, #tpu.memory_space<semaphore_mem>>) src(%arg17 : memref<128x16xf32, #tpu.memory_space<vmem>>) dst(%dma_wait3A_1483 : memref<1024x16xf32, #tpu.memory_space<vmem_shared>>)
    %dma_wait3A_1484 = arith.constant 19 : i32
    %dma_wait3A_1485 = arith.constant 0 : i32
    %dma_wait3A_1486 = tpu.memref_slice %arg16[%dma_wait3A_1484, %dma_wait3A_1485] : memref<25x128xi32, #tpu.memory_space<vmem>> -> memref<1x128xi32, #tpu.memory_space<vmem>>
    %dma_wait3A_1487 = tpu.memref_squeeze %dma_wait3A_1486 : memref<1x128xi32, #tpu.memory_space<vmem>> -> memref<128xi32, #tpu.memory_space<vmem>>
    %dma_wait3A_1488 = arith.constant 0 : i32
    %dma_wait3A_1489 = arith.constant 0 : i32
    %dma_wait3A_1490 = tpu.memref_slice %arg10[%dma_wait3A_1488, %dma_wait3A_1489] : memref<1024x16xf32, #tpu.memory_space<vmem_shared>> -> memref<1024x16xf32, #tpu.memory_space<vmem_shared>>
    tpu.wait_indirect_dma semaphore(%arg32 : memref<!tpu.dma_semaphore, #tpu.memory_space<semaphore_mem>>) src(%arg17 : memref<128x16xf32, #tpu.memory_space<vmem>>) dst(%dma_wait3A_1490 : memref<1024x16xf32, #tpu.memory_space<vmem_shared>>)
    %dma_wait3A_1491 = arith.constant 20 : i32
    %dma_wait3A_1492 = arith.constant 0 : i32
    %dma_wait3A_1493 = tpu.memref_slice %arg16[%dma_wait3A_1491, %dma_wait3A_1492] : memref<25x128xi32, #tpu.memory_space<vmem>> -> memref<1x128xi32, #tpu.memory_space<vmem>>
    %dma_wait3A_1494 = tpu.memref_squeeze %dma_wait3A_1493 : memref<1x128xi32, #tpu.memory_space<vmem>> -> memref<128xi32, #tpu.memory_space<vmem>>
    %dma_wait3A_1495 = arith.constant 0 : i32
    %dma_wait3A_1496 = arith.constant 0 : i32
    %dma_wait3A_1497 = tpu.memref_slice %arg10[%dma_wait3A_1495, %dma_wait3A_1496] : memref<1024x16xf32, #tpu.memory_space<vmem_shared>> -> memref<1024x16xf32, #tpu.memory_space<vmem_shared>>
    tpu.wait_indirect_dma semaphore(%arg32 : memref<!tpu.dma_semaphore, #tpu.memory_space<semaphore_mem>>) src(%arg17 : memref<128x16xf32, #tpu.memory_space<vmem>>) dst(%dma_wait3A_1497 : memref<1024x16xf32, #tpu.memory_space<vmem_shared>>)
    %dma_wait3A_1498 = arith.constant 21 : i32
    %dma_wait3A_1499 = arith.constant 0 : i32
    %dma_wait3A_1500 = tpu.memref_slice %arg16[%dma_wait3A_1498, %dma_wait3A_1499] : memref<25x128xi32, #tpu.memory_space<vmem>> -> memref<1x128xi32, #tpu.memory_space<vmem>>
    %dma_wait3A_1501 = tpu.memref_squeeze %dma_wait3A_1500 : memref<1x128xi32, #tpu.memory_space<vmem>> -> memref<128xi32, #tpu.memory_space<vmem>>
    %dma_wait3A_1502 = arith.constant 0 : i32
    %dma_wait3A_1503 = arith.constant 0 : i32
    %dma_wait3A_1504 = tpu.memref_slice %arg10[%dma_wait3A_1502, %dma_wait3A_1503] : memref<1024x16xf32, #tpu.memory_space<vmem_shared>> -> memref<1024x16xf32, #tpu.memory_space<vmem_shared>>
    tpu.wait_indirect_dma semaphore(%arg32 : memref<!tpu.dma_semaphore, #tpu.memory_space<semaphore_mem>>) src(%arg17 : memref<128x16xf32, #tpu.memory_space<vmem>>) dst(%dma_wait3A_1504 : memref<1024x16xf32, #tpu.memory_space<vmem_shared>>)
    %dma_wait3A_1505 = arith.constant 22 : i32
    %dma_wait3A_1506 = arith.constant 0 : i32
    %dma_wait3A_1507 = tpu.memref_slice %arg16[%dma_wait3A_1505, %dma_wait3A_1506] : memref<25x128xi32, #tpu.memory_space<vmem>> -> memref<1x128xi32, #tpu.memory_space<vmem>>
    %dma_wait3A_1508 = tpu.memref_squeeze %dma_wait3A_1507 : memref<1x128xi32, #tpu.memory_space<vmem>> -> memref<128xi32, #tpu.memory_space<vmem>>
    %dma_wait3A_1509 = arith.constant 0 : i32
    %dma_wait3A_1510 = arith.constant 0 : i32
    %dma_wait3A_1511 = tpu.memref_slice %arg10[%dma_wait3A_1509, %dma_wait3A_1510] : memref<1024x16xf32, #tpu.memory_space<vmem_shared>> -> memref<1024x16xf32, #tpu.memory_space<vmem_shared>>
    tpu.wait_indirect_dma semaphore(%arg32 : memref<!tpu.dma_semaphore, #tpu.memory_space<semaphore_mem>>) src(%arg17 : memref<128x16xf32, #tpu.memory_space<vmem>>) dst(%dma_wait3A_1511 : memref<1024x16xf32, #tpu.memory_space<vmem_shared>>)
    %dma_wait3A_1512 = arith.constant 23 : i32
    %dma_wait3A_1513 = arith.constant 0 : i32
    %dma_wait3A_1514 = tpu.memref_slice %arg16[%dma_wait3A_1512, %dma_wait3A_1513] : memref<25x128xi32, #tpu.memory_space<vmem>> -> memref<1x128xi32, #tpu.memory_space<vmem>>
    %dma_wait3A_1515 = tpu.memref_squeeze %dma_wait3A_1514 : memref<1x128xi32, #tpu.memory_space<vmem>> -> memref<128xi32, #tpu.memory_space<vmem>>
    %dma_wait3A_1516 = arith.constant 0 : i32
    %dma_wait3A_1517 = arith.constant 0 : i32
    %dma_wait3A_1518 = tpu.memref_slice %arg10[%dma_wait3A_1516, %dma_wait3A_1517] : memref<1024x16xf32, #tpu.memory_space<vmem_shared>> -> memref<1024x16xf32, #tpu.memory_space<vmem_shared>>
    tpu.wait_indirect_dma semaphore(%arg32 : memref<!tpu.dma_semaphore, #tpu.memory_space<semaphore_mem>>) src(%arg17 : memref<128x16xf32, #tpu.memory_space<vmem>>) dst(%dma_wait3A_1518 : memref<1024x16xf32, #tpu.memory_space<vmem_shared>>)
    %dma_wait3A_1519 = arith.constant 24 : i32
    %dma_wait3A_1520 = arith.constant 0 : i32
    %dma_wait3A_1521 = tpu.memref_slice %arg16[%dma_wait3A_1519, %dma_wait3A_1520] : memref<25x128xi32, #tpu.memory_space<vmem>> -> memref<1x128xi32, #tpu.memory_space<vmem>>
    %dma_wait3A_1522 = tpu.memref_squeeze %dma_wait3A_1521 : memref<1x128xi32, #tpu.memory_space<vmem>> -> memref<128xi32, #tpu.memory_space<vmem>>
    %dma_wait3A_1523 = arith.constant 0 : i32
    %dma_wait3A_1524 = arith.constant 0 : i32
    %dma_wait3A_1525 = tpu.memref_slice %arg10[%dma_wait3A_1523, %dma_wait3A_1524] : memref<1024x16xf32, #tpu.memory_space<vmem_shared>> -> memref<1024x16xf32, #tpu.memory_space<vmem_shared>>
    tpu.wait_indirect_dma semaphore(%arg32 : memref<!tpu.dma_semaphore, #tpu.memory_space<semaphore_mem>>) src(%arg17 : memref<128x16xf32, #tpu.memory_space<vmem>>) dst(%dma_wait3A_1525 : memref<1024x16xf32, #tpu.memory_space<vmem_shared>>)
    %dma_wait3A_1526 = tpu.memref_slice %arg8[%mul3A_1348] : memref<1024xi32, #tpu.memory_space<hbm>> -> memref<32xi32, #tpu.memory_space<hbm>>
    %dma_wait3A_1527 = tpu.memref_slice %arg8[%mul3A_1348] : memref<1024xi32, #tpu.memory_space<hbm>> -> memref<32xi32, #tpu.memory_space<hbm>>
    tpu.wait_dma2 semaphore(%arg33 : memref<!tpu.dma_semaphore, #tpu.memory_space<semaphore_mem>>) src(%arg21 : memref<32xi32, #tpu.memory_space<vmem>>) dst(%dma_wait3A_1527 : memref<32xi32, #tpu.memory_space<hbm>>)
    %barrier3A_1528 = arith.constant 0 : index
    tpu.barrier barrier_id(%barrier3A_1528)
    %mul3A_1529 = arith.constant 64 : i32
    %mul3A_1530 = arith.muli %arg1, %mul3A_1529 : i32
    %mul3A_1531 = arith.constant 64 : i32
    %mul3A_1532 = arith.muli %arg1, %mul3A_1531 : i32
    %dma_start3A_1533 = arith.constant 0 : i32
    %dma_start3A_1534 = tpu.memref_slice %arg6[%arg0, %mul3A_1532, %dma_start3A_1533] : memref<2x1024x64xf32, #tpu.memory_space<hbm>> -> memref<1x64x64xf32, #tpu.memory_space<hbm>>
    %dma_start3A_1535 = tpu.memref_squeeze %dma_start3A_1534 : memref<1x64x64xf32, #tpu.memory_space<hbm>> -> memref<64x64xf32, #tpu.memory_space<hbm>>
    %dma_start3A_1536 = arith.constant 0 : i32
    %dma_start3A_1537 = tpu.memref_slice %arg9[%mul3A_1530, %dma_start3A_1536] : memref<1024x64xf32, #tpu.memory_space<vmem_shared>> -> memref<64x64xf32, #tpu.memory_space<vmem_shared>>
    tpu.enqueue_dma source(%dma_start3A_1537 : memref<64x64xf32, #tpu.memory_space<vmem_shared>>) target(%dma_start3A_1535 : memref<64x64xf32, #tpu.memory_space<hbm>>) target_semaphore(%arg34 : memref<!tpu.dma_semaphore, #tpu.memory_space<semaphore_mem>>)
    %mul3A_1538 = arith.constant 64 : i32
    %mul3A_1539 = arith.muli %arg1, %mul3A_1538 : i32
    %mul3A_1540 = arith.constant 64 : i32
    %mul3A_1541 = arith.muli %arg1, %mul3A_1540 : i32
    %dma_start3A_1542 = arith.constant 0 : i32
    %dma_start3A_1543 = tpu.memref_slice %arg7[%arg0, %mul3A_1541, %dma_start3A_1542] : memref<2x1024x16xf32, #tpu.memory_space<hbm>> -> memref<1x64x16xf32, #tpu.memory_space<hbm>>
    %dma_start3A_1544 = tpu.memref_squeeze %dma_start3A_1543 : memref<1x64x16xf32, #tpu.memory_space<hbm>> -> memref<64x16xf32, #tpu.memory_space<hbm>>
    %dma_start3A_1545 = arith.constant 0 : i32
    %dma_start3A_1546 = tpu.memref_slice %arg10[%mul3A_1539, %dma_start3A_1545] : memref<1024x16xf32, #tpu.memory_space<vmem_shared>> -> memref<64x16xf32, #tpu.memory_space<vmem_shared>>
    tpu.enqueue_dma source(%dma_start3A_1546 : memref<64x16xf32, #tpu.memory_space<vmem_shared>>) target(%dma_start3A_1544 : memref<64x16xf32, #tpu.memory_space<hbm>>) target_semaphore(%arg34 : memref<!tpu.dma_semaphore, #tpu.memory_space<semaphore_mem>>)
    %dma_wait3A_1547 = arith.constant 0 : i32
    %dma_wait3A_1548 = tpu.memref_slice %arg6[%arg0, %mul3A_1532, %dma_wait3A_1547] : memref<2x1024x64xf32, #tpu.memory_space<hbm>> -> memref<1x64x64xf32, #tpu.memory_space<hbm>>
    %dma_wait3A_1549 = tpu.memref_squeeze %dma_wait3A_1548 : memref<1x64x64xf32, #tpu.memory_space<hbm>> -> memref<64x64xf32, #tpu.memory_space<hbm>>
    %dma_wait3A_1550 = arith.constant 0 : i32
    %dma_wait3A_1551 = tpu.memref_slice %arg9[%mul3A_1530, %dma_wait3A_1550] : memref<1024x64xf32, #tpu.memory_space<vmem_shared>> -> memref<64x64xf32, #tpu.memory_space<vmem_shared>>
    tpu.wait_dma2 semaphore(%arg34 : memref<!tpu.dma_semaphore, #tpu.memory_space<semaphore_mem>>) src(%dma_wait3A_1551 : memref<64x64xf32, #tpu.memory_space<vmem_shared>>) dst(%dma_wait3A_1549 : memref<64x64xf32, #tpu.memory_space<hbm>>)
    %dma_wait3A_1552 = arith.constant 0 : i32
    %dma_wait3A_1553 = tpu.memref_slice %arg7[%arg0, %mul3A_1541, %dma_wait3A_1552] : memref<2x1024x16xf32, #tpu.memory_space<hbm>> -> memref<1x64x16xf32, #tpu.memory_space<hbm>>
    %dma_wait3A_1554 = tpu.memref_squeeze %dma_wait3A_1553 : memref<1x64x16xf32, #tpu.memory_space<hbm>> -> memref<64x16xf32, #tpu.memory_space<hbm>>
    %dma_wait3A_1555 = arith.constant 0 : i32
    %dma_wait3A_1556 = tpu.memref_slice %arg10[%mul3A_1539, %dma_wait3A_1555] : memref<1024x16xf32, #tpu.memory_space<vmem_shared>> -> memref<64x16xf32, #tpu.memory_space<vmem_shared>>
    tpu.wait_dma2 semaphore(%arg34 : memref<!tpu.dma_semaphore, #tpu.memory_space<semaphore_mem>>) src(%dma_wait3A_1556 : memref<64x16xf32, #tpu.memory_space<vmem_shared>>) dst(%dma_wait3A_1554 : memref<64x16xf32, #tpu.memory_space<hbm>>)
    return
  }
}

module attributes {stable_mosaic.version = 14 : i64} {
  func.func @_tc_body(%arg0: memref<1024x64xf32, #tpu.memory_space<vmem>>, %arg1: memref<2x1024x64xf32, #tpu.memory_space<vmem>>, %arg2: memref<2x1024x16xf32, #tpu.memory_space<vmem>>, %arg3: memref<1024x1xi32, #tpu.memory_space<vmem>>, %arg4: memref<1x1xf32, #tpu.memory_space<vmem>>) attributes {dimension_semantics = [], scalar_prefetch = 0 : i64, scratch_operands = 0 : i64, tpu.core_type = #tpu.core_type<tc>} {
    %get3A = arith.constant 0 : index
    %get3A_0 = arith.constant 0 : index
    %get3A_1 = vector.load %arg0[%get3A, %get3A_0] : memref<1024x64xf32, #tpu.memory_space<vmem>>, vector<1024x64xf32>
    %mul3A = arith.mulf %get3A_1, %get3A_1 : vector<1024x64xf32>
    %reduce_sum3A = arith.constant dense<0.000000e+00> : vector<1024xf32>
    %reduce_sum3A_2 = vector.multi_reduction <add>, %mul3A, %reduce_sum3A [1] : vector<1024x64xf32> to vector<1024xf32>
    %broadcast_in_dim3A = vector.shape_cast %reduce_sum3A_2 : vector<1024xf32> to vector<1024x1xf32>
    %sqrt3A = math.sqrt %broadcast_in_dim3A : vector<1024x1xf32>
    %max3A = arith.constant 9.99999996E-13 : f32
    %max3A_3 = vector.broadcast %max3A : f32 to vector<1024x1xf32>
    %max3A_4 = arith.maximumf %sqrt3A, %max3A_3 : vector<1024x1xf32>
    %div3A = vector.broadcast %max3A_4 : vector<1024x1xf32> to vector<1024x64xf32>
    %div3A_5 = arith.divf %get3A_1, %div3A : vector<1024x64xf32>
    %get3A_6 = arith.constant 0 : index
    %get3A_7 = arith.constant 0 : index
    %get3A_8 = arith.constant 0 : index
    %get3A_9 = vector.load %arg1[%get3A_6, %get3A_7, %get3A_8] : memref<2x1024x64xf32, #tpu.memory_space<vmem>>, vector<1x1024x64xf32>
    %get3A_10 = vector.shape_cast %get3A_9 : vector<1x1024x64xf32> to vector<1024x64xf32>
    %get3A_11 = arith.constant 1 : index
    %get3A_12 = arith.constant 0 : index
    %get3A_13 = arith.constant 0 : index
    %get3A_14 = vector.load %arg1[%get3A_11, %get3A_12, %get3A_13] : memref<2x1024x64xf32, #tpu.memory_space<vmem>>, vector<1x1024x64xf32>
    %get3A_15 = vector.shape_cast %get3A_14 : vector<1x1024x64xf32> to vector<1024x64xf32>
    %add3A = arith.addf %get3A_10, %get3A_15 : vector<1024x64xf32>
    %get3A_16 = arith.constant 0 : index
    %get3A_17 = arith.constant 0 : index
    %get3A_18 = arith.constant 0 : index
    %get3A_19 = vector.load %arg2[%get3A_16, %get3A_17, %get3A_18] : memref<2x1024x16xf32, #tpu.memory_space<vmem>>, vector<1x1024x16xf32>
    %get3A_20 = vector.shape_cast %get3A_19 : vector<1x1024x16xf32> to vector<1024x16xf32>
    %slice3A = vector.extract_strided_slice %get3A_20 {offsets = [0, 0], sizes = [1024, 1], strides = [1, 1]} : vector<1024x16xf32> to vector<1024x1xf32>
    %get3A_21 = arith.constant 1 : index
    %get3A_22 = arith.constant 0 : index
    %get3A_23 = arith.constant 0 : index
    %get3A_24 = vector.load %arg2[%get3A_21, %get3A_22, %get3A_23] : memref<2x1024x16xf32, #tpu.memory_space<vmem>>, vector<1x1024x16xf32>
    %get3A_25 = vector.shape_cast %get3A_24 : vector<1x1024x16xf32> to vector<1024x16xf32>
    %slice3A_26 = vector.extract_strided_slice %get3A_25 {offsets = [0, 0], sizes = [1024, 1], strides = [1, 1]} : vector<1024x16xf32> to vector<1024x1xf32>
    %add3A_27 = arith.addf %slice3A, %slice3A_26 : vector<1024x1xf32>
    %iota3A = tpu.iota {dimensions = array<i32: 0>} : vector<1024x1xi32>
    %lt3A = arith.constant 1000 : i32
    %lt3A_28 = vector.broadcast %lt3A : i32 to vector<1024x1xi32>
    %lt3A_29 = arith.cmpi slt, %iota3A, %lt3A_28 : vector<1024x1xi32>
    %gt3A = arith.constant 0.000000e+00 : f32
    %gt3A_30 = vector.broadcast %gt3A : f32 to vector<1024x1xf32>
    %gt3A_31 = arith.cmpf ogt, %add3A_27, %gt3A_30 : vector<1024x1xf32>
    %and3A = arith.andi %lt3A_29, %gt3A_31 : vector<1024x1xi1>
    %mul3A_32 = arith.constant 5.000000e-02 : f32
    %mul3A_33 = vector.broadcast %mul3A_32 : f32 to vector<1024x1xf32>
    %mul3A_34 = arith.mulf %mul3A_33, %add3A_27 : vector<1024x1xf32>
    %div3A_35 = arith.constant 1.000000e+00 : f32
    %div3A_36 = vector.broadcast %div3A_35 : f32 to vector<1024x1xf32>
    %div3A_37 = arith.divf %div3A_36, %mul3A_34 : vector<1024x1xf32>
    %jit3A = arith.constant 0.000000e+00 : f32
    %broadcast_in_dim3A_38 = vector.broadcast %jit3A : f32 to vector<1024x1xf32>
    %select_n3A = arith.select %and3A, %div3A_37, %broadcast_in_dim3A_38 : vector<1024x1xi1>, vector<1024x1xf32>
    %jit3A_39 = arith.constant 0.000000e+00 : f32
    %broadcast_in_dim3A_40 = vector.shape_cast %and3A : vector<1024x1xi1> to vector<1024x1xi1>
    %broadcast_in_dim3A_41 = vector.broadcast %broadcast_in_dim3A_40 : vector<1024x1xi1> to vector<1024x64xi1>
    %broadcast_in_dim3A_42 = vector.broadcast %jit3A_39 : f32 to vector<1024x64xf32>
    %select_n3A_43 = arith.select %broadcast_in_dim3A_41, %add3A, %broadcast_in_dim3A_42 : vector<1024x64xi1>, vector<1024x64xf32>
    %mul3A_44 = vector.broadcast %select_n3A : vector<1024x1xf32> to vector<1024x64xf32>
    %mul3A_45 = arith.mulf %select_n3A_43, %mul3A_44 : vector<1024x64xf32>
    %jit3A_46 = arith.constant 0.000000e+00 : f32
    %jit3A_47 = arith.constant -1.000000e+30 : f32
    %broadcast_in_dim3A_48 = vector.broadcast %jit3A_46 : f32 to vector<1024x1xf32>
    %broadcast_in_dim3A_49 = vector.broadcast %jit3A_47 : f32 to vector<1024x1xf32>
    %select_n3A_50 = arith.select %and3A, %broadcast_in_dim3A_48, %broadcast_in_dim3A_49 : vector<1024x1xi1>, vector<1024x1xf32>
    %broadcast_in_dim3A_51 = arith.constant 1.000000e+00 : f32
    %broadcast_in_dim3A_52 = vector.broadcast %broadcast_in_dim3A_51 : f32 to vector<1024x1xf32>
    %broadcast_in_dim3A_53 = arith.constant 0.000000e+00 : f32
    %broadcast_in_dim3A_54 = vector.broadcast %broadcast_in_dim3A_53 : f32 to vector<1024x63xf32>
    %broadcast_in_dim3A_55 = arith.constant 0.000000e+00 : f32
    %broadcast_in_dim3A_56 = vector.broadcast %broadcast_in_dim3A_55 : f32 to vector<1024x63xf32>
    %concatenate3A = tpu.concatenate %div3A_5, %broadcast_in_dim3A_52, %broadcast_in_dim3A_54 in 1 : vector<1024x64xf32>, vector<1024x1xf32>, vector<1024x63xf32> -> vector<1024x128xf32>
    %concatenate3A_57 = tpu.concatenate %mul3A_45, %select_n3A_50, %broadcast_in_dim3A_56 in 1 : vector<1024x64xf32>, vector<1024x1xf32>, vector<1024x63xf32> -> vector<1024x128xf32>
    %dot_general3A = arith.constant dense<0.000000e+00> : vector<1024x1024xf32>
    %dot_general3A_58 = tpu.matmul %concatenate3A, %concatenate3A_57, %dot_general3A {dimension_numbers = #tpu.dot_dimension_numbers<[1], [1], [0], [0], [0, 0, 1, 0], [], []>, precision = #tpu.contract_precision<fp32>, transpose_lhs_hint = false} : vector<1024x128xf32>, vector<1024x128xf32>, vector<1024x1024xf32> -> vector<1024x1024xf32>
    %exp3A = math.exp %dot_general3A_58 : vector<1024x1024xf32>
    %reduce_sum3A_59 = arith.constant dense<0.000000e+00> : vector<1024xf32>
    %reduce_sum3A_60 = vector.multi_reduction <add>, %exp3A, %reduce_sum3A_59 [1] : vector<1024x1024xf32> to vector<1024xf32>
    %broadcast_in_dim3A_61 = vector.shape_cast %reduce_sum3A_60 : vector<1024xf32> to vector<1024x1xf32>
    %add3A_62 = arith.constant 9.99999997E-7 : f32
    %add3A_63 = vector.broadcast %add3A_62 : f32 to vector<1024x1xf32>
    %add3A_64 = arith.addf %broadcast_in_dim3A_61, %add3A_63 : vector<1024x1xf32>
    %iota3A_65 = tpu.iota {dimensions = array<i32: 1>} : vector<1024x1024xi32>
    %get3A_66 = arith.constant 0 : index
    %get3A_67 = arith.constant 0 : index
    %get3A_68 = vector.load %arg3[%get3A_66, %get3A_67] : memref<1024x1xi32, #tpu.memory_space<vmem>>, vector<1024x1xi32>
    %eq3A = vector.broadcast %get3A_68 : vector<1024x1xi32> to vector<1024x1024xi32>
    %eq3A_69 = arith.cmpi eq, %iota3A_65, %eq3A : vector<1024x1024xi32>
    %jit3A_70 = arith.constant 0.000000e+00 : f32
    %broadcast_in_dim3A_71 = vector.broadcast %jit3A_70 : f32 to vector<1024x1024xf32>
    %select_n3A_72 = arith.select %eq3A_69, %exp3A, %broadcast_in_dim3A_71 : vector<1024x1024xi1>, vector<1024x1024xf32>
    %reduce_sum3A_73 = arith.constant dense<0.000000e+00> : vector<1024xf32>
    %reduce_sum3A_74 = vector.multi_reduction <add>, %select_n3A_72, %reduce_sum3A_73 [1] : vector<1024x1024xf32> to vector<1024xf32>
    %broadcast_in_dim3A_75 = vector.shape_cast %reduce_sum3A_74 : vector<1024xf32> to vector<1024x1xf32>
    %div3A_76 = arith.divf %broadcast_in_dim3A_75, %add3A_64 : vector<1024x1xf32>
    %add3A_77 = arith.constant 9.99999997E-7 : f32
    %add3A_78 = vector.broadcast %add3A_77 : f32 to vector<1024x1xf32>
    %add3A_79 = arith.addf %div3A_76, %add3A_78 : vector<1024x1xf32>
    %log3A = math.log %add3A_79 : vector<1024x1xf32>
    %reduce_sum3A_80 = arith.constant dense<0.000000e+00> : vector<1xf32>
    %reduce_sum3A_81 = vector.multi_reduction <add>, %log3A, %reduce_sum3A_80 [0] : vector<1024x1xf32> to vector<1xf32>
    %broadcast_in_dim3A_82 = vector.shape_cast %reduce_sum3A_81 : vector<1xf32> to vector<1x1xf32>
    %neg3A = arith.constant 0.000000e+00 : f32
    %neg3A_83 = vector.broadcast %neg3A : f32 to vector<1x1xf32>
    %neg3A_84 = arith.subf %neg3A_83, %broadcast_in_dim3A_82 : vector<1x1xf32>
    %div3A_85 = arith.constant 1.024000e+03 : f32
    %div3A_86 = vector.broadcast %div3A_85 : f32 to vector<1x1xf32>
    %div3A_87 = arith.divf %neg3A_84, %div3A_86 : vector<1x1xf32>
    %swap3A = arith.constant 0 : index
    %swap3A_88 = arith.constant 0 : index
    %swap3A_89 = vector.load %arg4[%swap3A, %swap3A_88] : memref<1x1xf32, #tpu.memory_space<vmem>>, vector<1x1xf32>
    tpu.vector_store %arg4[%swap3A, %swap3A_88], %div3A_87 {strides = array<i32>} : memref<1x1xf32, #tpu.memory_space<vmem>>, vector<1x1xf32>,
    return
  }
}

</mosaic_0001>

<sc_bundles>
// kernel: kernel.4.cloned.1.call-start
scs
__scs_entry_jumppad:
0x0: {  	(pc) =	sbr.rel $0x88, $3  }
0x1: {  	(tag) =	ssettag $0x0;
	lr =	simm.s32 $0x1  }
0x2: {  	[smem:$0x3F9D] =	sst lr;
	_ =	strace $0xD0000000  }
0x3: {  	_ = 	snop  }
0x4: {  	_ = 	snop  }
0x5: {  	_ = 	snop  }
0x6: {  	_ = 	snop  }
0x7: {  	_ = 	snop  }
__scs_overlays_trampoline_lowered:
0x8: {  	[smem:$0x3FAC] =	sst s0  }
0x9: {  	[smem:$0x3FAD] =	sst s1  }
0xa: {  	[smem:$0x3FAE] =	sst s2  }
0xb: {  	[smem:$0x3FAF] =	sst s3  }
0xc: {  	[smem:$0x3FB0] =	sst s4  }
0xd: {  	[smem:$0x3FB1] =	sst s5  }
0xe: {  	[smem:$0x3FB2] =	sst s6  }
0xf: {  	[smem:$0x3FB3] =	sst s7  }
0x10: {  	[smem:$0x3FB4] =	sst s8  }
0x11: {  	[smem:$0x3FB5] =	sst s9;
	s0 =	simm.s32 @!p0 $0x0  }
0x12: {  	s1 =	sld [smem:$0x3F9B];
	s0 =	simm.s32 @p0 $0x1  }
0x13: {  	[smem:$0x3FB6] =	sst s0;
	s0 =	simm.s32 @!p1 $0x0  }
0x14: {  	s2 =	sld [smem:$0x3F9A];
	s0 =	simm.s32 @p1 $0x1  }
0x15: {  	[smem:$0x3FB7] =	sst s0;
	s0 =	simm.s32 @!p2 $0x0  }
0x16: {  	s3 =	sld [smem:$0x3FDB];
	s0 =	simm.s32 @p2 $0x1  }
0x17: {  	s4 =	simm.s32 $0x1BF5;
	[smem:$0x3FB9] =	sst s0  }
0x18: {  	s0 =	sld [smem:$0x3F9C];
	_ =	swait.ge [sflag:s4], $0x0  }
0x19: {  	s7 =	sld [smem:$0x3F9D]  }
0x1a: {  	s8 =	sadd.s32 $0xFFFFE003, lr  }
0x1b: {  	s9 =	sadd.s32 $0xFFFFFEF7, lr;
	s5 =	simm.s32 $0xFFFFFFFF;
	p2 =	slt.u32 s8, $0xFFFFF086  }
0x1c: {  	p1 =	slt.u32 s9, $0xF7A;
	s5 =	simm.s32 @!p2 $0x0  }
0x1d: {  	s5 =	simm.s32 @p1 $0x1;
	p0 =	seq.s32 s7, s2  }
0x1e: {  	s7 =	smul.u32 @!p0 $0xF7A, s2;
	p2 =	seq.s32 @!p0 s5, $0x0  }
0x1f: {  	s9 =	smul.u32 $0xF7A, s1;
	s8 =	simm.s32 @!p0 $0x1BF5;
	p2 =	por !p2, p0  }
0x20: {  	[sflag:s8] =	ssyncset.s32 @!p0 $0xFFFFF086;
	s6 =	sadd.s32 @!p0 s3, s7;
	s7 =	simm.s32 @!p0 $0x108  }
0x21: {  	s3 =	sadd.s32 s3, s9;
	s6 =	sadd.s32 @!p0 $0x88, s6;
	s7 =	simm.s32 @p2 $0x1082  }
0x22: {  	[simem:s7], [sflag:s8] =	dma.local @!p0 [hbm:s6], $0xF7A  }
0x23: {  	s9 =	sor.u32 $0xD0000000, s2;
	s6 =	simm.s32 $0x108;
	_ =	swait.ge @!p0 [sflag:s8], $0x0  }
0x24: {  	s3 =	sadd.s32 $0x88, s3;
	s6 =	simm.s32 @!p1 $0x1082;
	[sflag:s4] =	ssyncset.s32 $0xFFFFF086  }
0x25: {  	[simem:s6], [sflag:s4] =	dma.local [hbm:s3], $0xF7A  }
0x26: {  	[smem:$0x3F9D] =	sst s1;
	(tag) =	ssettag s2;
	_ =	strace s9  }
0x27: {  	s1 =	sld [smem:$0x3FAD]  }
0x28: {  	s2 =	sld [smem:$0x3FAE]  }
0x29: {  	s4 =	sld [smem:$0x3FB0]  }
0x2a: {  	p0 =	seq.s32 s5, $0x0;
	s5 =	sld [smem:$0x3FB1]  }
0x2b: {  	s6 =	sld [smem:$0x3FB2]  }
0x2c: {  	s7 =	sld [smem:$0x3FB3]  }
0x2d: {  	s3 =	simm.s32 $0x108;
	s8 =	sld [smem:$0x3FB4]  }
0x2e: {  	s3 =	simm.s32 @!p0 $0x1082;
	s9 =	sld [smem:$0x3FB5]  }
0x2f: {  	lr =	sadd.s32 s0, s3;
	s0 =	sld [smem:$0x3FAC]  }
0x30: {  	s3 =	sld [smem:$0x3FAF]  }
0x31: {  	[smem:$0x3FB8] =	sst s10  }
0x32: {  	s10 =	sld [smem:$0x3FB6];
	_ =	sdelay $0x3  }
0x33: {  	p0 =	seq.s32 s10, $0x1;
	s10 =	sld [smem:$0x3FB8];
	_ =	sdelay $0x3  }
0x34: {  	[smem:$0x3FB8] =	sst s10  }
0x35: {  	s10 =	sld [smem:$0x3FB7];
	_ =	sdelay $0x3  }
0x36: {  	p1 =	seq.s32 s10, $0x1;
	s10 =	sld [smem:$0x3FB8];
	_ =	sdelay $0x3  }
0x37: {  	[smem:$0x3FB8] =	sst s10  }
0x38: {  	s10 =	sld [smem:$0x3FB9]  }
0x39: {  	_ = 	snop;
	(pc) =	sbr.ind lr, $3  }
0x3a: {  	_ = 	snop  }
0x3b: {  	_ = 	snop  }
0x3c: {  	p2 =	seq.s32 s10, $0x1;
	s10 =	sld [smem:$0x3FB8]  }
0x3d: {  	_ =	shalt  }
0x3e: {  	_ =	shalt  }
0x3f: {  	_ =	shalt  }
0x40: {  	_ =	shalt  }
0x41: {  	_ =	shalt  }
0x42: {  	_ =	shalt  }
0x43: {  	_ =	shalt  }
0x44: {  	_ =	shalt  }
0x45: {  	_ =	shalt  }
0x46: {  	_ =	shalt  }
0x47: {  	_ =	shalt  }
0x48: {  	_ =	shalt  }
0x49: {  	_ =	shalt  }
0x4a: {  	_ =	shalt  }
0x4b: {  	_ =	shalt  }
0x4c: {  	_ =	shalt  }
0x4d: {  	_ =	shalt  }
0x4e: {  	_ =	shalt  }
0x4f: {  	_ =	shalt  }
0x50: {  	_ =	shalt  }
0x51: {  	_ =	shalt  }
0x52: {  	_ =	shalt  }
0x53: {  	_ =	shalt  }
0x54: {  	_ =	shalt  }
0x55: {  	_ =	shalt  }
0x56: {  	_ =	shalt  }
0x57: {  	_ =	shalt  }
0x58: {  	_ =	shalt  }
0x59: {  	_ =	shalt  }
0x5a: {  	_ =	shalt  }
0x5b: {  	_ =	shalt  }
0x5c: {  	_ =	shalt  }
0x5d: {  	_ =	shalt  }
0x5e: {  	_ =	shalt  }
0x5f: {  	_ =	shalt  }
0x60: {  	_ =	shalt  }
0x61: {  	_ =	shalt  }
0x62: {  	_ =	shalt  }
0x63: {  	_ =	shalt  }
0x64: {  	_ =	shalt  }
0x65: {  	_ =	shalt  }
0x66: {  	_ =	shalt  }
0x67: {  	_ =	shalt  }
0x68: {  	_ =	shalt  }
0x69: {  	_ =	shalt  }
0x6a: {  	_ =	shalt  }
0x6b: {  	_ =	shalt  }
0x6c: {  	_ =	shalt  }
0x6d: {  	_ =	shalt  }
0x6e: {  	_ =	shalt  }
0x6f: {  	_ =	shalt  }
0x70: {  	_ =	shalt  }
0x71: {  	_ =	shalt  }
0x72: {  	_ =	shalt  }
0x73: {  	_ =	shalt  }
0x74: {  	_ =	shalt  }
0x75: {  	_ =	shalt  }
0x76: {  	_ =	shalt  }
0x77: {  	_ =	shalt  }
0x78: {  	_ =	shalt  }
0x79: {  	_ =	shalt  }
0x7a: {  	_ =	shalt  }
0x7b: {  	_ =	shalt  }
0x7c: {  	_ =	shalt  }
0x7d: {  	_ =	shalt  }
0x7e: {  	_ =	shalt  }
0x7f: {  	_ =	shalt  }
0x80: {  	_ =	shalt  }
0x81: {  	_ =	shalt  }
0x82: {  	_ =	shalt  }
0x83: {  	_ =	shalt  }
0x84: {  	_ =	shalt  }
0x85: {  	_ =	shalt  }
0x86: {  	_ =	shalt  }
0x87: {  	_ =	shalt  }
.Lfunc_end0:
.L_simem_size_0:
called_computation_lowered:
.L_overlay_start_0:
0x88: {  	s2 =	sld [smem:$0x3FD9]  }
0x89: {  	s3 =	sld [smem:$0x3FFE];
	_ =	sdelay $0x1  }
0x8a: {  	s1 =	srdreg.scid  }
0x8b: {  	s0 =	sand.u32 $0x1, s1  }
0x8c: {  	s17 =	sshll.u32 s0, $0xA;
	s2 =	sadd.s32 s3, s2  }
0x8d: {  	s2 =	sadd.s32 s2, s17  }
0x8e: {  	[smem:$0x3FC4] =	sst s2  }
0x8f: {  	_ = 	snop  }
0x90: {  	s2 =	sld [smem:$0x3FC8]  }
0x91: {  	s18 =	sld [smem:$0x3FC6];
	(tm) =	ssettm $0x1  }
0x92: {  	s4 =	sld [smem:$0x3FFB];
	_ =	sdelay $0x3  }
0x93: {  	_ =	strace s4  }
0x94: {  	s4 =	sld [smem:$0x3FFC];
	_ =	sdelay $0x3  }
0x95: {  	_ =	strace s4  }
0x96: {  	s4 =	sld [smem:$0x3FFD];
	_ =	sdelay $0x3  }
0x97: {  	_ =	strace s4  }
0x98: {  	_ =	strace $0x8FFFFFFF  }
0x99: {  	s19 =	sld [smem:$0x3FDB];
	_ =	sdelay $0x1  }
0x9a: {  	s5 =	simm.s32 $_scs_section_size  }
0x9b: {  	s6 =	simm.s32 $_size__tile_overlayer_lowered;
	s7 =	simm.s32 $_tile_overlayer_lowered  }
0x9c: {  	s22 =	simm.s32 $0x1BFF;
	s21 =	sshll.u32 s7, $0x1;
	s4 =	sadd.s32 s5, s19  }
0x9d: {  	s8 =	simm.s32 $0x0;
	s20 =	sshll.u32 s6, $0x1;
	s6 =	sadd.s32 s21, s4  }
0x9e: {  	[timem:s8], [sflag:s22] =	dma.local [hbm:s6], s20  }
0x9f: {  	_ =	swait.ge [sflag:s22], s20  }
0xa0: {  	s5 =	ssub.s32 $0x0, s20;
	[sflag:s22] =	ssyncset.done $0x0  }
0xa1: {  	[sflag:s22] =	ssyncadd.s32 s5;
	_ =	sdelay $0x1  }
0xa2: {  	s23 =	simm.s32 $0x1B8B  }
0xa3: {  	_ =	swait.ge [sflag:s23], $0x1  }
0xa4: {  	[sflag:s23] =	ssyncset.done $0x0  }
0xa5: {  	s25 =	simm.s32 $0x1B8E;
	s24 =	sld [smem:$0x3FFE];
	[sflag:s23] =	ssyncadd.s32 $0xFFFFFFFF  }
0xa6: {  	s26 =	simm.s32 $execute0_lowered;
	[smem:$0x3FD2] =	sst s25  }
0xa7: {  	s6 =	sshll.u32 s26, $0x1;
	_ =	strace $0x80000046;
	[dreg:$0x1] =	wrdreg $0xFFFFFFFF  }
0xa8: {  	s28 =	simm.s32 $_size_execute0_lowered;
	s4 =	sadd.s32 s4, s6;
	[dreg:$0x0] =	wrdreg $0x0  }
0xa9: {  	s6 =	sshll.u32 s28, $0x1;
	[dreg:$0x2] =	wrdreg s4  }
0xaa: {  	[dreg:$0x3] =	wrdreg s6  }
0xab: {  	[dreg:$0x4] =	wrdreg $0xC0  }
0xac: {  	_ =	task [dreg:s8], $0x5FFFF  }
0xad: {  	[dreg:$0x1] =	wrdreg $0xFFFFFFFF  }
0xae: {  	[dreg:$0x0] =	wrdreg $0x60  }
0xaf: {  	[dreg:$0x2] =	wrdreg s24  }
0xb0: {  	[dreg:$0x3] =	wrdreg s18  }
0xb1: {  	[dreg:$0x4] =	wrdreg s2  }
0xb2: {  	[dreg:$0x5] =	wrdreg $0x0  }
0xb3: {  	[dreg:$0x6] =	wrdreg $0x10000  }
0xb4: {  	[dreg:$0x7] =	wrdreg $0x9  }
0xb5: {  	_ =	task.clear_ibuf [dreg:s8], $0x8FFFF;
	_ =	strace $0x90000046  }
0xb6: {  	s29 =	simm.s32 $0x9;
	_ =	strace $0x80000048  }
0xb7: {  	_ =	swait.ge [sflag:s29], $0x1  }
0xb8: {  	[sflag:s29] =	ssyncadd.s32 $0xFFFFFFFF  }
0xb9: {  	_ =	strace $0x90000048  }
0xba: {  	_ =	sfence  }
0xbb: {  	s30 =	sld [smem:$0x0];
	_ =	sdelay $0x2  }
0xbc: {  	s31 =	sshll.u32 s1, $0xD;
	s1 =	sshrl.u32 s1, $0x2  }
0xbd: {  	s3 =	sand.u32 $0x4000, s31;
	s1 =	sadd.s32 s1, s30  }
0xbe: {  	s0 =	sor.u32 s3, s0;
	s1 =	sshll.u32 s1, $0x11  }
0xbf: {  	s0 =	sor.u32 s1, s0  }
0xc0: {  	s0 =	sadd.s32 $0x8F2B, s0  }
0xc1: {  	[sflag:s0] =	ssyncadd.remote.s32 $0x1  }
0xc2: {  	_ =	sfence.sel $0xFFFF  }
0xc3: {  	[dreg:$0x0] =	wrdreg $0xFFFFFFFF;
	(pc) =	sbr.abs _section_cstart, $3  }
0xc4: {  	[dreg:$0x1] =	wrdreg $0xFFFFFFFF  }
0xc5: {  	_ =	task.clear_ibuf [dreg:s8], $0x2FFFF;
	_ =	strace $0x9FFFFFFF  }
0xc6: {  	(tm) =	ssettm $0x7FFFFFFF  }
0xc7: {  	_ =	shalt  }
tec
execute0_lowered:
.L_overlay_start_1:
0x0: {  	(tag) =	ssettag $0x1  }
0x1: {  	s0 =	srdreg.scid;
	s30 =	stileid.u32  }
0x2: {  	s3 =	sand.u32 $0x1, s0;
	s18 =	sshll.u32 s30, $0x1  }
0x3: {  	s2 =	sor.u32 s3, s18  }
0x4: {  	s0 =	rddreg [dreg:$0x0];
	s1 =	ssub.s32 $0x2, s3;
	s4 =	smul.u32 $0xC80, s2  }
0x5: {  	s8 =	sadd.s32 $0x1000, s0;
	s5 =	sshrl.u32 s1, $0x1;
	s6 =	smul.u32 $0xC800, s2  }
0x6: {  	s3 =	sshll.u32 s3, $0x11;
	p5 =	seq.s32 s2, $0x1F;
	s1 =	ssub.s32 s1, s5  }
0x7: {  	s7 =	sadd.s32 $0x300, s4;
	s29 =	sadd.s32 s8, s6;
	s6 =	sadd.s32 $0x380, s4  }
0x8: {  	s10 =	sadd.s32 $0x480, s4;
	s13 =	sadd.s32 $0x600, s4;
	s16 =	sadd.s32 $0x780, s4  }
0x9: {  	s19 =	sshll.u32 s7, $0x4;
	s9 =	sshll.u32 s6, $0x4;
	s11 =	sshll.u32 s10, $0x4  }
0xa: {  	s14 =	sshll.u32 s13, $0x4;
	s17 =	sshll.u32 s16, $0x4;
	p0 =	sne.s32 s7, $0x18680  }
0xb: {  	s5 =	sadd.s32 s8, s19;
	s9 =	sadd.s32 s8, s9;
	s11 =	sadd.s32 s8, s11  }
0xc: {  	s14 =	sadd.s32 s8, s14;
	s23 =	sadd.s32 s8, s17;
	[dreg:$0x7] =	wrdreg s5  }
0xd: {  	s17 =	sadd.s32 $0x880, s4;
	s19 =	sadd.s32 $0x900, s4;
	[dreg:$0x8] =	wrdreg s9  }
0xe: {  	s7 =	simm.s32 @!p0 $0x0;
	s5 =	sadd.s32 $0x400, s4;
	[dreg:$0xa] =	wrdreg s11  }
0xf: {  	s11 =	sadd.s32 $0x580, s4;
	[dreg:$0xd] =	wrdreg s14;
	s14 =	sadd.s32 $0x700, s4  }
0x10: {  	[dreg:$0x10] =	wrdreg s23;
	s24 =	sshll.u32 s17, $0x4;
	s7 =	simm.s32 @p0 $0x1  }
0x11: {  	p0 =	sne.s32 s6, $0x18680;
	s20 =	sshll.u32 s5, $0x4;
	s21 =	sshll.u32 s11, $0x4  }
0x12: {  	s22 =	sshll.u32 s14, $0x4;
	[smem:$0x7E7] =	sst s7;
	s6 =	simm.s32 @!p0 $0x0  }
0x13: {  	s7 =	simm.s32 $0x0;
	s9 =	sadd.s32 s8, s20;
	s20 =	sshll.u32 s19, $0x4  }
0x14: {  	s6 =	simm.s32 @p0 $0x1;
	p0 =	sne.s32 s5, $0x18680;
	[smem:$0x7FF] =	sst s7  }
0x15: {  	[dreg:$0x9] =	wrdreg s9;
	s9 =	sadd.s32 $0x500, s4;
	s25 =	sadd.s32 s8, s20  }
0x16: {  	s20 =	sadd.s32 $0xA00, s4;
	[smem:$0x7E8] =	sst s6;
	s5 =	simm.s32 @!p0 $0x0  }
0x17: {  	s12 =	sshll.u32 s9, $0x4;
	[dreg:$0x13] =	wrdreg s25;
	s5 =	simm.s32 @p0 $0x1  }
0x18: {  	p0 =	sne.s32 s10, $0x18680;
	s12 =	sadd.s32 s8, s12;
	[smem:$0x7E9] =	sst s5  }
0x19: {  	s5 =	simm.s32 @!p0 $0x0;
	[dreg:$0xb] =	wrdreg s12;
	s12 =	sadd.s32 s8, s21  }
0x1a: {  	s5 =	simm.s32 @p0 $0x1;
	p0 =	sne.s32 s9, $0x18680;
	[dreg:$0xc] =	wrdreg s12  }
0x1b: {  	s12 =	sadd.s32 $0x680, s4;
	[smem:$0x7EA] =	sst s5;
	s5 =	simm.s32 @!p0 $0x0  }
0x1c: {  	s26 =	sshll.u32 s20, $0x4;
	s15 =	sshll.u32 s12, $0x4;
	s5 =	simm.s32 @p0 $0x1  }
0x1d: {  	p0 =	sne.s32 s11, $0x18680;
	s15 =	sadd.s32 s8, s15;
	[smem:$0x7EB] =	sst s5  }
0x1e: {  	s5 =	simm.s32 @!p0 $0x0;
	[dreg:$0xe] =	wrdreg s15;
	s15 =	sadd.s32 s8, s22  }
0x1f: {  	s22 =	sadd.s32 $0xA80, s4;
	s5 =	simm.s32 @p0 $0x1;
	p0 =	sne.s32 s13, $0x18680  }
0x20: {  	[dreg:$0xf] =	wrdreg s15;
	s15 =	sadd.s32 $0x800, s4;
	s23 =	sshll.u32 s22, $0x4  }
0x21: {  	[smem:$0x7EC] =	sst s5;
	s5 =	simm.s32 @!p0 $0x0;
	s23 =	sadd.s32 s8, s23  }
0x22: {  	s5 =	simm.s32 @p0 $0x1;
	p0 =	sne.s32 s12, $0x18680;
	s12 =	rddreg [dreg:$0x2]  }
0x23: {  	s13 =	sshll.u32 s30, $0xD;
	s18 =	sshll.u32 s15, $0x4;
	[dreg:$0x16] =	wrdreg s23  }
0x24: {  	s18 =	sadd.s32 s8, s18;
	s23 =	sadd.s32 $0xB00, s4;
	[smem:$0x7ED] =	sst s5  }
0x25: {  	s5 =	simm.s32 @!p0 $0x0;
	[dreg:$0x11] =	wrdreg s18;
	s18 =	sadd.s32 s8, s24  }
0x26: {  	s5 =	simm.s32 @p0 $0x1;
	p0 =	sne.s32 s14, $0x18680;
	[dreg:$0x12] =	wrdreg s18  }
0x27: {  	s18 =	sadd.s32 $0x980, s4;
	[smem:$0x7EE] =	sst s5;
	s5 =	simm.s32 @!p0 $0x0  }
0x28: {  	s24 =	sshll.u32 s23, $0x4;
	s21 =	sshll.u32 s18, $0x4;
	s5 =	simm.s32 @p0 $0x1  }
0x29: {  	p0 =	sne.s32 s16, $0x18680;
	s21 =	sadd.s32 s8, s21;
	[smem:$0x7EF] =	sst s5  }
0x2a: {  	s5 =	simm.s32 @!p0 $0x0;
	[dreg:$0x14] =	wrdreg s21;
	s21 =	sadd.s32 s8, s26  }
0x2b: {  	s26 =	sadd.s32 $0xB80, s4;
	s4 =	sadd.s32 $0xC00, s4;
	s5 =	simm.s32 @p0 $0x1  }
0x2c: {  	p0 =	sne.s32 s15, $0x18680;
	[dreg:$0x15] =	wrdreg s21;
	s21 =	sadd.s32 s8, s24  }
0x2d: {  	s25 =	sshll.u32 s26, $0x4;
	[smem:$0x7F0] =	sst s5;
	s5 =	simm.s32 @!p0 $0x0  }
0x2e: {  	[dreg:$0x17] =	wrdreg s21;
	s5 =	simm.s32 @p0 $0x1;
	p0 =	sne.s32 s17, $0x18680  }
0x2f: {  	s24 =	sshll.u32 s4, $0x4;
	[smem:$0x7F1] =	sst s5;
	s5 =	simm.s32 @!p0 $0x0  }
0x30: {  	s21 =	sadd.s32 s8, s25;
	s5 =	simm.s32 @p0 $0x1;
	p0 =	sne.s32 s19, $0x18680  }
0x31: {  	s8 =	sadd.s32 s8, s24;
	[smem:$0x7F2] =	sst s5;
	s5 =	simm.s32 @!p0 $0x0  }
0x32: {  	s24 =	rddreg [dreg:$0x3];
	s5 =	simm.s32 @p0 $0x1;
	p0 =	sne.s32 s18, $0x18680  }
0x33: {  	s3 =	sor.u32 s13, s3;
	[smem:$0x7F3] =	sst s5;
	s5 =	simm.s32 @!p0 $0x0  }
0x34: {  	s25 =	rddreg [dreg:$0x4];
	s5 =	simm.s32 @p0 $0x1;
	p0 =	sne.s32 s20, $0x18680  }
0x35: {  	s14 =	sshll.u32 s2, $0x9;
	[smem:$0x7F4] =	sst s5;
	s5 =	simm.s32 @!p0 $0x0  }
0x36: {  	[dreg:$0x18] =	wrdreg s21;
	s5 =	simm.s32 @p0 $0x1;
	p0 =	sne.s32 s22, $0x18680  }
0x37: {  	s2 =	sshll.u32 s2, $0x2;
	[dreg:$0x19] =	wrdreg s8;
	s6 =	simm.s32 @!p0 $0x0  }
0x38: {  	p4 =	sne.s32 s4, $0x18680;
	[smem:$0x7F5] =	sst s5;
	s6 =	simm.s32 @p0 $0x1  }
0x39: {  	s4 =	sadd.s32 s14, s0;
	s5 =	sadd.s32 s12, s2;
	[smem:$0x7F6] =	sst s6  }
0x3a: {  	s4 =	sadd.s32 $0x187A00, s4;
	_ =	strace $0x80000047;
	[dreg:$0x1a] =	wrdreg s5  }
0x3b: {  	s3 =	sshrl.u32 s3, $0x3;
	s15 =	sadd.s32 s13, s24;
	[dreg:$0x1b] =	wrdreg s4  }
0x3c: {  	s16 =	sadd.s32 s13, s25;
	s2 =	sadd.s32 s2, s0;
	[dreg:$0x1c] =	wrdreg s15  }
0x3d: {  	s3 =	sadd.s32 s3, s0;
	s17 =	sadd.s32 $0x18BA00, s2;
	[dreg:$0x1d] =	wrdreg s16  }
0x3e: {  	s28 =	simm.s32 $0xD400;
	s18 =	sadd.s32 $0x18BC00, s3;
	[dreg:$0x1e] =	wrdreg s17  }
0x3f: {  	s31 =	sadd.s32 $0x187800, s0;
	s19 =	sadd.s32 $0x193C00, s3;
	[dreg:$0x1f] =	wrdreg s18  }
0x40: {  	s9 =	simm.s32 $0x11400;
	s20 =	smax.u32 s1, $0x1;
	[smem:$0x7F7] =	sst s19  }
0x41: {  	s11 =	simm.s32 $0xC;
	s21 =	sadd.s32 $0x800, s29;
	[smem:$0x7F8] =	sst s20  }
0x42: {  	s30 =	sadd.s32 $0x2800, s29;
	s22 =	sadd.s32 $0x1000, s29;
	[smem:$0x7F9] =	sst s21  }
0x43: {  	p2 =	sne.s32 s23, $0x18680;
	s23 =	sadd.s32 $0x1800, s29;
	[smem:$0x7FA] =	sst s22  }
0x44: {  	p3 =	sne.s32 s26, $0x18680;
	s26 =	sadd.s32 $0x2000, s29;
	[smem:$0x7FB] =	sst s23  }
0x45: {  	s8 =	simm.s32 $0x0;
	s13 =	simm.s32 $0x5400;
	[smem:$0x7FC] =	sst s26  }
0x46: {  	s12 =	simm.s32 $0xB;
	s2 =	simm.s32 $0x7;
	[dreg:$0x6] =	wrdreg s29  }
0x47: {  	s6 =	simm.s32 $0x9;
	[smem:$0x7FD] =	sst s30;
	s4 =	simm.s32 $0x1E400  }
0x48: {  	s17 =	simm.s32 $0x80;
	s18 =	simm.s32 $0x16400;
	s23 =	simm.s32 $0x6  }
0x49: {  	v0 =	vimm.f32 $0.0e+00;
	v1 =	vimm.f32 $1.000000000e+00;
	s5 =	simm.s32 $0x8;
	s26 =	simm.s32 $0xA;
	s21 =	simm.s32 $0x9400  }
.LBB2_1:
0x4a: {  	s0 =	rddreg [dreg:$0x1a]  }
0x4b: {  	[tilespmem:s4], [sflag:$0xC] =	stream.linear.gather [hbm4b:s0+s7], $0x20, $0x38;
	[tilespmem:$0x1E500] =	vst v63  }
0x4c: {  	s1 =	simm.s32 $0x200;
	s0 =	simm.s32 $0x0  }
.LBB2_2:
0x4d: {  	p6 =	sne.s32 s1, $0x7E00;
	[tilespmem:s0+$0x1C400] =	vst v0;
	s3 =	smov.u32 s1;
	s1 =	sadd.s32 $0x200, s1  }
.Ltmp0:
0x4e: {  	[tilespmem:s0+$0x1A430] =	vst v0;
	(pc) =	sbr.rel @p6 .LBB2_2-.Ltmp0, $4  }
0x4f: {  	[tilespmem:s0+$0x1A420] =	vst v0  }
0x50: {  	[tilespmem:s0+$0x1A400] =	vst v0  }
0x51: {  	[tilespmem:s0+$0x1A410] =	vst v0  }
0x52: {  	s0 =	sshra.s32 s3, $0x2  }
0x53: {  	[tilespmem:s0+$0x1C400] =	vst v0  }
0x54: {  	[tilespmem:s0+$0x1A430] =	vst v0  }
0x55: {  	[tilespmem:s0+$0x1A420] =	vst v0  }
0x56: {  	[tilespmem:s0+$0x1A400] =	vst v0  }
0x57: {  	[tilespmem:s0+$0x1A410] =	vst v0;
	s0 =	simm.s32 $0x200;
	s1 =	simm.s32 $0x0  }
.LBB2_4:
0x58: {  	p6 =	sne.s32 s0, $0xFE00;
	[tilespmem:s1+$0x16400] =	vst v1;
	s1 =	smov.u32 s0;
	s0 =	sadd.s32 $0x200, s0  }
.Ltmp1:
0x59: {  	(pc) =	sbr.rel @p6 .LBB2_4-.Ltmp1, $2  }
0x5a: {  	_ =	sdelay $0x2  }
0x5b: {  	s1 =	sshra.s32 s1, $0x2  }
0x5c: {  	[tilespmem:s1+$0x16400] =	vst v1;
	s19 =	rddreg [dreg:$0x1c];
	s0 =	simm.s32 $0x1A400;
	s3 =	simm.s32 $0xE  }
0x5d: {  	[spmem:s19] =	stream.linear.scatter [tilespmem:s0], [sflag:$0xE], $0x2000, $0x38;
	[tilespmem:$0x1E500] =	vst v63  }
0x5e: {  	_ =	swait.ge [sflag:s3], $0x2000  }
0x5f: {  	[sflag:s3] =	ssyncset.done $0x0  }
0x60: {  	s22 =	simm.s32 $0x1C400;
	s20 =	rddreg [dreg:$0x1d];
	[sflag:s3] =	ssyncadd.s32 $0xFFFFE000  }
0x61: {  	[spmem:s20] =	stream.linear.scatter [tilespmem:s22], [sflag:$0xE], $0x2000, $0x38;
	[tilespmem:$0x1E500] =	vst v63  }
0x62: {  	_ =	swait.ge [sflag:s3], $0x2000  }
0x63: {  	[sflag:s3] =	ssyncset.done $0x0  }
0x64: {  	s30 =	simm.s32 $0x15400;
	s29 =	rddreg [dreg:$0x1b];
	[sflag:s3] =	ssyncadd.s32 $0xFFFFE000  }
0x65: {  	[tilespmem:s30], [sflag:$0xE] =	stream.linear.gather [hbm4b:s29+s7], $0xC80, $0x38;
	[tilespmem:$0x1E500] =	vst v63  }
0x66: {  	_ =	swait.ge [sflag:s3], $0xC80  }
0x67: {  	[sflag:s3] =	ssyncset.done $0x0  }
0x68: {  	[sflag:s3] =	ssyncadd.s32 $0xFFFFF380  }
0x69: {  	_ =	swait.ge [sflag:s11], $0x20  }
0x6a: {  	[sflag:s11] =	ssyncset.done $0x0  }
0x6b: {  	[sflag:s11] =	ssyncadd.s32 $0xFFFFFFE0  }
0x6c: {  	[bflag:$0x0] =	sbarrier.arrive $0xFFFF  }
0x6d: {  	s14 =	rddreg [dreg:$0x1]  }
0x6e: {  	s15 =	simm.s32 $0x20;
	s16 =	simm.s32 $0x1E480;
	s19 =	rddreg [dreg:$0x6]  }
0x6f: {  	[tilespmem:s16], [sflag:$0xC] =	stream.indirect.gather [hbm4b:s14+s15], $0x1, s4, s15, $0xb8;
	[tilespmem:$0x1E500] =	vst v63  }
0x70: {  	s20 =	simm.s32 $0x0;
	s7 =	simm.s32 $0x1400;
	s22 =	sld [smem:$0x7F9]  }
0x71: {  	[tilespmem:s7], [sflag:$0x1] =	stream.linear.gather [hbm4b:s19+s20], $0x4000, $0x38;
	[tilespmem:$0x1E500] =	vst v63  }
0x72: {  	s29 =	sld [smem:$0x7FA]  }
0x73: {  	[tilespmem:s13], [sflag:$0x2] =	stream.linear.gather [hbm4b:s22+s20], $0x4000, $0x38;
	[tilespmem:$0x1E500] =	vst v63  }
0x74: {  	s10 =	simm.s32 $0x1  }
0x75: {  	[tilespmem:s21], [sflag:$0x3] =	stream.linear.gather [hbm4b:s29+s20], $0x4000, $0x38;
	[tilespmem:$0x1E500] =	vst v63  }
0x76: {  	_ =	swait.ge [sflag:s10], $0x4000  }
0x77: {  	[sflag:s10] =	ssyncset.done $0x0  }
0x78: {  	[sflag:s10] =	ssyncadd.s32 $0xFFFFC000  }
0x79: {  	[spmem:s24] =	stream.indirect.scatter.add.f32 [tilespmem:s7], [sflag:$0x6], $0x40, s30, s17, $0xb8;
	[tilespmem:$0x1E500] =	vst v63  }
0x7a: {  	_ = 	snop  }
0x7b: {  	[spmem:s25] =	stream.indirect.scatter.add.f32 [tilespmem:s18], [sflag:$0xB], $0x10, s30, s17, $0xb8;
	[tilespmem:$0x1E500] =	vst v63  }
0x7c: {  	s30 =	sld [smem:$0x7FB];
	_ =	sdelay $0x1  }
0x7d: {  	s1 =	simm.s32 $0x2  }
0x7e: {  	[tilespmem:s28], [sflag:$0x4] =	stream.linear.gather [hbm4b:s30+s20], $0x4000, $0x38;
	[tilespmem:$0x1E500] =	vst v63  }
0x7f: {  	_ =	swait.ge [sflag:s1], $0x4000  }
0x80: {  	[sflag:s1] =	ssyncset.done $0x0  }
0x81: {  	s4 =	simm.s32 $0x15480;
	[sflag:s1] =	ssyncadd.s32 $0xFFFFC000  }
0x82: {  	[spmem:s24] =	stream.indirect.scatter.add.f32 [tilespmem:s13], [sflag:$0x7], $0x40, s4, s17, $0xb8;
	[tilespmem:$0x1E500] =	vst v63  }
0x83: {  	s14 =	sld [smem:$0x7FC]  }
0x84: {  	[spmem:s25] =	stream.indirect.scatter.add.f32 [tilespmem:s18], [sflag:$0xB], $0x10, s4, s17, $0xb8;
	[tilespmem:$0x1E500] =	vst v63  }
0x85: {  	s15 =	simm.s32 $0x3  }
0x86: {  	[tilespmem:s9], [sflag:$0x5] =	stream.linear.gather [hbm4b:s14+s20], $0x4000, $0x38;
	[tilespmem:$0x1E500] =	vst v63  }
0x87: {  	_ =	swait.ge [sflag:s15], $0x4000  }
0x88: {  	[sflag:s15] =	ssyncset.done $0x0  }
0x89: {  	s16 =	simm.s32 $0x15500;
	[sflag:s15] =	ssyncadd.s32 $0xFFFFC000  }
0x8a: {  	[spmem:s24] =	stream.indirect.scatter.add.f32 [tilespmem:s21], [sflag:$0x8], $0x40, s16, s17, $0xb8;
	[tilespmem:$0x1E500] =	vst v63  }
0x8b: {  	_ = 	snop  }
0x8c: {  	[spmem:s25] =	stream.indirect.scatter.add.f32 [tilespmem:s18], [sflag:$0xB], $0x10, s16, s17, $0xb8;
	[tilespmem:$0x1E500] =	vst v63  }
0x8d: {  	_ =	swait.ge [sflag:s23], $0x2000  }
0x8e: {  	s19 =	sld [smem:$0x7FD]  }
0x8f: {  	[sflag:s23] =	ssyncset.done $0x0  }
0x90: {  	[sflag:s23] =	ssyncadd.s32 $0xFFFFE000  }
0x91: {  	[tilespmem:s7], [sflag:$0x1] =	stream.linear.gather [hbm4b:s19+s20], $0x4000, $0x38;
	[tilespmem:$0x1E500] =	vst v63  }
0x92: {  	s20 =	simm.s32 $0x4  }
0x93: {  	_ =	swait.ge [sflag:s20], $0x4000  }
0x94: {  	[sflag:s20] =	ssyncset.done $0x0  }
0x95: {  	s22 =	simm.s32 $0x15580;
	[sflag:s20] =	ssyncadd.s32 $0xFFFFC000  }
0x96: {  	[spmem:s24] =	stream.indirect.scatter.add.f32 [tilespmem:s28], [sflag:$0x9], $0x40, s22, s17, $0xb8;
	[tilespmem:$0x1E500] =	vst v63  }
0x97: {  	_ = 	snop  }
0x98: {  	[spmem:s25] =	stream.indirect.scatter.add.f32 [tilespmem:s18], [sflag:$0xB], $0x10, s22, s17, $0xb8;
	[tilespmem:$0x1E500] =	vst v63  }
0x99: {  	_ =	swait.ge [sflag:s2], $0x2000  }
0x9a: {  	s3 =	simm.s32 @!p5 $0x5400;
	[sflag:s2] =	ssyncset.done $0x0;
	s29 =	sld [smem:$0x7E7]  }
0x9b: {  	s22 =	simm.s32 @!p5 $0x0;
	s0 =	rddreg [dreg:$0x7];
	[sflag:s2] =	ssyncadd.s32 $0xFFFFE000  }
0x9c: {  	[tilespmem:s3], [sflag:$0x2] =	stream.linear.gather @!p5 [hbm4b:s0+s22], $0x4000, $0x38;
	[tilespmem:$0x1E500] =	vst v63  }
0x9d: {  	p6 =	seq.s32 s29, $0x1  }
0x9e: {  	s30 =	simm.s32 $0x5;
	s0 =	simm.s32 @!p6 $0x0;
	s1 =	simm.s32 @!p6 $0x5400  }
0x9f: {  	[tilespmem:s1], [sflag:$0x2] =	stream.linear.gather @!p6 [hbm4b:s31+s0], $0x1000, $0x38;
	[tilespmem:$0x1E500] =	vst v63  }
0xa0: {  	_ =	swait.ge [sflag:s30], $0x4000  }
0xa1: {  	[sflag:s30] =	ssyncset.done $0x0  }
0xa2: {  	s1 =	simm.s32 $0x15600;
	[sflag:s30] =	ssyncadd.s32 $0xFFFFC000  }
0xa3: {  	[spmem:s24] =	stream.indirect.scatter.add.f32 [tilespmem:s9], [sflag:$0xA], $0x40, s1, s17, $0xb8;
	[tilespmem:$0x1E500] =	vst v63  }
0xa4: {  	_ = 	snop  }
0xa5: {  	[spmem:s25] =	stream.indirect.scatter.add.f32 [tilespmem:s18], [sflag:$0xB], $0x10, s1, s17, $0xb8;
	[tilespmem:$0x1E500] =	vst v63  }
0xa6: {  	_ =	swait.ge [sflag:s5], $0x2000  }
0xa7: {  	[sflag:s5] =	ssyncset.done $0x0;
	s4 =	sld [smem:$0x7E8]  }
0xa8: {  	s0 =	simm.s32 @!p5 $0x9400;
	s1 =	rddreg [dreg:$0x8];
	[sflag:s5] =	ssyncadd.s32 $0xFFFFE000  }
0xa9: {  	[tilespmem:s0], [sflag:$0x3] =	stream.linear.gather @!p5 [hbm4b:s1+s22], $0x4000, $0x38;
	[tilespmem:$0x1E500] =	vst v63  }
0xaa: {  	p0 =	seq.s32 s4, $0x1  }
0xab: {  	s1 =	simm.s32 @!p0 $0x0;
	s4 =	simm.s32 @!p0 $0x9400  }
0xac: {  	[tilespmem:s4], [sflag:$0x3] =	stream.linear.gather @!p0 [hbm4b:s31+s1], $0x1000, $0x38;
	[tilespmem:$0x1E500] =	vst v63  }
0xad: {  	_ =	swait.ge [sflag:s10], $0x4000  }
0xae: {  	[sflag:s10] =	ssyncset.done $0x0  }
0xaf: {  	[sflag:s10] =	ssyncadd.s32 $0xFFFFC000;
	s10 =	simm.s32 $0x15680  }
0xb0: {  	[spmem:s24] =	stream.indirect.scatter.add.f32 [tilespmem:s7], [sflag:$0x6], $0x40, s10, s17, $0xb8;
	[tilespmem:$0x1E500] =	vst v63  }
0xb1: {  	_ = 	snop  }
0xb2: {  	[spmem:s25] =	stream.indirect.scatter.add.f32 [tilespmem:s18], [sflag:$0xB], $0x10, s10, s17, $0xb8;
	[tilespmem:$0x1E500] =	vst v63  }
0xb3: {  	_ =	swait.ge [sflag:s6], $0x2000  }
0xb4: {  	[sflag:s6] =	ssyncset.done $0x0;
	s14 =	sld [smem:$0x7E9]  }
0xb5: {  	s10 =	simm.s32 @!p5 $0xD400;
	s1 =	rddreg [dreg:$0x9];
	[sflag:s6] =	ssyncadd.s32 $0xFFFFE000  }
0xb6: {  	[tilespmem:s10], [sflag:$0x4] =	stream.linear.gather @!p5 [hbm4b:s1+s22], $0x4000, $0x38;
	[tilespmem:$0x1E500] =	vst v63  }
0xb7: {  	p1 =	seq.s32 s14, $0x1  }
0xb8: {  	s1 =	simm.s32 @!p1 $0x0;
	s4 =	simm.s32 @!p1 $0xD400  }
0xb9: {  	[tilespmem:s4], [sflag:$0x4] =	stream.linear.gather @!p1 [hbm4b:s31+s1], $0x1000, $0x38;
	[tilespmem:$0x1E500] =	vst v63  }
0xba: {  	s4 =	simm.s32 @!p5 $0x2  }
0xbb: {  	_ =	swait.ge @!p5 [sflag:s4], $0x4000  }
0xbc: {  	[sflag:s4] =	ssyncset.done @!p5 $0x0  }
0xbd: {  	s1 =	simm.s32 @!p6 $0x2;
	[sflag:s4] =	ssyncadd.s32 @!p5 $0xFFFFC000  }
0xbe: {  	_ =	swait.ge @!p6 [sflag:s1], $0x1000  }
0xbf: {  	[sflag:s1] =	ssyncset.done @!p6 $0x0  }
0xc0: {  	s15 =	simm.s32 $0x15700;
	[sflag:s1] =	ssyncadd.s32 @!p6 $0xFFFFF000  }
0xc1: {  	[spmem:s24] =	stream.indirect.scatter.add.f32 [tilespmem:s13], [sflag:$0x7], $0x40, s15, s17, $0xb8;
	[tilespmem:$0x1E500] =	vst v63  }
0xc2: {  	_ = 	snop  }
0xc3: {  	[spmem:s25] =	stream.indirect.scatter.add.f32 [tilespmem:s18], [sflag:$0xB], $0x10, s15, s17, $0xb8;
	[tilespmem:$0x1E500] =	vst v63  }
0xc4: {  	_ =	swait.ge [sflag:s26], $0x2000  }
0xc5: {  	[sflag:s26] =	ssyncset.done $0x0;
	s16 =	sld [smem:$0x7EA]  }
0xc6: {  	s1 =	simm.s32 @!p5 $0x11400;
	s14 =	rddreg [dreg:$0xa];
	[sflag:s26] =	ssyncadd.s32 $0xFFFFE000  }
0xc7: {  	[tilespmem:s1], [sflag:$0x5] =	stream.linear.gather @!p5 [hbm4b:s14+s22], $0x4000, $0x38;
	[tilespmem:$0x1E500] =	vst v63  }
0xc8: {  	p6 =	seq.s32 s16, $0x1  }
0xc9: {  	s20 =	simm.s32 @!p5 $0x3;
	s14 =	simm.s32 @!p6 $0x0;
	s15 =	simm.s32 @!p6 $0x11400  }
0xca: {  	[tilespmem:s15], [sflag:$0x5] =	stream.linear.gather @!p6 [hbm4b:s31+s14], $0x1000, $0x38;
	[tilespmem:$0x1E500] =	vst v63  }
0xcb: {  	_ =	swait.ge @!p5 [sflag:s20], $0x4000  }
0xcc: {  	[sflag:s20] =	ssyncset.done @!p5 $0x0  }
0xcd: {  	s14 =	simm.s32 @!p0 $0x3;
	[sflag:s20] =	ssyncadd.s32 @!p5 $0xFFFFC000  }
0xce: {  	_ =	swait.ge @!p0 [sflag:s14], $0x1000  }
0xcf: {  	[sflag:s14] =	ssyncset.done @!p0 $0x0  }
0xd0: {  	s19 =	simm.s32 $0x15780;
	[sflag:s14] =	ssyncadd.s32 @!p0 $0xFFFFF000  }
0xd1: {  	[spmem:s24] =	stream.indirect.scatter.add.f32 [tilespmem:s21], [sflag:$0x8], $0x40, s19, s17, $0xb8;
	[tilespmem:$0x1E500] =	vst v63  }
0xd2: {  	_ = 	snop  }
0xd3: {  	[spmem:s25] =	stream.indirect.scatter.add.f32 [tilespmem:s18], [sflag:$0xB], $0x10, s19, s17, $0xb8;
	[tilespmem:$0x1E500] =	vst v63  }
0xd4: {  	_ =	swait.ge [sflag:s23], $0x2000  }
0xd5: {  	[sflag:s23] =	ssyncset.done $0x0;
	s29 =	sld [smem:$0x7EB]  }
0xd6: {  	s14 =	simm.s32 @!p5 $0x1400;
	s15 =	rddreg [dreg:$0xb];
	[sflag:s23] =	ssyncadd.s32 $0xFFFFE000  }
0xd7: {  	[tilespmem:s14], [sflag:$0x1] =	stream.linear.gather @!p5 [hbm4b:s15+s22], $0x4000, $0x38;
	[tilespmem:$0x1E500] =	vst v63  }
0xd8: {  	p0 =	seq.s32 s29, $0x1  }
0xd9: {  	s15 =	simm.s32 @!p0 $0x0;
	s29 =	simm.s32 @!p0 $0x1400  }
0xda: {  	[tilespmem:s29], [sflag:$0x1] =	stream.linear.gather @!p0 [hbm4b:s31+s15], $0x1000, $0x38;
	[tilespmem:$0x1E500] =	vst v63  }
0xdb: {  	s29 =	simm.s32 @!p5 $0x4  }
0xdc: {  	_ =	swait.ge @!p5 [sflag:s29], $0x4000  }
0xdd: {  	[sflag:s29] =	ssyncset.done @!p5 $0x0  }
0xde: {  	s15 =	simm.s32 @!p1 $0x4;
	[sflag:s29] =	ssyncadd.s32 @!p5 $0xFFFFC000  }
0xdf: {  	_ =	swait.ge @!p1 [sflag:s15], $0x1000  }
0xe0: {  	[sflag:s15] =	ssyncset.done @!p1 $0x0  }
0xe1: {  	s30 =	simm.s32 $0x15800;
	[sflag:s15] =	ssyncadd.s32 @!p1 $0xFFFFF000  }
0xe2: {  	[spmem:s24] =	stream.indirect.scatter.add.f32 [tilespmem:s28], [sflag:$0x9], $0x40, s30, s17, $0xb8;
	[tilespmem:$0x1E500] =	vst v63  }
0xe3: {  	_ = 	snop  }
0xe4: {  	[spmem:s25] =	stream.indirect.scatter.add.f32 [tilespmem:s18], [sflag:$0xB], $0x10, s30, s17, $0xb8;
	[tilespmem:$0x1E500] =	vst v63  }
0xe5: {  	_ =	swait.ge [sflag:s2], $0x2000  }
0xe6: {  	[sflag:s2] =	ssyncset.done $0x0;
	s16 =	sld [smem:$0x7EC]  }
0xe7: {  	s15 =	rddreg [dreg:$0xc];
	[sflag:s2] =	ssyncadd.s32 $0xFFFFE000  }
0xe8: {  	[tilespmem:s3], [sflag:$0x2] =	stream.linear.gather @!p5 [hbm4b:s15+s22], $0x4000, $0x38;
	[tilespmem:$0x1E500] =	vst v63  }
0xe9: {  	p1 =	seq.s32 s16, $0x1  }
0xea: {  	s15 =	simm.s32 @!p1 $0x0;
	s30 =	simm.s32 @!p1 $0x5400  }
0xeb: {  	[tilespmem:s30], [sflag:$0x2] =	stream.linear.gather @!p1 [hbm4b:s31+s15], $0x1000, $0x38;
	[tilespmem:$0x1E500] =	vst v63  }
0xec: {  	s30 =	simm.s32 @!p5 $0x5  }
0xed: {  	_ =	swait.ge @!p5 [sflag:s30], $0x4000  }
0xee: {  	[sflag:s30] =	ssyncset.done @!p5 $0x0  }
0xef: {  	s15 =	simm.s32 @!p6 $0x5;
	[sflag:s30] =	ssyncadd.s32 @!p5 $0xFFFFC000  }
0xf0: {  	_ =	swait.ge @!p6 [sflag:s15], $0x1000  }
0xf1: {  	[sflag:s15] =	ssyncset.done @!p6 $0x0  }
0xf2: {  	s19 =	simm.s32 $0x15880;
	[sflag:s15] =	ssyncadd.s32 @!p6 $0xFFFFF000  }
0xf3: {  	[spmem:s24] =	stream.indirect.scatter.add.f32 [tilespmem:s9], [sflag:$0xA], $0x40, s19, s17, $0xb8;
	[tilespmem:$0x1E500] =	vst v63  }
0xf4: {  	_ = 	snop  }
0xf5: {  	[spmem:s25] =	stream.indirect.scatter.add.f32 [tilespmem:s18], [sflag:$0xB], $0x10, s19, s17, $0xb8;
	[tilespmem:$0x1E500] =	vst v63  }
0xf6: {  	_ =	swait.ge [sflag:s5], $0x2000  }
0xf7: {  	[sflag:s5] =	ssyncset.done $0x0;
	s16 =	sld [smem:$0x7ED]  }
0xf8: {  	s15 =	rddreg [dreg:$0xd];
	[sflag:s5] =	ssyncadd.s32 $0xFFFFE000  }
0xf9: {  	[tilespmem:s0], [sflag:$0x3] =	stream.linear.gather @!p5 [hbm4b:s15+s22], $0x4000, $0x38;
	[tilespmem:$0x1E500] =	vst v63  }
0xfa: {  	p6 =	seq.s32 s16, $0x1  }
0xfb: {  	s15 =	simm.s32 @!p6 $0x0;
	s16 =	simm.s32 @!p6 $0x9400  }
0xfc: {  	[tilespmem:s16], [sflag:$0x3] =	stream.linear.gather @!p6 [hbm4b:s31+s15], $0x1000, $0x38;
	[tilespmem:$0x1E500] =	vst v63  }
0xfd: {  	s15 =	simm.s32 @!p5 $0x1  }
0xfe: {  	_ =	swait.ge @!p5 [sflag:s15], $0x4000  }
0xff: {  	[sflag:s15] =	ssyncset.done @!p5 $0x0  }
0x100: {  	s16 =	simm.s32 @!p0 $0x1;
	[sflag:s15] =	ssyncadd.s32 @!p5 $0xFFFFC000  }
0x101: {  	_ =	swait.ge @!p0 [sflag:s16], $0x1000  }
0x102: {  	[sflag:s16] =	ssyncset.done @!p0 $0x0  }
0x103: {  	s19 =	simm.s32 $0x15900;
	[sflag:s16] =	ssyncadd.s32 @!p0 $0xFFFFF000  }
0x104: {  	[spmem:s24] =	stream.indirect.scatter.add.f32 [tilespmem:s7], [sflag:$0x6], $0x40, s19, s17, $0xb8;
	[tilespmem:$0x1E500] =	vst v63  }
0x105: {  	_ = 	snop  }
0x106: {  	[spmem:s25] =	stream.indirect.scatter.add.f32 [tilespmem:s18], [sflag:$0xB], $0x10, s19, s17, $0xb8;
	[tilespmem:$0x1E500] =	vst v63  }
0x107: {  	_ =	swait.ge [sflag:s6], $0x2000  }
0x108: {  	[sflag:s6] =	ssyncset.done $0x0;
	s19 =	sld [smem:$0x7EE]  }
0x109: {  	s16 =	rddreg [dreg:$0xe];
	[sflag:s6] =	ssyncadd.s32 $0xFFFFE000  }
0x10a: {  	[tilespmem:s10], [sflag:$0x4] =	stream.linear.gather @!p5 [hbm4b:s16+s22], $0x4000, $0x38;
	[tilespmem:$0x1E500] =	vst v63  }
0x10b: {  	p0 =	seq.s32 s19, $0x1  }
0x10c: {  	s16 =	simm.s32 @!p0 $0x0;
	s19 =	simm.s32 @!p0 $0xD400  }
0x10d: {  	[tilespmem:s19], [sflag:$0x4] =	stream.linear.gather @!p0 [hbm4b:s31+s16], $0x1000, $0x38;
	[tilespmem:$0x1E500] =	vst v63  }
0x10e: {  	_ =	swait.ge @!p5 [sflag:s4], $0x4000  }
0x10f: {  	[sflag:s4] =	ssyncset.done @!p5 $0x0  }
0x110: {  	s16 =	simm.s32 @!p1 $0x2;
	[sflag:s4] =	ssyncadd.s32 @!p5 $0xFFFFC000  }
0x111: {  	_ =	swait.ge @!p1 [sflag:s16], $0x1000  }
0x112: {  	[sflag:s16] =	ssyncset.done @!p1 $0x0  }
0x113: {  	s19 =	simm.s32 $0x15980;
	[sflag:s16] =	ssyncadd.s32 @!p1 $0xFFFFF000  }
0x114: {  	[spmem:s24] =	stream.indirect.scatter.add.f32 [tilespmem:s13], [sflag:$0x7], $0x40, s19, s17, $0xb8;
	[tilespmem:$0x1E500] =	vst v63  }
0x115: {  	_ = 	snop  }
0x116: {  	[spmem:s25] =	stream.indirect.scatter.add.f32 [tilespmem:s18], [sflag:$0xB], $0x10, s19, s17, $0xb8;
	[tilespmem:$0x1E500] =	vst v63  }
0x117: {  	_ =	swait.ge [sflag:s26], $0x2000  }
0x118: {  	[sflag:s26] =	ssyncset.done $0x0;
	s19 =	sld [smem:$0x7EF]  }
0x119: {  	s16 =	rddreg [dreg:$0xf];
	[sflag:s26] =	ssyncadd.s32 $0xFFFFE000  }
0x11a: {  	[tilespmem:s1], [sflag:$0x5] =	stream.linear.gather @!p5 [hbm4b:s16+s22], $0x4000, $0x38;
	[tilespmem:$0x1E500] =	vst v63  }
0x11b: {  	p1 =	seq.s32 s19, $0x1  }
0x11c: {  	s16 =	simm.s32 @!p1 $0x0;
	s19 =	simm.s32 @!p1 $0x11400  }
0x11d: {  	[tilespmem:s19], [sflag:$0x5] =	stream.linear.gather @!p1 [hbm4b:s31+s16], $0x1000, $0x38;
	[tilespmem:$0x1E500] =	vst v63  }
0x11e: {  	_ =	swait.ge @!p5 [sflag:s20], $0x4000  }
0x11f: {  	[sflag:s20] =	ssyncset.done @!p5 $0x0  }
0x120: {  	s16 =	simm.s32 @!p6 $0x3;
	[sflag:s20] =	ssyncadd.s32 @!p5 $0xFFFFC000  }
0x121: {  	_ =	swait.ge @!p6 [sflag:s16], $0x1000  }
0x122: {  	[sflag:s16] =	ssyncset.done @!p6 $0x0  }
0x123: {  	s19 =	simm.s32 $0x15A00;
	[sflag:s16] =	ssyncadd.s32 @!p6 $0xFFFFF000  }
0x124: {  	[spmem:s24] =	stream.indirect.scatter.add.f32 [tilespmem:s21], [sflag:$0x8], $0x40, s19, s17, $0xb8;
	[tilespmem:$0x1E500] =	vst v63  }
0x125: {  	_ = 	snop  }
0x126: {  	[spmem:s25] =	stream.indirect.scatter.add.f32 [tilespmem:s18], [sflag:$0xB], $0x10, s19, s17, $0xb8;
	[tilespmem:$0x1E500] =	vst v63  }
0x127: {  	_ =	swait.ge [sflag:s23], $0x2000  }
0x128: {  	[sflag:s23] =	ssyncset.done $0x0;
	s19 =	sld [smem:$0x7F0]  }
0x129: {  	s16 =	rddreg [dreg:$0x10];
	[sflag:s23] =	ssyncadd.s32 $0xFFFFE000  }
0x12a: {  	[tilespmem:s14], [sflag:$0x1] =	stream.linear.gather @!p5 [hbm4b:s16+s22], $0x4000, $0x38;
	[tilespmem:$0x1E500] =	vst v63  }
0x12b: {  	p6 =	seq.s32 s19, $0x1  }
0x12c: {  	s16 =	simm.s32 @!p6 $0x0;
	s19 =	simm.s32 @!p6 $0x1400  }
0x12d: {  	[tilespmem:s19], [sflag:$0x1] =	stream.linear.gather @!p6 [hbm4b:s31+s16], $0x1000, $0x38;
	[tilespmem:$0x1E500] =	vst v63  }
0x12e: {  	_ =	swait.ge @!p5 [sflag:s29], $0x4000  }
0x12f: {  	[sflag:s29] =	ssyncset.done @!p5 $0x0  }
0x130: {  	s16 =	simm.s32 @!p0 $0x4;
	[sflag:s29] =	ssyncadd.s32 @!p5 $0xFFFFC000  }
0x131: {  	_ =	swait.ge @!p0 [sflag:s16], $0x1000  }
0x132: {  	[sflag:s16] =	ssyncset.done @!p0 $0x0  }
0x133: {  	s19 =	simm.s32 $0x15A80;
	[sflag:s16] =	ssyncadd.s32 @!p0 $0xFFFFF000  }
0x134: {  	[spmem:s24] =	stream.indirect.scatter.add.f32 [tilespmem:s28], [sflag:$0x9], $0x40, s19, s17, $0xb8;
	[tilespmem:$0x1E500] =	vst v63  }
0x135: {  	_ = 	snop  }
0x136: {  	[spmem:s25] =	stream.indirect.scatter.add.f32 [tilespmem:s18], [sflag:$0xB], $0x10, s19, s17, $0xb8;
	[tilespmem:$0x1E500] =	vst v63  }
0x137: {  	_ =	swait.ge [sflag:s2], $0x2000  }
0x138: {  	[sflag:s2] =	ssyncset.done $0x0;
	s19 =	sld [smem:$0x7F1]  }
0x139: {  	s16 =	rddreg [dreg:$0x11];
	[sflag:s2] =	ssyncadd.s32 $0xFFFFE000  }
0x13a: {  	[tilespmem:s3], [sflag:$0x2] =	stream.linear.gather @!p5 [hbm4b:s16+s22], $0x4000, $0x38;
	[tilespmem:$0x1E500] =	vst v63  }
0x13b: {  	p0 =	seq.s32 s19, $0x1  }
0x13c: {  	s16 =	simm.s32 @!p0 $0x0;
	s19 =	simm.s32 @!p0 $0x5400  }
0x13d: {  	[tilespmem:s19], [sflag:$0x2] =	stream.linear.gather @!p0 [hbm4b:s31+s16], $0x1000, $0x38;
	[tilespmem:$0x1E500] =	vst v63  }
0x13e: {  	_ =	swait.ge @!p5 [sflag:s30], $0x4000  }
0x13f: {  	[sflag:s30] =	ssyncset.done @!p5 $0x0  }
0x140: {  	s16 =	simm.s32 @!p1 $0x5;
	[sflag:s30] =	ssyncadd.s32 @!p5 $0xFFFFC000  }
0x141: {  	_ =	swait.ge @!p1 [sflag:s16], $0x1000  }
0x142: {  	[sflag:s16] =	ssyncset.done @!p1 $0x0  }
0x143: {  	s19 =	simm.s32 $0x15B00;
	[sflag:s16] =	ssyncadd.s32 @!p1 $0xFFFFF000  }
0x144: {  	[spmem:s24] =	stream.indirect.scatter.add.f32 [tilespmem:s9], [sflag:$0xA], $0x40, s19, s17, $0xb8;
	[tilespmem:$0x1E500] =	vst v63  }
0x145: {  	_ = 	snop  }
0x146: {  	[spmem:s25] =	stream.indirect.scatter.add.f32 [tilespmem:s18], [sflag:$0xB], $0x10, s19, s17, $0xb8;
	[tilespmem:$0x1E500] =	vst v63  }
0x147: {  	_ =	swait.ge [sflag:s5], $0x2000  }
0x148: {  	[sflag:s5] =	ssyncset.done $0x0;
	s19 =	sld [smem:$0x7F2]  }
0x149: {  	s16 =	rddreg [dreg:$0x12];
	[sflag:s5] =	ssyncadd.s32 $0xFFFFE000  }
0x14a: {  	[tilespmem:s0], [sflag:$0x3] =	stream.linear.gather @!p5 [hbm4b:s16+s22], $0x4000, $0x38;
	[tilespmem:$0x1E500] =	vst v63  }
0x14b: {  	p1 =	seq.s32 s19, $0x1  }
0x14c: {  	s16 =	simm.s32 @!p1 $0x0;
	s19 =	simm.s32 @!p1 $0x9400  }
0x14d: {  	[tilespmem:s19], [sflag:$0x3] =	stream.linear.gather @!p1 [hbm4b:s31+s16], $0x1000, $0x38;
	[tilespmem:$0x1E500] =	vst v63  }
0x14e: {  	_ =	swait.ge @!p5 [sflag:s15], $0x4000  }
0x14f: {  	[sflag:s15] =	ssyncset.done @!p5 $0x0  }
0x150: {  	s16 =	simm.s32 @!p6 $0x1;
	[sflag:s15] =	ssyncadd.s32 @!p5 $0xFFFFC000  }
0x151: {  	_ =	swait.ge @!p6 [sflag:s16], $0x1000  }
0x152: {  	[sflag:s16] =	ssyncset.done @!p6 $0x0  }
0x153: {  	s19 =	simm.s32 $0x15B80;
	[sflag:s16] =	ssyncadd.s32 @!p6 $0xFFFFF000  }
0x154: {  	[spmem:s24] =	stream.indirect.scatter.add.f32 [tilespmem:s7], [sflag:$0x6], $0x40, s19, s17, $0xb8;
	[tilespmem:$0x1E500] =	vst v63  }
0x155: {  	_ = 	snop  }
0x156: {  	[spmem:s25] =	stream.indirect.scatter.add.f32 [tilespmem:s18], [sflag:$0xB], $0x10, s19, s17, $0xb8;
	[tilespmem:$0x1E500] =	vst v63  }
0x157: {  	_ =	swait.ge [sflag:s6], $0x2000  }
0x158: {  	[sflag:s6] =	ssyncset.done $0x0;
	s19 =	sld [smem:$0x7F3]  }
0x159: {  	s16 =	rddreg [dreg:$0x13];
	[sflag:s6] =	ssyncadd.s32 $0xFFFFE000  }
0x15a: {  	[tilespmem:s10], [sflag:$0x4] =	stream.linear.gather @!p5 [hbm4b:s16+s22], $0x4000, $0x38;
	[tilespmem:$0x1E500] =	vst v63  }
0x15b: {  	p6 =	seq.s32 s19, $0x1  }
0x15c: {  	s16 =	simm.s32 @!p6 $0x0;
	s19 =	simm.s32 @!p6 $0xD400  }
0x15d: {  	[tilespmem:s19], [sflag:$0x4] =	stream.linear.gather @!p6 [hbm4b:s31+s16], $0x1000, $0x38;
	[tilespmem:$0x1E500] =	vst v63  }
0x15e: {  	_ =	swait.ge @!p5 [sflag:s4], $0x4000  }
0x15f: {  	[sflag:s4] =	ssyncset.done @!p5 $0x0  }
0x160: {  	s16 =	simm.s32 @!p0 $0x2;
	[sflag:s4] =	ssyncadd.s32 @!p5 $0xFFFFC000  }
0x161: {  	_ =	swait.ge @!p0 [sflag:s16], $0x1000  }
0x162: {  	[sflag:s16] =	ssyncset.done @!p0 $0x0  }
0x163: {  	s19 =	simm.s32 $0x15C00;
	[sflag:s16] =	ssyncadd.s32 @!p0 $0xFFFFF000  }
0x164: {  	[spmem:s24] =	stream.indirect.scatter.add.f32 [tilespmem:s13], [sflag:$0x7], $0x40, s19, s17, $0xb8;
	[tilespmem:$0x1E500] =	vst v63  }
0x165: {  	_ = 	snop  }
0x166: {  	[spmem:s25] =	stream.indirect.scatter.add.f32 [tilespmem:s18], [sflag:$0xB], $0x10, s19, s17, $0xb8;
	[tilespmem:$0x1E500] =	vst v63  }
0x167: {  	_ =	swait.ge [sflag:s26], $0x2000  }
0x168: {  	[sflag:s26] =	ssyncset.done $0x0;
	s19 =	sld [smem:$0x7F4]  }
0x169: {  	s16 =	rddreg [dreg:$0x14];
	[sflag:s26] =	ssyncadd.s32 $0xFFFFE000  }
0x16a: {  	[tilespmem:s1], [sflag:$0x5] =	stream.linear.gather @!p5 [hbm4b:s16+s22], $0x4000, $0x38;
	[tilespmem:$0x1E500] =	vst v63  }
0x16b: {  	p0 =	seq.s32 s19, $0x1  }
0x16c: {  	s16 =	simm.s32 @!p0 $0x0;
	s19 =	simm.s32 @!p0 $0x11400  }
0x16d: {  	[tilespmem:s19], [sflag:$0x5] =	stream.linear.gather @!p0 [hbm4b:s31+s16], $0x1000, $0x38;
	[tilespmem:$0x1E500] =	vst v63  }
0x16e: {  	_ =	swait.ge @!p5 [sflag:s20], $0x4000  }
0x16f: {  	[sflag:s20] =	ssyncset.done @!p5 $0x0  }
0x170: {  	s16 =	simm.s32 @!p1 $0x3;
	[sflag:s20] =	ssyncadd.s32 @!p5 $0xFFFFC000  }
0x171: {  	_ =	swait.ge @!p1 [sflag:s16], $0x1000  }
0x172: {  	[sflag:s16] =	ssyncset.done @!p1 $0x0  }
0x173: {  	s19 =	simm.s32 $0x15C80;
	[sflag:s16] =	ssyncadd.s32 @!p1 $0xFFFFF000  }
0x174: {  	[spmem:s24] =	stream.indirect.scatter.add.f32 [tilespmem:s21], [sflag:$0x8], $0x40, s19, s17, $0xb8;
	[tilespmem:$0x1E500] =	vst v63  }
0x175: {  	_ = 	snop  }
0x176: {  	[spmem:s25] =	stream.indirect.scatter.add.f32 [tilespmem:s18], [sflag:$0xB], $0x10, s19, s17, $0xb8;
	[tilespmem:$0x1E500] =	vst v63  }
0x177: {  	_ =	swait.ge [sflag:s23], $0x2000  }
0x178: {  	[sflag:s23] =	ssyncset.done $0x0;
	s19 =	sld [smem:$0x7F5]  }
0x179: {  	s16 =	rddreg [dreg:$0x15];
	[sflag:s23] =	ssyncadd.s32 $0xFFFFE000  }
0x17a: {  	[tilespmem:s14], [sflag:$0x1] =	stream.linear.gather @!p5 [hbm4b:s16+s22], $0x4000, $0x38;
	[tilespmem:$0x1E500] =	vst v63  }
0x17b: {  	p1 =	seq.s32 s19, $0x1  }
0x17c: {  	s14 =	simm.s32 @!p1 $0x0;
	s16 =	simm.s32 @!p1 $0x1400  }
0x17d: {  	[tilespmem:s16], [sflag:$0x1] =	stream.linear.gather @!p1 [hbm4b:s31+s14], $0x1000, $0x38;
	[tilespmem:$0x1E500] =	vst v63  }
0x17e: {  	_ =	swait.ge @!p5 [sflag:s29], $0x4000  }
0x17f: {  	[sflag:s29] =	ssyncset.done @!p5 $0x0  }
0x180: {  	s14 =	simm.s32 @!p6 $0x4;
	[sflag:s29] =	ssyncadd.s32 @!p5 $0xFFFFC000  }
0x181: {  	_ =	swait.ge @!p6 [sflag:s14], $0x1000  }
0x182: {  	[sflag:s14] =	ssyncset.done @!p6 $0x0  }
0x183: {  	s16 =	simm.s32 $0x15D00;
	[sflag:s14] =	ssyncadd.s32 @!p6 $0xFFFFF000  }
0x184: {  	[spmem:s24] =	stream.indirect.scatter.add.f32 [tilespmem:s28], [sflag:$0x9], $0x40, s16, s17, $0xb8;
	[tilespmem:$0x1E500] =	vst v63  }
0x185: {  	_ = 	snop  }
0x186: {  	[spmem:s25] =	stream.indirect.scatter.add.f32 [tilespmem:s18], [sflag:$0xB], $0x10, s16, s17, $0xb8;
	[tilespmem:$0x1E500] =	vst v63  }
0x187: {  	_ =	swait.ge [sflag:s2], $0x2000  }
0x188: {  	[sflag:s2] =	ssyncset.done $0x0;
	s19 =	sld [smem:$0x7F6]  }
0x189: {  	s14 =	rddreg [dreg:$0x16];
	[sflag:s2] =	ssyncadd.s32 $0xFFFFE000  }
0x18a: {  	[tilespmem:s3], [sflag:$0x2] =	stream.linear.gather @!p5 [hbm4b:s14+s22], $0x4000, $0x38;
	[tilespmem:$0x1E500] =	vst v63  }
0x18b: {  	p6 =	seq.s32 s19, $0x1  }
0x18c: {  	s3 =	simm.s32 @!p6 $0x0;
	s14 =	simm.s32 @!p6 $0x5400  }
0x18d: {  	[tilespmem:s14], [sflag:$0x2] =	stream.linear.gather @!p6 [hbm4b:s31+s3], $0x1000, $0x38;
	[tilespmem:$0x1E500] =	vst v63  }
0x18e: {  	_ =	swait.ge @!p5 [sflag:s30], $0x4000  }
0x18f: {  	[sflag:s30] =	ssyncset.done @!p5 $0x0  }
0x190: {  	s3 =	simm.s32 @!p0 $0x5;
	[sflag:s30] =	ssyncadd.s32 @!p5 $0xFFFFC000  }
0x191: {  	_ =	swait.ge @!p0 [sflag:s3], $0x1000  }
0x192: {  	[sflag:s3] =	ssyncset.done @!p0 $0x0  }
0x193: {  	s14 =	simm.s32 $0x15D80;
	[sflag:s3] =	ssyncadd.s32 @!p0 $0xFFFFF000  }
0x194: {  	[spmem:s24] =	stream.indirect.scatter.add.f32 [tilespmem:s9], [sflag:$0xA], $0x40, s14, s17, $0xb8;
	[tilespmem:$0x1E500] =	vst v63  }
0x195: {  	_ = 	snop  }
0x196: {  	[spmem:s25] =	stream.indirect.scatter.add.f32 [tilespmem:s18], [sflag:$0xB], $0x10, s14, s17, $0xb8;
	[tilespmem:$0x1E500] =	vst v63  }
0x197: {  	_ =	swait.ge [sflag:s5], $0x2000  }
0x198: {  	[sflag:s5] =	ssyncset.done $0x0  }
0x199: {  	s3 =	rddreg [dreg:$0x17];
	[sflag:s5] =	ssyncadd.s32 $0xFFFFE000  }
0x19a: {  	[tilespmem:s0], [sflag:$0x3] =	stream.linear.gather @!p5 [hbm4b:s3+s22], $0x4000, $0x38;
	[tilespmem:$0x1E500] =	vst v63  }
0x19b: {  	s0 =	simm.s32 @!p2 $0x0;
	s3 =	simm.s32 @!p2 $0x9400  }
0x19c: {  	[tilespmem:s3], [sflag:$0x3] =	stream.linear.gather @!p2 [hbm4b:s31+s0], $0x1000, $0x38;
	[tilespmem:$0x1E500] =	vst v63  }
0x19d: {  	_ =	swait.ge @!p5 [sflag:s15], $0x4000  }
0x19e: {  	[sflag:s15] =	ssyncset.done @!p5 $0x0  }
0x19f: {  	s0 =	simm.s32 @!p1 $0x1;
	[sflag:s15] =	ssyncadd.s32 @!p5 $0xFFFFC000  }
0x1a0: {  	_ =	swait.ge @!p1 [sflag:s0], $0x1000  }
0x1a1: {  	[sflag:s0] =	ssyncset.done @!p1 $0x0  }
0x1a2: {  	s16 =	simm.s32 $0x15E00;
	[sflag:s0] =	ssyncadd.s32 @!p1 $0xFFFFF000  }
0x1a3: {  	[spmem:s24] =	stream.indirect.scatter.add.f32 [tilespmem:s7], [sflag:$0x6], $0x40, s16, s17, $0xb8;
	[tilespmem:$0x1E500] =	vst v63  }
0x1a4: {  	_ = 	snop  }
0x1a5: {  	[spmem:s25] =	stream.indirect.scatter.add.f32 [tilespmem:s18], [sflag:$0xB], $0x10, s16, s17, $0xb8;
	[tilespmem:$0x1E500] =	vst v63  }
0x1a6: {  	_ =	swait.ge [sflag:s6], $0x2000  }
0x1a7: {  	[sflag:s6] =	ssyncset.done $0x0  }
0x1a8: {  	s0 =	rddreg [dreg:$0x18];
	[sflag:s6] =	ssyncadd.s32 $0xFFFFE000  }
0x1a9: {  	[tilespmem:s10], [sflag:$0x4] =	stream.linear.gather @!p5 [hbm4b:s0+s22], $0x4000, $0x38;
	[tilespmem:$0x1E500] =	vst v63  }
0x1aa: {  	s3 =	simm.s32 @!p3 $0xD400;
	s0 =	simm.s32 @!p3 $0x0  }
0x1ab: {  	[tilespmem:s3], [sflag:$0x4] =	stream.linear.gather @!p3 [hbm4b:s31+s0], $0x1000, $0x38;
	[tilespmem:$0x1E500] =	vst v63  }
0x1ac: {  	_ =	swait.ge @!p5 [sflag:s4], $0x4000  }
0x1ad: {  	[sflag:s4] =	ssyncset.done @!p5 $0x0  }
0x1ae: {  	s0 =	simm.s32 @!p6 $0x2;
	[sflag:s4] =	ssyncadd.s32 @!p5 $0xFFFFC000  }
0x1af: {  	_ =	swait.ge @!p6 [sflag:s0], $0x1000  }
0x1b0: {  	[sflag:s0] =	ssyncset.done @!p6 $0x0  }
0x1b1: {  	s19 =	simm.s32 $0x15E80;
	[sflag:s0] =	ssyncadd.s32 @!p6 $0xFFFFF000  }
0x1b2: {  	[spmem:s24] =	stream.indirect.scatter.add.f32 [tilespmem:s13], [sflag:$0x7], $0x40, s19, s17, $0xb8;
	[tilespmem:$0x1E500] =	vst v63  }
0x1b3: {  	_ = 	snop  }
0x1b4: {  	[spmem:s25] =	stream.indirect.scatter.add.f32 [tilespmem:s18], [sflag:$0xB], $0x10, s19, s17, $0xb8;
	[tilespmem:$0x1E500] =	vst v63  }
0x1b5: {  	_ =	swait.ge [sflag:s26], $0x2000  }
0x1b6: {  	[sflag:s26] =	ssyncset.done $0x0  }
0x1b7: {  	s0 =	rddreg [dreg:$0x19];
	[sflag:s26] =	ssyncadd.s32 $0xFFFFE000  }
0x1b8: {  	[tilespmem:s1], [sflag:$0x5] =	stream.linear.gather @!p5 [hbm4b:s0+s22], $0x4000, $0x38;
	[tilespmem:$0x1E500] =	vst v63  }
0x1b9: {  	s0 =	simm.s32 @!p4 $0x0;
	s1 =	simm.s32 @!p4 $0x11400  }
0x1ba: {  	[tilespmem:s1], [sflag:$0x5] =	stream.linear.gather @!p4 [hbm4b:s31+s0], $0x1000, $0x38;
	[tilespmem:$0x1E500] =	vst v63  }
0x1bb: {  	_ =	swait.ge @!p5 [sflag:s20], $0x4000  }
0x1bc: {  	[sflag:s20] =	ssyncset.done @!p5 $0x0  }
0x1bd: {  	s0 =	simm.s32 @!p2 $0x3;
	[sflag:s20] =	ssyncadd.s32 @!p5 $0xFFFFC000  }
0x1be: {  	_ =	swait.ge @!p2 [sflag:s0], $0x1000  }
0x1bf: {  	[sflag:s0] =	ssyncset.done @!p2 $0x0  }
0x1c0: {  	s3 =	simm.s32 $0x15F00;
	[sflag:s0] =	ssyncadd.s32 @!p2 $0xFFFFF000  }
0x1c1: {  	[spmem:s24] =	stream.indirect.scatter.add.f32 [tilespmem:s21], [sflag:$0x8], $0x40, s3, s17, $0xb8;
	[tilespmem:$0x1E500] =	vst v63  }
0x1c2: {  	_ = 	snop  }
0x1c3: {  	[spmem:s25] =	stream.indirect.scatter.add.f32 [tilespmem:s18], [sflag:$0xB], $0x10, s3, s17, $0xb8;
	[tilespmem:$0x1E500] =	vst v63  }
0x1c4: {  	_ =	swait.ge [sflag:s23], $0x2000  }
0x1c5: {  	[sflag:s23] =	ssyncset.done $0x0  }
0x1c6: {  	[sflag:s23] =	ssyncadd.s32 $0xFFFFE000  }
0x1c7: {  	_ =	swait.ge @!p5 [sflag:s29], $0x4000  }
0x1c8: {  	[sflag:s29] =	ssyncset.done @!p5 $0x0  }
0x1c9: {  	s0 =	simm.s32 @!p3 $0x4;
	[sflag:s29] =	ssyncadd.s32 @!p5 $0xFFFFC000  }
0x1ca: {  	_ =	swait.ge @!p3 [sflag:s0], $0x1000  }
0x1cb: {  	[sflag:s0] =	ssyncset.done @!p3 $0x0  }
0x1cc: {  	s10 =	simm.s32 $0x15F80;
	[sflag:s0] =	ssyncadd.s32 @!p3 $0xFFFFF000  }
0x1cd: {  	[spmem:s24] =	stream.indirect.scatter.add.f32 [tilespmem:s28], [sflag:$0x9], $0x40, s10, s17, $0xb8;
	[tilespmem:$0x1E500] =	vst v63  }
0x1ce: {  	_ = 	snop  }
0x1cf: {  	[spmem:s25] =	stream.indirect.scatter.add.f32 [tilespmem:s18], [sflag:$0xB], $0x10, s10, s17, $0xb8;
	[tilespmem:$0x1E500] =	vst v63  }
0x1d0: {  	_ =	swait.ge [sflag:s2], $0x2000  }
0x1d1: {  	[sflag:s2] =	ssyncset.done $0x0  }
0x1d2: {  	[sflag:s2] =	ssyncadd.s32 $0xFFFFE000  }
0x1d3: {  	_ =	swait.ge @!p5 [sflag:s30], $0x4000  }
0x1d4: {  	[sflag:s30] =	ssyncset.done @!p5 $0x0  }
0x1d5: {  	s0 =	simm.s32 @!p4 $0x5;
	[sflag:s30] =	ssyncadd.s32 @!p5 $0xFFFFC000  }
0x1d6: {  	_ =	swait.ge @!p4 [sflag:s0], $0x1000  }
0x1d7: {  	[sflag:s0] =	ssyncset.done @!p4 $0x0  }
0x1d8: {  	s14 =	simm.s32 $0x16000;
	[sflag:s0] =	ssyncadd.s32 @!p4 $0xFFFFF000  }
0x1d9: {  	[spmem:s24] =	stream.indirect.scatter.add.f32 [tilespmem:s9], [sflag:$0xA], $0x40, s14, s17, $0xb8;
	[tilespmem:$0x1E500] =	vst v63  }
0x1da: {  	_ = 	snop  }
0x1db: {  	[spmem:s25] =	stream.indirect.scatter.add.f32 [tilespmem:s18], [sflag:$0xB], $0x10, s14, s17, $0xb8;
	[tilespmem:$0x1E500] =	vst v63  }
0x1dc: {  	_ =	swait.ge [sflag:s5], $0x2000  }
0x1dd: {  	[sflag:s5] =	ssyncset.done $0x0  }
0x1de: {  	[sflag:s5] =	ssyncadd.s32 $0xFFFFE000  }
0x1df: {  	_ =	swait.ge [sflag:s6], $0x2000  }
0x1e0: {  	[sflag:s6] =	ssyncset.done $0x0  }
0x1e1: {  	[sflag:s6] =	ssyncadd.s32 $0xFFFFE000  }
0x1e2: {  	_ =	swait.ge [sflag:s26], $0x2000  }
0x1e3: {  	[sflag:s26] =	ssyncset.done $0x0  }
0x1e4: {  	[sflag:s26] =	ssyncadd.s32 $0xFFFFE000  }
0x1e5: {  	_ =	swait.ge [sflag:s11], $0x20  }
0x1e6: {  	s7 =	simm.s32 $0x0;
	[sflag:s11] =	ssyncset.done $0x0  }
0x1e7: {  	s16 =	simm.s32 $0x1E480;
	s15 =	rddreg [dreg:$0x1e];
	[sflag:s11] =	ssyncadd.s32 $0xFFFFFFE0  }
0x1e8: {  	[hbm4b:s15+s7] =	stream.linear.scatter [tilespmem:s16], [sflag:$0xC], $0x20, $0x38;
	[tilespmem:$0x1E500] =	vst v63  }
0x1e9: {  	_ =	swait.ge [sflag:s12], $0x800  }
0x1ea: {  	[sflag:s12] =	ssyncset.done $0x0  }
0x1eb: {  	[sflag:s12] =	ssyncadd.s32 $0xFFFFF800  }
0x1ec: {  	_ =	swait.ge [sflag:s12], $0x800  }
0x1ed: {  	[sflag:s12] =	ssyncset.done $0x0  }
0x1ee: {  	[sflag:s12] =	ssyncadd.s32 $0xFFFFF800  }
0x1ef: {  	_ =	swait.ge [sflag:s12], $0x800  }
0x1f0: {  	[sflag:s12] =	ssyncset.done $0x0  }
0x1f1: {  	[sflag:s12] =	ssyncadd.s32 $0xFFFFF800  }
0x1f2: {  	_ =	swait.ge [sflag:s12], $0x800  }
0x1f3: {  	[sflag:s12] =	ssyncset.done $0x0  }
0x1f4: {  	[sflag:s12] =	ssyncadd.s32 $0xFFFFF800  }
0x1f5: {  	_ =	swait.ge [sflag:s12], $0x800  }
0x1f6: {  	[sflag:s12] =	ssyncset.done $0x0  }
0x1f7: {  	[sflag:s12] =	ssyncadd.s32 $0xFFFFF800  }
0x1f8: {  	_ =	swait.ge [sflag:s12], $0x800  }
0x1f9: {  	[sflag:s12] =	ssyncset.done $0x0  }
0x1fa: {  	[sflag:s12] =	ssyncadd.s32 $0xFFFFF800  }
0x1fb: {  	_ =	swait.ge [sflag:s12], $0x800  }
0x1fc: {  	[sflag:s12] =	ssyncset.done $0x0  }
0x1fd: {  	[sflag:s12] =	ssyncadd.s32 $0xFFFFF800  }
0x1fe: {  	_ =	swait.ge [sflag:s12], $0x800  }
0x1ff: {  	[sflag:s12] =	ssyncset.done $0x0  }
0x200: {  	[sflag:s12] =	ssyncadd.s32 $0xFFFFF800  }
0x201: {  	_ =	swait.ge [sflag:s12], $0x800  }
0x202: {  	[sflag:s12] =	ssyncset.done $0x0  }
0x203: {  	[sflag:s12] =	ssyncadd.s32 $0xFFFFF800  }
0x204: {  	_ =	swait.ge [sflag:s12], $0x800  }
0x205: {  	[sflag:s12] =	ssyncset.done $0x0  }
0x206: {  	[sflag:s12] =	ssyncadd.s32 $0xFFFFF800  }
0x207: {  	_ =	swait.ge [sflag:s12], $0x800  }
0x208: {  	[sflag:s12] =	ssyncset.done $0x0  }
0x209: {  	[sflag:s12] =	ssyncadd.s32 $0xFFFFF800  }
0x20a: {  	_ =	swait.ge [sflag:s12], $0x800  }
0x20b: {  	[sflag:s12] =	ssyncset.done $0x0  }
0x20c: {  	[sflag:s12] =	ssyncadd.s32 $0xFFFFF800  }
0x20d: {  	_ =	swait.ge [sflag:s12], $0x800  }
0x20e: {  	[sflag:s12] =	ssyncset.done $0x0  }
0x20f: {  	[sflag:s12] =	ssyncadd.s32 $0xFFFFF800  }
0x210: {  	_ =	swait.ge [sflag:s12], $0x800  }
0x211: {  	[sflag:s12] =	ssyncset.done $0x0  }
0x212: {  	[sflag:s12] =	ssyncadd.s32 $0xFFFFF800  }
0x213: {  	_ =	swait.ge [sflag:s12], $0x800  }
0x214: {  	[sflag:s12] =	ssyncset.done $0x0  }
0x215: {  	[sflag:s12] =	ssyncadd.s32 $0xFFFFF800  }
0x216: {  	_ =	swait.ge [sflag:s12], $0x800  }
0x217: {  	[sflag:s12] =	ssyncset.done $0x0  }
0x218: {  	[sflag:s12] =	ssyncadd.s32 $0xFFFFF800  }
0x219: {  	_ =	swait.ge [sflag:s12], $0x800  }
0x21a: {  	[sflag:s12] =	ssyncset.done $0x0  }
0x21b: {  	[sflag:s12] =	ssyncadd.s32 $0xFFFFF800  }
0x21c: {  	_ =	swait.ge [sflag:s12], $0x800  }
0x21d: {  	[sflag:s12] =	ssyncset.done $0x0  }
0x21e: {  	[sflag:s12] =	ssyncadd.s32 $0xFFFFF800  }
0x21f: {  	_ =	swait.ge [sflag:s12], $0x800  }
0x220: {  	[sflag:s12] =	ssyncset.done $0x0  }
0x221: {  	[sflag:s12] =	ssyncadd.s32 $0xFFFFF800  }
0x222: {  	_ =	swait.ge [sflag:s12], $0x800  }
0x223: {  	[sflag:s12] =	ssyncset.done $0x0  }
0x224: {  	[sflag:s12] =	ssyncadd.s32 $0xFFFFF800  }
0x225: {  	_ =	swait.ge [sflag:s12], $0x800  }
0x226: {  	[sflag:s12] =	ssyncset.done $0x0  }
0x227: {  	[sflag:s12] =	ssyncadd.s32 $0xFFFFF800  }
0x228: {  	_ =	swait.ge [sflag:s12], $0x800  }
0x229: {  	[sflag:s12] =	ssyncset.done $0x0  }
0x22a: {  	[sflag:s12] =	ssyncadd.s32 $0xFFFFF800  }
0x22b: {  	_ =	swait.ge [sflag:s12], $0x800  }
0x22c: {  	[sflag:s12] =	ssyncset.done $0x0  }
0x22d: {  	[sflag:s12] =	ssyncadd.s32 $0xFFFFF800  }
0x22e: {  	_ =	swait.ge [sflag:s12], $0x800  }
0x22f: {  	[sflag:s12] =	ssyncset.done $0x0  }
0x230: {  	[sflag:s12] =	ssyncadd.s32 $0xFFFFF800  }
0x231: {  	_ =	swait.ge [sflag:s12], $0x800  }
0x232: {  	[sflag:s12] =	ssyncset.done $0x0  }
0x233: {  	[sflag:s12] =	ssyncadd.s32 $0xFFFFF800  }
0x234: {  	_ =	swait.ge [sflag:s11], $0x20  }
0x235: {  	[sflag:s11] =	ssyncset.done $0x0  }
0x236: {  	[sflag:s11] =	ssyncadd.s32 $0xFFFFFFE0  }
0x237: {  	s19 =	stileid.u32;
	[bflag:$0x0] =	sbarrier.arrive $0xFFFF  }
0x238: {  	s0 =	sshll.u32 s19, $0x6;
	s20 =	rddreg [dreg:$0x1c]  }
0x239: {  	s0 =	sor.u32 $0x1C0D, s0;
	s22 =	rddreg [dreg:$0x1f];
	s1 =	sshrl.u32 s20, $0x3  }
0x23a: {  	[hbm:s22], [sflag:s0] =	dma.local [spmem:s1], $0x400  }
0x23b: {  	s3 =	sld [smem:$0x7F7]  }
0x23c: {  	s1 =	rddreg [dreg:$0x1d]  }
0x23d: {  	s29 =	simm.s32 $0xD;
	s1 =	sshrl.u32 s1, $0x3  }
0x23e: {  	[hbm:s3], [sflag:s0] =	dma.local [spmem:s1], $0x400  }
0x23f: {  	_ =	swait.ge [sflag:s29], $0x400  }
0x240: {  	[sflag:s29] =	ssyncset.done $0x0  }
0x241: {  	[sflag:s29] =	ssyncadd.s32 $0xFFFFFC00  }
0x242: {  	_ =	swait.ge [sflag:s29], $0x400  }
0x243: {  	s30 =	sld [smem:$0x7F8];
	_ =	sdelay $0x1  }
0x244: {  	s8 =	sadd.s32 $0x1, s8  }
0x245: {  	p6 =	sne.s32 s8, s30  }
.Ltmp2:
0x246: {  	_ = 	snop;
	(pc) =	sbr.rel @p6 .LBB2_1-.Ltmp2, $3  }
0x247: {  	_ =	sdelay $0x1  }
0x248: {  	[sflag:s29] =	ssyncset.done $0x0  }
0x249: {  	s4 =	simm.s32 $0x1E400;
	[sflag:s29] =	ssyncadd.s32 $0xFFFFFC00  }
0x24a: {  	_ =	sfence.sel $0x180000  }
0x24b: {  	[bflag:$0x0] =	sbarrier.arrive $0xFFFF  }
0x24c: {  	_ =	strace $0x90000047  }
0x24d: {  	s0 =	stileid.u32;
	[bflag:$0x2] =	sbarrier.arrive $0xFFFF  }
0x24e: {  	p0 =	sne.s32 s0, $0x0;
	s0 =	rddreg [dreg:$0x5]  }
0x24f: {  	s0 =	sadd.s32 @!p0 $0x100000, s0  }
0x250: {  	[sflag:s0] =	ssyncadd.tile.s32 @!p0 $0x1;
	_ =	shalt  }
.Lfunc_end2:
_tile_overlayer_lowered:
.L_overlay_start_2:
0x251: {  	(tag) =	ssettag $0x2  }
0x252: {  	s0 =	rddreg [dreg:$0x0];
	s2 =	stileid.u32  }
0x253: {  	s1 =	rddreg [dreg:$0x1];
	p0 =	sne.s32 s2, $0x0  }
0x254: {  	s3 =	rddreg [dreg:$0x2];
	[bflag:$0x3] =	sbarrier.arrive $0xFFFF;
	s2 =	simm.s32 @!p0 $0x1C0E  }
0x255: {  	[timem:s3], [sflag:s2] =	dma.local @!p0 [hbm:s0], s1  }
0x256: {  	s0 =	simm.s32 @!p0 $0xE  }
0x257: {  	_ =	swait.ge @!p0 [sflag:s0], s1  }
0x258: {  	s1 =	ssub.s32 @!p0 $0x0, s1;
	[sflag:s0] =	ssyncset.done @!p0 $0x0  }
0x259: {  	[sflag:s0] =	ssyncadd.s32 @!p0 s1  }
0x25a: {  	[bflag:$0x3] =	sbarrier.arrive $0xFFFF  }
0x25b: {  	_ =	shalt  }

</sc_bundles>
